<compile_context>
chip_gen: v7x
topology: tpu7x:2x2x1
jax: 0.10.2.dev20260603
libtpu: 0.0.44.dev20260713+nightly
codegen_flags: <defaults>
</compile_context>

<pallas_src>
import functools
import math

import jax
import jax.numpy as jnp
import numpy as np
from jax import lax
from jax.experimental import pallas as pl
from jax.experimental.pallas import tpu as pltpu
from jax.experimental.pallas import tpu_sc as plsc

_SMOOTHING = 0.1
_BN = 32
_NC = 2
_NS = 16
_CW = 2048
_NCH = 8


def _sc_body(eps, coef_g, cs, n_ch, pred_ref, tgt_ref, out_ref,
             buf0, buf1, tgt_v, pv, allv, shared, sem0, sem1):
    core = lax.axis_index("c")
    sid = lax.axis_index("s")
    wid = sid * _NC + core
    rows0 = wid * 32
    lane = lax.iota(jnp.int32, 16)
    zero = jnp.zeros((16,), jnp.float32)
    epsv = jnp.full((16,), eps, jnp.float32)
    coefv = jnp.full((16,), coef_g, jnp.float32)

    pltpu.sync_copy(tgt_ref.at[pl.ds(rows0, 32)], tgt_v)

    total = zero
    bcast_dn = lax.GatherDimensionNumbers(
        offset_dims=(), collapsed_slice_dims=(0,), start_index_map=(0,)
    )

    for g in range(2):
        row0 = rows0 + g * 16
        tv = tgt_v[pl.ds(g * 16, 16)]
        tbm = [
            lax.gather(
                tv, jnp.full((16, 1), r, jnp.int32), bcast_dn, (1,),
                mode=lax.GatherScatterMode.PROMISE_IN_BOUNDS)
            for r in range(16)
        ]

        def _start(c, buf, sem, row0=row0):
            pltpu.make_async_copy(
                pred_ref.at[pl.ds(row0, 16), pl.ds(cs + c * _CW, _CW)],
                buf, sem,
            ).start()

        _start(0, buf0, sem0)
        _start(1, buf1, sem1)

        def _chunk(c, buf, sem, carry, tbm=tbm, row0=row0):
            rs, ga, off_v = carry
            pltpu.make_async_copy(
                pred_ref.at[pl.ds(row0, 16), pl.ds(cs + c * _CW, _CW)],
                buf, sem,
            ).wait()

            def _slice_step(k, st):
                colv = st[0]
                ga_i = st[1]
                accs = st[2:]
                new_accs = []
                for r in range(16):
                    vec = buf[r, pl.ds(k * 16, 16)]
                    new_accs.append(accs[r] + vec)
                    ga_i = ga_i + jnp.where(colv == tbm[r], vec, zero)
                return (colv + 16, ga_i) + tuple(new_accs)

            st = lax.fori_loop(
                0, _CW // 16, _slice_step,
                (off_v + lane, ga) + tuple(zero for _ in range(16)),
            )
            ga = st[1]
            accs = st[2:]
            for r in range(16):
                vm = jnp.minimum(jnp.abs(tbm[r].astype(jnp.float32)), 1.0)
                rs = rs + accs[r] * vm

            @pl.when(c + 2 < n_ch)
            def _():
                _start(c + 2, buf, sem)

            return rs, ga, off_v + _CW

        def _round(k, carry):
            carry = _chunk(2 * k, buf0, sem0, carry)
            carry = _chunk(2 * k + 1, buf1, sem1, carry)
            return carry

        rs, ga, _ = lax.fori_loop(
            0, n_ch // 2, _round,
            (zero, zero, jnp.full((16,), cs, jnp.int32)),
        )
        total = total - epsv * rs - coefv * ga

    pv[...] = total
    pltpu.sync_copy(pv, out_ref.at[wid])


def _sc_partial(pred, target, eps, coef_g, cs, n_ch):
    mesh = plsc.VectorSubcoreMesh(core_axis_name="c", subcore_axis_name="s")
    return pl.kernel(
        functools.partial(_sc_body, eps, coef_g, cs, n_ch),
        out_type=jax.ShapeDtypeStruct((_NC * _NS, 16), jnp.float32),
        mesh=mesh,
        scratch_types=[
            pltpu.VMEM((16, _CW), jnp.float32),
            pltpu.VMEM((16, _CW), jnp.float32),
            pltpu.VMEM((32,), jnp.int32),
            pltpu.VMEM((16,), jnp.float32),
            pltpu.VMEM((_NS, 16), jnp.float32),
            pltpu.VMEM_SHARED((_NS, 16), jnp.float32),
            pltpu.SemaphoreType.DMA,
            pltpu.SemaphoreType.DMA,
        ],
    )(pred, target)


def _tc_body(eps, coef_g, c_row, cs, ce, v, tgt_sref, tgt_ref, pred_ref,
             tail_ref, out_ref):
    i = pl.program_id(0)
    bn = pred_ref.shape[0]
    t = tgt_ref[...]
    x = pred_ref[...]
    tail = tail_ref[...]
    valid = t != 0
    tail_lane = jax.lax.broadcasted_iota(jnp.int32, tail.shape, 1)
    tail_sum = jnp.sum(
        jnp.where(tail_lane < (v - ce), tail, 0.0), axis=1, keepdims=True
    )
    s = jnp.sum(x, axis=1, keepdims=True) - x[:, 0:1] + tail_sum
    part = jnp.sum(jnp.where(valid, s, 0.0))
    cnt = jnp.sum(jnp.where(valid, 1.0, 0.0))

    lane = jax.lax.broadcasted_iota(jnp.int32, (1, 128), 1)
    gpart = jnp.float32(0.0)
    for r in range(bn):
        tr = tgt_sref[i * bn + r]
        start = pl.multiple_of((jnp.minimum(tr, cs - 1) // 128) * 128, 128)
        w = pred_ref[pl.ds(r, 1), pl.ds(start, 128)]
        gval = jnp.sum(jnp.where(lane == tr % 128, w, 0.0))
        gtail = jnp.sum(
            jnp.where(lane == tr - ce, tail_ref[pl.ds(r, 1), :], 0.0)
        )
        gpart += jnp.where((tr != 0) & (tr < cs), gval, 0.0)
        gpart += jnp.where(tr >= ce, gtail, 0.0)

    @pl.when(i == 0)
    def _():
        out_ref[0, 0] = 0.0

    out_ref[0, 0] += c_row * cnt - eps * part - coef_g * gpart


def kernel(pred, target):
    n, v = pred.shape
    ce = (v // 128) * 128
    cs = ce - _NCH * _CW
    eps = _SMOOTHING / (v - 2)
    eps32 = float(np.float32(eps))
    c_row = (v - 2) * (eps32 * math.log(eps32)) + 0.9 * math.log(0.9)
    coef_g = (1.0 - _SMOOTHING) - eps

    sc_out = _sc_partial(pred, target, eps, coef_g, cs, _NCH)

    tgt2d = target.reshape(n, 1)
    grid_spec = pltpu.PrefetchScalarGridSpec(
        num_scalar_prefetch=1,
        grid=(n // _BN,),
        in_specs=[
            pl.BlockSpec((_BN, 1), lambda i, *_: (i, 0)),
            pl.BlockSpec((_BN, cs), lambda i, *_: (i, 0)),
            pl.BlockSpec((_BN, 128), lambda i, *_: (i, ce // 128)),
        ],
        out_specs=pl.BlockSpec(
            (1, 1), lambda i, *_: (0, 0), memory_space=pltpu.SMEM
        ),
    )
    tc_out = pl.pallas_call(
        functools.partial(_tc_body, eps, coef_g, c_row, cs, ce, v),
        grid_spec=grid_spec,
        out_shape=jax.ShapeDtypeStruct((1, 1), jnp.float32),
    )(target, tgt2d, pred, pred)

    return tc_out[0, 0] + jnp.sum(sc_out)

# --- scband reference (transcript-rebuilt; emitter-appended) ---
"""Pipeline reference for scband-label-smoothing-60816736911690 (READ-ONLY COPY).

The authoritative reference and input builder live on the scoring server;
editing this copy changes nothing except your own understanding.
"""

import jax, jax.numpy as jnp
import numpy as np

SMOOTHING = 0.1
N = 1024
V = 100000


def setup_inputs(seed: int = 0) -> dict:
    key = jax.random.key(seed)
    k1, k2 = jax.random.split(key)
    pred = jax.random.normal(k1, (N, V), dtype=jnp.float32)
    target = jax.random.randint(k2, (N,), 0, V, dtype=jnp.int32)
    return {"pred": pred, "target": target}


def reference(pred, target):
    vocab_num = pred.shape[-1]
    n = pred.shape[0]
    # true_list = pred.data.clone().fill_(smoothing / (vocab_num - 2))
    true_list = jnp.full(pred.shape, SMOOTHING / (vocab_num - 2), dtype=pred.dtype)
    # scatter_(1, target.unsqueeze(1), 1 - smoothing)
    true_list = true_list.at[jnp.arange(n), target].set(1.0 - SMOOTHING)
    # true_list[:, 0] = 0
    true_list = true_list.at[:, 0].set(0.0)
    # index_fill_ rows where target == 0 with 0.0
    true_list = jnp.where((target == 0)[:, None], 0.0, true_list)
    # KLDivLoss(reduction='sum'): sum(target * (log(target) - input)), with 0*log(0) = 0
    kl = jax.scipy.special.xlogy(true_list, true_list) - true_list * pred
    return jnp.sum(kl)

if __name__ == "__main__":
    import jax
    _d = setup_inputs()
    print(jax.jit(kernel)(*tuple(_d.values())))

</pallas_src>

<mosaic_0001>
#map = affine_map<(d0, d1) -> (0, 0)>
#map1 = affine_map<(d0, d1) -> (0)>
module attributes {stable_mosaic.version = 14 : i64} {
  func.func @_sc_body(%arg0: i32, %arg1: i32, %arg2: memref<1024x100000xf32, #tpu.memory_space<hbm>>, %arg3: memref<1024xi32, #tpu.memory_space<hbm>>, %arg4: memref<32x16xf32, #tpu.memory_space<hbm>>, %arg5: memref<16x2048xf32, #tpu.memory_space<vmem>>, %arg6: memref<16x2048xf32, #tpu.memory_space<vmem>>, %arg7: memref<32xi32, #tpu.memory_space<vmem>>, %arg8: memref<16xf32, #tpu.memory_space<vmem>>, %arg9: memref<16x16xf32, #tpu.memory_space<vmem>>, %arg10: memref<16x16xf32, #tpu.memory_space<vmem_shared>>, %arg11: memref<!tpu.dma_semaphore, #tpu.memory_space<semaphore_mem>>, %arg12: memref<!tpu.dma_semaphore, #tpu.memory_space<semaphore_mem>>) attributes {dimension_semantics = [#tpu.dimension_semantics<core_parallel>, #tpu.dimension_semantics<subcore_parallel>], iteration_bounds = array<i64: 2, 16>, scalar_prefetch = 0 : i64, scratch_operands = 8 : i64, tpu.core_type = #tpu.core_type<sc_vector_subcore>, window_params = [{transform_indices = #map}, {transform_indices = #map1}, {transform_indices = #map}]} {
    %mul3A = arith.constant 2 : i32
    %mul3A_0 = arith.muli %arg1, %mul3A : i32
    %add3A = arith.addi %mul3A_0, %arg0 : i32
    %mul3A_1 = arith.constant 32 : i32
    %mul3A_2 = arith.muli %add3A, %mul3A_1 : i32
    %iota3A = tpu.iota {dimensions = array<i32: 0>} : vector<16xi32>
    %broadcast_in_dim3A = arith.constant 0.000000e+00 : f32
    %broadcast_in_dim3A_3 = vector.broadcast %broadcast_in_dim3A : f32 to vector<16xf32>
    %broadcast_in_dim3A_4 = arith.constant 1.000020e-06 : f32
    %broadcast_in_dim3A_5 = vector.broadcast %broadcast_in_dim3A_4 : f32 to vector<16xf32>
    %broadcast_in_dim3A_6 = arith.constant 8.999990e-01 : f32
    %broadcast_in_dim3A_7 = vector.broadcast %broadcast_in_dim3A_6 : f32 to vector<16xf32>
    "tpu.region"() ({
      %run_scoped3A = tpu.sem_alloc : memref<!tpu.dma_semaphore, #tpu.memory_space<semaphore_mem>>
      %dma_start3A_184 = tpu.memref_slice %arg3[%mul3A_2] : memref<1024xi32, #tpu.memory_space<hbm>> -> memref<32xi32, #tpu.memory_space<hbm>>
      %dma_start3A_185 = tpu.memref_slice %arg3[%mul3A_2] : memref<1024xi32, #tpu.memory_space<hbm>> -> memref<32xi32, #tpu.memory_space<hbm>>
      tpu.enqueue_dma source(%dma_start3A_185 : memref<32xi32, #tpu.memory_space<hbm>>) target(%arg7 : memref<32xi32, #tpu.memory_space<vmem>>) target_semaphore(%run_scoped3A : memref<!tpu.dma_semaphore, #tpu.memory_space<semaphore_mem>>)
      %dma_wait3A = tpu.memref_slice %arg3[%mul3A_2] : memref<1024xi32, #tpu.memory_space<hbm>> -> memref<32xi32, #tpu.memory_space<hbm>>
      %dma_wait3A_186 = tpu.memref_slice %arg3[%mul3A_2] : memref<1024xi32, #tpu.memory_space<hbm>> -> memref<32xi32, #tpu.memory_space<hbm>>
      tpu.wait_dma2 semaphore(%run_scoped3A : memref<!tpu.dma_semaphore, #tpu.memory_space<semaphore_mem>>) src(%dma_wait3A_186 : memref<32xi32, #tpu.memory_space<hbm>>) dst(%arg7 : memref<32xi32, #tpu.memory_space<vmem>>)
      tpu.yield
    }) : () -> ()
    %add3A_8 = arith.constant 0 : i32
    %add3A_9 = arith.addi %mul3A_2, %add3A_8 : i32
    %get3A = arith.constant 0 : index
    %get3A_10 = tpu.vector_load %arg7[%get3A] {strides = array<i32>} : memref<32xi32, #tpu.memory_space<vmem>>, vector<16xi32>,
    %get3A_11 = vector.shape_cast %get3A_10 : vector<16xi32> to vector<16xi32>
    %broadcast_in_dim3A_12 = arith.constant 0 : i32
    %broadcast_in_dim3A_13 = vector.broadcast %broadcast_in_dim3A_12 : i32 to vector<16x1xi32>
    %gather3A = vector.shape_cast %broadcast_in_dim3A_13 : vector<16x1xi32> to vector<16xi32>
    %gather3A_14 = tpu.dynamic_gather %get3A_11[%gather3A] in [0] : vector<16xi32>, vector<16xi32> -> vector<16xi32>
    %broadcast_in_dim3A_15 = arith.constant 1 : i32
    %broadcast_in_dim3A_16 = vector.broadcast %broadcast_in_dim3A_15 : i32 to vector<16x1xi32>
    %gather3A_17 = vector.shape_cast %broadcast_in_dim3A_16 : vector<16x1xi32> to vector<16xi32>
    %gather3A_18 = tpu.dynamic_gather %get3A_11[%gather3A_17] in [0] : vector<16xi32>, vector<16xi32> -> vector<16xi32>
    %broadcast_in_dim3A_19 = arith.constant 2 : i32
    %broadcast_in_dim3A_20 = vector.broadcast %broadcast_in_dim3A_19 : i32 to vector<16x1xi32>
    %gather3A_21 = vector.shape_cast %broadcast_in_dim3A_20 : vector<16x1xi32> to vector<16xi32>
    %gather3A_22 = tpu.dynamic_gather %get3A_11[%gather3A_21] in [0] : vector<16xi32>, vector<16xi32> -> vector<16xi32>
    %broadcast_in_dim3A_23 = arith.constant 3 : i32
    %broadcast_in_dim3A_24 = vector.broadcast %broadcast_in_dim3A_23 : i32 to vector<16x1xi32>
    %gather3A_25 = vector.shape_cast %broadcast_in_dim3A_24 : vector<16x1xi32> to vector<16xi32>
    %gather3A_26 = tpu.dynamic_gather %get3A_11[%gather3A_25] in [0] : vector<16xi32>, vector<16xi32> -> vector<16xi32>
    %broadcast_in_dim3A_27 = arith.constant 4 : i32
    %broadcast_in_dim3A_28 = vector.broadcast %broadcast_in_dim3A_27 : i32 to vector<16x1xi32>
    %gather3A_29 = vector.shape_cast %broadcast_in_dim3A_28 : vector<16x1xi32> to vector<16xi32>
    %gather3A_30 = tpu.dynamic_gather %get3A_11[%gather3A_29] in [0] : vector<16xi32>, vector<16xi32> -> vector<16xi32>
    %broadcast_in_dim3A_31 = arith.constant 5 : i32
    %broadcast_in_dim3A_32 = vector.broadcast %broadcast_in_dim3A_31 : i32 to vector<16x1xi32>
    %gather3A_33 = vector.shape_cast %broadcast_in_dim3A_32 : vector<16x1xi32> to vector<16xi32>
    %gather3A_34 = tpu.dynamic_gather %get3A_11[%gather3A_33] in [0] : vector<16xi32>, vector<16xi32> -> vector<16xi32>
    %broadcast_in_dim3A_35 = arith.constant 6 : i32
    %broadcast_in_dim3A_36 = vector.broadcast %broadcast_in_dim3A_35 : i32 to vector<16x1xi32>
    %gather3A_37 = vector.shape_cast %broadcast_in_dim3A_36 : vector<16x1xi32> to vector<16xi32>
    %gather3A_38 = tpu.dynamic_gather %get3A_11[%gather3A_37] in [0] : vector<16xi32>, vector<16xi32> -> vector<16xi32>
    %broadcast_in_dim3A_39 = arith.constant 7 : i32
    %broadcast_in_dim3A_40 = vector.broadcast %broadcast_in_dim3A_39 : i32 to vector<16x1xi32>
    %gather3A_41 = vector.shape_cast %broadcast_in_dim3A_40 : vector<16x1xi32> to vector<16xi32>
    %gather3A_42 = tpu.dynamic_gather %get3A_11[%gather3A_41] in [0] : vector<16xi32>, vector<16xi32> -> vector<16xi32>
    %broadcast_in_dim3A_43 = arith.constant 8 : i32
    %broadcast_in_dim3A_44 = vector.broadcast %broadcast_in_dim3A_43 : i32 to vector<16x1xi32>
    %gather3A_45 = vector.shape_cast %broadcast_in_dim3A_44 : vector<16x1xi32> to vector<16xi32>
    %gather3A_46 = tpu.dynamic_gather %get3A_11[%gather3A_45] in [0] : vector<16xi32>, vector<16xi32> -> vector<16xi32>
    %broadcast_in_dim3A_47 = arith.constant 9 : i32
    %broadcast_in_dim3A_48 = vector.broadcast %broadcast_in_dim3A_47 : i32 to vector<16x1xi32>
    %gather3A_49 = vector.shape_cast %broadcast_in_dim3A_48 : vector<16x1xi32> to vector<16xi32>
    %gather3A_50 = tpu.dynamic_gather %get3A_11[%gather3A_49] in [0] : vector<16xi32>, vector<16xi32> -> vector<16xi32>
    %broadcast_in_dim3A_51 = arith.constant 10 : i32
    %broadcast_in_dim3A_52 = vector.broadcast %broadcast_in_dim3A_51 : i32 to vector<16x1xi32>
    %gather3A_53 = vector.shape_cast %broadcast_in_dim3A_52 : vector<16x1xi32> to vector<16xi32>
    %gather3A_54 = tpu.dynamic_gather %get3A_11[%gather3A_53] in [0] : vector<16xi32>, vector<16xi32> -> vector<16xi32>
    %broadcast_in_dim3A_55 = arith.constant 11 : i32
    %broadcast_in_dim3A_56 = vector.broadcast %broadcast_in_dim3A_55 : i32 to vector<16x1xi32>
    %gather3A_57 = vector.shape_cast %broadcast_in_dim3A_56 : vector<16x1xi32> to vector<16xi32>
    %gather3A_58 = tpu.dynamic_gather %get3A_11[%gather3A_57] in [0] : vector<16xi32>, vector<16xi32> -> vector<16xi32>
    %broadcast_in_dim3A_59 = arith.constant 12 : i32
    %broadcast_in_dim3A_60 = vector.broadcast %broadcast_in_dim3A_59 : i32 to vector<16x1xi32>
    %gather3A_61 = vector.shape_cast %broadcast_in_dim3A_60 : vector<16x1xi32> to vector<16xi32>
    %gather3A_62 = tpu.dynamic_gather %get3A_11[%gather3A_61] in [0] : vector<16xi32>, vector<16xi32> -> vector<16xi32>
    %broadcast_in_dim3A_63 = arith.constant 13 : i32
    %broadcast_in_dim3A_64 = vector.broadcast %broadcast_in_dim3A_63 : i32 to vector<16x1xi32>
    %gather3A_65 = vector.shape_cast %broadcast_in_dim3A_64 : vector<16x1xi32> to vector<16xi32>
    %gather3A_66 = tpu.dynamic_gather %get3A_11[%gather3A_65] in [0] : vector<16xi32>, vector<16xi32> -> vector<16xi32>
    %broadcast_in_dim3A_67 = arith.constant 14 : i32
    %broadcast_in_dim3A_68 = vector.broadcast %broadcast_in_dim3A_67 : i32 to vector<16x1xi32>
    %gather3A_69 = vector.shape_cast %broadcast_in_dim3A_68 : vector<16x1xi32> to vector<16xi32>
    %gather3A_70 = tpu.dynamic_gather %get3A_11[%gather3A_69] in [0] : vector<16xi32>, vector<16xi32> -> vector<16xi32>
    %broadcast_in_dim3A_71 = arith.constant 15 : i32
    %broadcast_in_dim3A_72 = vector.broadcast %broadcast_in_dim3A_71 : i32 to vector<16x1xi32>
    %gather3A_73 = vector.shape_cast %broadcast_in_dim3A_72 : vector<16x1xi32> to vector<16xi32>
    %gather3A_74 = tpu.dynamic_gather %get3A_11[%gather3A_73] in [0] : vector<16xi32>, vector<16xi32> -> vector<16xi32>
    %dma_start3A = arith.constant 83584 : i32
    %dma_start3A_75 = tpu.memref_slice %arg2[%add3A_9, %dma_start3A] : memref<1024x100000xf32, #tpu.memory_space<hbm>> -> memref<16x2048xf32, #tpu.memory_space<hbm>>
    %dma_start3A_76 = arith.constant 83584 : i32
    %dma_start3A_77 = tpu.memref_slice %arg2[%add3A_9, %dma_start3A_76] : memref<1024x100000xf32, #tpu.memory_space<hbm>> -> memref<16x2048xf32, #tpu.memory_space<hbm>>
    tpu.enqueue_dma source(%dma_start3A_77 : memref<16x2048xf32, #tpu.memory_space<hbm>>) target(%arg5 : memref<16x2048xf32, #tpu.memory_space<vmem>>) target_semaphore(%arg11 : memref<!tpu.dma_semaphore, #tpu.memory_space<semaphore_mem>>)
    %dma_start3A_78 = arith.constant 85632 : i32
    %dma_start3A_79 = tpu.memref_slice %arg2[%add3A_9, %dma_start3A_78] : memref<1024x100000xf32, #tpu.memory_space<hbm>> -> memref<16x2048xf32, #tpu.memory_space<hbm>>
    %dma_start3A_80 = arith.constant 85632 : i32
    %dma_start3A_81 = tpu.memref_slice %arg2[%add3A_9, %dma_start3A_80] : memref<1024x100000xf32, #tpu.memory_space<hbm>> -> memref<16x2048xf32, #tpu.memory_space<hbm>>
    tpu.enqueue_dma source(%dma_start3A_81 : memref<16x2048xf32, #tpu.memory_space<hbm>>) target(%arg6 : memref<16x2048xf32, #tpu.memory_space<vmem>>) target_semaphore(%arg12 : memref<!tpu.dma_semaphore, #tpu.memory_space<semaphore_mem>>)
    %broadcast_in_dim3A_82 = arith.constant 83584 : i32
    %broadcast_in_dim3A_83 = vector.broadcast %broadcast_in_dim3A_82 : i32 to vector<16xi32>
    %scan3A = arith.constant 0 : i32
    %scan3A_84 = arith.constant 4 : i32
    %scan3A_85 = arith.addi %scan3A, %scan3A_84 : i32
    %scan3A_86 = arith.constant 1 : i32
    %scan3A_87:3 = scf.for %scan3A_184 = %scan3A to %scan3A_85 step %scan3A_86 iter_args(%scan3A_185 = %broadcast_in_dim3A_3, %scan3A_186 = %broadcast_in_dim3A_3, %scan3A_187 = %broadcast_in_dim3A_83) -> (vector<16xf32>, vector<16xf32>, vector<16xi32>)  : i32 {
      %mul3A_188 = arith.constant 2 : i32
      %mul3A_189 = arith.muli %mul3A_188, %scan3A_184 : i32
      %mul3A_190 = arith.constant 2048 : i32
      %mul3A_191 = arith.muli %mul3A_189, %mul3A_190 : i32
      %add3A_192 = arith.constant 83584 : i32
      %add3A_193 = arith.addi %add3A_192, %mul3A_191 : i32
      %dma_wait3A = tpu.memref_slice %arg2[%add3A_9, %add3A_193] : memref<1024x100000xf32, #tpu.memory_space<hbm>> -> memref<16x2048xf32, #tpu.memory_space<hbm>>
      %dma_wait3A_194 = tpu.memref_slice %arg2[%add3A_9, %add3A_193] : memref<1024x100000xf32, #tpu.memory_space<hbm>> -> memref<16x2048xf32, #tpu.memory_space<hbm>>
      tpu.wait_dma2 semaphore(%arg11 : memref<!tpu.dma_semaphore, #tpu.memory_space<semaphore_mem>>) src(%dma_wait3A_194 : memref<16x2048xf32, #tpu.memory_space<hbm>>) dst(%arg5 : memref<16x2048xf32, #tpu.memory_space<vmem>>)
      %add3A_195 = arith.addi %scan3A_187, %iota3A : vector<16xi32>
      %scan3A_196 = arith.constant 0 : i32
      %scan3A_197 = arith.constant 128 : i32
      %scan3A_198 = arith.addi %scan3A_196, %scan3A_197 : i32
      %scan3A_199 = arith.constant 1 : i32
      %scan3A_200:18 = scf.for %scan3A_458 = %scan3A_196 to %scan3A_198 step %scan3A_199 iter_args(%scan3A_459 = %add3A_195, %scan3A_460 = %scan3A_186, %scan3A_461 = %broadcast_in_dim3A_3, %scan3A_462 = %broadcast_in_dim3A_3, %scan3A_463 = %broadcast_in_dim3A_3, %scan3A_464 = %broadcast_in_dim3A_3, %scan3A_465 = %broadcast_in_dim3A_3, %scan3A_466 = %broadcast_in_dim3A_3, %scan3A_467 = %broadcast_in_dim3A_3, %scan3A_468 = %broadcast_in_dim3A_3, %scan3A_469 = %broadcast_in_dim3A_3, %scan3A_470 = %broadcast_in_dim3A_3, %scan3A_471 = %broadcast_in_dim3A_3, %scan3A_472 = %broadcast_in_dim3A_3, %scan3A_473 = %broadcast_in_dim3A_3, %scan3A_474 = %broadcast_in_dim3A_3, %scan3A_475 = %broadcast_in_dim3A_3, %scan3A_476 = %broadcast_in_dim3A_3) -> (vector<16xi32>, vector<16xf32>, vector<16xf32>, vector<16xf32>, vector<16xf32>, vector<16xf32>, vector<16xf32>, vector<16xf32>, vector<16xf32>, vector<16xf32>, vector<16xf32>, vector<16xf32>, vector<16xf32>, vector<16xf32>, vector<16xf32>, vector<16xf32>, vector<16xf32>, vector<16xf32>)  : i32 {
        %mul3A_477 = arith.constant 16 : i32
        %mul3A_478 = arith.muli %scan3A_458, %mul3A_477 : i32
        %get3A_479 = arith.constant 0 : i32
        %get3A_480 = arith.index_cast %get3A_479 : i32 to index
        %get3A_481 = arith.index_cast %mul3A_478 : i32 to index
        %get3A_482 = tpu.vector_load %arg5[%get3A_480, %get3A_481] {strides = array<i32>} : memref<16x2048xf32, #tpu.memory_space<vmem>>, vector<1x16xf32>,
        %get3A_483 = vector.shape_cast %get3A_482 : vector<1x16xf32> to vector<16xf32>
        %add3A_484 = arith.addf %scan3A_461, %get3A_483 : vector<16xf32>
        %eq3A = arith.cmpi eq, %scan3A_459, %gather3A_14 : vector<16xi32>
        %select_n3A = arith.select %eq3A, %get3A_483, %broadcast_in_dim3A_3 : vector<16xi1>, vector<16xf32>
        %add3A_485 = arith.addf %scan3A_460, %select_n3A : vector<16xf32>
        %mul3A_486 = arith.constant 16 : i32
        %mul3A_487 = arith.muli %scan3A_458, %mul3A_486 : i32
        %get3A_488 = arith.constant 1 : i32
        %get3A_489 = arith.index_cast %get3A_488 : i32 to index
        %get3A_490 = arith.index_cast %mul3A_487 : i32 to index
        %get3A_491 = tpu.vector_load %arg5[%get3A_489, %get3A_490] {strides = array<i32>} : memref<16x2048xf32, #tpu.memory_space<vmem>>, vector<1x16xf32>,
        %get3A_492 = vector.shape_cast %get3A_491 : vector<1x16xf32> to vector<16xf32>
        %add3A_493 = arith.addf %scan3A_462, %get3A_492 : vector<16xf32>
        %eq3A_494 = arith.cmpi eq, %scan3A_459, %gather3A_18 : vector<16xi32>
        %select_n3A_495 = arith.select %eq3A_494, %get3A_492, %broadcast_in_dim3A_3 : vector<16xi1>, vector<16xf32>
        %add3A_496 = arith.addf %add3A_485, %select_n3A_495 : vector<16xf32>
        %mul3A_497 = arith.constant 16 : i32
        %mul3A_498 = arith.muli %scan3A_458, %mul3A_497 : i32
        %get3A_499 = arith.constant 2 : i32
        %get3A_500 = arith.index_cast %get3A_499 : i32 to index
        %get3A_501 = arith.index_cast %mul3A_498 : i32 to index
        %get3A_502 = tpu.vector_load %arg5[%get3A_500, %get3A_501] {strides = array<i32>} : memref<16x2048xf32, #tpu.memory_space<vmem>>, vector<1x16xf32>,
        %get3A_503 = vector.shape_cast %get3A_502 : vector<1x16xf32> to vector<16xf32>
        %add3A_504 = arith.addf %scan3A_463, %get3A_503 : vector<16xf32>
        %eq3A_505 = arith.cmpi eq, %scan3A_459, %gather3A_22 : vector<16xi32>
        %select_n3A_506 = arith.select %eq3A_505, %get3A_503, %broadcast_in_dim3A_3 : vector<16xi1>, vector<16xf32>
        %add3A_507 = arith.addf %add3A_496, %select_n3A_506 : vector<16xf32>
        %mul3A_508 = arith.constant 16 : i32
        %mul3A_509 = arith.muli %scan3A_458, %mul3A_508 : i32
        %get3A_510 = arith.constant 3 : i32
        %get3A_511 = arith.index_cast %get3A_510 : i32 to index
        %get3A_512 = arith.index_cast %mul3A_509 : i32 to index
        %get3A_513 = tpu.vector_load %arg5[%get3A_511, %get3A_512] {strides = array<i32>} : memref<16x2048xf32, #tpu.memory_space<vmem>>, vector<1x16xf32>,
        %get3A_514 = vector.shape_cast %get3A_513 : vector<1x16xf32> to vector<16xf32>
        %add3A_515 = arith.addf %scan3A_464, %get3A_514 : vector<16xf32>
        %eq3A_516 = arith.cmpi eq, %scan3A_459, %gather3A_26 : vector<16xi32>
        %select_n3A_517 = arith.select %eq3A_516, %get3A_514, %broadcast_in_dim3A_3 : vector<16xi1>, vector<16xf32>
        %add3A_518 = arith.addf %add3A_507, %select_n3A_517 : vector<16xf32>
        %mul3A_519 = arith.constant 16 : i32
        %mul3A_520 = arith.muli %scan3A_458, %mul3A_519 : i32
        %get3A_521 = arith.constant 4 : i32
        %get3A_522 = arith.index_cast %get3A_521 : i32 to index
        %get3A_523 = arith.index_cast %mul3A_520 : i32 to index
        %get3A_524 = tpu.vector_load %arg5[%get3A_522, %get3A_523] {strides = array<i32>} : memref<16x2048xf32, #tpu.memory_space<vmem>>, vector<1x16xf32>,
        %get3A_525 = vector.shape_cast %get3A_524 : vector<1x16xf32> to vector<16xf32>
        %add3A_526 = arith.addf %scan3A_465, %get3A_525 : vector<16xf32>
        %eq3A_527 = arith.cmpi eq, %scan3A_459, %gather3A_30 : vector<16xi32>
        %select_n3A_528 = arith.select %eq3A_527, %get3A_525, %broadcast_in_dim3A_3 : vector<16xi1>, vector<16xf32>
        %add3A_529 = arith.addf %add3A_518, %select_n3A_528 : vector<16xf32>
        %mul3A_530 = arith.constant 16 : i32
        %mul3A_531 = arith.muli %scan3A_458, %mul3A_530 : i32
        %get3A_532 = arith.constant 5 : i32
        %get3A_533 = arith.index_cast %get3A_532 : i32 to index
        %get3A_534 = arith.index_cast %mul3A_531 : i32 to index
        %get3A_535 = tpu.vector_load %arg5[%get3A_533, %get3A_534] {strides = array<i32>} : memref<16x2048xf32, #tpu.memory_space<vmem>>, vector<1x16xf32>,
        %get3A_536 = vector.shape_cast %get3A_535 : vector<1x16xf32> to vector<16xf32>
        %add3A_537 = arith.addf %scan3A_466, %get3A_536 : vector<16xf32>
        %eq3A_538 = arith.cmpi eq, %scan3A_459, %gather3A_34 : vector<16xi32>
        %select_n3A_539 = arith.select %eq3A_538, %get3A_536, %broadcast_in_dim3A_3 : vector<16xi1>, vector<16xf32>
        %add3A_540 = arith.addf %add3A_529, %select_n3A_539 : vector<16xf32>
        %mul3A_541 = arith.constant 16 : i32
        %mul3A_542 = arith.muli %scan3A_458, %mul3A_541 : i32
        %get3A_543 = arith.constant 6 : i32
        %get3A_544 = arith.index_cast %get3A_543 : i32 to index
        %get3A_545 = arith.index_cast %mul3A_542 : i32 to index
        %get3A_546 = tpu.vector_load %arg5[%get3A_544, %get3A_545] {strides = array<i32>} : memref<16x2048xf32, #tpu.memory_space<vmem>>, vector<1x16xf32>,
        %get3A_547 = vector.shape_cast %get3A_546 : vector<1x16xf32> to vector<16xf32>
        %add3A_548 = arith.addf %scan3A_467, %get3A_547 : vector<16xf32>
        %eq3A_549 = arith.cmpi eq, %scan3A_459, %gather3A_38 : vector<16xi32>
        %select_n3A_550 = arith.select %eq3A_549, %get3A_547, %broadcast_in_dim3A_3 : vector<16xi1>, vector<16xf32>
        %add3A_551 = arith.addf %add3A_540, %select_n3A_550 : vector<16xf32>
        %mul3A_552 = arith.constant 16 : i32
        %mul3A_553 = arith.muli %scan3A_458, %mul3A_552 : i32
        %get3A_554 = arith.constant 7 : i32
        %get3A_555 = arith.index_cast %get3A_554 : i32 to index
        %get3A_556 = arith.index_cast %mul3A_553 : i32 to index
        %get3A_557 = tpu.vector_load %arg5[%get3A_555, %get3A_556] {strides = array<i32>} : memref<16x2048xf32, #tpu.memory_space<vmem>>, vector<1x16xf32>,
        %get3A_558 = vector.shape_cast %get3A_557 : vector<1x16xf32> to vector<16xf32>
        %add3A_559 = arith.addf %scan3A_468, %get3A_558 : vector<16xf32>
        %eq3A_560 = arith.cmpi eq, %scan3A_459, %gather3A_42 : vector<16xi32>
        %select_n3A_561 = arith.select %eq3A_560, %get3A_558, %broadcast_in_dim3A_3 : vector<16xi1>, vector<16xf32>
        %add3A_562 = arith.addf %add3A_551, %select_n3A_561 : vector<16xf32>
        %mul3A_563 = arith.constant 16 : i32
        %mul3A_564 = arith.muli %scan3A_458, %mul3A_563 : i32
        %get3A_565 = arith.constant 8 : i32
        %get3A_566 = arith.index_cast %get3A_565 : i32 to index
        %get3A_567 = arith.index_cast %mul3A_564 : i32 to index
        %get3A_568 = tpu.vector_load %arg5[%get3A_566, %get3A_567] {strides = array<i32>} : memref<16x2048xf32, #tpu.memory_space<vmem>>, vector<1x16xf32>,
        %get3A_569 = vector.shape_cast %get3A_568 : vector<1x16xf32> to vector<16xf32>
        %add3A_570 = arith.addf %scan3A_469, %get3A_569 : vector<16xf32>
        %eq3A_571 = arith.cmpi eq, %scan3A_459, %gather3A_46 : vector<16xi32>
        %select_n3A_572 = arith.select %eq3A_571, %get3A_569, %broadcast_in_dim3A_3 : vector<16xi1>, vector<16xf32>
        %add3A_573 = arith.addf %add3A_562, %select_n3A_572 : vector<16xf32>
        %mul3A_574 = arith.constant 16 : i32
        %mul3A_575 = arith.muli %scan3A_458, %mul3A_574 : i32
        %get3A_576 = arith.constant 9 : i32
        %get3A_577 = arith.index_cast %get3A_576 : i32 to index
        %get3A_578 = arith.index_cast %mul3A_575 : i32 to index
        %get3A_579 = tpu.vector_load %arg5[%get3A_577, %get3A_578] {strides = array<i32>} : memref<16x2048xf32, #tpu.memory_space<vmem>>, vector<1x16xf32>,
        %get3A_580 = vector.shape_cast %get3A_579 : vector<1x16xf32> to vector<16xf32>
        %add3A_581 = arith.addf %scan3A_470, %get3A_580 : vector<16xf32>
        %eq3A_582 = arith.cmpi eq, %scan3A_459, %gather3A_50 : vector<16xi32>
        %select_n3A_583 = arith.select %eq3A_582, %get3A_580, %broadcast_in_dim3A_3 : vector<16xi1>, vector<16xf32>
        %add3A_584 = arith.addf %add3A_573, %select_n3A_583 : vector<16xf32>
        %mul3A_585 = arith.constant 16 : i32
        %mul3A_586 = arith.muli %scan3A_458, %mul3A_585 : i32
        %get3A_587 = arith.constant 10 : i32
        %get3A_588 = arith.index_cast %get3A_587 : i32 to index
        %get3A_589 = arith.index_cast %mul3A_586 : i32 to index
        %get3A_590 = tpu.vector_load %arg5[%get3A_588, %get3A_589] {strides = array<i32>} : memref<16x2048xf32, #tpu.memory_space<vmem>>, vector<1x16xf32>,
        %get3A_591 = vector.shape_cast %get3A_590 : vector<1x16xf32> to vector<16xf32>
        %add3A_592 = arith.addf %scan3A_471, %get3A_591 : vector<16xf32>
        %eq3A_593 = arith.cmpi eq, %scan3A_459, %gather3A_54 : vector<16xi32>
        %select_n3A_594 = arith.select %eq3A_593, %get3A_591, %broadcast_in_dim3A_3 : vector<16xi1>, vector<16xf32>
        %add3A_595 = arith.addf %add3A_584, %select_n3A_594 : vector<16xf32>
        %mul3A_596 = arith.constant 16 : i32
        %mul3A_597 = arith.muli %scan3A_458, %mul3A_596 : i32
        %get3A_598 = arith.constant 11 : i32
        %get3A_599 = arith.index_cast %get3A_598 : i32 to index
        %get3A_600 = arith.index_cast %mul3A_597 : i32 to index
        %get3A_601 = tpu.vector_load %arg5[%get3A_599, %get3A_600] {strides = array<i32>} : memref<16x2048xf32, #tpu.memory_space<vmem>>, vector<1x16xf32>,
        %get3A_602 = vector.shape_cast %get3A_601 : vector<1x16xf32> to vector<16xf32>
        %add3A_603 = arith.addf %scan3A_472, %get3A_602 : vector<16xf32>
        %eq3A_604 = arith.cmpi eq, %scan3A_459, %gather3A_58 : vector<16xi32>
        %select_n3A_605 = arith.select %eq3A_604, %get3A_602, %broadcast_in_dim3A_3 : vector<16xi1>, vector<16xf32>
        %add3A_606 = arith.addf %add3A_595, %select_n3A_605 : vector<16xf32>
        %mul3A_607 = arith.constant 16 : i32
        %mul3A_608 = arith.muli %scan3A_458, %mul3A_607 : i32
        %get3A_609 = arith.constant 12 : i32
        %get3A_610 = arith.index_cast %get3A_609 : i32 to index
        %get3A_611 = arith.index_cast %mul3A_608 : i32 to index
        %get3A_612 = tpu.vector_load %arg5[%get3A_610, %get3A_611] {strides = array<i32>} : memref<16x2048xf32, #tpu.memory_space<vmem>>, vector<1x16xf32>,
        %get3A_613 = vector.shape_cast %get3A_612 : vector<1x16xf32> to vector<16xf32>
        %add3A_614 = arith.addf %scan3A_473, %get3A_613 : vector<16xf32>
        %eq3A_615 = arith.cmpi eq, %scan3A_459, %gather3A_62 : vector<16xi32>
        %select_n3A_616 = arith.select %eq3A_615, %get3A_613, %broadcast_in_dim3A_3 : vector<16xi1>, vector<16xf32>
        %add3A_617 = arith.addf %add3A_606, %select_n3A_616 : vector<16xf32>
        %mul3A_618 = arith.constant 16 : i32
        %mul3A_619 = arith.muli %scan3A_458, %mul3A_618 : i32
        %get3A_620 = arith.constant 13 : i32
        %get3A_621 = arith.index_cast %get3A_620 : i32 to index
        %get3A_622 = arith.index_cast %mul3A_619 : i32 to index
        %get3A_623 = tpu.vector_load %arg5[%get3A_621, %get3A_622] {strides = array<i32>} : memref<16x2048xf32, #tpu.memory_space<vmem>>, vector<1x16xf32>,
        %get3A_624 = vector.shape_cast %get3A_623 : vector<1x16xf32> to vector<16xf32>
        %add3A_625 = arith.addf %scan3A_474, %get3A_624 : vector<16xf32>
        %eq3A_626 = arith.cmpi eq, %scan3A_459, %gather3A_66 : vector<16xi32>
        %select_n3A_627 = arith.select %eq3A_626, %get3A_624, %broadcast_in_dim3A_3 : vector<16xi1>, vector<16xf32>
        %add3A_628 = arith.addf %add3A_617, %select_n3A_627 : vector<16xf32>
        %mul3A_629 = arith.constant 16 : i32
        %mul3A_630 = arith.muli %scan3A_458, %mul3A_629 : i32
        %get3A_631 = arith.constant 14 : i32
        %get3A_632 = arith.index_cast %get3A_631 : i32 to index
        %get3A_633 = arith.index_cast %mul3A_630 : i32 to index
        %get3A_634 = tpu.vector_load %arg5[%get3A_632, %get3A_633] {strides = array<i32>} : memref<16x2048xf32, #tpu.memory_space<vmem>>, vector<1x16xf32>,
        %get3A_635 = vector.shape_cast %get3A_634 : vector<1x16xf32> to vector<16xf32>
        %add3A_636 = arith.addf %scan3A_475, %get3A_635 : vector<16xf32>
        %eq3A_637 = arith.cmpi eq, %scan3A_459, %gather3A_70 : vector<16xi32>
        %select_n3A_638 = arith.select %eq3A_637, %get3A_635, %broadcast_in_dim3A_3 : vector<16xi1>, vector<16xf32>
        %add3A_639 = arith.addf %add3A_628, %select_n3A_638 : vector<16xf32>
        %mul3A_640 = arith.constant 16 : i32
        %mul3A_641 = arith.muli %scan3A_458, %mul3A_640 : i32
        %get3A_642 = arith.constant 15 : i32
        %get3A_643 = arith.index_cast %get3A_642 : i32 to index
        %get3A_644 = arith.index_cast %mul3A_641 : i32 to index
        %get3A_645 = tpu.vector_load %arg5[%get3A_643, %get3A_644] {strides = array<i32>} : memref<16x2048xf32, #tpu.memory_space<vmem>>, vector<1x16xf32>,
        %get3A_646 = vector.shape_cast %get3A_645 : vector<1x16xf32> to vector<16xf32>
        %add3A_647 = arith.addf %scan3A_476, %get3A_646 : vector<16xf32>
        %eq3A_648 = arith.cmpi eq, %scan3A_459, %gather3A_74 : vector<16xi32>
        %select_n3A_649 = arith.select %eq3A_648, %get3A_646, %broadcast_in_dim3A_3 : vector<16xi1>, vector<16xf32>
        %add3A_650 = arith.addf %add3A_639, %select_n3A_649 : vector<16xf32>
        %add3A_651 = arith.constant 16 : i32
        %add3A_652 = vector.broadcast %add3A_651 : i32 to vector<16xi32>
        %add3A_653 = arith.addi %scan3A_459, %add3A_652 : vector<16xi32>
        scf.yield %add3A_653, %add3A_650, %add3A_484, %add3A_493, %add3A_504, %add3A_515, %add3A_526, %add3A_537, %add3A_548, %add3A_559, %add3A_570, %add3A_581, %add3A_592, %add3A_603, %add3A_614, %add3A_625, %add3A_636, %add3A_647 : vector<16xi32>, vector<16xf32>, vector<16xf32>, vector<16xf32>, vector<16xf32>, vector<16xf32>, vector<16xf32>, vector<16xf32>, vector<16xf32>, vector<16xf32>, vector<16xf32>, vector<16xf32>, vector<16xf32>, vector<16xf32>, vector<16xf32>, vector<16xf32>, vector<16xf32>, vector<16xf32>
      }
      %scan3A_201 = arith.constant 128 : i32
      %convert_element_type3A = arith.sitofp %gather3A_14 : vector<16xi32> to vector<16xf32>
      %abs3A = math.absf %convert_element_type3A : vector<16xf32>
      %min3A = arith.constant 1.000000e+00 : f32
      %min3A_202 = vector.broadcast %min3A : f32 to vector<16xf32>
      %min3A_203 = arith.minimumf %abs3A, %min3A_202 : vector<16xf32>
      %mul3A_204 = arith.mulf %scan3A_200#2, %min3A_203 : vector<16xf32>
      %add3A_205 = arith.addf %scan3A_185, %mul3A_204 : vector<16xf32>
      %convert_element_type3A_206 = arith.sitofp %gather3A_18 : vector<16xi32> to vector<16xf32>
      %abs3A_207 = math.absf %convert_element_type3A_206 : vector<16xf32>
      %min3A_208 = arith.constant 1.000000e+00 : f32
      %min3A_209 = vector.broadcast %min3A_208 : f32 to vector<16xf32>
      %min3A_210 = arith.minimumf %abs3A_207, %min3A_209 : vector<16xf32>
      %mul3A_211 = arith.mulf %scan3A_200#3, %min3A_210 : vector<16xf32>
      %add3A_212 = arith.addf %add3A_205, %mul3A_211 : vector<16xf32>
      %convert_element_type3A_213 = arith.sitofp %gather3A_22 : vector<16xi32> to vector<16xf32>
      %abs3A_214 = math.absf %convert_element_type3A_213 : vector<16xf32>
      %min3A_215 = arith.constant 1.000000e+00 : f32
      %min3A_216 = vector.broadcast %min3A_215 : f32 to vector<16xf32>
      %min3A_217 = arith.minimumf %abs3A_214, %min3A_216 : vector<16xf32>
      %mul3A_218 = arith.mulf %scan3A_200#4, %min3A_217 : vector<16xf32>
      %add3A_219 = arith.addf %add3A_212, %mul3A_218 : vector<16xf32>
      %convert_element_type3A_220 = arith.sitofp %gather3A_26 : vector<16xi32> to vector<16xf32>
      %abs3A_221 = math.absf %convert_element_type3A_220 : vector<16xf32>
      %min3A_222 = arith.constant 1.000000e+00 : f32
      %min3A_223 = vector.broadcast %min3A_222 : f32 to vector<16xf32>
      %min3A_224 = arith.minimumf %abs3A_221, %min3A_223 : vector<16xf32>
      %mul3A_225 = arith.mulf %scan3A_200#5, %min3A_224 : vector<16xf32>
      %add3A_226 = arith.addf %add3A_219, %mul3A_225 : vector<16xf32>
      %convert_element_type3A_227 = arith.sitofp %gather3A_30 : vector<16xi32> to vector<16xf32>
      %abs3A_228 = math.absf %convert_element_type3A_227 : vector<16xf32>
      %min3A_229 = arith.constant 1.000000e+00 : f32
      %min3A_230 = vector.broadcast %min3A_229 : f32 to vector<16xf32>
      %min3A_231 = arith.minimumf %abs3A_228, %min3A_230 : vector<16xf32>
      %mul3A_232 = arith.mulf %scan3A_200#6, %min3A_231 : vector<16xf32>
      %add3A_233 = arith.addf %add3A_226, %mul3A_232 : vector<16xf32>
      %convert_element_type3A_234 = arith.sitofp %gather3A_34 : vector<16xi32> to vector<16xf32>
      %abs3A_235 = math.absf %convert_element_type3A_234 : vector<16xf32>
      %min3A_236 = arith.constant 1.000000e+00 : f32
      %min3A_237 = vector.broadcast %min3A_236 : f32 to vector<16xf32>
      %min3A_238 = arith.minimumf %abs3A_235, %min3A_237 : vector<16xf32>
      %mul3A_239 = arith.mulf %scan3A_200#7, %min3A_238 : vector<16xf32>
      %add3A_240 = arith.addf %add3A_233, %mul3A_239 : vector<16xf32>
      %convert_element_type3A_241 = arith.sitofp %gather3A_38 : vector<16xi32> to vector<16xf32>
      %abs3A_242 = math.absf %convert_element_type3A_241 : vector<16xf32>
      %min3A_243 = arith.constant 1.000000e+00 : f32
      %min3A_244 = vector.broadcast %min3A_243 : f32 to vector<16xf32>
      %min3A_245 = arith.minimumf %abs3A_242, %min3A_244 : vector<16xf32>
      %mul3A_246 = arith.mulf %scan3A_200#8, %min3A_245 : vector<16xf32>
      %add3A_247 = arith.addf %add3A_240, %mul3A_246 : vector<16xf32>
      %convert_element_type3A_248 = arith.sitofp %gather3A_42 : vector<16xi32> to vector<16xf32>
      %abs3A_249 = math.absf %convert_element_type3A_248 : vector<16xf32>
      %min3A_250 = arith.constant 1.000000e+00 : f32
      %min3A_251 = vector.broadcast %min3A_250 : f32 to vector<16xf32>
      %min3A_252 = arith.minimumf %abs3A_249, %min3A_251 : vector<16xf32>
      %mul3A_253 = arith.mulf %scan3A_200#9, %min3A_252 : vector<16xf32>
      %add3A_254 = arith.addf %add3A_247, %mul3A_253 : vector<16xf32>
      %convert_element_type3A_255 = arith.sitofp %gather3A_46 : vector<16xi32> to vector<16xf32>
      %abs3A_256 = math.absf %convert_element_type3A_255 : vector<16xf32>
      %min3A_257 = arith.constant 1.000000e+00 : f32
      %min3A_258 = vector.broadcast %min3A_257 : f32 to vector<16xf32>
      %min3A_259 = arith.minimumf %abs3A_256, %min3A_258 : vector<16xf32>
      %mul3A_260 = arith.mulf %scan3A_200#10, %min3A_259 : vector<16xf32>
      %add3A_261 = arith.addf %add3A_254, %mul3A_260 : vector<16xf32>
      %convert_element_type3A_262 = arith.sitofp %gather3A_50 : vector<16xi32> to vector<16xf32>
      %abs3A_263 = math.absf %convert_element_type3A_262 : vector<16xf32>
      %min3A_264 = arith.constant 1.000000e+00 : f32
      %min3A_265 = vector.broadcast %min3A_264 : f32 to vector<16xf32>
      %min3A_266 = arith.minimumf %abs3A_263, %min3A_265 : vector<16xf32>
      %mul3A_267 = arith.mulf %scan3A_200#11, %min3A_266 : vector<16xf32>
      %add3A_268 = arith.addf %add3A_261, %mul3A_267 : vector<16xf32>
      %convert_element_type3A_269 = arith.sitofp %gather3A_54 : vector<16xi32> to vector<16xf32>
      %abs3A_270 = math.absf %convert_element_type3A_269 : vector<16xf32>
      %min3A_271 = arith.constant 1.000000e+00 : f32
      %min3A_272 = vector.broadcast %min3A_271 : f32 to vector<16xf32>
      %min3A_273 = arith.minimumf %abs3A_270, %min3A_272 : vector<16xf32>
      %mul3A_274 = arith.mulf %scan3A_200#12, %min3A_273 : vector<16xf32>
      %add3A_275 = arith.addf %add3A_268, %mul3A_274 : vector<16xf32>
      %convert_element_type3A_276 = arith.sitofp %gather3A_58 : vector<16xi32> to vector<16xf32>
      %abs3A_277 = math.absf %convert_element_type3A_276 : vector<16xf32>
      %min3A_278 = arith.constant 1.000000e+00 : f32
      %min3A_279 = vector.broadcast %min3A_278 : f32 to vector<16xf32>
      %min3A_280 = arith.minimumf %abs3A_277, %min3A_279 : vector<16xf32>
      %mul3A_281 = arith.mulf %scan3A_200#13, %min3A_280 : vector<16xf32>
      %add3A_282 = arith.addf %add3A_275, %mul3A_281 : vector<16xf32>
      %convert_element_type3A_283 = arith.sitofp %gather3A_62 : vector<16xi32> to vector<16xf32>
      %abs3A_284 = math.absf %convert_element_type3A_283 : vector<16xf32>
      %min3A_285 = arith.constant 1.000000e+00 : f32
      %min3A_286 = vector.broadcast %min3A_285 : f32 to vector<16xf32>
      %min3A_287 = arith.minimumf %abs3A_284, %min3A_286 : vector<16xf32>
      %mul3A_288 = arith.mulf %scan3A_200#14, %min3A_287 : vector<16xf32>
      %add3A_289 = arith.addf %add3A_282, %mul3A_288 : vector<16xf32>
      %convert_element_type3A_290 = arith.sitofp %gather3A_66 : vector<16xi32> to vector<16xf32>
      %abs3A_291 = math.absf %convert_element_type3A_290 : vector<16xf32>
      %min3A_292 = arith.constant 1.000000e+00 : f32
      %min3A_293 = vector.broadcast %min3A_292 : f32 to vector<16xf32>
      %min3A_294 = arith.minimumf %abs3A_291, %min3A_293 : vector<16xf32>
      %mul3A_295 = arith.mulf %scan3A_200#15, %min3A_294 : vector<16xf32>
      %add3A_296 = arith.addf %add3A_289, %mul3A_295 : vector<16xf32>
      %convert_element_type3A_297 = arith.sitofp %gather3A_70 : vector<16xi32> to vector<16xf32>
      %abs3A_298 = math.absf %convert_element_type3A_297 : vector<16xf32>
      %min3A_299 = arith.constant 1.000000e+00 : f32
      %min3A_300 = vector.broadcast %min3A_299 : f32 to vector<16xf32>
      %min3A_301 = arith.minimumf %abs3A_298, %min3A_300 : vector<16xf32>
      %mul3A_302 = arith.mulf %scan3A_200#16, %min3A_301 : vector<16xf32>
      %add3A_303 = arith.addf %add3A_296, %mul3A_302 : vector<16xf32>
      %convert_element_type3A_304 = arith.sitofp %gather3A_74 : vector<16xi32> to vector<16xf32>
      %abs3A_305 = math.absf %convert_element_type3A_304 : vector<16xf32>
      %min3A_306 = arith.constant 1.000000e+00 : f32
      %min3A_307 = vector.broadcast %min3A_306 : f32 to vector<16xf32>
      %min3A_308 = arith.minimumf %abs3A_305, %min3A_307 : vector<16xf32>
      %mul3A_309 = arith.mulf %scan3A_200#17, %min3A_308 : vector<16xf32>
      %add3A_310 = arith.addf %add3A_303, %mul3A_309 : vector<16xf32>
      %add3A_311 = arith.constant 2 : i32
      %add3A_312 = arith.addi %mul3A_189, %add3A_311 : i32
      %lt3A = arith.constant 8 : i32
      %lt3A_313 = arith.cmpi slt, %add3A_312, %lt3A : i32
      %convert_element_type3A_314 = arith.extui %lt3A_313 : i1 to i32
      %cond3A = arith.constant 0 : i32
      %cond3A_315 = arith.cmpi ne, %convert_element_type3A_314, %cond3A : i32
      scf.if %cond3A_315 {
        %add3A_458 = arith.constant 2 : i32
        %add3A_459 = arith.addi %mul3A_189, %add3A_458 : i32
        %mul3A_460 = arith.constant 2048 : i32
        %mul3A_461 = arith.muli %add3A_459, %mul3A_460 : i32
        %add3A_462 = arith.constant 83584 : i32
        %add3A_463 = arith.addi %add3A_462, %mul3A_461 : i32
        %dma_start3A_464 = tpu.memref_slice %arg2[%add3A_9, %add3A_463] : memref<1024x100000xf32, #tpu.memory_space<hbm>> -> memref<16x2048xf32, #tpu.memory_space<hbm>>
        %dma_start3A_465 = tpu.memref_slice %arg2[%add3A_9, %add3A_463] : memref<1024x100000xf32, #tpu.memory_space<hbm>> -> memref<16x2048xf32, #tpu.memory_space<hbm>>
        tpu.enqueue_dma source(%dma_start3A_465 : memref<16x2048xf32, #tpu.memory_space<hbm>>) target(%arg5 : memref<16x2048xf32, #tpu.memory_space<vmem>>) target_semaphore(%arg11 : memref<!tpu.dma_semaphore, #tpu.memory_space<semaphore_mem>>)
      } else {
      }
      %add3A_316 = arith.constant 2048 : i32
      %add3A_317 = vector.broadcast %add3A_316 : i32 to vector<16xi32>
      %add3A_318 = arith.addi %scan3A_187, %add3A_317 : vector<16xi32>
      %mul3A_319 = arith.constant 2 : i32
      %mul3A_320 = arith.muli %mul3A_319, %scan3A_184 : i32
      %add3A_321 = arith.constant 1 : i32
      %add3A_322 = arith.addi %mul3A_320, %add3A_321 : i32
      %mul3A_323 = arith.constant 2048 : i32
      %mul3A_324 = arith.muli %add3A_322, %mul3A_323 : i32
      %add3A_325 = arith.constant 83584 : i32
      %add3A_326 = arith.addi %add3A_325, %mul3A_324 : i32
      %dma_wait3A_327 = tpu.memref_slice %arg2[%add3A_9, %add3A_326] : memref<1024x100000xf32, #tpu.memory_space<hbm>> -> memref<16x2048xf32, #tpu.memory_space<hbm>>
      %dma_wait3A_328 = tpu.memref_slice %arg2[%add3A_9, %add3A_326] : memref<1024x100000xf32, #tpu.memory_space<hbm>> -> memref<16x2048xf32, #tpu.memory_space<hbm>>
      tpu.wait_dma2 semaphore(%arg12 : memref<!tpu.dma_semaphore, #tpu.memory_space<semaphore_mem>>) src(%dma_wait3A_328 : memref<16x2048xf32, #tpu.memory_space<hbm>>) dst(%arg6 : memref<16x2048xf32, #tpu.memory_space<vmem>>)
      %add3A_329 = arith.addi %add3A_318, %iota3A : vector<16xi32>
      %scan3A_330 = arith.constant 0 : i32
      %scan3A_331 = arith.constant 128 : i32
      %scan3A_332 = arith.addi %scan3A_330, %scan3A_331 : i32
      %scan3A_333 = arith.constant 1 : i32
      %scan3A_334:18 = scf.for %scan3A_458 = %scan3A_330 to %scan3A_332 step %scan3A_333 iter_args(%scan3A_459 = %add3A_329, %scan3A_460 = %scan3A_200#1, %scan3A_461 = %broadcast_in_dim3A_3, %scan3A_462 = %broadcast_in_dim3A_3, %scan3A_463 = %broadcast_in_dim3A_3, %scan3A_464 = %broadcast_in_dim3A_3, %scan3A_465 = %broadcast_in_dim3A_3, %scan3A_466 = %broadcast_in_dim3A_3, %scan3A_467 = %broadcast_in_dim3A_3, %scan3A_468 = %broadcast_in_dim3A_3, %scan3A_469 = %broadcast_in_dim3A_3, %scan3A_470 = %broadcast_in_dim3A_3, %scan3A_471 = %broadcast_in_dim3A_3, %scan3A_472 = %broadcast_in_dim3A_3, %scan3A_473 = %broadcast_in_dim3A_3, %scan3A_474 = %broadcast_in_dim3A_3, %scan3A_475 = %broadcast_in_dim3A_3, %scan3A_476 = %broadcast_in_dim3A_3) -> (vector<16xi32>, vector<16xf32>, vector<16xf32>, vector<16xf32>, vector<16xf32>, vector<16xf32>, vector<16xf32>, vector<16xf32>, vector<16xf32>, vector<16xf32>, vector<16xf32>, vector<16xf32>, vector<16xf32>, vector<16xf32>, vector<16xf32>, vector<16xf32>, vector<16xf32>, vector<16xf32>)  : i32 {
        %mul3A_477 = arith.constant 16 : i32
        %mul3A_478 = arith.muli %scan3A_458, %mul3A_477 : i32
        %get3A_479 = arith.constant 0 : i32
        %get3A_480 = arith.index_cast %get3A_479 : i32 to index
        %get3A_481 = arith.index_cast %mul3A_478 : i32 to index
        %get3A_482 = tpu.vector_load %arg6[%get3A_480, %get3A_481] {strides = array<i32>} : memref<16x2048xf32, #tpu.memory_space<vmem>>, vector<1x16xf32>,
        %get3A_483 = vector.shape_cast %get3A_482 : vector<1x16xf32> to vector<16xf32>
        %add3A_484 = arith.addf %scan3A_461, %get3A_483 : vector<16xf32>
        %eq3A = arith.cmpi eq, %scan3A_459, %gather3A_14 : vector<16xi32>
        %select_n3A = arith.select %eq3A, %get3A_483, %broadcast_in_dim3A_3 : vector<16xi1>, vector<16xf32>
        %add3A_485 = arith.addf %scan3A_460, %select_n3A : vector<16xf32>
        %mul3A_486 = arith.constant 16 : i32
        %mul3A_487 = arith.muli %scan3A_458, %mul3A_486 : i32
        %get3A_488 = arith.constant 1 : i32
        %get3A_489 = arith.index_cast %get3A_488 : i32 to index
        %get3A_490 = arith.index_cast %mul3A_487 : i32 to index
        %get3A_491 = tpu.vector_load %arg6[%get3A_489, %get3A_490] {strides = array<i32>} : memref<16x2048xf32, #tpu.memory_space<vmem>>, vector<1x16xf32>,
        %get3A_492 = vector.shape_cast %get3A_491 : vector<1x16xf32> to vector<16xf32>
        %add3A_493 = arith.addf %scan3A_462, %get3A_492 : vector<16xf32>
        %eq3A_494 = arith.cmpi eq, %scan3A_459, %gather3A_18 : vector<16xi32>
        %select_n3A_495 = arith.select %eq3A_494, %get3A_492, %broadcast_in_dim3A_3 : vector<16xi1>, vector<16xf32>
        %add3A_496 = arith.addf %add3A_485, %select_n3A_495 : vector<16xf32>
        %mul3A_497 = arith.constant 16 : i32
        %mul3A_498 = arith.muli %scan3A_458, %mul3A_497 : i32
        %get3A_499 = arith.constant 2 : i32
        %get3A_500 = arith.index_cast %get3A_499 : i32 to index
        %get3A_501 = arith.index_cast %mul3A_498 : i32 to index
        %get3A_502 = tpu.vector_load %arg6[%get3A_500, %get3A_501] {strides = array<i32>} : memref<16x2048xf32, #tpu.memory_space<vmem>>, vector<1x16xf32>,
        %get3A_503 = vector.shape_cast %get3A_502 : vector<1x16xf32> to vector<16xf32>
        %add3A_504 = arith.addf %scan3A_463, %get3A_503 : vector<16xf32>
        %eq3A_505 = arith.cmpi eq, %scan3A_459, %gather3A_22 : vector<16xi32>
        %select_n3A_506 = arith.select %eq3A_505, %get3A_503, %broadcast_in_dim3A_3 : vector<16xi1>, vector<16xf32>
        %add3A_507 = arith.addf %add3A_496, %select_n3A_506 : vector<16xf32>
        %mul3A_508 = arith.constant 16 : i32
        %mul3A_509 = arith.muli %scan3A_458, %mul3A_508 : i32
        %get3A_510 = arith.constant 3 : i32
        %get3A_511 = arith.index_cast %get3A_510 : i32 to index
        %get3A_512 = arith.index_cast %mul3A_509 : i32 to index
        %get3A_513 = tpu.vector_load %arg6[%get3A_511, %get3A_512] {strides = array<i32>} : memref<16x2048xf32, #tpu.memory_space<vmem>>, vector<1x16xf32>,
        %get3A_514 = vector.shape_cast %get3A_513 : vector<1x16xf32> to vector<16xf32>
        %add3A_515 = arith.addf %scan3A_464, %get3A_514 : vector<16xf32>
        %eq3A_516 = arith.cmpi eq, %scan3A_459, %gather3A_26 : vector<16xi32>
        %select_n3A_517 = arith.select %eq3A_516, %get3A_514, %broadcast_in_dim3A_3 : vector<16xi1>, vector<16xf32>
        %add3A_518 = arith.addf %add3A_507, %select_n3A_517 : vector<16xf32>
        %mul3A_519 = arith.constant 16 : i32
        %mul3A_520 = arith.muli %scan3A_458, %mul3A_519 : i32
        %get3A_521 = arith.constant 4 : i32
        %get3A_522 = arith.index_cast %get3A_521 : i32 to index
        %get3A_523 = arith.index_cast %mul3A_520 : i32 to index
        %get3A_524 = tpu.vector_load %arg6[%get3A_522, %get3A_523] {strides = array<i32>} : memref<16x2048xf32, #tpu.memory_space<vmem>>, vector<1x16xf32>,
        %get3A_525 = vector.shape_cast %get3A_524 : vector<1x16xf32> to vector<16xf32>
        %add3A_526 = arith.addf %scan3A_465, %get3A_525 : vector<16xf32>
        %eq3A_527 = arith.cmpi eq, %scan3A_459, %gather3A_30 : vector<16xi32>
        %select_n3A_528 = arith.select %eq3A_527, %get3A_525, %broadcast_in_dim3A_3 : vector<16xi1>, vector<16xf32>
        %add3A_529 = arith.addf %add3A_518, %select_n3A_528 : vector<16xf32>
        %mul3A_530 = arith.constant 16 : i32
        %mul3A_531 = arith.muli %scan3A_458, %mul3A_530 : i32
        %get3A_532 = arith.constant 5 : i32
        %get3A_533 = arith.index_cast %get3A_532 : i32 to index
        %get3A_534 = arith.index_cast %mul3A_531 : i32 to index
        %get3A_535 = tpu.vector_load %arg6[%get3A_533, %get3A_534] {strides = array<i32>} : memref<16x2048xf32, #tpu.memory_space<vmem>>, vector<1x16xf32>,
        %get3A_536 = vector.shape_cast %get3A_535 : vector<1x16xf32> to vector<16xf32>
        %add3A_537 = arith.addf %scan3A_466, %get3A_536 : vector<16xf32>
        %eq3A_538 = arith.cmpi eq, %scan3A_459, %gather3A_34 : vector<16xi32>
        %select_n3A_539 = arith.select %eq3A_538, %get3A_536, %broadcast_in_dim3A_3 : vector<16xi1>, vector<16xf32>
        %add3A_540 = arith.addf %add3A_529, %select_n3A_539 : vector<16xf32>
        %mul3A_541 = arith.constant 16 : i32
        %mul3A_542 = arith.muli %scan3A_458, %mul3A_541 : i32
        %get3A_543 = arith.constant 6 : i32
        %get3A_544 = arith.index_cast %get3A_543 : i32 to index
        %get3A_545 = arith.index_cast %mul3A_542 : i32 to index
        %get3A_546 = tpu.vector_load %arg6[%get3A_544, %get3A_545] {strides = array<i32>} : memref<16x2048xf32, #tpu.memory_space<vmem>>, vector<1x16xf32>,
        %get3A_547 = vector.shape_cast %get3A_546 : vector<1x16xf32> to vector<16xf32>
        %add3A_548 = arith.addf %scan3A_467, %get3A_547 : vector<16xf32>
        %eq3A_549 = arith.cmpi eq, %scan3A_459, %gather3A_38 : vector<16xi32>
        %select_n3A_550 = arith.select %eq3A_549, %get3A_547, %broadcast_in_dim3A_3 : vector<16xi1>, vector<16xf32>
        %add3A_551 = arith.addf %add3A_540, %select_n3A_550 : vector<16xf32>
        %mul3A_552 = arith.constant 16 : i32
        %mul3A_553 = arith.muli %scan3A_458, %mul3A_552 : i32
        %get3A_554 = arith.constant 7 : i32
        %get3A_555 = arith.index_cast %get3A_554 : i32 to index
        %get3A_556 = arith.index_cast %mul3A_553 : i32 to index
        %get3A_557 = tpu.vector_load %arg6[%get3A_555, %get3A_556] {strides = array<i32>} : memref<16x2048xf32, #tpu.memory_space<vmem>>, vector<1x16xf32>,
        %get3A_558 = vector.shape_cast %get3A_557 : vector<1x16xf32> to vector<16xf32>
        %add3A_559 = arith.addf %scan3A_468, %get3A_558 : vector<16xf32>
        %eq3A_560 = arith.cmpi eq, %scan3A_459, %gather3A_42 : vector<16xi32>
        %select_n3A_561 = arith.select %eq3A_560, %get3A_558, %broadcast_in_dim3A_3 : vector<16xi1>, vector<16xf32>
        %add3A_562 = arith.addf %add3A_551, %select_n3A_561 : vector<16xf32>
        %mul3A_563 = arith.constant 16 : i32
        %mul3A_564 = arith.muli %scan3A_458, %mul3A_563 : i32
        %get3A_565 = arith.constant 8 : i32
        %get3A_566 = arith.index_cast %get3A_565 : i32 to index
        %get3A_567 = arith.index_cast %mul3A_564 : i32 to index
        %get3A_568 = tpu.vector_load %arg6[%get3A_566, %get3A_567] {strides = array<i32>} : memref<16x2048xf32, #tpu.memory_space<vmem>>, vector<1x16xf32>,
        %get3A_569 = vector.shape_cast %get3A_568 : vector<1x16xf32> to vector<16xf32>
        %add3A_570 = arith.addf %scan3A_469, %get3A_569 : vector<16xf32>
        %eq3A_571 = arith.cmpi eq, %scan3A_459, %gather3A_46 : vector<16xi32>
        %select_n3A_572 = arith.select %eq3A_571, %get3A_569, %broadcast_in_dim3A_3 : vector<16xi1>, vector<16xf32>
        %add3A_573 = arith.addf %add3A_562, %select_n3A_572 : vector<16xf32>
        %mul3A_574 = arith.constant 16 : i32
        %mul3A_575 = arith.muli %scan3A_458, %mul3A_574 : i32
        %get3A_576 = arith.constant 9 : i32
        %get3A_577 = arith.index_cast %get3A_576 : i32 to index
        %get3A_578 = arith.index_cast %mul3A_575 : i32 to index
        %get3A_579 = tpu.vector_load %arg6[%get3A_577, %get3A_578] {strides = array<i32>} : memref<16x2048xf32, #tpu.memory_space<vmem>>, vector<1x16xf32>,
        %get3A_580 = vector.shape_cast %get3A_579 : vector<1x16xf32> to vector<16xf32>
        %add3A_581 = arith.addf %scan3A_470, %get3A_580 : vector<16xf32>
        %eq3A_582 = arith.cmpi eq, %scan3A_459, %gather3A_50 : vector<16xi32>
        %select_n3A_583 = arith.select %eq3A_582, %get3A_580, %broadcast_in_dim3A_3 : vector<16xi1>, vector<16xf32>
        %add3A_584 = arith.addf %add3A_573, %select_n3A_583 : vector<16xf32>
        %mul3A_585 = arith.constant 16 : i32
        %mul3A_586 = arith.muli %scan3A_458, %mul3A_585 : i32
        %get3A_587 = arith.constant 10 : i32
        %get3A_588 = arith.index_cast %get3A_587 : i32 to index
        %get3A_589 = arith.index_cast %mul3A_586 : i32 to index
        %get3A_590 = tpu.vector_load %arg6[%get3A_588, %get3A_589] {strides = array<i32>} : memref<16x2048xf32, #tpu.memory_space<vmem>>, vector<1x16xf32>,
        %get3A_591 = vector.shape_cast %get3A_590 : vector<1x16xf32> to vector<16xf32>
        %add3A_592 = arith.addf %scan3A_471, %get3A_591 : vector<16xf32>
        %eq3A_593 = arith.cmpi eq, %scan3A_459, %gather3A_54 : vector<16xi32>
        %select_n3A_594 = arith.select %eq3A_593, %get3A_591, %broadcast_in_dim3A_3 : vector<16xi1>, vector<16xf32>
        %add3A_595 = arith.addf %add3A_584, %select_n3A_594 : vector<16xf32>
        %mul3A_596 = arith.constant 16 : i32
        %mul3A_597 = arith.muli %scan3A_458, %mul3A_596 : i32
        %get3A_598 = arith.constant 11 : i32
        %get3A_599 = arith.index_cast %get3A_598 : i32 to index
        %get3A_600 = arith.index_cast %mul3A_597 : i32 to index
        %get3A_601 = tpu.vector_load %arg6[%get3A_599, %get3A_600] {strides = array<i32>} : memref<16x2048xf32, #tpu.memory_space<vmem>>, vector<1x16xf32>,
        %get3A_602 = vector.shape_cast %get3A_601 : vector<1x16xf32> to vector<16xf32>
        %add3A_603 = arith.addf %scan3A_472, %get3A_602 : vector<16xf32>
        %eq3A_604 = arith.cmpi eq, %scan3A_459, %gather3A_58 : vector<16xi32>
        %select_n3A_605 = arith.select %eq3A_604, %get3A_602, %broadcast_in_dim3A_3 : vector<16xi1>, vector<16xf32>
        %add3A_606 = arith.addf %add3A_595, %select_n3A_605 : vector<16xf32>
        %mul3A_607 = arith.constant 16 : i32
        %mul3A_608 = arith.muli %scan3A_458, %mul3A_607 : i32
        %get3A_609 = arith.constant 12 : i32
        %get3A_610 = arith.index_cast %get3A_609 : i32 to index
        %get3A_611 = arith.index_cast %mul3A_608 : i32 to index
        %get3A_612 = tpu.vector_load %arg6[%get3A_610, %get3A_611] {strides = array<i32>} : memref<16x2048xf32, #tpu.memory_space<vmem>>, vector<1x16xf32>,
        %get3A_613 = vector.shape_cast %get3A_612 : vector<1x16xf32> to vector<16xf32>
        %add3A_614 = arith.addf %scan3A_473, %get3A_613 : vector<16xf32>
        %eq3A_615 = arith.cmpi eq, %scan3A_459, %gather3A_62 : vector<16xi32>
        %select_n3A_616 = arith.select %eq3A_615, %get3A_613, %broadcast_in_dim3A_3 : vector<16xi1>, vector<16xf32>
        %add3A_617 = arith.addf %add3A_606, %select_n3A_616 : vector<16xf32>
        %mul3A_618 = arith.constant 16 : i32
        %mul3A_619 = arith.muli %scan3A_458, %mul3A_618 : i32
        %get3A_620 = arith.constant 13 : i32
        %get3A_621 = arith.index_cast %get3A_620 : i32 to index
        %get3A_622 = arith.index_cast %mul3A_619 : i32 to index
        %get3A_623 = tpu.vector_load %arg6[%get3A_621, %get3A_622] {strides = array<i32>} : memref<16x2048xf32, #tpu.memory_space<vmem>>, vector<1x16xf32>,
        %get3A_624 = vector.shape_cast %get3A_623 : vector<1x16xf32> to vector<16xf32>
        %add3A_625 = arith.addf %scan3A_474, %get3A_624 : vector<16xf32>
        %eq3A_626 = arith.cmpi eq, %scan3A_459, %gather3A_66 : vector<16xi32>
        %select_n3A_627 = arith.select %eq3A_626, %get3A_624, %broadcast_in_dim3A_3 : vector<16xi1>, vector<16xf32>
        %add3A_628 = arith.addf %add3A_617, %select_n3A_627 : vector<16xf32>
        %mul3A_629 = arith.constant 16 : i32
        %mul3A_630 = arith.muli %scan3A_458, %mul3A_629 : i32
        %get3A_631 = arith.constant 14 : i32
        %get3A_632 = arith.index_cast %get3A_631 : i32 to index
        %get3A_633 = arith.index_cast %mul3A_630 : i32 to index
        %get3A_634 = tpu.vector_load %arg6[%get3A_632, %get3A_633] {strides = array<i32>} : memref<16x2048xf32, #tpu.memory_space<vmem>>, vector<1x16xf32>,
        %get3A_635 = vector.shape_cast %get3A_634 : vector<1x16xf32> to vector<16xf32>
        %add3A_636 = arith.addf %scan3A_475, %get3A_635 : vector<16xf32>
        %eq3A_637 = arith.cmpi eq, %scan3A_459, %gather3A_70 : vector<16xi32>
        %select_n3A_638 = arith.select %eq3A_637, %get3A_635, %broadcast_in_dim3A_3 : vector<16xi1>, vector<16xf32>
        %add3A_639 = arith.addf %add3A_628, %select_n3A_638 : vector<16xf32>
        %mul3A_640 = arith.constant 16 : i32
        %mul3A_641 = arith.muli %scan3A_458, %mul3A_640 : i32
        %get3A_642 = arith.constant 15 : i32
        %get3A_643 = arith.index_cast %get3A_642 : i32 to index
        %get3A_644 = arith.index_cast %mul3A_641 : i32 to index
        %get3A_645 = tpu.vector_load %arg6[%get3A_643, %get3A_644] {strides = array<i32>} : memref<16x2048xf32, #tpu.memory_space<vmem>>, vector<1x16xf32>,
        %get3A_646 = vector.shape_cast %get3A_645 : vector<1x16xf32> to vector<16xf32>
        %add3A_647 = arith.addf %scan3A_476, %get3A_646 : vector<16xf32>
        %eq3A_648 = arith.cmpi eq, %scan3A_459, %gather3A_74 : vector<16xi32>
        %select_n3A_649 = arith.select %eq3A_648, %get3A_646, %broadcast_in_dim3A_3 : vector<16xi1>, vector<16xf32>
        %add3A_650 = arith.addf %add3A_639, %select_n3A_649 : vector<16xf32>
        %add3A_651 = arith.constant 16 : i32
        %add3A_652 = vector.broadcast %add3A_651 : i32 to vector<16xi32>
        %add3A_653 = arith.addi %scan3A_459, %add3A_652 : vector<16xi32>
        scf.yield %add3A_653, %add3A_650, %add3A_484, %add3A_493, %add3A_504, %add3A_515, %add3A_526, %add3A_537, %add3A_548, %add3A_559, %add3A_570, %add3A_581, %add3A_592, %add3A_603, %add3A_614, %add3A_625, %add3A_636, %add3A_647 : vector<16xi32>, vector<16xf32>, vector<16xf32>, vector<16xf32>, vector<16xf32>, vector<16xf32>, vector<16xf32>, vector<16xf32>, vector<16xf32>, vector<16xf32>, vector<16xf32>, vector<16xf32>, vector<16xf32>, vector<16xf32>, vector<16xf32>, vector<16xf32>, vector<16xf32>, vector<16xf32>
      }
      %scan3A_335 = arith.constant 128 : i32
      %convert_element_type3A_336 = arith.sitofp %gather3A_14 : vector<16xi32> to vector<16xf32>
      %abs3A_337 = math.absf %convert_element_type3A_336 : vector<16xf32>
      %min3A_338 = arith.constant 1.000000e+00 : f32
      %min3A_339 = vector.broadcast %min3A_338 : f32 to vector<16xf32>
      %min3A_340 = arith.minimumf %abs3A_337, %min3A_339 : vector<16xf32>
      %mul3A_341 = arith.mulf %scan3A_334#2, %min3A_340 : vector<16xf32>
      %add3A_342 = arith.addf %add3A_310, %mul3A_341 : vector<16xf32>
      %convert_element_type3A_343 = arith.sitofp %gather3A_18 : vector<16xi32> to vector<16xf32>
      %abs3A_344 = math.absf %convert_element_type3A_343 : vector<16xf32>
      %min3A_345 = arith.constant 1.000000e+00 : f32
      %min3A_346 = vector.broadcast %min3A_345 : f32 to vector<16xf32>
      %min3A_347 = arith.minimumf %abs3A_344, %min3A_346 : vector<16xf32>
      %mul3A_348 = arith.mulf %scan3A_334#3, %min3A_347 : vector<16xf32>
      %add3A_349 = arith.addf %add3A_342, %mul3A_348 : vector<16xf32>
      %convert_element_type3A_350 = arith.sitofp %gather3A_22 : vector<16xi32> to vector<16xf32>
      %abs3A_351 = math.absf %convert_element_type3A_350 : vector<16xf32>
      %min3A_352 = arith.constant 1.000000e+00 : f32
      %min3A_353 = vector.broadcast %min3A_352 : f32 to vector<16xf32>
      %min3A_354 = arith.minimumf %abs3A_351, %min3A_353 : vector<16xf32>
      %mul3A_355 = arith.mulf %scan3A_334#4, %min3A_354 : vector<16xf32>
      %add3A_356 = arith.addf %add3A_349, %mul3A_355 : vector<16xf32>
      %convert_element_type3A_357 = arith.sitofp %gather3A_26 : vector<16xi32> to vector<16xf32>
      %abs3A_358 = math.absf %convert_element_type3A_357 : vector<16xf32>
      %min3A_359 = arith.constant 1.000000e+00 : f32
      %min3A_360 = vector.broadcast %min3A_359 : f32 to vector<16xf32>
      %min3A_361 = arith.minimumf %abs3A_358, %min3A_360 : vector<16xf32>
      %mul3A_362 = arith.mulf %scan3A_334#5, %min3A_361 : vector<16xf32>
      %add3A_363 = arith.addf %add3A_356, %mul3A_362 : vector<16xf32>
      %convert_element_type3A_364 = arith.sitofp %gather3A_30 : vector<16xi32> to vector<16xf32>
      %abs3A_365 = math.absf %convert_element_type3A_364 : vector<16xf32>
      %min3A_366 = arith.constant 1.000000e+00 : f32
      %min3A_367 = vector.broadcast %min3A_366 : f32 to vector<16xf32>
      %min3A_368 = arith.minimumf %abs3A_365, %min3A_367 : vector<16xf32>
      %mul3A_369 = arith.mulf %scan3A_334#6, %min3A_368 : vector<16xf32>
      %add3A_370 = arith.addf %add3A_363, %mul3A_369 : vector<16xf32>
      %convert_element_type3A_371 = arith.sitofp %gather3A_34 : vector<16xi32> to vector<16xf32>
      %abs3A_372 = math.absf %convert_element_type3A_371 : vector<16xf32>
      %min3A_373 = arith.constant 1.000000e+00 : f32
      %min3A_374 = vector.broadcast %min3A_373 : f32 to vector<16xf32>
      %min3A_375 = arith.minimumf %abs3A_372, %min3A_374 : vector<16xf32>
      %mul3A_376 = arith.mulf %scan3A_334#7, %min3A_375 : vector<16xf32>
      %add3A_377 = arith.addf %add3A_370, %mul3A_376 : vector<16xf32>
      %convert_element_type3A_378 = arith.sitofp %gather3A_38 : vector<16xi32> to vector<16xf32>
      %abs3A_379 = math.absf %convert_element_type3A_378 : vector<16xf32>
      %min3A_380 = arith.constant 1.000000e+00 : f32
      %min3A_381 = vector.broadcast %min3A_380 : f32 to vector<16xf32>
      %min3A_382 = arith.minimumf %abs3A_379, %min3A_381 : vector<16xf32>
      %mul3A_383 = arith.mulf %scan3A_334#8, %min3A_382 : vector<16xf32>
      %add3A_384 = arith.addf %add3A_377, %mul3A_383 : vector<16xf32>
      %convert_element_type3A_385 = arith.sitofp %gather3A_42 : vector<16xi32> to vector<16xf32>
      %abs3A_386 = math.absf %convert_element_type3A_385 : vector<16xf32>
      %min3A_387 = arith.constant 1.000000e+00 : f32
      %min3A_388 = vector.broadcast %min3A_387 : f32 to vector<16xf32>
      %min3A_389 = arith.minimumf %abs3A_386, %min3A_388 : vector<16xf32>
      %mul3A_390 = arith.mulf %scan3A_334#9, %min3A_389 : vector<16xf32>
      %add3A_391 = arith.addf %add3A_384, %mul3A_390 : vector<16xf32>
      %convert_element_type3A_392 = arith.sitofp %gather3A_46 : vector<16xi32> to vector<16xf32>
      %abs3A_393 = math.absf %convert_element_type3A_392 : vector<16xf32>
      %min3A_394 = arith.constant 1.000000e+00 : f32
      %min3A_395 = vector.broadcast %min3A_394 : f32 to vector<16xf32>
      %min3A_396 = arith.minimumf %abs3A_393, %min3A_395 : vector<16xf32>
      %mul3A_397 = arith.mulf %scan3A_334#10, %min3A_396 : vector<16xf32>
      %add3A_398 = arith.addf %add3A_391, %mul3A_397 : vector<16xf32>
      %convert_element_type3A_399 = arith.sitofp %gather3A_50 : vector<16xi32> to vector<16xf32>
      %abs3A_400 = math.absf %convert_element_type3A_399 : vector<16xf32>
      %min3A_401 = arith.constant 1.000000e+00 : f32
      %min3A_402 = vector.broadcast %min3A_401 : f32 to vector<16xf32>
      %min3A_403 = arith.minimumf %abs3A_400, %min3A_402 : vector<16xf32>
      %mul3A_404 = arith.mulf %scan3A_334#11, %min3A_403 : vector<16xf32>
      %add3A_405 = arith.addf %add3A_398, %mul3A_404 : vector<16xf32>
      %convert_element_type3A_406 = arith.sitofp %gather3A_54 : vector<16xi32> to vector<16xf32>
      %abs3A_407 = math.absf %convert_element_type3A_406 : vector<16xf32>
      %min3A_408 = arith.constant 1.000000e+00 : f32
      %min3A_409 = vector.broadcast %min3A_408 : f32 to vector<16xf32>
      %min3A_410 = arith.minimumf %abs3A_407, %min3A_409 : vector<16xf32>
      %mul3A_411 = arith.mulf %scan3A_334#12, %min3A_410 : vector<16xf32>
      %add3A_412 = arith.addf %add3A_405, %mul3A_411 : vector<16xf32>
      %convert_element_type3A_413 = arith.sitofp %gather3A_58 : vector<16xi32> to vector<16xf32>
      %abs3A_414 = math.absf %convert_element_type3A_413 : vector<16xf32>
      %min3A_415 = arith.constant 1.000000e+00 : f32
      %min3A_416 = vector.broadcast %min3A_415 : f32 to vector<16xf32>
      %min3A_417 = arith.minimumf %abs3A_414, %min3A_416 : vector<16xf32>
      %mul3A_418 = arith.mulf %scan3A_334#13, %min3A_417 : vector<16xf32>
      %add3A_419 = arith.addf %add3A_412, %mul3A_418 : vector<16xf32>
      %convert_element_type3A_420 = arith.sitofp %gather3A_62 : vector<16xi32> to vector<16xf32>
      %abs3A_421 = math.absf %convert_element_type3A_420 : vector<16xf32>
      %min3A_422 = arith.constant 1.000000e+00 : f32
      %min3A_423 = vector.broadcast %min3A_422 : f32 to vector<16xf32>
      %min3A_424 = arith.minimumf %abs3A_421, %min3A_423 : vector<16xf32>
      %mul3A_425 = arith.mulf %scan3A_334#14, %min3A_424 : vector<16xf32>
      %add3A_426 = arith.addf %add3A_419, %mul3A_425 : vector<16xf32>
      %convert_element_type3A_427 = arith.sitofp %gather3A_66 : vector<16xi32> to vector<16xf32>
      %abs3A_428 = math.absf %convert_element_type3A_427 : vector<16xf32>
      %min3A_429 = arith.constant 1.000000e+00 : f32
      %min3A_430 = vector.broadcast %min3A_429 : f32 to vector<16xf32>
      %min3A_431 = arith.minimumf %abs3A_428, %min3A_430 : vector<16xf32>
      %mul3A_432 = arith.mulf %scan3A_334#15, %min3A_431 : vector<16xf32>
      %add3A_433 = arith.addf %add3A_426, %mul3A_432 : vector<16xf32>
      %convert_element_type3A_434 = arith.sitofp %gather3A_70 : vector<16xi32> to vector<16xf32>
      %abs3A_435 = math.absf %convert_element_type3A_434 : vector<16xf32>
      %min3A_436 = arith.constant 1.000000e+00 : f32
      %min3A_437 = vector.broadcast %min3A_436 : f32 to vector<16xf32>
      %min3A_438 = arith.minimumf %abs3A_435, %min3A_437 : vector<16xf32>
      %mul3A_439 = arith.mulf %scan3A_334#16, %min3A_438 : vector<16xf32>
      %add3A_440 = arith.addf %add3A_433, %mul3A_439 : vector<16xf32>
      %convert_element_type3A_441 = arith.sitofp %gather3A_74 : vector<16xi32> to vector<16xf32>
      %abs3A_442 = math.absf %convert_element_type3A_441 : vector<16xf32>
      %min3A_443 = arith.constant 1.000000e+00 : f32
      %min3A_444 = vector.broadcast %min3A_443 : f32 to vector<16xf32>
      %min3A_445 = arith.minimumf %abs3A_442, %min3A_444 : vector<16xf32>
      %mul3A_446 = arith.mulf %scan3A_334#17, %min3A_445 : vector<16xf32>
      %add3A_447 = arith.addf %add3A_440, %mul3A_446 : vector<16xf32>
      %add3A_448 = arith.constant 2 : i32
      %add3A_449 = arith.addi %add3A_322, %add3A_448 : i32
      %lt3A_450 = arith.constant 8 : i32
      %lt3A_451 = arith.cmpi slt, %add3A_449, %lt3A_450 : i32
      %convert_element_type3A_452 = arith.extui %lt3A_451 : i1 to i32
      %cond3A_453 = arith.constant 0 : i32
      %cond3A_454 = arith.cmpi ne, %convert_element_type3A_452, %cond3A_453 : i32
      scf.if %cond3A_454 {
        %add3A_458 = arith.constant 2 : i32
        %add3A_459 = arith.addi %add3A_322, %add3A_458 : i32
        %mul3A_460 = arith.constant 2048 : i32
        %mul3A_461 = arith.muli %add3A_459, %mul3A_460 : i32
        %add3A_462 = arith.constant 83584 : i32
        %add3A_463 = arith.addi %add3A_462, %mul3A_461 : i32
        %dma_start3A_464 = tpu.memref_slice %arg2[%add3A_9, %add3A_463] : memref<1024x100000xf32, #tpu.memory_space<hbm>> -> memref<16x2048xf32, #tpu.memory_space<hbm>>
        %dma_start3A_465 = tpu.memref_slice %arg2[%add3A_9, %add3A_463] : memref<1024x100000xf32, #tpu.memory_space<hbm>> -> memref<16x2048xf32, #tpu.memory_space<hbm>>
        tpu.enqueue_dma source(%dma_start3A_465 : memref<16x2048xf32, #tpu.memory_space<hbm>>) target(%arg6 : memref<16x2048xf32, #tpu.memory_space<vmem>>) target_semaphore(%arg12 : memref<!tpu.dma_semaphore, #tpu.memory_space<semaphore_mem>>)
      } else {
      }
      %add3A_455 = arith.constant 2048 : i32
      %add3A_456 = vector.broadcast %add3A_455 : i32 to vector<16xi32>
      %add3A_457 = arith.addi %add3A_318, %add3A_456 : vector<16xi32>
      scf.yield %add3A_447, %scan3A_334#1, %add3A_457 : vector<16xf32>, vector<16xf32>, vector<16xi32>
    }
    %scan3A_88 = arith.constant 4 : i32
    %mul3A_89 = arith.mulf %broadcast_in_dim3A_5, %scan3A_87#0 : vector<16xf32>
    %sub3A = arith.subf %broadcast_in_dim3A_3, %mul3A_89 : vector<16xf32>
    %mul3A_90 = arith.mulf %broadcast_in_dim3A_7, %scan3A_87#1 : vector<16xf32>
    %sub3A_91 = arith.subf %sub3A, %mul3A_90 : vector<16xf32>
    %add3A_92 = arith.constant 16 : i32
    %add3A_93 = arith.addi %mul3A_2, %add3A_92 : i32
    %get3A_94 = arith.constant 16 : index
    %get3A_95 = tpu.vector_load %arg7[%get3A_94] {strides = array<i32>} : memref<32xi32, #tpu.memory_space<vmem>>, vector<16xi32>,
    %get3A_96 = vector.shape_cast %get3A_95 : vector<16xi32> to vector<16xi32>
    %broadcast_in_dim3A_97 = arith.constant 0 : i32
    %broadcast_in_dim3A_98 = vector.broadcast %broadcast_in_dim3A_97 : i32 to vector<16x1xi32>
    %gather3A_99 = vector.shape_cast %broadcast_in_dim3A_98 : vector<16x1xi32> to vector<16xi32>
    %gather3A_100 = tpu.dynamic_gather %get3A_96[%gather3A_99] in [0] : vector<16xi32>, vector<16xi32> -> vector<16xi32>
    %broadcast_in_dim3A_101 = arith.constant 1 : i32
    %broadcast_in_dim3A_102 = vector.broadcast %broadcast_in_dim3A_101 : i32 to vector<16x1xi32>
    %gather3A_103 = vector.shape_cast %broadcast_in_dim3A_102 : vector<16x1xi32> to vector<16xi32>
    %gather3A_104 = tpu.dynamic_gather %get3A_96[%gather3A_103] in [0] : vector<16xi32>, vector<16xi32> -> vector<16xi32>
    %broadcast_in_dim3A_105 = arith.constant 2 : i32
    %broadcast_in_dim3A_106 = vector.broadcast %broadcast_in_dim3A_105 : i32 to vector<16x1xi32>
    %gather3A_107 = vector.shape_cast %broadcast_in_dim3A_106 : vector<16x1xi32> to vector<16xi32>
    %gather3A_108 = tpu.dynamic_gather %get3A_96[%gather3A_107] in [0] : vector<16xi32>, vector<16xi32> -> vector<16xi32>
    %broadcast_in_dim3A_109 = arith.constant 3 : i32
    %broadcast_in_dim3A_110 = vector.broadcast %broadcast_in_dim3A_109 : i32 to vector<16x1xi32>
    %gather3A_111 = vector.shape_cast %broadcast_in_dim3A_110 : vector<16x1xi32> to vector<16xi32>
    %gather3A_112 = tpu.dynamic_gather %get3A_96[%gather3A_111] in [0] : vector<16xi32>, vector<16xi32> -> vector<16xi32>
    %broadcast_in_dim3A_113 = arith.constant 4 : i32
    %broadcast_in_dim3A_114 = vector.broadcast %broadcast_in_dim3A_113 : i32 to vector<16x1xi32>
    %gather3A_115 = vector.shape_cast %broadcast_in_dim3A_114 : vector<16x1xi32> to vector<16xi32>
    %gather3A_116 = tpu.dynamic_gather %get3A_96[%gather3A_115] in [0] : vector<16xi32>, vector<16xi32> -> vector<16xi32>
    %broadcast_in_dim3A_117 = arith.constant 5 : i32
    %broadcast_in_dim3A_118 = vector.broadcast %broadcast_in_dim3A_117 : i32 to vector<16x1xi32>
    %gather3A_119 = vector.shape_cast %broadcast_in_dim3A_118 : vector<16x1xi32> to vector<16xi32>
    %gather3A_120 = tpu.dynamic_gather %get3A_96[%gather3A_119] in [0] : vector<16xi32>, vector<16xi32> -> vector<16xi32>
    %broadcast_in_dim3A_121 = arith.constant 6 : i32
    %broadcast_in_dim3A_122 = vector.broadcast %broadcast_in_dim3A_121 : i32 to vector<16x1xi32>
    %gather3A_123 = vector.shape_cast %broadcast_in_dim3A_122 : vector<16x1xi32> to vector<16xi32>
    %gather3A_124 = tpu.dynamic_gather %get3A_96[%gather3A_123] in [0] : vector<16xi32>, vector<16xi32> -> vector<16xi32>
    %broadcast_in_dim3A_125 = arith.constant 7 : i32
    %broadcast_in_dim3A_126 = vector.broadcast %broadcast_in_dim3A_125 : i32 to vector<16x1xi32>
    %gather3A_127 = vector.shape_cast %broadcast_in_dim3A_126 : vector<16x1xi32> to vector<16xi32>
    %gather3A_128 = tpu.dynamic_gather %get3A_96[%gather3A_127] in [0] : vector<16xi32>, vector<16xi32> -> vector<16xi32>
    %broadcast_in_dim3A_129 = arith.constant 8 : i32
    %broadcast_in_dim3A_130 = vector.broadcast %broadcast_in_dim3A_129 : i32 to vector<16x1xi32>
    %gather3A_131 = vector.shape_cast %broadcast_in_dim3A_130 : vector<16x1xi32> to vector<16xi32>
    %gather3A_132 = tpu.dynamic_gather %get3A_96[%gather3A_131] in [0] : vector<16xi32>, vector<16xi32> -> vector<16xi32>
    %broadcast_in_dim3A_133 = arith.constant 9 : i32
    %broadcast_in_dim3A_134 = vector.broadcast %broadcast_in_dim3A_133 : i32 to vector<16x1xi32>
    %gather3A_135 = vector.shape_cast %broadcast_in_dim3A_134 : vector<16x1xi32> to vector<16xi32>
    %gather3A_136 = tpu.dynamic_gather %get3A_96[%gather3A_135] in [0] : vector<16xi32>, vector<16xi32> -> vector<16xi32>
    %broadcast_in_dim3A_137 = arith.constant 10 : i32
    %broadcast_in_dim3A_138 = vector.broadcast %broadcast_in_dim3A_137 : i32 to vector<16x1xi32>
    %gather3A_139 = vector.shape_cast %broadcast_in_dim3A_138 : vector<16x1xi32> to vector<16xi32>
    %gather3A_140 = tpu.dynamic_gather %get3A_96[%gather3A_139] in [0] : vector<16xi32>, vector<16xi32> -> vector<16xi32>
    %broadcast_in_dim3A_141 = arith.constant 11 : i32
    %broadcast_in_dim3A_142 = vector.broadcast %broadcast_in_dim3A_141 : i32 to vector<16x1xi32>
    %gather3A_143 = vector.shape_cast %broadcast_in_dim3A_142 : vector<16x1xi32> to vector<16xi32>
    %gather3A_144 = tpu.dynamic_gather %get3A_96[%gather3A_143] in [0] : vector<16xi32>, vector<16xi32> -> vector<16xi32>
    %broadcast_in_dim3A_145 = arith.constant 12 : i32
    %broadcast_in_dim3A_146 = vector.broadcast %broadcast_in_dim3A_145 : i32 to vector<16x1xi32>
    %gather3A_147 = vector.shape_cast %broadcast_in_dim3A_146 : vector<16x1xi32> to vector<16xi32>
    %gather3A_148 = tpu.dynamic_gather %get3A_96[%gather3A_147] in [0] : vector<16xi32>, vector<16xi32> -> vector<16xi32>
    %broadcast_in_dim3A_149 = arith.constant 13 : i32
    %broadcast_in_dim3A_150 = vector.broadcast %broadcast_in_dim3A_149 : i32 to vector<16x1xi32>
    %gather3A_151 = vector.shape_cast %broadcast_in_dim3A_150 : vector<16x1xi32> to vector<16xi32>
    %gather3A_152 = tpu.dynamic_gather %get3A_96[%gather3A_151] in [0] : vector<16xi32>, vector<16xi32> -> vector<16xi32>
    %broadcast_in_dim3A_153 = arith.constant 14 : i32
    %broadcast_in_dim3A_154 = vector.broadcast %broadcast_in_dim3A_153 : i32 to vector<16x1xi32>
    %gather3A_155 = vector.shape_cast %broadcast_in_dim3A_154 : vector<16x1xi32> to vector<16xi32>
    %gather3A_156 = tpu.dynamic_gather %get3A_96[%gather3A_155] in [0] : vector<16xi32>, vector<16xi32> -> vector<16xi32>
    %broadcast_in_dim3A_157 = arith.constant 15 : i32
    %broadcast_in_dim3A_158 = vector.broadcast %broadcast_in_dim3A_157 : i32 to vector<16x1xi32>
    %gather3A_159 = vector.shape_cast %broadcast_in_dim3A_158 : vector<16x1xi32> to vector<16xi32>
    %gather3A_160 = tpu.dynamic_gather %get3A_96[%gather3A_159] in [0] : vector<16xi32>, vector<16xi32> -> vector<16xi32>
    %dma_start3A_161 = arith.constant 83584 : i32
    %dma_start3A_162 = tpu.memref_slice %arg2[%add3A_93, %dma_start3A_161] : memref<1024x100000xf32, #tpu.memory_space<hbm>> -> memref<16x2048xf32, #tpu.memory_space<hbm>>
    %dma_start3A_163 = arith.constant 83584 : i32
    %dma_start3A_164 = tpu.memref_slice %arg2[%add3A_93, %dma_start3A_163] : memref<1024x100000xf32, #tpu.memory_space<hbm>> -> memref<16x2048xf32, #tpu.memory_space<hbm>>
    tpu.enqueue_dma source(%dma_start3A_164 : memref<16x2048xf32, #tpu.memory_space<hbm>>) target(%arg5 : memref<16x2048xf32, #tpu.memory_space<vmem>>) target_semaphore(%arg11 : memref<!tpu.dma_semaphore, #tpu.memory_space<semaphore_mem>>)
    %dma_start3A_165 = arith.constant 85632 : i32
    %dma_start3A_166 = tpu.memref_slice %arg2[%add3A_93, %dma_start3A_165] : memref<1024x100000xf32, #tpu.memory_space<hbm>> -> memref<16x2048xf32, #tpu.memory_space<hbm>>
    %dma_start3A_167 = arith.constant 85632 : i32
    %dma_start3A_168 = tpu.memref_slice %arg2[%add3A_93, %dma_start3A_167] : memref<1024x100000xf32, #tpu.memory_space<hbm>> -> memref<16x2048xf32, #tpu.memory_space<hbm>>
    tpu.enqueue_dma source(%dma_start3A_168 : memref<16x2048xf32, #tpu.memory_space<hbm>>) target(%arg6 : memref<16x2048xf32, #tpu.memory_space<vmem>>) target_semaphore(%arg12 : memref<!tpu.dma_semaphore, #tpu.memory_space<semaphore_mem>>)
    %broadcast_in_dim3A_169 = arith.constant 83584 : i32
    %broadcast_in_dim3A_170 = vector.broadcast %broadcast_in_dim3A_169 : i32 to vector<16xi32>
    %scan3A_171 = arith.constant 0 : i32
    %scan3A_172 = arith.constant 4 : i32
    %scan3A_173 = arith.addi %scan3A_171, %scan3A_172 : i32
    %scan3A_174 = arith.constant 1 : i32
    %scan3A_175:3 = scf.for %scan3A_184 = %scan3A_171 to %scan3A_173 step %scan3A_174 iter_args(%scan3A_185 = %broadcast_in_dim3A_3, %scan3A_186 = %broadcast_in_dim3A_3, %scan3A_187 = %broadcast_in_dim3A_170) -> (vector<16xf32>, vector<16xf32>, vector<16xi32>)  : i32 {
      %mul3A_188 = arith.constant 2 : i32
      %mul3A_189 = arith.muli %mul3A_188, %scan3A_184 : i32
      %mul3A_190 = arith.constant 2048 : i32
      %mul3A_191 = arith.muli %mul3A_189, %mul3A_190 : i32
      %add3A_192 = arith.constant 83584 : i32
      %add3A_193 = arith.addi %add3A_192, %mul3A_191 : i32
      %dma_wait3A = tpu.memref_slice %arg2[%add3A_93, %add3A_193] : memref<1024x100000xf32, #tpu.memory_space<hbm>> -> memref<16x2048xf32, #tpu.memory_space<hbm>>
      %dma_wait3A_194 = tpu.memref_slice %arg2[%add3A_93, %add3A_193] : memref<1024x100000xf32, #tpu.memory_space<hbm>> -> memref<16x2048xf32, #tpu.memory_space<hbm>>
      tpu.wait_dma2 semaphore(%arg11 : memref<!tpu.dma_semaphore, #tpu.memory_space<semaphore_mem>>) src(%dma_wait3A_194 : memref<16x2048xf32, #tpu.memory_space<hbm>>) dst(%arg5 : memref<16x2048xf32, #tpu.memory_space<vmem>>)
      %add3A_195 = arith.addi %scan3A_187, %iota3A : vector<16xi32>
      %scan3A_196 = arith.constant 0 : i32
      %scan3A_197 = arith.constant 128 : i32
      %scan3A_198 = arith.addi %scan3A_196, %scan3A_197 : i32
      %scan3A_199 = arith.constant 1 : i32
      %scan3A_200:18 = scf.for %scan3A_458 = %scan3A_196 to %scan3A_198 step %scan3A_199 iter_args(%scan3A_459 = %add3A_195, %scan3A_460 = %scan3A_186, %scan3A_461 = %broadcast_in_dim3A_3, %scan3A_462 = %broadcast_in_dim3A_3, %scan3A_463 = %broadcast_in_dim3A_3, %scan3A_464 = %broadcast_in_dim3A_3, %scan3A_465 = %broadcast_in_dim3A_3, %scan3A_466 = %broadcast_in_dim3A_3, %scan3A_467 = %broadcast_in_dim3A_3, %scan3A_468 = %broadcast_in_dim3A_3, %scan3A_469 = %broadcast_in_dim3A_3, %scan3A_470 = %broadcast_in_dim3A_3, %scan3A_471 = %broadcast_in_dim3A_3, %scan3A_472 = %broadcast_in_dim3A_3, %scan3A_473 = %broadcast_in_dim3A_3, %scan3A_474 = %broadcast_in_dim3A_3, %scan3A_475 = %broadcast_in_dim3A_3, %scan3A_476 = %broadcast_in_dim3A_3) -> (vector<16xi32>, vector<16xf32>, vector<16xf32>, vector<16xf32>, vector<16xf32>, vector<16xf32>, vector<16xf32>, vector<16xf32>, vector<16xf32>, vector<16xf32>, vector<16xf32>, vector<16xf32>, vector<16xf32>, vector<16xf32>, vector<16xf32>, vector<16xf32>, vector<16xf32>, vector<16xf32>)  : i32 {
        %mul3A_477 = arith.constant 16 : i32
        %mul3A_478 = arith.muli %scan3A_458, %mul3A_477 : i32
        %get3A_479 = arith.constant 0 : i32
        %get3A_480 = arith.index_cast %get3A_479 : i32 to index
        %get3A_481 = arith.index_cast %mul3A_478 : i32 to index
        %get3A_482 = tpu.vector_load %arg5[%get3A_480, %get3A_481] {strides = array<i32>} : memref<16x2048xf32, #tpu.memory_space<vmem>>, vector<1x16xf32>,
        %get3A_483 = vector.shape_cast %get3A_482 : vector<1x16xf32> to vector<16xf32>
        %add3A_484 = arith.addf %scan3A_461, %get3A_483 : vector<16xf32>
        %eq3A = arith.cmpi eq, %scan3A_459, %gather3A_100 : vector<16xi32>
        %select_n3A = arith.select %eq3A, %get3A_483, %broadcast_in_dim3A_3 : vector<16xi1>, vector<16xf32>
        %add3A_485 = arith.addf %scan3A_460, %select_n3A : vector<16xf32>
        %mul3A_486 = arith.constant 16 : i32
        %mul3A_487 = arith.muli %scan3A_458, %mul3A_486 : i32
        %get3A_488 = arith.constant 1 : i32
        %get3A_489 = arith.index_cast %get3A_488 : i32 to index
        %get3A_490 = arith.index_cast %mul3A_487 : i32 to index
        %get3A_491 = tpu.vector_load %arg5[%get3A_489, %get3A_490] {strides = array<i32>} : memref<16x2048xf32, #tpu.memory_space<vmem>>, vector<1x16xf32>,
        %get3A_492 = vector.shape_cast %get3A_491 : vector<1x16xf32> to vector<16xf32>
        %add3A_493 = arith.addf %scan3A_462, %get3A_492 : vector<16xf32>
        %eq3A_494 = arith.cmpi eq, %scan3A_459, %gather3A_104 : vector<16xi32>
        %select_n3A_495 = arith.select %eq3A_494, %get3A_492, %broadcast_in_dim3A_3 : vector<16xi1>, vector<16xf32>
        %add3A_496 = arith.addf %add3A_485, %select_n3A_495 : vector<16xf32>
        %mul3A_497 = arith.constant 16 : i32
        %mul3A_498 = arith.muli %scan3A_458, %mul3A_497 : i32
        %get3A_499 = arith.constant 2 : i32
        %get3A_500 = arith.index_cast %get3A_499 : i32 to index
        %get3A_501 = arith.index_cast %mul3A_498 : i32 to index
        %get3A_502 = tpu.vector_load %arg5[%get3A_500, %get3A_501] {strides = array<i32>} : memref<16x2048xf32, #tpu.memory_space<vmem>>, vector<1x16xf32>,
        %get3A_503 = vector.shape_cast %get3A_502 : vector<1x16xf32> to vector<16xf32>
        %add3A_504 = arith.addf %scan3A_463, %get3A_503 : vector<16xf32>
        %eq3A_505 = arith.cmpi eq, %scan3A_459, %gather3A_108 : vector<16xi32>
        %select_n3A_506 = arith.select %eq3A_505, %get3A_503, %broadcast_in_dim3A_3 : vector<16xi1>, vector<16xf32>
        %add3A_507 = arith.addf %add3A_496, %select_n3A_506 : vector<16xf32>
        %mul3A_508 = arith.constant 16 : i32
        %mul3A_509 = arith.muli %scan3A_458, %mul3A_508 : i32
        %get3A_510 = arith.constant 3 : i32
        %get3A_511 = arith.index_cast %get3A_510 : i32 to index
        %get3A_512 = arith.index_cast %mul3A_509 : i32 to index
        %get3A_513 = tpu.vector_load %arg5[%get3A_511, %get3A_512] {strides = array<i32>} : memref<16x2048xf32, #tpu.memory_space<vmem>>, vector<1x16xf32>,
        %get3A_514 = vector.shape_cast %get3A_513 : vector<1x16xf32> to vector<16xf32>
        %add3A_515 = arith.addf %scan3A_464, %get3A_514 : vector<16xf32>
        %eq3A_516 = arith.cmpi eq, %scan3A_459, %gather3A_112 : vector<16xi32>
        %select_n3A_517 = arith.select %eq3A_516, %get3A_514, %broadcast_in_dim3A_3 : vector<16xi1>, vector<16xf32>
        %add3A_518 = arith.addf %add3A_507, %select_n3A_517 : vector<16xf32>
        %mul3A_519 = arith.constant 16 : i32
        %mul3A_520 = arith.muli %scan3A_458, %mul3A_519 : i32
        %get3A_521 = arith.constant 4 : i32
        %get3A_522 = arith.index_cast %get3A_521 : i32 to index
        %get3A_523 = arith.index_cast %mul3A_520 : i32 to index
        %get3A_524 = tpu.vector_load %arg5[%get3A_522, %get3A_523] {strides = array<i32>} : memref<16x2048xf32, #tpu.memory_space<vmem>>, vector<1x16xf32>,
        %get3A_525 = vector.shape_cast %get3A_524 : vector<1x16xf32> to vector<16xf32>
        %add3A_526 = arith.addf %scan3A_465, %get3A_525 : vector<16xf32>
        %eq3A_527 = arith.cmpi eq, %scan3A_459, %gather3A_116 : vector<16xi32>
        %select_n3A_528 = arith.select %eq3A_527, %get3A_525, %broadcast_in_dim3A_3 : vector<16xi1>, vector<16xf32>
        %add3A_529 = arith.addf %add3A_518, %select_n3A_528 : vector<16xf32>
        %mul3A_530 = arith.constant 16 : i32
        %mul3A_531 = arith.muli %scan3A_458, %mul3A_530 : i32
        %get3A_532 = arith.constant 5 : i32
        %get3A_533 = arith.index_cast %get3A_532 : i32 to index
        %get3A_534 = arith.index_cast %mul3A_531 : i32 to index
        %get3A_535 = tpu.vector_load %arg5[%get3A_533, %get3A_534] {strides = array<i32>} : memref<16x2048xf32, #tpu.memory_space<vmem>>, vector<1x16xf32>,
        %get3A_536 = vector.shape_cast %get3A_535 : vector<1x16xf32> to vector<16xf32>
        %add3A_537 = arith.addf %scan3A_466, %get3A_536 : vector<16xf32>
        %eq3A_538 = arith.cmpi eq, %scan3A_459, %gather3A_120 : vector<16xi32>
        %select_n3A_539 = arith.select %eq3A_538, %get3A_536, %broadcast_in_dim3A_3 : vector<16xi1>, vector<16xf32>
        %add3A_540 = arith.addf %add3A_529, %select_n3A_539 : vector<16xf32>
        %mul3A_541 = arith.constant 16 : i32
        %mul3A_542 = arith.muli %scan3A_458, %mul3A_541 : i32
        %get3A_543 = arith.constant 6 : i32
        %get3A_544 = arith.index_cast %get3A_543 : i32 to index
        %get3A_545 = arith.index_cast %mul3A_542 : i32 to index
        %get3A_546 = tpu.vector_load %arg5[%get3A_544, %get3A_545] {strides = array<i32>} : memref<16x2048xf32, #tpu.memory_space<vmem>>, vector<1x16xf32>,
        %get3A_547 = vector.shape_cast %get3A_546 : vector<1x16xf32> to vector<16xf32>
        %add3A_548 = arith.addf %scan3A_467, %get3A_547 : vector<16xf32>
        %eq3A_549 = arith.cmpi eq, %scan3A_459, %gather3A_124 : vector<16xi32>
        %select_n3A_550 = arith.select %eq3A_549, %get3A_547, %broadcast_in_dim3A_3 : vector<16xi1>, vector<16xf32>
        %add3A_551 = arith.addf %add3A_540, %select_n3A_550 : vector<16xf32>
        %mul3A_552 = arith.constant 16 : i32
        %mul3A_553 = arith.muli %scan3A_458, %mul3A_552 : i32
        %get3A_554 = arith.constant 7 : i32
        %get3A_555 = arith.index_cast %get3A_554 : i32 to index
        %get3A_556 = arith.index_cast %mul3A_553 : i32 to index
        %get3A_557 = tpu.vector_load %arg5[%get3A_555, %get3A_556] {strides = array<i32>} : memref<16x2048xf32, #tpu.memory_space<vmem>>, vector<1x16xf32>,
        %get3A_558 = vector.shape_cast %get3A_557 : vector<1x16xf32> to vector<16xf32>
        %add3A_559 = arith.addf %scan3A_468, %get3A_558 : vector<16xf32>
        %eq3A_560 = arith.cmpi eq, %scan3A_459, %gather3A_128 : vector<16xi32>
        %select_n3A_561 = arith.select %eq3A_560, %get3A_558, %broadcast_in_dim3A_3 : vector<16xi1>, vector<16xf32>
        %add3A_562 = arith.addf %add3A_551, %select_n3A_561 : vector<16xf32>
        %mul3A_563 = arith.constant 16 : i32
        %mul3A_564 = arith.muli %scan3A_458, %mul3A_563 : i32
        %get3A_565 = arith.constant 8 : i32
        %get3A_566 = arith.index_cast %get3A_565 : i32 to index
        %get3A_567 = arith.index_cast %mul3A_564 : i32 to index
        %get3A_568 = tpu.vector_load %arg5[%get3A_566, %get3A_567] {strides = array<i32>} : memref<16x2048xf32, #tpu.memory_space<vmem>>, vector<1x16xf32>,
        %get3A_569 = vector.shape_cast %get3A_568 : vector<1x16xf32> to vector<16xf32>
        %add3A_570 = arith.addf %scan3A_469, %get3A_569 : vector<16xf32>
        %eq3A_571 = arith.cmpi eq, %scan3A_459, %gather3A_132 : vector<16xi32>
        %select_n3A_572 = arith.select %eq3A_571, %get3A_569, %broadcast_in_dim3A_3 : vector<16xi1>, vector<16xf32>
        %add3A_573 = arith.addf %add3A_562, %select_n3A_572 : vector<16xf32>
        %mul3A_574 = arith.constant 16 : i32
        %mul3A_575 = arith.muli %scan3A_458, %mul3A_574 : i32
        %get3A_576 = arith.constant 9 : i32
        %get3A_577 = arith.index_cast %get3A_576 : i32 to index
        %get3A_578 = arith.index_cast %mul3A_575 : i32 to index
        %get3A_579 = tpu.vector_load %arg5[%get3A_577, %get3A_578] {strides = array<i32>} : memref<16x2048xf32, #tpu.memory_space<vmem>>, vector<1x16xf32>,
        %get3A_580 = vector.shape_cast %get3A_579 : vector<1x16xf32> to vector<16xf32>
        %add3A_581 = arith.addf %scan3A_470, %get3A_580 : vector<16xf32>
        %eq3A_582 = arith.cmpi eq, %scan3A_459, %gather3A_136 : vector<16xi32>
        %select_n3A_583 = arith.select %eq3A_582, %get3A_580, %broadcast_in_dim3A_3 : vector<16xi1>, vector<16xf32>
        %add3A_584 = arith.addf %add3A_573, %select_n3A_583 : vector<16xf32>
        %mul3A_585 = arith.constant 16 : i32
        %mul3A_586 = arith.muli %scan3A_458, %mul3A_585 : i32
        %get3A_587 = arith.constant 10 : i32
        %get3A_588 = arith.index_cast %get3A_587 : i32 to index
        %get3A_589 = arith.index_cast %mul3A_586 : i32 to index
        %get3A_590 = tpu.vector_load %arg5[%get3A_588, %get3A_589] {strides = array<i32>} : memref<16x2048xf32, #tpu.memory_space<vmem>>, vector<1x16xf32>,
        %get3A_591 = vector.shape_cast %get3A_590 : vector<1x16xf32> to vector<16xf32>
        %add3A_592 = arith.addf %scan3A_471, %get3A_591 : vector<16xf32>
        %eq3A_593 = arith.cmpi eq, %scan3A_459, %gather3A_140 : vector<16xi32>
        %select_n3A_594 = arith.select %eq3A_593, %get3A_591, %broadcast_in_dim3A_3 : vector<16xi1>, vector<16xf32>
        %add3A_595 = arith.addf %add3A_584, %select_n3A_594 : vector<16xf32>
        %mul3A_596 = arith.constant 16 : i32
        %mul3A_597 = arith.muli %scan3A_458, %mul3A_596 : i32
        %get3A_598 = arith.constant 11 : i32
        %get3A_599 = arith.index_cast %get3A_598 : i32 to index
        %get3A_600 = arith.index_cast %mul3A_597 : i32 to index
        %get3A_601 = tpu.vector_load %arg5[%get3A_599, %get3A_600] {strides = array<i32>} : memref<16x2048xf32, #tpu.memory_space<vmem>>, vector<1x16xf32>,
        %get3A_602 = vector.shape_cast %get3A_601 : vector<1x16xf32> to vector<16xf32>
        %add3A_603 = arith.addf %scan3A_472, %get3A_602 : vector<16xf32>
        %eq3A_604 = arith.cmpi eq, %scan3A_459, %gather3A_144 : vector<16xi32>
        %select_n3A_605 = arith.select %eq3A_604, %get3A_602, %broadcast_in_dim3A_3 : vector<16xi1>, vector<16xf32>
        %add3A_606 = arith.addf %add3A_595, %select_n3A_605 : vector<16xf32>
        %mul3A_607 = arith.constant 16 : i32
        %mul3A_608 = arith.muli %scan3A_458, %mul3A_607 : i32
        %get3A_609 = arith.constant 12 : i32
        %get3A_610 = arith.index_cast %get3A_609 : i32 to index
        %get3A_611 = arith.index_cast %mul3A_608 : i32 to index
        %get3A_612 = tpu.vector_load %arg5[%get3A_610, %get3A_611] {strides = array<i32>} : memref<16x2048xf32, #tpu.memory_space<vmem>>, vector<1x16xf32>,
        %get3A_613 = vector.shape_cast %get3A_612 : vector<1x16xf32> to vector<16xf32>
        %add3A_614 = arith.addf %scan3A_473, %get3A_613 : vector<16xf32>
        %eq3A_615 = arith.cmpi eq, %scan3A_459, %gather3A_148 : vector<16xi32>
        %select_n3A_616 = arith.select %eq3A_615, %get3A_613, %broadcast_in_dim3A_3 : vector<16xi1>, vector<16xf32>
        %add3A_617 = arith.addf %add3A_606, %select_n3A_616 : vector<16xf32>
        %mul3A_618 = arith.constant 16 : i32
        %mul3A_619 = arith.muli %scan3A_458, %mul3A_618 : i32
        %get3A_620 = arith.constant 13 : i32
        %get3A_621 = arith.index_cast %get3A_620 : i32 to index
        %get3A_622 = arith.index_cast %mul3A_619 : i32 to index
        %get3A_623 = tpu.vector_load %arg5[%get3A_621, %get3A_622] {strides = array<i32>} : memref<16x2048xf32, #tpu.memory_space<vmem>>, vector<1x16xf32>,
        %get3A_624 = vector.shape_cast %get3A_623 : vector<1x16xf32> to vector<16xf32>
        %add3A_625 = arith.addf %scan3A_474, %get3A_624 : vector<16xf32>
        %eq3A_626 = arith.cmpi eq, %scan3A_459, %gather3A_152 : vector<16xi32>
        %select_n3A_627 = arith.select %eq3A_626, %get3A_624, %broadcast_in_dim3A_3 : vector<16xi1>, vector<16xf32>
        %add3A_628 = arith.addf %add3A_617, %select_n3A_627 : vector<16xf32>
        %mul3A_629 = arith.constant 16 : i32
        %mul3A_630 = arith.muli %scan3A_458, %mul3A_629 : i32
        %get3A_631 = arith.constant 14 : i32
        %get3A_632 = arith.index_cast %get3A_631 : i32 to index
        %get3A_633 = arith.index_cast %mul3A_630 : i32 to index
        %get3A_634 = tpu.vector_load %arg5[%get3A_632, %get3A_633] {strides = array<i32>} : memref<16x2048xf32, #tpu.memory_space<vmem>>, vector<1x16xf32>,
        %get3A_635 = vector.shape_cast %get3A_634 : vector<1x16xf32> to vector<16xf32>
        %add3A_636 = arith.addf %scan3A_475, %get3A_635 : vector<16xf32>
        %eq3A_637 = arith.cmpi eq, %scan3A_459, %gather3A_156 : vector<16xi32>
        %select_n3A_638 = arith.select %eq3A_637, %get3A_635, %broadcast_in_dim3A_3 : vector<16xi1>, vector<16xf32>
        %add3A_639 = arith.addf %add3A_628, %select_n3A_638 : vector<16xf32>
        %mul3A_640 = arith.constant 16 : i32
        %mul3A_641 = arith.muli %scan3A_458, %mul3A_640 : i32
        %get3A_642 = arith.constant 15 : i32
        %get3A_643 = arith.index_cast %get3A_642 : i32 to index
        %get3A_644 = arith.index_cast %mul3A_641 : i32 to index
        %get3A_645 = tpu.vector_load %arg5[%get3A_643, %get3A_644] {strides = array<i32>} : memref<16x2048xf32, #tpu.memory_space<vmem>>, vector<1x16xf32>,
        %get3A_646 = vector.shape_cast %get3A_645 : vector<1x16xf32> to vector<16xf32>
        %add3A_647 = arith.addf %scan3A_476, %get3A_646 : vector<16xf32>
        %eq3A_648 = arith.cmpi eq, %scan3A_459, %gather3A_160 : vector<16xi32>
        %select_n3A_649 = arith.select %eq3A_648, %get3A_646, %broadcast_in_dim3A_3 : vector<16xi1>, vector<16xf32>
        %add3A_650 = arith.addf %add3A_639, %select_n3A_649 : vector<16xf32>
        %add3A_651 = arith.constant 16 : i32
        %add3A_652 = vector.broadcast %add3A_651 : i32 to vector<16xi32>
        %add3A_653 = arith.addi %scan3A_459, %add3A_652 : vector<16xi32>
        scf.yield %add3A_653, %add3A_650, %add3A_484, %add3A_493, %add3A_504, %add3A_515, %add3A_526, %add3A_537, %add3A_548, %add3A_559, %add3A_570, %add3A_581, %add3A_592, %add3A_603, %add3A_614, %add3A_625, %add3A_636, %add3A_647 : vector<16xi32>, vector<16xf32>, vector<16xf32>, vector<16xf32>, vector<16xf32>, vector<16xf32>, vector<16xf32>, vector<16xf32>, vector<16xf32>, vector<16xf32>, vector<16xf32>, vector<16xf32>, vector<16xf32>, vector<16xf32>, vector<16xf32>, vector<16xf32>, vector<16xf32>, vector<16xf32>
      }
      %scan3A_201 = arith.constant 128 : i32
      %convert_element_type3A = arith.sitofp %gather3A_100 : vector<16xi32> to vector<16xf32>
      %abs3A = math.absf %convert_element_type3A : vector<16xf32>
      %min3A = arith.constant 1.000000e+00 : f32
      %min3A_202 = vector.broadcast %min3A : f32 to vector<16xf32>
      %min3A_203 = arith.minimumf %abs3A, %min3A_202 : vector<16xf32>
      %mul3A_204 = arith.mulf %scan3A_200#2, %min3A_203 : vector<16xf32>
      %add3A_205 = arith.addf %scan3A_185, %mul3A_204 : vector<16xf32>
      %convert_element_type3A_206 = arith.sitofp %gather3A_104 : vector<16xi32> to vector<16xf32>
      %abs3A_207 = math.absf %convert_element_type3A_206 : vector<16xf32>
      %min3A_208 = arith.constant 1.000000e+00 : f32
      %min3A_209 = vector.broadcast %min3A_208 : f32 to vector<16xf32>
      %min3A_210 = arith.minimumf %abs3A_207, %min3A_209 : vector<16xf32>
      %mul3A_211 = arith.mulf %scan3A_200#3, %min3A_210 : vector<16xf32>
      %add3A_212 = arith.addf %add3A_205, %mul3A_211 : vector<16xf32>
      %convert_element_type3A_213 = arith.sitofp %gather3A_108 : vector<16xi32> to vector<16xf32>
      %abs3A_214 = math.absf %convert_element_type3A_213 : vector<16xf32>
      %min3A_215 = arith.constant 1.000000e+00 : f32
      %min3A_216 = vector.broadcast %min3A_215 : f32 to vector<16xf32>
      %min3A_217 = arith.minimumf %abs3A_214, %min3A_216 : vector<16xf32>
      %mul3A_218 = arith.mulf %scan3A_200#4, %min3A_217 : vector<16xf32>
      %add3A_219 = arith.addf %add3A_212, %mul3A_218 : vector<16xf32>
      %convert_element_type3A_220 = arith.sitofp %gather3A_112 : vector<16xi32> to vector<16xf32>
      %abs3A_221 = math.absf %convert_element_type3A_220 : vector<16xf32>
      %min3A_222 = arith.constant 1.000000e+00 : f32
      %min3A_223 = vector.broadcast %min3A_222 : f32 to vector<16xf32>
      %min3A_224 = arith.minimumf %abs3A_221, %min3A_223 : vector<16xf32>
      %mul3A_225 = arith.mulf %scan3A_200#5, %min3A_224 : vector<16xf32>
      %add3A_226 = arith.addf %add3A_219, %mul3A_225 : vector<16xf32>
      %convert_element_type3A_227 = arith.sitofp %gather3A_116 : vector<16xi32> to vector<16xf32>
      %abs3A_228 = math.absf %convert_element_type3A_227 : vector<16xf32>
      %min3A_229 = arith.constant 1.000000e+00 : f32
      %min3A_230 = vector.broadcast %min3A_229 : f32 to vector<16xf32>
      %min3A_231 = arith.minimumf %abs3A_228, %min3A_230 : vector<16xf32>
      %mul3A_232 = arith.mulf %scan3A_200#6, %min3A_231 : vector<16xf32>
      %add3A_233 = arith.addf %add3A_226, %mul3A_232 : vector<16xf32>
      %convert_element_type3A_234 = arith.sitofp %gather3A_120 : vector<16xi32> to vector<16xf32>
      %abs3A_235 = math.absf %convert_element_type3A_234 : vector<16xf32>
      %min3A_236 = arith.constant 1.000000e+00 : f32
      %min3A_237 = vector.broadcast %min3A_236 : f32 to vector<16xf32>
      %min3A_238 = arith.minimumf %abs3A_235, %min3A_237 : vector<16xf32>
      %mul3A_239 = arith.mulf %scan3A_200#7, %min3A_238 : vector<16xf32>
      %add3A_240 = arith.addf %add3A_233, %mul3A_239 : vector<16xf32>
      %convert_element_type3A_241 = arith.sitofp %gather3A_124 : vector<16xi32> to vector<16xf32>
      %abs3A_242 = math.absf %convert_element_type3A_241 : vector<16xf32>
      %min3A_243 = arith.constant 1.000000e+00 : f32
      %min3A_244 = vector.broadcast %min3A_243 : f32 to vector<16xf32>
      %min3A_245 = arith.minimumf %abs3A_242, %min3A_244 : vector<16xf32>
      %mul3A_246 = arith.mulf %scan3A_200#8, %min3A_245 : vector<16xf32>
      %add3A_247 = arith.addf %add3A_240, %mul3A_246 : vector<16xf32>
      %convert_element_type3A_248 = arith.sitofp %gather3A_128 : vector<16xi32> to vector<16xf32>
      %abs3A_249 = math.absf %convert_element_type3A_248 : vector<16xf32>
      %min3A_250 = arith.constant 1.000000e+00 : f32
      %min3A_251 = vector.broadcast %min3A_250 : f32 to vector<16xf32>
      %min3A_252 = arith.minimumf %abs3A_249, %min3A_251 : vector<16xf32>
      %mul3A_253 = arith.mulf %scan3A_200#9, %min3A_252 : vector<16xf32>
      %add3A_254 = arith.addf %add3A_247, %mul3A_253 : vector<16xf32>
      %convert_element_type3A_255 = arith.sitofp %gather3A_132 : vector<16xi32> to vector<16xf32>
      %abs3A_256 = math.absf %convert_element_type3A_255 : vector<16xf32>
      %min3A_257 = arith.constant 1.000000e+00 : f32
      %min3A_258 = vector.broadcast %min3A_257 : f32 to vector<16xf32>
      %min3A_259 = arith.minimumf %abs3A_256, %min3A_258 : vector<16xf32>
      %mul3A_260 = arith.mulf %scan3A_200#10, %min3A_259 : vector<16xf32>
      %add3A_261 = arith.addf %add3A_254, %mul3A_260 : vector<16xf32>
      %convert_element_type3A_262 = arith.sitofp %gather3A_136 : vector<16xi32> to vector<16xf32>
      %abs3A_263 = math.absf %convert_element_type3A_262 : vector<16xf32>
      %min3A_264 = arith.constant 1.000000e+00 : f32
      %min3A_265 = vector.broadcast %min3A_264 : f32 to vector<16xf32>
      %min3A_266 = arith.minimumf %abs3A_263, %min3A_265 : vector<16xf32>
      %mul3A_267 = arith.mulf %scan3A_200#11, %min3A_266 : vector<16xf32>
      %add3A_268 = arith.addf %add3A_261, %mul3A_267 : vector<16xf32>
      %convert_element_type3A_269 = arith.sitofp %gather3A_140 : vector<16xi32> to vector<16xf32>
      %abs3A_270 = math.absf %convert_element_type3A_269 : vector<16xf32>
      %min3A_271 = arith.constant 1.000000e+00 : f32
      %min3A_272 = vector.broadcast %min3A_271 : f32 to vector<16xf32>
      %min3A_273 = arith.minimumf %abs3A_270, %min3A_272 : vector<16xf32>
      %mul3A_274 = arith.mulf %scan3A_200#12, %min3A_273 : vector<16xf32>
      %add3A_275 = arith.addf %add3A_268, %mul3A_274 : vector<16xf32>
      %convert_element_type3A_276 = arith.sitofp %gather3A_144 : vector<16xi32> to vector<16xf32>
      %abs3A_277 = math.absf %convert_element_type3A_276 : vector<16xf32>
      %min3A_278 = arith.constant 1.000000e+00 : f32
      %min3A_279 = vector.broadcast %min3A_278 : f32 to vector<16xf32>
      %min3A_280 = arith.minimumf %abs3A_277, %min3A_279 : vector<16xf32>
      %mul3A_281 = arith.mulf %scan3A_200#13, %min3A_280 : vector<16xf32>
      %add3A_282 = arith.addf %add3A_275, %mul3A_281 : vector<16xf32>
      %convert_element_type3A_283 = arith.sitofp %gather3A_148 : vector<16xi32> to vector<16xf32>
      %abs3A_284 = math.absf %convert_element_type3A_283 : vector<16xf32>
      %min3A_285 = arith.constant 1.000000e+00 : f32
      %min3A_286 = vector.broadcast %min3A_285 : f32 to vector<16xf32>
      %min3A_287 = arith.minimumf %abs3A_284, %min3A_286 : vector<16xf32>
      %mul3A_288 = arith.mulf %scan3A_200#14, %min3A_287 : vector<16xf32>
      %add3A_289 = arith.addf %add3A_282, %mul3A_288 : vector<16xf32>
      %convert_element_type3A_290 = arith.sitofp %gather3A_152 : vector<16xi32> to vector<16xf32>
      %abs3A_291 = math.absf %convert_element_type3A_290 : vector<16xf32>
      %min3A_292 = arith.constant 1.000000e+00 : f32
      %min3A_293 = vector.broadcast %min3A_292 : f32 to vector<16xf32>
      %min3A_294 = arith.minimumf %abs3A_291, %min3A_293 : vector<16xf32>
      %mul3A_295 = arith.mulf %scan3A_200#15, %min3A_294 : vector<16xf32>
      %add3A_296 = arith.addf %add3A_289, %mul3A_295 : vector<16xf32>
      %convert_element_type3A_297 = arith.sitofp %gather3A_156 : vector<16xi32> to vector<16xf32>
      %abs3A_298 = math.absf %convert_element_type3A_297 : vector<16xf32>
      %min3A_299 = arith.constant 1.000000e+00 : f32
      %min3A_300 = vector.broadcast %min3A_299 : f32 to vector<16xf32>
      %min3A_301 = arith.minimumf %abs3A_298, %min3A_300 : vector<16xf32>
      %mul3A_302 = arith.mulf %scan3A_200#16, %min3A_301 : vector<16xf32>
      %add3A_303 = arith.addf %add3A_296, %mul3A_302 : vector<16xf32>
      %convert_element_type3A_304 = arith.sitofp %gather3A_160 : vector<16xi32> to vector<16xf32>
      %abs3A_305 = math.absf %convert_element_type3A_304 : vector<16xf32>
      %min3A_306 = arith.constant 1.000000e+00 : f32
      %min3A_307 = vector.broadcast %min3A_306 : f32 to vector<16xf32>
      %min3A_308 = arith.minimumf %abs3A_305, %min3A_307 : vector<16xf32>
      %mul3A_309 = arith.mulf %scan3A_200#17, %min3A_308 : vector<16xf32>
      %add3A_310 = arith.addf %add3A_303, %mul3A_309 : vector<16xf32>
      %add3A_311 = arith.constant 2 : i32
      %add3A_312 = arith.addi %mul3A_189, %add3A_311 : i32
      %lt3A = arith.constant 8 : i32
      %lt3A_313 = arith.cmpi slt, %add3A_312, %lt3A : i32
      %convert_element_type3A_314 = arith.extui %lt3A_313 : i1 to i32
      %cond3A = arith.constant 0 : i32
      %cond3A_315 = arith.cmpi ne, %convert_element_type3A_314, %cond3A : i32
      scf.if %cond3A_315 {
        %add3A_458 = arith.constant 2 : i32
        %add3A_459 = arith.addi %mul3A_189, %add3A_458 : i32
        %mul3A_460 = arith.constant 2048 : i32
        %mul3A_461 = arith.muli %add3A_459, %mul3A_460 : i32
        %add3A_462 = arith.constant 83584 : i32
        %add3A_463 = arith.addi %add3A_462, %mul3A_461 : i32
        %dma_start3A_464 = tpu.memref_slice %arg2[%add3A_93, %add3A_463] : memref<1024x100000xf32, #tpu.memory_space<hbm>> -> memref<16x2048xf32, #tpu.memory_space<hbm>>
        %dma_start3A_465 = tpu.memref_slice %arg2[%add3A_93, %add3A_463] : memref<1024x100000xf32, #tpu.memory_space<hbm>> -> memref<16x2048xf32, #tpu.memory_space<hbm>>
        tpu.enqueue_dma source(%dma_start3A_465 : memref<16x2048xf32, #tpu.memory_space<hbm>>) target(%arg5 : memref<16x2048xf32, #tpu.memory_space<vmem>>) target_semaphore(%arg11 : memref<!tpu.dma_semaphore, #tpu.memory_space<semaphore_mem>>)
      } else {
      }
      %add3A_316 = arith.constant 2048 : i32
      %add3A_317 = vector.broadcast %add3A_316 : i32 to vector<16xi32>
      %add3A_318 = arith.addi %scan3A_187, %add3A_317 : vector<16xi32>
      %mul3A_319 = arith.constant 2 : i32
      %mul3A_320 = arith.muli %mul3A_319, %scan3A_184 : i32
      %add3A_321 = arith.constant 1 : i32
      %add3A_322 = arith.addi %mul3A_320, %add3A_321 : i32
      %mul3A_323 = arith.constant 2048 : i32
      %mul3A_324 = arith.muli %add3A_322, %mul3A_323 : i32
      %add3A_325 = arith.constant 83584 : i32
      %add3A_326 = arith.addi %add3A_325, %mul3A_324 : i32
      %dma_wait3A_327 = tpu.memref_slice %arg2[%add3A_93, %add3A_326] : memref<1024x100000xf32, #tpu.memory_space<hbm>> -> memref<16x2048xf32, #tpu.memory_space<hbm>>
      %dma_wait3A_328 = tpu.memref_slice %arg2[%add3A_93, %add3A_326] : memref<1024x100000xf32, #tpu.memory_space<hbm>> -> memref<16x2048xf32, #tpu.memory_space<hbm>>
      tpu.wait_dma2 semaphore(%arg12 : memref<!tpu.dma_semaphore, #tpu.memory_space<semaphore_mem>>) src(%dma_wait3A_328 : memref<16x2048xf32, #tpu.memory_space<hbm>>) dst(%arg6 : memref<16x2048xf32, #tpu.memory_space<vmem>>)
      %add3A_329 = arith.addi %add3A_318, %iota3A : vector<16xi32>
      %scan3A_330 = arith.constant 0 : i32
      %scan3A_331 = arith.constant 128 : i32
      %scan3A_332 = arith.addi %scan3A_330, %scan3A_331 : i32
      %scan3A_333 = arith.constant 1 : i32
      %scan3A_334:18 = scf.for %scan3A_458 = %scan3A_330 to %scan3A_332 step %scan3A_333 iter_args(%scan3A_459 = %add3A_329, %scan3A_460 = %scan3A_200#1, %scan3A_461 = %broadcast_in_dim3A_3, %scan3A_462 = %broadcast_in_dim3A_3, %scan3A_463 = %broadcast_in_dim3A_3, %scan3A_464 = %broadcast_in_dim3A_3, %scan3A_465 = %broadcast_in_dim3A_3, %scan3A_466 = %broadcast_in_dim3A_3, %scan3A_467 = %broadcast_in_dim3A_3, %scan3A_468 = %broadcast_in_dim3A_3, %scan3A_469 = %broadcast_in_dim3A_3, %scan3A_470 = %broadcast_in_dim3A_3, %scan3A_471 = %broadcast_in_dim3A_3, %scan3A_472 = %broadcast_in_dim3A_3, %scan3A_473 = %broadcast_in_dim3A_3, %scan3A_474 = %broadcast_in_dim3A_3, %scan3A_475 = %broadcast_in_dim3A_3, %scan3A_476 = %broadcast_in_dim3A_3) -> (vector<16xi32>, vector<16xf32>, vector<16xf32>, vector<16xf32>, vector<16xf32>, vector<16xf32>, vector<16xf32>, vector<16xf32>, vector<16xf32>, vector<16xf32>, vector<16xf32>, vector<16xf32>, vector<16xf32>, vector<16xf32>, vector<16xf32>, vector<16xf32>, vector<16xf32>, vector<16xf32>)  : i32 {
        %mul3A_477 = arith.constant 16 : i32
        %mul3A_478 = arith.muli %scan3A_458, %mul3A_477 : i32
        %get3A_479 = arith.constant 0 : i32
        %get3A_480 = arith.index_cast %get3A_479 : i32 to index
        %get3A_481 = arith.index_cast %mul3A_478 : i32 to index
        %get3A_482 = tpu.vector_load %arg6[%get3A_480, %get3A_481] {strides = array<i32>} : memref<16x2048xf32, #tpu.memory_space<vmem>>, vector<1x16xf32>,
        %get3A_483 = vector.shape_cast %get3A_482 : vector<1x16xf32> to vector<16xf32>
        %add3A_484 = arith.addf %scan3A_461, %get3A_483 : vector<16xf32>
        %eq3A = arith.cmpi eq, %scan3A_459, %gather3A_100 : vector<16xi32>
        %select_n3A = arith.select %eq3A, %get3A_483, %broadcast_in_dim3A_3 : vector<16xi1>, vector<16xf32>
        %add3A_485 = arith.addf %scan3A_460, %select_n3A : vector<16xf32>
        %mul3A_486 = arith.constant 16 : i32
        %mul3A_487 = arith.muli %scan3A_458, %mul3A_486 : i32
        %get3A_488 = arith.constant 1 : i32
        %get3A_489 = arith.index_cast %get3A_488 : i32 to index
        %get3A_490 = arith.index_cast %mul3A_487 : i32 to index
        %get3A_491 = tpu.vector_load %arg6[%get3A_489, %get3A_490] {strides = array<i32>} : memref<16x2048xf32, #tpu.memory_space<vmem>>, vector<1x16xf32>,
        %get3A_492 = vector.shape_cast %get3A_491 : vector<1x16xf32> to vector<16xf32>
        %add3A_493 = arith.addf %scan3A_462, %get3A_492 : vector<16xf32>
        %eq3A_494 = arith.cmpi eq, %scan3A_459, %gather3A_104 : vector<16xi32>
        %select_n3A_495 = arith.select %eq3A_494, %get3A_492, %broadcast_in_dim3A_3 : vector<16xi1>, vector<16xf32>
        %add3A_496 = arith.addf %add3A_485, %select_n3A_495 : vector<16xf32>
        %mul3A_497 = arith.constant 16 : i32
        %mul3A_498 = arith.muli %scan3A_458, %mul3A_497 : i32
        %get3A_499 = arith.constant 2 : i32
        %get3A_500 = arith.index_cast %get3A_499 : i32 to index
        %get3A_501 = arith.index_cast %mul3A_498 : i32 to index
        %get3A_502 = tpu.vector_load %arg6[%get3A_500, %get3A_501] {strides = array<i32>} : memref<16x2048xf32, #tpu.memory_space<vmem>>, vector<1x16xf32>,
        %get3A_503 = vector.shape_cast %get3A_502 : vector<1x16xf32> to vector<16xf32>
        %add3A_504 = arith.addf %scan3A_463, %get3A_503 : vector<16xf32>
        %eq3A_505 = arith.cmpi eq, %scan3A_459, %gather3A_108 : vector<16xi32>
        %select_n3A_506 = arith.select %eq3A_505, %get3A_503, %broadcast_in_dim3A_3 : vector<16xi1>, vector<16xf32>
        %add3A_507 = arith.addf %add3A_496, %select_n3A_506 : vector<16xf32>
        %mul3A_508 = arith.constant 16 : i32
        %mul3A_509 = arith.muli %scan3A_458, %mul3A_508 : i32
        %get3A_510 = arith.constant 3 : i32
        %get3A_511 = arith.index_cast %get3A_510 : i32 to index
        %get3A_512 = arith.index_cast %mul3A_509 : i32 to index
        %get3A_513 = tpu.vector_load %arg6[%get3A_511, %get3A_512] {strides = array<i32>} : memref<16x2048xf32, #tpu.memory_space<vmem>>, vector<1x16xf32>,
        %get3A_514 = vector.shape_cast %get3A_513 : vector<1x16xf32> to vector<16xf32>
        %add3A_515 = arith.addf %scan3A_464, %get3A_514 : vector<16xf32>
        %eq3A_516 = arith.cmpi eq, %scan3A_459, %gather3A_112 : vector<16xi32>
        %select_n3A_517 = arith.select %eq3A_516, %get3A_514, %broadcast_in_dim3A_3 : vector<16xi1>, vector<16xf32>
        %add3A_518 = arith.addf %add3A_507, %select_n3A_517 : vector<16xf32>
        %mul3A_519 = arith.constant 16 : i32
        %mul3A_520 = arith.muli %scan3A_458, %mul3A_519 : i32
        %get3A_521 = arith.constant 4 : i32
        %get3A_522 = arith.index_cast %get3A_521 : i32 to index
        %get3A_523 = arith.index_cast %mul3A_520 : i32 to index
        %get3A_524 = tpu.vector_load %arg6[%get3A_522, %get3A_523] {strides = array<i32>} : memref<16x2048xf32, #tpu.memory_space<vmem>>, vector<1x16xf32>,
        %get3A_525 = vector.shape_cast %get3A_524 : vector<1x16xf32> to vector<16xf32>
        %add3A_526 = arith.addf %scan3A_465, %get3A_525 : vector<16xf32>
        %eq3A_527 = arith.cmpi eq, %scan3A_459, %gather3A_116 : vector<16xi32>
        %select_n3A_528 = arith.select %eq3A_527, %get3A_525, %broadcast_in_dim3A_3 : vector<16xi1>, vector<16xf32>
        %add3A_529 = arith.addf %add3A_518, %select_n3A_528 : vector<16xf32>
        %mul3A_530 = arith.constant 16 : i32
        %mul3A_531 = arith.muli %scan3A_458, %mul3A_530 : i32
        %get3A_532 = arith.constant 5 : i32
        %get3A_533 = arith.index_cast %get3A_532 : i32 to index
        %get3A_534 = arith.index_cast %mul3A_531 : i32 to index
        %get3A_535 = tpu.vector_load %arg6[%get3A_533, %get3A_534] {strides = array<i32>} : memref<16x2048xf32, #tpu.memory_space<vmem>>, vector<1x16xf32>,
        %get3A_536 = vector.shape_cast %get3A_535 : vector<1x16xf32> to vector<16xf32>
        %add3A_537 = arith.addf %scan3A_466, %get3A_536 : vector<16xf32>
        %eq3A_538 = arith.cmpi eq, %scan3A_459, %gather3A_120 : vector<16xi32>
        %select_n3A_539 = arith.select %eq3A_538, %get3A_536, %broadcast_in_dim3A_3 : vector<16xi1>, vector<16xf32>
        %add3A_540 = arith.addf %add3A_529, %select_n3A_539 : vector<16xf32>
        %mul3A_541 = arith.constant 16 : i32
        %mul3A_542 = arith.muli %scan3A_458, %mul3A_541 : i32
        %get3A_543 = arith.constant 6 : i32
        %get3A_544 = arith.index_cast %get3A_543 : i32 to index
        %get3A_545 = arith.index_cast %mul3A_542 : i32 to index
        %get3A_546 = tpu.vector_load %arg6[%get3A_544, %get3A_545] {strides = array<i32>} : memref<16x2048xf32, #tpu.memory_space<vmem>>, vector<1x16xf32>,
        %get3A_547 = vector.shape_cast %get3A_546 : vector<1x16xf32> to vector<16xf32>
        %add3A_548 = arith.addf %scan3A_467, %get3A_547 : vector<16xf32>
        %eq3A_549 = arith.cmpi eq, %scan3A_459, %gather3A_124 : vector<16xi32>
        %select_n3A_550 = arith.select %eq3A_549, %get3A_547, %broadcast_in_dim3A_3 : vector<16xi1>, vector<16xf32>
        %add3A_551 = arith.addf %add3A_540, %select_n3A_550 : vector<16xf32>
        %mul3A_552 = arith.constant 16 : i32
        %mul3A_553 = arith.muli %scan3A_458, %mul3A_552 : i32
        %get3A_554 = arith.constant 7 : i32
        %get3A_555 = arith.index_cast %get3A_554 : i32 to index
        %get3A_556 = arith.index_cast %mul3A_553 : i32 to index
        %get3A_557 = tpu.vector_load %arg6[%get3A_555, %get3A_556] {strides = array<i32>} : memref<16x2048xf32, #tpu.memory_space<vmem>>, vector<1x16xf32>,
        %get3A_558 = vector.shape_cast %get3A_557 : vector<1x16xf32> to vector<16xf32>
        %add3A_559 = arith.addf %scan3A_468, %get3A_558 : vector<16xf32>
        %eq3A_560 = arith.cmpi eq, %scan3A_459, %gather3A_128 : vector<16xi32>
        %select_n3A_561 = arith.select %eq3A_560, %get3A_558, %broadcast_in_dim3A_3 : vector<16xi1>, vector<16xf32>
        %add3A_562 = arith.addf %add3A_551, %select_n3A_561 : vector<16xf32>
        %mul3A_563 = arith.constant 16 : i32
        %mul3A_564 = arith.muli %scan3A_458, %mul3A_563 : i32
        %get3A_565 = arith.constant 8 : i32
        %get3A_566 = arith.index_cast %get3A_565 : i32 to index
        %get3A_567 = arith.index_cast %mul3A_564 : i32 to index
        %get3A_568 = tpu.vector_load %arg6[%get3A_566, %get3A_567] {strides = array<i32>} : memref<16x2048xf32, #tpu.memory_space<vmem>>, vector<1x16xf32>,
        %get3A_569 = vector.shape_cast %get3A_568 : vector<1x16xf32> to vector<16xf32>
        %add3A_570 = arith.addf %scan3A_469, %get3A_569 : vector<16xf32>
        %eq3A_571 = arith.cmpi eq, %scan3A_459, %gather3A_132 : vector<16xi32>
        %select_n3A_572 = arith.select %eq3A_571, %get3A_569, %broadcast_in_dim3A_3 : vector<16xi1>, vector<16xf32>
        %add3A_573 = arith.addf %add3A_562, %select_n3A_572 : vector<16xf32>
        %mul3A_574 = arith.constant 16 : i32
        %mul3A_575 = arith.muli %scan3A_458, %mul3A_574 : i32
        %get3A_576 = arith.constant 9 : i32
        %get3A_577 = arith.index_cast %get3A_576 : i32 to index
        %get3A_578 = arith.index_cast %mul3A_575 : i32 to index
        %get3A_579 = tpu.vector_load %arg6[%get3A_577, %get3A_578] {strides = array<i32>} : memref<16x2048xf32, #tpu.memory_space<vmem>>, vector<1x16xf32>,
        %get3A_580 = vector.shape_cast %get3A_579 : vector<1x16xf32> to vector<16xf32>
        %add3A_581 = arith.addf %scan3A_470, %get3A_580 : vector<16xf32>
        %eq3A_582 = arith.cmpi eq, %scan3A_459, %gather3A_136 : vector<16xi32>
        %select_n3A_583 = arith.select %eq3A_582, %get3A_580, %broadcast_in_dim3A_3 : vector<16xi1>, vector<16xf32>
        %add3A_584 = arith.addf %add3A_573, %select_n3A_583 : vector<16xf32>
        %mul3A_585 = arith.constant 16 : i32
        %mul3A_586 = arith.muli %scan3A_458, %mul3A_585 : i32
        %get3A_587 = arith.constant 10 : i32
        %get3A_588 = arith.index_cast %get3A_587 : i32 to index
        %get3A_589 = arith.index_cast %mul3A_586 : i32 to index
        %get3A_590 = tpu.vector_load %arg6[%get3A_588, %get3A_589] {strides = array<i32>} : memref<16x2048xf32, #tpu.memory_space<vmem>>, vector<1x16xf32>,
        %get3A_591 = vector.shape_cast %get3A_590 : vector<1x16xf32> to vector<16xf32>
        %add3A_592 = arith.addf %scan3A_471, %get3A_591 : vector<16xf32>
        %eq3A_593 = arith.cmpi eq, %scan3A_459, %gather3A_140 : vector<16xi32>
        %select_n3A_594 = arith.select %eq3A_593, %get3A_591, %broadcast_in_dim3A_3 : vector<16xi1>, vector<16xf32>
        %add3A_595 = arith.addf %add3A_584, %select_n3A_594 : vector<16xf32>
        %mul3A_596 = arith.constant 16 : i32
        %mul3A_597 = arith.muli %scan3A_458, %mul3A_596 : i32
        %get3A_598 = arith.constant 11 : i32
        %get3A_599 = arith.index_cast %get3A_598 : i32 to index
        %get3A_600 = arith.index_cast %mul3A_597 : i32 to index
        %get3A_601 = tpu.vector_load %arg6[%get3A_599, %get3A_600] {strides = array<i32>} : memref<16x2048xf32, #tpu.memory_space<vmem>>, vector<1x16xf32>,
        %get3A_602 = vector.shape_cast %get3A_601 : vector<1x16xf32> to vector<16xf32>
        %add3A_603 = arith.addf %scan3A_472, %get3A_602 : vector<16xf32>
        %eq3A_604 = arith.cmpi eq, %scan3A_459, %gather3A_144 : vector<16xi32>
        %select_n3A_605 = arith.select %eq3A_604, %get3A_602, %broadcast_in_dim3A_3 : vector<16xi1>, vector<16xf32>
        %add3A_606 = arith.addf %add3A_595, %select_n3A_605 : vector<16xf32>
        %mul3A_607 = arith.constant 16 : i32
        %mul3A_608 = arith.muli %scan3A_458, %mul3A_607 : i32
        %get3A_609 = arith.constant 12 : i32
        %get3A_610 = arith.index_cast %get3A_609 : i32 to index
        %get3A_611 = arith.index_cast %mul3A_608 : i32 to index
        %get3A_612 = tpu.vector_load %arg6[%get3A_610, %get3A_611] {strides = array<i32>} : memref<16x2048xf32, #tpu.memory_space<vmem>>, vector<1x16xf32>,
        %get3A_613 = vector.shape_cast %get3A_612 : vector<1x16xf32> to vector<16xf32>
        %add3A_614 = arith.addf %scan3A_473, %get3A_613 : vector<16xf32>
        %eq3A_615 = arith.cmpi eq, %scan3A_459, %gather3A_148 : vector<16xi32>
        %select_n3A_616 = arith.select %eq3A_615, %get3A_613, %broadcast_in_dim3A_3 : vector<16xi1>, vector<16xf32>
        %add3A_617 = arith.addf %add3A_606, %select_n3A_616 : vector<16xf32>
        %mul3A_618 = arith.constant 16 : i32
        %mul3A_619 = arith.muli %scan3A_458, %mul3A_618 : i32
        %get3A_620 = arith.constant 13 : i32
        %get3A_621 = arith.index_cast %get3A_620 : i32 to index
        %get3A_622 = arith.index_cast %mul3A_619 : i32 to index
        %get3A_623 = tpu.vector_load %arg6[%get3A_621, %get3A_622] {strides = array<i32>} : memref<16x2048xf32, #tpu.memory_space<vmem>>, vector<1x16xf32>,
        %get3A_624 = vector.shape_cast %get3A_623 : vector<1x16xf32> to vector<16xf32>
        %add3A_625 = arith.addf %scan3A_474, %get3A_624 : vector<16xf32>
        %eq3A_626 = arith.cmpi eq, %scan3A_459, %gather3A_152 : vector<16xi32>
        %select_n3A_627 = arith.select %eq3A_626, %get3A_624, %broadcast_in_dim3A_3 : vector<16xi1>, vector<16xf32>
        %add3A_628 = arith.addf %add3A_617, %select_n3A_627 : vector<16xf32>
        %mul3A_629 = arith.constant 16 : i32
        %mul3A_630 = arith.muli %scan3A_458, %mul3A_629 : i32
        %get3A_631 = arith.constant 14 : i32
        %get3A_632 = arith.index_cast %get3A_631 : i32 to index
        %get3A_633 = arith.index_cast %mul3A_630 : i32 to index
        %get3A_634 = tpu.vector_load %arg6[%get3A_632, %get3A_633] {strides = array<i32>} : memref<16x2048xf32, #tpu.memory_space<vmem>>, vector<1x16xf32>,
        %get3A_635 = vector.shape_cast %get3A_634 : vector<1x16xf32> to vector<16xf32>
        %add3A_636 = arith.addf %scan3A_475, %get3A_635 : vector<16xf32>
        %eq3A_637 = arith.cmpi eq, %scan3A_459, %gather3A_156 : vector<16xi32>
        %select_n3A_638 = arith.select %eq3A_637, %get3A_635, %broadcast_in_dim3A_3 : vector<16xi1>, vector<16xf32>
        %add3A_639 = arith.addf %add3A_628, %select_n3A_638 : vector<16xf32>
        %mul3A_640 = arith.constant 16 : i32
        %mul3A_641 = arith.muli %scan3A_458, %mul3A_640 : i32
        %get3A_642 = arith.constant 15 : i32
        %get3A_643 = arith.index_cast %get3A_642 : i32 to index
        %get3A_644 = arith.index_cast %mul3A_641 : i32 to index
        %get3A_645 = tpu.vector_load %arg6[%get3A_643, %get3A_644] {strides = array<i32>} : memref<16x2048xf32, #tpu.memory_space<vmem>>, vector<1x16xf32>,
        %get3A_646 = vector.shape_cast %get3A_645 : vector<1x16xf32> to vector<16xf32>
        %add3A_647 = arith.addf %scan3A_476, %get3A_646 : vector<16xf32>
        %eq3A_648 = arith.cmpi eq, %scan3A_459, %gather3A_160 : vector<16xi32>
        %select_n3A_649 = arith.select %eq3A_648, %get3A_646, %broadcast_in_dim3A_3 : vector<16xi1>, vector<16xf32>
        %add3A_650 = arith.addf %add3A_639, %select_n3A_649 : vector<16xf32>
        %add3A_651 = arith.constant 16 : i32
        %add3A_652 = vector.broadcast %add3A_651 : i32 to vector<16xi32>
        %add3A_653 = arith.addi %scan3A_459, %add3A_652 : vector<16xi32>
        scf.yield %add3A_653, %add3A_650, %add3A_484, %add3A_493, %add3A_504, %add3A_515, %add3A_526, %add3A_537, %add3A_548, %add3A_559, %add3A_570, %add3A_581, %add3A_592, %add3A_603, %add3A_614, %add3A_625, %add3A_636, %add3A_647 : vector<16xi32>, vector<16xf32>, vector<16xf32>, vector<16xf32>, vector<16xf32>, vector<16xf32>, vector<16xf32>, vector<16xf32>, vector<16xf32>, vector<16xf32>, vector<16xf32>, vector<16xf32>, vector<16xf32>, vector<16xf32>, vector<16xf32>, vector<16xf32>, vector<16xf32>, vector<16xf32>
      }
      %scan3A_335 = arith.constant 128 : i32
      %convert_element_type3A_336 = arith.sitofp %gather3A_100 : vector<16xi32> to vector<16xf32>
      %abs3A_337 = math.absf %convert_element_type3A_336 : vector<16xf32>
      %min3A_338 = arith.constant 1.000000e+00 : f32
      %min3A_339 = vector.broadcast %min3A_338 : f32 to vector<16xf32>
      %min3A_340 = arith.minimumf %abs3A_337, %min3A_339 : vector<16xf32>
      %mul3A_341 = arith.mulf %scan3A_334#2, %min3A_340 : vector<16xf32>
      %add3A_342 = arith.addf %add3A_310, %mul3A_341 : vector<16xf32>
      %convert_element_type3A_343 = arith.sitofp %gather3A_104 : vector<16xi32> to vector<16xf32>
      %abs3A_344 = math.absf %convert_element_type3A_343 : vector<16xf32>
      %min3A_345 = arith.constant 1.000000e+00 : f32
      %min3A_346 = vector.broadcast %min3A_345 : f32 to vector<16xf32>
      %min3A_347 = arith.minimumf %abs3A_344, %min3A_346 : vector<16xf32>
      %mul3A_348 = arith.mulf %scan3A_334#3, %min3A_347 : vector<16xf32>
      %add3A_349 = arith.addf %add3A_342, %mul3A_348 : vector<16xf32>
      %convert_element_type3A_350 = arith.sitofp %gather3A_108 : vector<16xi32> to vector<16xf32>
      %abs3A_351 = math.absf %convert_element_type3A_350 : vector<16xf32>
      %min3A_352 = arith.constant 1.000000e+00 : f32
      %min3A_353 = vector.broadcast %min3A_352 : f32 to vector<16xf32>
      %min3A_354 = arith.minimumf %abs3A_351, %min3A_353 : vector<16xf32>
      %mul3A_355 = arith.mulf %scan3A_334#4, %min3A_354 : vector<16xf32>
      %add3A_356 = arith.addf %add3A_349, %mul3A_355 : vector<16xf32>
      %convert_element_type3A_357 = arith.sitofp %gather3A_112 : vector<16xi32> to vector<16xf32>
      %abs3A_358 = math.absf %convert_element_type3A_357 : vector<16xf32>
      %min3A_359 = arith.constant 1.000000e+00 : f32
      %min3A_360 = vector.broadcast %min3A_359 : f32 to vector<16xf32>
      %min3A_361 = arith.minimumf %abs3A_358, %min3A_360 : vector<16xf32>
      %mul3A_362 = arith.mulf %scan3A_334#5, %min3A_361 : vector<16xf32>
      %add3A_363 = arith.addf %add3A_356, %mul3A_362 : vector<16xf32>
      %convert_element_type3A_364 = arith.sitofp %gather3A_116 : vector<16xi32> to vector<16xf32>
      %abs3A_365 = math.absf %convert_element_type3A_364 : vector<16xf32>
      %min3A_366 = arith.constant 1.000000e+00 : f32
      %min3A_367 = vector.broadcast %min3A_366 : f32 to vector<16xf32>
      %min3A_368 = arith.minimumf %abs3A_365, %min3A_367 : vector<16xf32>
      %mul3A_369 = arith.mulf %scan3A_334#6, %min3A_368 : vector<16xf32>
      %add3A_370 = arith.addf %add3A_363, %mul3A_369 : vector<16xf32>
      %convert_element_type3A_371 = arith.sitofp %gather3A_120 : vector<16xi32> to vector<16xf32>
      %abs3A_372 = math.absf %convert_element_type3A_371 : vector<16xf32>
      %min3A_373 = arith.constant 1.000000e+00 : f32
      %min3A_374 = vector.broadcast %min3A_373 : f32 to vector<16xf32>
      %min3A_375 = arith.minimumf %abs3A_372, %min3A_374 : vector<16xf32>
      %mul3A_376 = arith.mulf %scan3A_334#7, %min3A_375 : vector<16xf32>
      %add3A_377 = arith.addf %add3A_370, %mul3A_376 : vector<16xf32>
      %convert_element_type3A_378 = arith.sitofp %gather3A_124 : vector<16xi32> to vector<16xf32>
      %abs3A_379 = math.absf %convert_element_type3A_378 : vector<16xf32>
      %min3A_380 = arith.constant 1.000000e+00 : f32
      %min3A_381 = vector.broadcast %min3A_380 : f32 to vector<16xf32>
      %min3A_382 = arith.minimumf %abs3A_379, %min3A_381 : vector<16xf32>
      %mul3A_383 = arith.mulf %scan3A_334#8, %min3A_382 : vector<16xf32>
      %add3A_384 = arith.addf %add3A_377, %mul3A_383 : vector<16xf32>
      %convert_element_type3A_385 = arith.sitofp %gather3A_128 : vector<16xi32> to vector<16xf32>
      %abs3A_386 = math.absf %convert_element_type3A_385 : vector<16xf32>
      %min3A_387 = arith.constant 1.000000e+00 : f32
      %min3A_388 = vector.broadcast %min3A_387 : f32 to vector<16xf32>
      %min3A_389 = arith.minimumf %abs3A_386, %min3A_388 : vector<16xf32>
      %mul3A_390 = arith.mulf %scan3A_334#9, %min3A_389 : vector<16xf32>
      %add3A_391 = arith.addf %add3A_384, %mul3A_390 : vector<16xf32>
      %convert_element_type3A_392 = arith.sitofp %gather3A_132 : vector<16xi32> to vector<16xf32>
      %abs3A_393 = math.absf %convert_element_type3A_392 : vector<16xf32>
      %min3A_394 = arith.constant 1.000000e+00 : f32
      %min3A_395 = vector.broadcast %min3A_394 : f32 to vector<16xf32>
      %min3A_396 = arith.minimumf %abs3A_393, %min3A_395 : vector<16xf32>
      %mul3A_397 = arith.mulf %scan3A_334#10, %min3A_396 : vector<16xf32>
      %add3A_398 = arith.addf %add3A_391, %mul3A_397 : vector<16xf32>
      %convert_element_type3A_399 = arith.sitofp %gather3A_136 : vector<16xi32> to vector<16xf32>
      %abs3A_400 = math.absf %convert_element_type3A_399 : vector<16xf32>
      %min3A_401 = arith.constant 1.000000e+00 : f32
      %min3A_402 = vector.broadcast %min3A_401 : f32 to vector<16xf32>
      %min3A_403 = arith.minimumf %abs3A_400, %min3A_402 : vector<16xf32>
      %mul3A_404 = arith.mulf %scan3A_334#11, %min3A_403 : vector<16xf32>
      %add3A_405 = arith.addf %add3A_398, %mul3A_404 : vector<16xf32>
      %convert_element_type3A_406 = arith.sitofp %gather3A_140 : vector<16xi32> to vector<16xf32>
      %abs3A_407 = math.absf %convert_element_type3A_406 : vector<16xf32>
      %min3A_408 = arith.constant 1.000000e+00 : f32
      %min3A_409 = vector.broadcast %min3A_408 : f32 to vector<16xf32>
      %min3A_410 = arith.minimumf %abs3A_407, %min3A_409 : vector<16xf32>
      %mul3A_411 = arith.mulf %scan3A_334#12, %min3A_410 : vector<16xf32>
      %add3A_412 = arith.addf %add3A_405, %mul3A_411 : vector<16xf32>
      %convert_element_type3A_413 = arith.sitofp %gather3A_144 : vector<16xi32> to vector<16xf32>
      %abs3A_414 = math.absf %convert_element_type3A_413 : vector<16xf32>
      %min3A_415 = arith.constant 1.000000e+00 : f32
      %min3A_416 = vector.broadcast %min3A_415 : f32 to vector<16xf32>
      %min3A_417 = arith.minimumf %abs3A_414, %min3A_416 : vector<16xf32>
      %mul3A_418 = arith.mulf %scan3A_334#13, %min3A_417 : vector<16xf32>
      %add3A_419 = arith.addf %add3A_412, %mul3A_418 : vector<16xf32>
      %convert_element_type3A_420 = arith.sitofp %gather3A_148 : vector<16xi32> to vector<16xf32>
      %abs3A_421 = math.absf %convert_element_type3A_420 : vector<16xf32>
      %min3A_422 = arith.constant 1.000000e+00 : f32
      %min3A_423 = vector.broadcast %min3A_422 : f32 to vector<16xf32>
      %min3A_424 = arith.minimumf %abs3A_421, %min3A_423 : vector<16xf32>
      %mul3A_425 = arith.mulf %scan3A_334#14, %min3A_424 : vector<16xf32>
      %add3A_426 = arith.addf %add3A_419, %mul3A_425 : vector<16xf32>
      %convert_element_type3A_427 = arith.sitofp %gather3A_152 : vector<16xi32> to vector<16xf32>
      %abs3A_428 = math.absf %convert_element_type3A_427 : vector<16xf32>
      %min3A_429 = arith.constant 1.000000e+00 : f32
      %min3A_430 = vector.broadcast %min3A_429 : f32 to vector<16xf32>
      %min3A_431 = arith.minimumf %abs3A_428, %min3A_430 : vector<16xf32>
      %mul3A_432 = arith.mulf %scan3A_334#15, %min3A_431 : vector<16xf32>
      %add3A_433 = arith.addf %add3A_426, %mul3A_432 : vector<16xf32>
      %convert_element_type3A_434 = arith.sitofp %gather3A_156 : vector<16xi32> to vector<16xf32>
      %abs3A_435 = math.absf %convert_element_type3A_434 : vector<16xf32>
      %min3A_436 = arith.constant 1.000000e+00 : f32
      %min3A_437 = vector.broadcast %min3A_436 : f32 to vector<16xf32>
      %min3A_438 = arith.minimumf %abs3A_435, %min3A_437 : vector<16xf32>
      %mul3A_439 = arith.mulf %scan3A_334#16, %min3A_438 : vector<16xf32>
      %add3A_440 = arith.addf %add3A_433, %mul3A_439 : vector<16xf32>
      %convert_element_type3A_441 = arith.sitofp %gather3A_160 : vector<16xi32> to vector<16xf32>
      %abs3A_442 = math.absf %convert_element_type3A_441 : vector<16xf32>
      %min3A_443 = arith.constant 1.000000e+00 : f32
      %min3A_444 = vector.broadcast %min3A_443 : f32 to vector<16xf32>
      %min3A_445 = arith.minimumf %abs3A_442, %min3A_444 : vector<16xf32>
      %mul3A_446 = arith.mulf %scan3A_334#17, %min3A_445 : vector<16xf32>
      %add3A_447 = arith.addf %add3A_440, %mul3A_446 : vector<16xf32>
      %add3A_448 = arith.constant 2 : i32
      %add3A_449 = arith.addi %add3A_322, %add3A_448 : i32
      %lt3A_450 = arith.constant 8 : i32
      %lt3A_451 = arith.cmpi slt, %add3A_449, %lt3A_450 : i32
      %convert_element_type3A_452 = arith.extui %lt3A_451 : i1 to i32
      %cond3A_453 = arith.constant 0 : i32
      %cond3A_454 = arith.cmpi ne, %convert_element_type3A_452, %cond3A_453 : i32
      scf.if %cond3A_454 {
        %add3A_458 = arith.constant 2 : i32
        %add3A_459 = arith.addi %add3A_322, %add3A_458 : i32
        %mul3A_460 = arith.constant 2048 : i32
        %mul3A_461 = arith.muli %add3A_459, %mul3A_460 : i32
        %add3A_462 = arith.constant 83584 : i32
        %add3A_463 = arith.addi %add3A_462, %mul3A_461 : i32
        %dma_start3A_464 = tpu.memref_slice %arg2[%add3A_93, %add3A_463] : memref<1024x100000xf32, #tpu.memory_space<hbm>> -> memref<16x2048xf32, #tpu.memory_space<hbm>>
        %dma_start3A_465 = tpu.memref_slice %arg2[%add3A_93, %add3A_463] : memref<1024x100000xf32, #tpu.memory_space<hbm>> -> memref<16x2048xf32, #tpu.memory_space<hbm>>
        tpu.enqueue_dma source(%dma_start3A_465 : memref<16x2048xf32, #tpu.memory_space<hbm>>) target(%arg6 : memref<16x2048xf32, #tpu.memory_space<vmem>>) target_semaphore(%arg12 : memref<!tpu.dma_semaphore, #tpu.memory_space<semaphore_mem>>)
      } else {
      }
      %add3A_455 = arith.constant 2048 : i32
      %add3A_456 = vector.broadcast %add3A_455 : i32 to vector<16xi32>
      %add3A_457 = arith.addi %add3A_318, %add3A_456 : vector<16xi32>
      scf.yield %add3A_447, %scan3A_334#1, %add3A_457 : vector<16xf32>, vector<16xf32>, vector<16xi32>
    }
    %scan3A_176 = arith.constant 4 : i32
    %mul3A_177 = arith.mulf %broadcast_in_dim3A_5, %scan3A_175#0 : vector<16xf32>
    %sub3A_178 = arith.subf %sub3A_91, %mul3A_177 : vector<16xf32>
    %mul3A_179 = arith.mulf %broadcast_in_dim3A_7, %scan3A_175#1 : vector<16xf32>
    %sub3A_180 = arith.subf %sub3A_178, %mul3A_179 : vector<16xf32>
    %swap3A = arith.constant 0 : index
    %swap3A_181 = tpu.vector_load %arg8[%swap3A] {strides = array<i32>} : memref<16xf32, #tpu.memory_space<vmem>>, vector<16xf32>,
    %swap3A_182 = vector.shape_cast %swap3A_181 : vector<16xf32> to vector<16xf32>
    %swap3A_183 = vector.shape_cast %sub3A_180 : vector<16xf32> to vector<16xf32>
    tpu.vector_store %arg8[%swap3A], %swap3A_183 {strides = array<i32>} : memref<16xf32, #tpu.memory_space<vmem>>, vector<16xf32>,
    "tpu.region"() ({
      %run_scoped3A = tpu.sem_alloc : memref<!tpu.dma_semaphore, #tpu.memory_space<semaphore_mem>>
      %dma_start3A_184 = arith.constant 0 : i32
      %dma_start3A_185 = tpu.memref_slice %arg4[%add3A, %dma_start3A_184] : memref<32x16xf32, #tpu.memory_space<hbm>> -> memref<1x16xf32, #tpu.memory_space<hbm>>
      %dma_start3A_186 = tpu.memref_squeeze %dma_start3A_185 : memref<1x16xf32, #tpu.memory_space<hbm>> -> memref<16xf32, #tpu.memory_space<hbm>>
      %dma_start3A_187 = arith.constant 0 : i32
      %dma_start3A_188 = tpu.memref_slice %arg4[%add3A, %dma_start3A_187] : memref<32x16xf32, #tpu.memory_space<hbm>> -> memref<1x16xf32, #tpu.memory_space<hbm>>
      %dma_start3A_189 = tpu.memref_squeeze %dma_start3A_188 : memref<1x16xf32, #tpu.memory_space<hbm>> -> memref<16xf32, #tpu.memory_space<hbm>>
      tpu.enqueue_dma source(%arg8 : memref<16xf32, #tpu.memory_space<vmem>>) target(%dma_start3A_189 : memref<16xf32, #tpu.memory_space<hbm>>) target_semaphore(%run_scoped3A : memref<!tpu.dma_semaphore, #tpu.memory_space<semaphore_mem>>)
      %dma_wait3A = arith.constant 0 : i32
      %dma_wait3A_190 = tpu.memref_slice %arg4[%add3A, %dma_wait3A] : memref<32x16xf32, #tpu.memory_space<hbm>> -> memref<1x16xf32, #tpu.memory_space<hbm>>
      %dma_wait3A_191 = tpu.memref_squeeze %dma_wait3A_190 : memref<1x16xf32, #tpu.memory_space<hbm>> -> memref<16xf32, #tpu.memory_space<hbm>>
      %dma_wait3A_192 = arith.constant 0 : i32
      %dma_wait3A_193 = tpu.memref_slice %arg4[%add3A, %dma_wait3A_192] : memref<32x16xf32, #tpu.memory_space<hbm>> -> memref<1x16xf32, #tpu.memory_space<hbm>>
      %dma_wait3A_194 = tpu.memref_squeeze %dma_wait3A_193 : memref<1x16xf32, #tpu.memory_space<hbm>> -> memref<16xf32, #tpu.memory_space<hbm>>
      tpu.wait_dma2 semaphore(%run_scoped3A : memref<!tpu.dma_semaphore, #tpu.memory_space<semaphore_mem>>) src(%arg8 : memref<16xf32, #tpu.memory_space<vmem>>) dst(%dma_wait3A_194 : memref<16xf32, #tpu.memory_space<hbm>>)
      tpu.yield
    }) : () -> ()
    return
  }
}

module attributes {stable_mosaic.version = 14 : i64} {
  func.func @_tc_body(%arg0: i32, %arg1: memref<1024xi32, #tpu.memory_space<smem>>, %arg2: memref<32x1xi32, #tpu.memory_space<vmem>>, %arg3: memref<32x83584xf32, #tpu.memory_space<vmem>>, %arg4: memref<32x128xf32, #tpu.memory_space<vmem>>, %arg5: memref<1x1xf32, #tpu.memory_space<smem>>) attributes {dimension_semantics = [#tpu.dimension_semantics<arbitrary>], iteration_bounds = array<i64: 32>, scalar_prefetch = 1 : i64, scratch_operands = 0 : i64, tpu.core_type = #tpu.core_type<tc>, window_params = [{transform_indices = @transform_0, window_bounds = array<i64: 32, 1>}, {transform_indices = @transform_1, window_bounds = array<i64: 32, 83584>}, {transform_indices = @transform_2, window_bounds = array<i64: 32, 128>}, {transform_indices = @transform_3, window_bounds = array<i64: 1, 1>}]} {
    %get3A = arith.constant 0 : index
    %get3A_0 = arith.constant 0 : index
    %get3A_1 = vector.load %arg2[%get3A, %get3A_0] : memref<32x1xi32, #tpu.memory_space<vmem>>, vector<32x1xi32>
    %get3A_2 = arith.constant 0 : index
    %get3A_3 = arith.constant 0 : index
    %get3A_4 = vector.load %arg3[%get3A_2, %get3A_3] : memref<32x83584xf32, #tpu.memory_space<vmem>>, vector<32x83584xf32>
    %get3A_5 = arith.constant 0 : index
    %get3A_6 = arith.constant 0 : index
    %get3A_7 = vector.load %arg4[%get3A_5, %get3A_6] : memref<32x128xf32, #tpu.memory_space<vmem>>, vector<32x128xf32>
    %ne3A = arith.constant 0 : i32
    %ne3A_8 = vector.broadcast %ne3A : i32 to vector<32x1xi32>
    %ne3A_9 = arith.cmpi ne, %get3A_1, %ne3A_8 : vector<32x1xi32>
    %iota3A = tpu.iota {dimensions = array<i32: 1>} : vector<32x128xi32>
    %lt3A = arith.constant 32 : i32
    %lt3A_10 = vector.broadcast %lt3A : i32 to vector<32x128xi32>
    %lt3A_11 = arith.cmpi slt, %iota3A, %lt3A_10 : vector<32x128xi32>
    %jit3A = arith.constant 0.000000e+00 : f32
    %broadcast_in_dim3A = vector.broadcast %jit3A : f32 to vector<32x128xf32>
    %select_n3A = arith.select %lt3A_11, %get3A_7, %broadcast_in_dim3A : vector<32x128xi1>, vector<32x128xf32>
    %reduce_sum3A = arith.constant dense<0.000000e+00> : vector<32xf32>
    %reduce_sum3A_12 = vector.multi_reduction <add>, %select_n3A, %reduce_sum3A [1] : vector<32x128xf32> to vector<32xf32>
    %broadcast_in_dim3A_13 = vector.shape_cast %reduce_sum3A_12 : vector<32xf32> to vector<32x1xf32>
    %reduce_sum3A_14 = arith.constant dense<0.000000e+00> : vector<32xf32>
    %reduce_sum3A_15 = vector.multi_reduction <add>, %get3A_4, %reduce_sum3A_14 [1] : vector<32x83584xf32> to vector<32xf32>
    %broadcast_in_dim3A_16 = vector.shape_cast %reduce_sum3A_15 : vector<32xf32> to vector<32x1xf32>
    %slice3A = vector.extract_strided_slice %get3A_4 {offsets = [0, 0], sizes = [32, 1], strides = [1, 1]} : vector<32x83584xf32> to vector<32x1xf32>
    %sub3A = arith.subf %broadcast_in_dim3A_16, %slice3A : vector<32x1xf32>
    %add3A = arith.addf %sub3A, %broadcast_in_dim3A_13 : vector<32x1xf32>
    %jit3A_17 = arith.constant 0.000000e+00 : f32
    %broadcast_in_dim3A_18 = vector.broadcast %jit3A_17 : f32 to vector<32x1xf32>
    %select_n3A_19 = arith.select %ne3A_9, %add3A, %broadcast_in_dim3A_18 : vector<32x1xi1>, vector<32x1xf32>
    %reduce_sum3A_20 = vector.shape_cast %select_n3A_19 : vector<32x1xf32> to vector<1x32x1xf32>
    %reduce_sum3A_21 = arith.constant dense<0.000000e+00> : vector<1xf32>
    %reduce_sum3A_22 = vector.multi_reduction <add>, %reduce_sum3A_20, %reduce_sum3A_21 [1, 2] : vector<1x32x1xf32> to vector<1xf32>
    %reduce_sum3A_23 = vector.shape_cast %reduce_sum3A_22 : vector<1xf32> to vector<1x1x1xf32>
    %reduce_sum3A_24 = vector.extract %reduce_sum3A_23[0, 0, 0] : f32 from vector<1x1x1xf32>
    %jit3A_25 = arith.constant 1.000000e+00 : f32
    %jit3A_26 = arith.constant 0.000000e+00 : f32
    %broadcast_in_dim3A_27 = vector.broadcast %jit3A_25 : f32 to vector<32x1xf32>
    %broadcast_in_dim3A_28 = vector.broadcast %jit3A_26 : f32 to vector<32x1xf32>
    %select_n3A_29 = arith.select %ne3A_9, %broadcast_in_dim3A_27, %broadcast_in_dim3A_28 : vector<32x1xi1>, vector<32x1xf32>
    %reduce_sum3A_30 = vector.shape_cast %select_n3A_29 : vector<32x1xf32> to vector<1x32x1xf32>
    %reduce_sum3A_31 = arith.constant dense<0.000000e+00> : vector<1xf32>
    %reduce_sum3A_32 = vector.multi_reduction <add>, %reduce_sum3A_30, %reduce_sum3A_31 [1, 2] : vector<1x32x1xf32> to vector<1xf32>
    %reduce_sum3A_33 = vector.shape_cast %reduce_sum3A_32 : vector<1xf32> to vector<1x1x1xf32>
    %reduce_sum3A_34 = vector.extract %reduce_sum3A_33[0, 0, 0] : f32 from vector<1x1x1xf32>
    %iota3A_35 = tpu.iota {dimensions = array<i32: 1>} : vector<1x128xi32>
    %mul3A = arith.constant 32 : i32
    %mul3A_36 = arith.muli %arg0, %mul3A : i32
    %add3A_37 = arith.constant 0 : i32
    %add3A_38 = arith.addi %mul3A_36, %add3A_37 : i32
    %get3A_39 = arith.index_cast %add3A_38 : i32 to index
    %get3A_40 = memref.load %arg1[%get3A_39] : memref<1024xi32, #tpu.memory_space<smem>>
    %min3A = arith.constant 83583 : i32
    %min3A_41 = arith.minsi %get3A_40, %min3A : i32
    %jit3A_42 = arith.constant 128 : i32
    %div3A = arith.divsi %min3A_41, %jit3A_42 : i32
    %sign3A = arith.constant 0 : i32
    %sign3A_43 = arith.cmpi sgt, %min3A_41, %sign3A : i32
    %sign3A_44 = arith.extui %sign3A_43 : i1 to i32
    %sign3A_45 = arith.constant 0 : i32
    %sign3A_46 = arith.cmpi slt, %min3A_41, %sign3A_45 : i32
    %sign3A_47 = arith.extui %sign3A_46 : i1 to i32
    %sign3A_48 = arith.subi %sign3A_44, %sign3A_47 : i32
    %sign3A_49 = arith.constant 0 : i32
    %sign3A_50 = arith.cmpi sgt, %jit3A_42, %sign3A_49 : i32
    %sign3A_51 = arith.extui %sign3A_50 : i1 to i32
    %sign3A_52 = arith.constant 0 : i32
    %sign3A_53 = arith.cmpi slt, %jit3A_42, %sign3A_52 : i32
    %sign3A_54 = arith.extui %sign3A_53 : i1 to i32
    %sign3A_55 = arith.subi %sign3A_51, %sign3A_54 : i32
    %ne3A_56 = arith.cmpi ne, %sign3A_48, %sign3A_55 : i32
    %rem3A = arith.remsi %min3A_41, %jit3A_42 : i32
    %ne3A_57 = arith.constant 0 : i32
    %ne3A_58 = arith.cmpi ne, %rem3A, %ne3A_57 : i32
    %and3A = arith.andi %ne3A_56, %ne3A_58 : i1
    %sub3A_59 = arith.constant 1 : i32
    %sub3A_60 = arith.subi %div3A, %sub3A_59 : i32
    %select_n3A_61 = arith.select %and3A, %sub3A_60, %div3A : i32
    %mul3A_62 = arith.constant 128 : i32
    %mul3A_63 = arith.muli %select_n3A_61, %mul3A_62 : i32
    %multiple_of3A = tpu.assume_multiple %mul3A_63, 128 : i32
    %get3A_64 = arith.constant 0 : index
    %get3A_65 = arith.index_cast %multiple_of3A : i32 to index
    %get3A_66 = vector.load %arg3[%get3A_64, %get3A_65] : memref<32x83584xf32, #tpu.memory_space<vmem>>, vector<1x128xf32>
    %jit3A_67 = arith.constant 128 : i32
    %eq3A = arith.constant 0 : i32
    %eq3A_68 = arith.cmpi eq, %jit3A_67, %eq3A : i32
    %jit3A_69 = arith.constant 1 : i32
    %select_n3A_70 = arith.select %eq3A_68, %jit3A_69, %jit3A_67 : i32
    %rem3A_71 = arith.remsi %get3A_40, %select_n3A_70 : i32
    %ne3A_72 = arith.constant 0 : i32
    %ne3A_73 = arith.cmpi ne, %rem3A_71, %ne3A_72 : i32
    %lt3A_74 = arith.constant 0 : i32
    %lt3A_75 = arith.cmpi slt, %rem3A_71, %lt3A_74 : i32
    %lt3A_76 = arith.constant 0 : i32
    %lt3A_77 = arith.cmpi slt, %select_n3A_70, %lt3A_76 : i32
    %ne3A_78 = arith.xori %lt3A_75, %lt3A_77 : i1
    %and3A_79 = arith.andi %ne3A_78, %ne3A_73 : i1
    %add3A_80 = arith.addi %rem3A_71, %select_n3A_70 : i32
    %select_n3A_81 = arith.select %and3A_79, %add3A_80, %rem3A_71 : i32
    %eq3A_82 = vector.broadcast %select_n3A_81 : i32 to vector<1x128xi32>
    %eq3A_83 = arith.cmpi eq, %iota3A_35, %eq3A_82 : vector<1x128xi32>
    %jit3A_84 = arith.constant 0.000000e+00 : f32
    %broadcast_in_dim3A_85 = vector.broadcast %jit3A_84 : f32 to vector<1x128xf32>
    %select_n3A_86 = arith.select %eq3A_83, %get3A_66, %broadcast_in_dim3A_85 : vector<1x128xi1>, vector<1x128xf32>
    %reduce_sum3A_87 = vector.shape_cast %select_n3A_86 : vector<1x128xf32> to vector<1x1x128xf32>
    %reduce_sum3A_88 = arith.constant dense<0.000000e+00> : vector<1xf32>
    %reduce_sum3A_89 = vector.multi_reduction <add>, %reduce_sum3A_87, %reduce_sum3A_88 [1, 2] : vector<1x1x128xf32> to vector<1xf32>
    %reduce_sum3A_90 = vector.shape_cast %reduce_sum3A_89 : vector<1xf32> to vector<1x1x1xf32>
    %reduce_sum3A_91 = vector.extract %reduce_sum3A_90[0, 0, 0] : f32 from vector<1x1x1xf32>
    %sub3A_92 = arith.constant 99968 : i32
    %sub3A_93 = arith.subi %get3A_40, %sub3A_92 : i32
    %eq3A_94 = vector.broadcast %sub3A_93 : i32 to vector<1x128xi32>
    %eq3A_95 = arith.cmpi eq, %iota3A_35, %eq3A_94 : vector<1x128xi32>
    %get3A_96 = arith.constant 0 : index
    %get3A_97 = arith.constant 0 : index
    %get3A_98 = vector.load %arg4[%get3A_96, %get3A_97] : memref<32x128xf32, #tpu.memory_space<vmem>>, vector<1x128xf32>
    %jit3A_99 = arith.constant 0.000000e+00 : f32
    %broadcast_in_dim3A_100 = vector.broadcast %jit3A_99 : f32 to vector<1x128xf32>
    %select_n3A_101 = arith.select %eq3A_95, %get3A_98, %broadcast_in_dim3A_100 : vector<1x128xi1>, vector<1x128xf32>
    %reduce_sum3A_102 = vector.shape_cast %select_n3A_101 : vector<1x128xf32> to vector<1x1x128xf32>
    %reduce_sum3A_103 = arith.constant dense<0.000000e+00> : vector<1xf32>
    %reduce_sum3A_104 = vector.multi_reduction <add>, %reduce_sum3A_102, %reduce_sum3A_103 [1, 2] : vector<1x1x128xf32> to vector<1xf32>
    %reduce_sum3A_105 = vector.shape_cast %reduce_sum3A_104 : vector<1xf32> to vector<1x1x1xf32>
    %reduce_sum3A_106 = vector.extract %reduce_sum3A_105[0, 0, 0] : f32 from vector<1x1x1xf32>
    %ne3A_107 = arith.constant 0 : i32
    %ne3A_108 = arith.cmpi ne, %get3A_40, %ne3A_107 : i32
    %lt3A_109 = arith.constant 83584 : i32
    %lt3A_110 = arith.cmpi slt, %get3A_40, %lt3A_109 : i32
    %and3A_111 = arith.andi %ne3A_108, %lt3A_110 : i1
    %jit3A_112 = arith.constant 0.000000e+00 : f32
    %select_n3A_113 = arith.select %and3A_111, %reduce_sum3A_91, %jit3A_112 : f32
    %add3A_114 = arith.constant 0.000000e+00 : f32
    %add3A_115 = arith.addf %add3A_114, %select_n3A_113 : f32
    %ge3A = arith.constant 99968 : i32
    %ge3A_116 = arith.cmpi sge, %get3A_40, %ge3A : i32
    %jit3A_117 = arith.constant 0.000000e+00 : f32
    %select_n3A_118 = arith.select %ge3A_116, %reduce_sum3A_106, %jit3A_117 : f32
    %add3A_119 = arith.addf %add3A_115, %select_n3A_118 : f32
    %mul3A_120 = arith.constant 32 : i32
    %mul3A_121 = arith.muli %arg0, %mul3A_120 : i32
    %add3A_122 = arith.constant 1 : i32
    %add3A_123 = arith.addi %mul3A_121, %add3A_122 : i32
    %get3A_124 = arith.index_cast %add3A_123 : i32 to index
    %get3A_125 = memref.load %arg1[%get3A_124] : memref<1024xi32, #tpu.memory_space<smem>>
    %min3A_126 = arith.constant 83583 : i32
    %min3A_127 = arith.minsi %get3A_125, %min3A_126 : i32
    %jit3A_128 = arith.constant 128 : i32
    %div3A_129 = arith.divsi %min3A_127, %jit3A_128 : i32
    %sign3A_130 = arith.constant 0 : i32
    %sign3A_131 = arith.cmpi sgt, %min3A_127, %sign3A_130 : i32
    %sign3A_132 = arith.extui %sign3A_131 : i1 to i32
    %sign3A_133 = arith.constant 0 : i32
    %sign3A_134 = arith.cmpi slt, %min3A_127, %sign3A_133 : i32
    %sign3A_135 = arith.extui %sign3A_134 : i1 to i32
    %sign3A_136 = arith.subi %sign3A_132, %sign3A_135 : i32
    %sign3A_137 = arith.constant 0 : i32
    %sign3A_138 = arith.cmpi sgt, %jit3A_128, %sign3A_137 : i32
    %sign3A_139 = arith.extui %sign3A_138 : i1 to i32
    %sign3A_140 = arith.constant 0 : i32
    %sign3A_141 = arith.cmpi slt, %jit3A_128, %sign3A_140 : i32
    %sign3A_142 = arith.extui %sign3A_141 : i1 to i32
    %sign3A_143 = arith.subi %sign3A_139, %sign3A_142 : i32
    %ne3A_144 = arith.cmpi ne, %sign3A_136, %sign3A_143 : i32
    %rem3A_145 = arith.remsi %min3A_127, %jit3A_128 : i32
    %ne3A_146 = arith.constant 0 : i32
    %ne3A_147 = arith.cmpi ne, %rem3A_145, %ne3A_146 : i32
    %and3A_148 = arith.andi %ne3A_144, %ne3A_147 : i1
    %sub3A_149 = arith.constant 1 : i32
    %sub3A_150 = arith.subi %div3A_129, %sub3A_149 : i32
    %select_n3A_151 = arith.select %and3A_148, %sub3A_150, %div3A_129 : i32
    %mul3A_152 = arith.constant 128 : i32
    %mul3A_153 = arith.muli %select_n3A_151, %mul3A_152 : i32
    %multiple_of3A_154 = tpu.assume_multiple %mul3A_153, 128 : i32
    %get3A_155 = arith.constant 1 : index
    %get3A_156 = arith.index_cast %multiple_of3A_154 : i32 to index
    %get3A_157 = vector.load %arg3[%get3A_155, %get3A_156] : memref<32x83584xf32, #tpu.memory_space<vmem>>, vector<1x128xf32>
    %jit3A_158 = arith.constant 128 : i32
    %eq3A_159 = arith.constant 0 : i32
    %eq3A_160 = arith.cmpi eq, %jit3A_158, %eq3A_159 : i32
    %jit3A_161 = arith.constant 1 : i32
    %select_n3A_162 = arith.select %eq3A_160, %jit3A_161, %jit3A_158 : i32
    %rem3A_163 = arith.remsi %get3A_125, %select_n3A_162 : i32
    %ne3A_164 = arith.constant 0 : i32
    %ne3A_165 = arith.cmpi ne, %rem3A_163, %ne3A_164 : i32
    %lt3A_166 = arith.constant 0 : i32
    %lt3A_167 = arith.cmpi slt, %rem3A_163, %lt3A_166 : i32
    %lt3A_168 = arith.constant 0 : i32
    %lt3A_169 = arith.cmpi slt, %select_n3A_162, %lt3A_168 : i32
    %ne3A_170 = arith.xori %lt3A_167, %lt3A_169 : i1
    %and3A_171 = arith.andi %ne3A_170, %ne3A_165 : i1
    %add3A_172 = arith.addi %rem3A_163, %select_n3A_162 : i32
    %select_n3A_173 = arith.select %and3A_171, %add3A_172, %rem3A_163 : i32
    %eq3A_174 = vector.broadcast %select_n3A_173 : i32 to vector<1x128xi32>
    %eq3A_175 = arith.cmpi eq, %iota3A_35, %eq3A_174 : vector<1x128xi32>
    %jit3A_176 = arith.constant 0.000000e+00 : f32
    %broadcast_in_dim3A_177 = vector.broadcast %jit3A_176 : f32 to vector<1x128xf32>
    %select_n3A_178 = arith.select %eq3A_175, %get3A_157, %broadcast_in_dim3A_177 : vector<1x128xi1>, vector<1x128xf32>
    %reduce_sum3A_179 = vector.shape_cast %select_n3A_178 : vector<1x128xf32> to vector<1x1x128xf32>
    %reduce_sum3A_180 = arith.constant dense<0.000000e+00> : vector<1xf32>
    %reduce_sum3A_181 = vector.multi_reduction <add>, %reduce_sum3A_179, %reduce_sum3A_180 [1, 2] : vector<1x1x128xf32> to vector<1xf32>
    %reduce_sum3A_182 = vector.shape_cast %reduce_sum3A_181 : vector<1xf32> to vector<1x1x1xf32>
    %reduce_sum3A_183 = vector.extract %reduce_sum3A_182[0, 0, 0] : f32 from vector<1x1x1xf32>
    %sub3A_184 = arith.constant 99968 : i32
    %sub3A_185 = arith.subi %get3A_125, %sub3A_184 : i32
    %eq3A_186 = vector.broadcast %sub3A_185 : i32 to vector<1x128xi32>
    %eq3A_187 = arith.cmpi eq, %iota3A_35, %eq3A_186 : vector<1x128xi32>
    %get3A_188 = arith.constant 1 : index
    %get3A_189 = arith.constant 0 : index
    %get3A_190 = vector.load %arg4[%get3A_188, %get3A_189] : memref<32x128xf32, #tpu.memory_space<vmem>>, vector<1x128xf32>
    %jit3A_191 = arith.constant 0.000000e+00 : f32
    %broadcast_in_dim3A_192 = vector.broadcast %jit3A_191 : f32 to vector<1x128xf32>
    %select_n3A_193 = arith.select %eq3A_187, %get3A_190, %broadcast_in_dim3A_192 : vector<1x128xi1>, vector<1x128xf32>
    %reduce_sum3A_194 = vector.shape_cast %select_n3A_193 : vector<1x128xf32> to vector<1x1x128xf32>
    %reduce_sum3A_195 = arith.constant dense<0.000000e+00> : vector<1xf32>
    %reduce_sum3A_196 = vector.multi_reduction <add>, %reduce_sum3A_194, %reduce_sum3A_195 [1, 2] : vector<1x1x128xf32> to vector<1xf32>
    %reduce_sum3A_197 = vector.shape_cast %reduce_sum3A_196 : vector<1xf32> to vector<1x1x1xf32>
    %reduce_sum3A_198 = vector.extract %reduce_sum3A_197[0, 0, 0] : f32 from vector<1x1x1xf32>
    %ne3A_199 = arith.constant 0 : i32
    %ne3A_200 = arith.cmpi ne, %get3A_125, %ne3A_199 : i32
    %lt3A_201 = arith.constant 83584 : i32
    %lt3A_202 = arith.cmpi slt, %get3A_125, %lt3A_201 : i32
    %and3A_203 = arith.andi %ne3A_200, %lt3A_202 : i1
    %jit3A_204 = arith.constant 0.000000e+00 : f32
    %select_n3A_205 = arith.select %and3A_203, %reduce_sum3A_183, %jit3A_204 : f32
    %add3A_206 = arith.addf %add3A_119, %select_n3A_205 : f32
    %ge3A_207 = arith.constant 99968 : i32
    %ge3A_208 = arith.cmpi sge, %get3A_125, %ge3A_207 : i32
    %jit3A_209 = arith.constant 0.000000e+00 : f32
    %select_n3A_210 = arith.select %ge3A_208, %reduce_sum3A_198, %jit3A_209 : f32
    %add3A_211 = arith.addf %add3A_206, %select_n3A_210 : f32
    %mul3A_212 = arith.constant 32 : i32
    %mul3A_213 = arith.muli %arg0, %mul3A_212 : i32
    %add3A_214 = arith.constant 2 : i32
    %add3A_215 = arith.addi %mul3A_213, %add3A_214 : i32
    %get3A_216 = arith.index_cast %add3A_215 : i32 to index
    %get3A_217 = memref.load %arg1[%get3A_216] : memref<1024xi32, #tpu.memory_space<smem>>
    %min3A_218 = arith.constant 83583 : i32
    %min3A_219 = arith.minsi %get3A_217, %min3A_218 : i32
    %jit3A_220 = arith.constant 128 : i32
    %div3A_221 = arith.divsi %min3A_219, %jit3A_220 : i32
    %sign3A_222 = arith.constant 0 : i32
    %sign3A_223 = arith.cmpi sgt, %min3A_219, %sign3A_222 : i32
    %sign3A_224 = arith.extui %sign3A_223 : i1 to i32
    %sign3A_225 = arith.constant 0 : i32
    %sign3A_226 = arith.cmpi slt, %min3A_219, %sign3A_225 : i32
    %sign3A_227 = arith.extui %sign3A_226 : i1 to i32
    %sign3A_228 = arith.subi %sign3A_224, %sign3A_227 : i32
    %sign3A_229 = arith.constant 0 : i32
    %sign3A_230 = arith.cmpi sgt, %jit3A_220, %sign3A_229 : i32
    %sign3A_231 = arith.extui %sign3A_230 : i1 to i32
    %sign3A_232 = arith.constant 0 : i32
    %sign3A_233 = arith.cmpi slt, %jit3A_220, %sign3A_232 : i32
    %sign3A_234 = arith.extui %sign3A_233 : i1 to i32
    %sign3A_235 = arith.subi %sign3A_231, %sign3A_234 : i32
    %ne3A_236 = arith.cmpi ne, %sign3A_228, %sign3A_235 : i32
    %rem3A_237 = arith.remsi %min3A_219, %jit3A_220 : i32
    %ne3A_238 = arith.constant 0 : i32
    %ne3A_239 = arith.cmpi ne, %rem3A_237, %ne3A_238 : i32
    %and3A_240 = arith.andi %ne3A_236, %ne3A_239 : i1
    %sub3A_241 = arith.constant 1 : i32
    %sub3A_242 = arith.subi %div3A_221, %sub3A_241 : i32
    %select_n3A_243 = arith.select %and3A_240, %sub3A_242, %div3A_221 : i32
    %mul3A_244 = arith.constant 128 : i32
    %mul3A_245 = arith.muli %select_n3A_243, %mul3A_244 : i32
    %multiple_of3A_246 = tpu.assume_multiple %mul3A_245, 128 : i32
    %get3A_247 = arith.constant 2 : index
    %get3A_248 = arith.index_cast %multiple_of3A_246 : i32 to index
    %get3A_249 = vector.load %arg3[%get3A_247, %get3A_248] : memref<32x83584xf32, #tpu.memory_space<vmem>>, vector<1x128xf32>
    %jit3A_250 = arith.constant 128 : i32
    %eq3A_251 = arith.constant 0 : i32
    %eq3A_252 = arith.cmpi eq, %jit3A_250, %eq3A_251 : i32
    %jit3A_253 = arith.constant 1 : i32
    %select_n3A_254 = arith.select %eq3A_252, %jit3A_253, %jit3A_250 : i32
    %rem3A_255 = arith.remsi %get3A_217, %select_n3A_254 : i32
    %ne3A_256 = arith.constant 0 : i32
    %ne3A_257 = arith.cmpi ne, %rem3A_255, %ne3A_256 : i32
    %lt3A_258 = arith.constant 0 : i32
    %lt3A_259 = arith.cmpi slt, %rem3A_255, %lt3A_258 : i32
    %lt3A_260 = arith.constant 0 : i32
    %lt3A_261 = arith.cmpi slt, %select_n3A_254, %lt3A_260 : i32
    %ne3A_262 = arith.xori %lt3A_259, %lt3A_261 : i1
    %and3A_263 = arith.andi %ne3A_262, %ne3A_257 : i1
    %add3A_264 = arith.addi %rem3A_255, %select_n3A_254 : i32
    %select_n3A_265 = arith.select %and3A_263, %add3A_264, %rem3A_255 : i32
    %eq3A_266 = vector.broadcast %select_n3A_265 : i32 to vector<1x128xi32>
    %eq3A_267 = arith.cmpi eq, %iota3A_35, %eq3A_266 : vector<1x128xi32>
    %jit3A_268 = arith.constant 0.000000e+00 : f32
    %broadcast_in_dim3A_269 = vector.broadcast %jit3A_268 : f32 to vector<1x128xf32>
    %select_n3A_270 = arith.select %eq3A_267, %get3A_249, %broadcast_in_dim3A_269 : vector<1x128xi1>, vector<1x128xf32>
    %reduce_sum3A_271 = vector.shape_cast %select_n3A_270 : vector<1x128xf32> to vector<1x1x128xf32>
    %reduce_sum3A_272 = arith.constant dense<0.000000e+00> : vector<1xf32>
    %reduce_sum3A_273 = vector.multi_reduction <add>, %reduce_sum3A_271, %reduce_sum3A_272 [1, 2] : vector<1x1x128xf32> to vector<1xf32>
    %reduce_sum3A_274 = vector.shape_cast %reduce_sum3A_273 : vector<1xf32> to vector<1x1x1xf32>
    %reduce_sum3A_275 = vector.extract %reduce_sum3A_274[0, 0, 0] : f32 from vector<1x1x1xf32>
    %sub3A_276 = arith.constant 99968 : i32
    %sub3A_277 = arith.subi %get3A_217, %sub3A_276 : i32
    %eq3A_278 = vector.broadcast %sub3A_277 : i32 to vector<1x128xi32>
    %eq3A_279 = arith.cmpi eq, %iota3A_35, %eq3A_278 : vector<1x128xi32>
    %get3A_280 = arith.constant 2 : index
    %get3A_281 = arith.constant 0 : index
    %get3A_282 = vector.load %arg4[%get3A_280, %get3A_281] : memref<32x128xf32, #tpu.memory_space<vmem>>, vector<1x128xf32>
    %jit3A_283 = arith.constant 0.000000e+00 : f32
    %broadcast_in_dim3A_284 = vector.broadcast %jit3A_283 : f32 to vector<1x128xf32>
    %select_n3A_285 = arith.select %eq3A_279, %get3A_282, %broadcast_in_dim3A_284 : vector<1x128xi1>, vector<1x128xf32>
    %reduce_sum3A_286 = vector.shape_cast %select_n3A_285 : vector<1x128xf32> to vector<1x1x128xf32>
    %reduce_sum3A_287 = arith.constant dense<0.000000e+00> : vector<1xf32>
    %reduce_sum3A_288 = vector.multi_reduction <add>, %reduce_sum3A_286, %reduce_sum3A_287 [1, 2] : vector<1x1x128xf32> to vector<1xf32>
    %reduce_sum3A_289 = vector.shape_cast %reduce_sum3A_288 : vector<1xf32> to vector<1x1x1xf32>
    %reduce_sum3A_290 = vector.extract %reduce_sum3A_289[0, 0, 0] : f32 from vector<1x1x1xf32>
    %ne3A_291 = arith.constant 0 : i32
    %ne3A_292 = arith.cmpi ne, %get3A_217, %ne3A_291 : i32
    %lt3A_293 = arith.constant 83584 : i32
    %lt3A_294 = arith.cmpi slt, %get3A_217, %lt3A_293 : i32
    %and3A_295 = arith.andi %ne3A_292, %lt3A_294 : i1
    %jit3A_296 = arith.constant 0.000000e+00 : f32
    %select_n3A_297 = arith.select %and3A_295, %reduce_sum3A_275, %jit3A_296 : f32
    %add3A_298 = arith.addf %add3A_211, %select_n3A_297 : f32
    %ge3A_299 = arith.constant 99968 : i32
    %ge3A_300 = arith.cmpi sge, %get3A_217, %ge3A_299 : i32
    %jit3A_301 = arith.constant 0.000000e+00 : f32
    %select_n3A_302 = arith.select %ge3A_300, %reduce_sum3A_290, %jit3A_301 : f32
    %add3A_303 = arith.addf %add3A_298, %select_n3A_302 : f32
    %mul3A_304 = arith.constant 32 : i32
    %mul3A_305 = arith.muli %arg0, %mul3A_304 : i32
    %add3A_306 = arith.constant 3 : i32
    %add3A_307 = arith.addi %mul3A_305, %add3A_306 : i32
    %get3A_308 = arith.index_cast %add3A_307 : i32 to index
    %get3A_309 = memref.load %arg1[%get3A_308] : memref<1024xi32, #tpu.memory_space<smem>>
    %min3A_310 = arith.constant 83583 : i32
    %min3A_311 = arith.minsi %get3A_309, %min3A_310 : i32
    %jit3A_312 = arith.constant 128 : i32
    %div3A_313 = arith.divsi %min3A_311, %jit3A_312 : i32
    %sign3A_314 = arith.constant 0 : i32
    %sign3A_315 = arith.cmpi sgt, %min3A_311, %sign3A_314 : i32
    %sign3A_316 = arith.extui %sign3A_315 : i1 to i32
    %sign3A_317 = arith.constant 0 : i32
    %sign3A_318 = arith.cmpi slt, %min3A_311, %sign3A_317 : i32
    %sign3A_319 = arith.extui %sign3A_318 : i1 to i32
    %sign3A_320 = arith.subi %sign3A_316, %sign3A_319 : i32
    %sign3A_321 = arith.constant 0 : i32
    %sign3A_322 = arith.cmpi sgt, %jit3A_312, %sign3A_321 : i32
    %sign3A_323 = arith.extui %sign3A_322 : i1 to i32
    %sign3A_324 = arith.constant 0 : i32
    %sign3A_325 = arith.cmpi slt, %jit3A_312, %sign3A_324 : i32
    %sign3A_326 = arith.extui %sign3A_325 : i1 to i32
    %sign3A_327 = arith.subi %sign3A_323, %sign3A_326 : i32
    %ne3A_328 = arith.cmpi ne, %sign3A_320, %sign3A_327 : i32
    %rem3A_329 = arith.remsi %min3A_311, %jit3A_312 : i32
    %ne3A_330 = arith.constant 0 : i32
    %ne3A_331 = arith.cmpi ne, %rem3A_329, %ne3A_330 : i32
    %and3A_332 = arith.andi %ne3A_328, %ne3A_331 : i1
    %sub3A_333 = arith.constant 1 : i32
    %sub3A_334 = arith.subi %div3A_313, %sub3A_333 : i32
    %select_n3A_335 = arith.select %and3A_332, %sub3A_334, %div3A_313 : i32
    %mul3A_336 = arith.constant 128 : i32
    %mul3A_337 = arith.muli %select_n3A_335, %mul3A_336 : i32
    %multiple_of3A_338 = tpu.assume_multiple %mul3A_337, 128 : i32
    %get3A_339 = arith.constant 3 : index
    %get3A_340 = arith.index_cast %multiple_of3A_338 : i32 to index
    %get3A_341 = vector.load %arg3[%get3A_339, %get3A_340] : memref<32x83584xf32, #tpu.memory_space<vmem>>, vector<1x128xf32>
    %jit3A_342 = arith.constant 128 : i32
    %eq3A_343 = arith.constant 0 : i32
    %eq3A_344 = arith.cmpi eq, %jit3A_342, %eq3A_343 : i32
    %jit3A_345 = arith.constant 1 : i32
    %select_n3A_346 = arith.select %eq3A_344, %jit3A_345, %jit3A_342 : i32
    %rem3A_347 = arith.remsi %get3A_309, %select_n3A_346 : i32
    %ne3A_348 = arith.constant 0 : i32
    %ne3A_349 = arith.cmpi ne, %rem3A_347, %ne3A_348 : i32
    %lt3A_350 = arith.constant 0 : i32
    %lt3A_351 = arith.cmpi slt, %rem3A_347, %lt3A_350 : i32
    %lt3A_352 = arith.constant 0 : i32
    %lt3A_353 = arith.cmpi slt, %select_n3A_346, %lt3A_352 : i32
    %ne3A_354 = arith.xori %lt3A_351, %lt3A_353 : i1
    %and3A_355 = arith.andi %ne3A_354, %ne3A_349 : i1
    %add3A_356 = arith.addi %rem3A_347, %select_n3A_346 : i32
    %select_n3A_357 = arith.select %and3A_355, %add3A_356, %rem3A_347 : i32
    %eq3A_358 = vector.broadcast %select_n3A_357 : i32 to vector<1x128xi32>
    %eq3A_359 = arith.cmpi eq, %iota3A_35, %eq3A_358 : vector<1x128xi32>
    %jit3A_360 = arith.constant 0.000000e+00 : f32
    %broadcast_in_dim3A_361 = vector.broadcast %jit3A_360 : f32 to vector<1x128xf32>
    %select_n3A_362 = arith.select %eq3A_359, %get3A_341, %broadcast_in_dim3A_361 : vector<1x128xi1>, vector<1x128xf32>
    %reduce_sum3A_363 = vector.shape_cast %select_n3A_362 : vector<1x128xf32> to vector<1x1x128xf32>
    %reduce_sum3A_364 = arith.constant dense<0.000000e+00> : vector<1xf32>
    %reduce_sum3A_365 = vector.multi_reduction <add>, %reduce_sum3A_363, %reduce_sum3A_364 [1, 2] : vector<1x1x128xf32> to vector<1xf32>
    %reduce_sum3A_366 = vector.shape_cast %reduce_sum3A_365 : vector<1xf32> to vector<1x1x1xf32>
    %reduce_sum3A_367 = vector.extract %reduce_sum3A_366[0, 0, 0] : f32 from vector<1x1x1xf32>
    %sub3A_368 = arith.constant 99968 : i32
    %sub3A_369 = arith.subi %get3A_309, %sub3A_368 : i32
    %eq3A_370 = vector.broadcast %sub3A_369 : i32 to vector<1x128xi32>
    %eq3A_371 = arith.cmpi eq, %iota3A_35, %eq3A_370 : vector<1x128xi32>
    %get3A_372 = arith.constant 3 : index
    %get3A_373 = arith.constant 0 : index
    %get3A_374 = vector.load %arg4[%get3A_372, %get3A_373] : memref<32x128xf32, #tpu.memory_space<vmem>>, vector<1x128xf32>
    %jit3A_375 = arith.constant 0.000000e+00 : f32
    %broadcast_in_dim3A_376 = vector.broadcast %jit3A_375 : f32 to vector<1x128xf32>
    %select_n3A_377 = arith.select %eq3A_371, %get3A_374, %broadcast_in_dim3A_376 : vector<1x128xi1>, vector<1x128xf32>
    %reduce_sum3A_378 = vector.shape_cast %select_n3A_377 : vector<1x128xf32> to vector<1x1x128xf32>
    %reduce_sum3A_379 = arith.constant dense<0.000000e+00> : vector<1xf32>
    %reduce_sum3A_380 = vector.multi_reduction <add>, %reduce_sum3A_378, %reduce_sum3A_379 [1, 2] : vector<1x1x128xf32> to vector<1xf32>
    %reduce_sum3A_381 = vector.shape_cast %reduce_sum3A_380 : vector<1xf32> to vector<1x1x1xf32>
    %reduce_sum3A_382 = vector.extract %reduce_sum3A_381[0, 0, 0] : f32 from vector<1x1x1xf32>
    %ne3A_383 = arith.constant 0 : i32
    %ne3A_384 = arith.cmpi ne, %get3A_309, %ne3A_383 : i32
    %lt3A_385 = arith.constant 83584 : i32
    %lt3A_386 = arith.cmpi slt, %get3A_309, %lt3A_385 : i32
    %and3A_387 = arith.andi %ne3A_384, %lt3A_386 : i1
    %jit3A_388 = arith.constant 0.000000e+00 : f32
    %select_n3A_389 = arith.select %and3A_387, %reduce_sum3A_367, %jit3A_388 : f32
    %add3A_390 = arith.addf %add3A_303, %select_n3A_389 : f32
    %ge3A_391 = arith.constant 99968 : i32
    %ge3A_392 = arith.cmpi sge, %get3A_309, %ge3A_391 : i32
    %jit3A_393 = arith.constant 0.000000e+00 : f32
    %select_n3A_394 = arith.select %ge3A_392, %reduce_sum3A_382, %jit3A_393 : f32
    %add3A_395 = arith.addf %add3A_390, %select_n3A_394 : f32
    %mul3A_396 = arith.constant 32 : i32
    %mul3A_397 = arith.muli %arg0, %mul3A_396 : i32
    %add3A_398 = arith.constant 4 : i32
    %add3A_399 = arith.addi %mul3A_397, %add3A_398 : i32
    %get3A_400 = arith.index_cast %add3A_399 : i32 to index
    %get3A_401 = memref.load %arg1[%get3A_400] : memref<1024xi32, #tpu.memory_space<smem>>
    %min3A_402 = arith.constant 83583 : i32
    %min3A_403 = arith.minsi %get3A_401, %min3A_402 : i32
    %jit3A_404 = arith.constant 128 : i32
    %div3A_405 = arith.divsi %min3A_403, %jit3A_404 : i32
    %sign3A_406 = arith.constant 0 : i32
    %sign3A_407 = arith.cmpi sgt, %min3A_403, %sign3A_406 : i32
    %sign3A_408 = arith.extui %sign3A_407 : i1 to i32
    %sign3A_409 = arith.constant 0 : i32
    %sign3A_410 = arith.cmpi slt, %min3A_403, %sign3A_409 : i32
    %sign3A_411 = arith.extui %sign3A_410 : i1 to i32
    %sign3A_412 = arith.subi %sign3A_408, %sign3A_411 : i32
    %sign3A_413 = arith.constant 0 : i32
    %sign3A_414 = arith.cmpi sgt, %jit3A_404, %sign3A_413 : i32
    %sign3A_415 = arith.extui %sign3A_414 : i1 to i32
    %sign3A_416 = arith.constant 0 : i32
    %sign3A_417 = arith.cmpi slt, %jit3A_404, %sign3A_416 : i32
    %sign3A_418 = arith.extui %sign3A_417 : i1 to i32
    %sign3A_419 = arith.subi %sign3A_415, %sign3A_418 : i32
    %ne3A_420 = arith.cmpi ne, %sign3A_412, %sign3A_419 : i32
    %rem3A_421 = arith.remsi %min3A_403, %jit3A_404 : i32
    %ne3A_422 = arith.constant 0 : i32
    %ne3A_423 = arith.cmpi ne, %rem3A_421, %ne3A_422 : i32
    %and3A_424 = arith.andi %ne3A_420, %ne3A_423 : i1
    %sub3A_425 = arith.constant 1 : i32
    %sub3A_426 = arith.subi %div3A_405, %sub3A_425 : i32
    %select_n3A_427 = arith.select %and3A_424, %sub3A_426, %div3A_405 : i32
    %mul3A_428 = arith.constant 128 : i32
    %mul3A_429 = arith.muli %select_n3A_427, %mul3A_428 : i32
    %multiple_of3A_430 = tpu.assume_multiple %mul3A_429, 128 : i32
    %get3A_431 = arith.constant 4 : index
    %get3A_432 = arith.index_cast %multiple_of3A_430 : i32 to index
    %get3A_433 = vector.load %arg3[%get3A_431, %get3A_432] : memref<32x83584xf32, #tpu.memory_space<vmem>>, vector<1x128xf32>
    %jit3A_434 = arith.constant 128 : i32
    %eq3A_435 = arith.constant 0 : i32
    %eq3A_436 = arith.cmpi eq, %jit3A_434, %eq3A_435 : i32
    %jit3A_437 = arith.constant 1 : i32
    %select_n3A_438 = arith.select %eq3A_436, %jit3A_437, %jit3A_434 : i32
    %rem3A_439 = arith.remsi %get3A_401, %select_n3A_438 : i32
    %ne3A_440 = arith.constant 0 : i32
    %ne3A_441 = arith.cmpi ne, %rem3A_439, %ne3A_440 : i32
    %lt3A_442 = arith.constant 0 : i32
    %lt3A_443 = arith.cmpi slt, %rem3A_439, %lt3A_442 : i32
    %lt3A_444 = arith.constant 0 : i32
    %lt3A_445 = arith.cmpi slt, %select_n3A_438, %lt3A_444 : i32
    %ne3A_446 = arith.xori %lt3A_443, %lt3A_445 : i1
    %and3A_447 = arith.andi %ne3A_446, %ne3A_441 : i1
    %add3A_448 = arith.addi %rem3A_439, %select_n3A_438 : i32
    %select_n3A_449 = arith.select %and3A_447, %add3A_448, %rem3A_439 : i32
    %eq3A_450 = vector.broadcast %select_n3A_449 : i32 to vector<1x128xi32>
    %eq3A_451 = arith.cmpi eq, %iota3A_35, %eq3A_450 : vector<1x128xi32>
    %jit3A_452 = arith.constant 0.000000e+00 : f32
    %broadcast_in_dim3A_453 = vector.broadcast %jit3A_452 : f32 to vector<1x128xf32>
    %select_n3A_454 = arith.select %eq3A_451, %get3A_433, %broadcast_in_dim3A_453 : vector<1x128xi1>, vector<1x128xf32>
    %reduce_sum3A_455 = vector.shape_cast %select_n3A_454 : vector<1x128xf32> to vector<1x1x128xf32>
    %reduce_sum3A_456 = arith.constant dense<0.000000e+00> : vector<1xf32>
    %reduce_sum3A_457 = vector.multi_reduction <add>, %reduce_sum3A_455, %reduce_sum3A_456 [1, 2] : vector<1x1x128xf32> to vector<1xf32>
    %reduce_sum3A_458 = vector.shape_cast %reduce_sum3A_457 : vector<1xf32> to vector<1x1x1xf32>
    %reduce_sum3A_459 = vector.extract %reduce_sum3A_458[0, 0, 0] : f32 from vector<1x1x1xf32>
    %sub3A_460 = arith.constant 99968 : i32
    %sub3A_461 = arith.subi %get3A_401, %sub3A_460 : i32
    %eq3A_462 = vector.broadcast %sub3A_461 : i32 to vector<1x128xi32>
    %eq3A_463 = arith.cmpi eq, %iota3A_35, %eq3A_462 : vector<1x128xi32>
    %get3A_464 = arith.constant 4 : index
    %get3A_465 = arith.constant 0 : index
    %get3A_466 = vector.load %arg4[%get3A_464, %get3A_465] : memref<32x128xf32, #tpu.memory_space<vmem>>, vector<1x128xf32>
    %jit3A_467 = arith.constant 0.000000e+00 : f32
    %broadcast_in_dim3A_468 = vector.broadcast %jit3A_467 : f32 to vector<1x128xf32>
    %select_n3A_469 = arith.select %eq3A_463, %get3A_466, %broadcast_in_dim3A_468 : vector<1x128xi1>, vector<1x128xf32>
    %reduce_sum3A_470 = vector.shape_cast %select_n3A_469 : vector<1x128xf32> to vector<1x1x128xf32>
    %reduce_sum3A_471 = arith.constant dense<0.000000e+00> : vector<1xf32>
    %reduce_sum3A_472 = vector.multi_reduction <add>, %reduce_sum3A_470, %reduce_sum3A_471 [1, 2] : vector<1x1x128xf32> to vector<1xf32>
    %reduce_sum3A_473 = vector.shape_cast %reduce_sum3A_472 : vector<1xf32> to vector<1x1x1xf32>
    %reduce_sum3A_474 = vector.extract %reduce_sum3A_473[0, 0, 0] : f32 from vector<1x1x1xf32>
    %ne3A_475 = arith.constant 0 : i32
    %ne3A_476 = arith.cmpi ne, %get3A_401, %ne3A_475 : i32
    %lt3A_477 = arith.constant 83584 : i32
    %lt3A_478 = arith.cmpi slt, %get3A_401, %lt3A_477 : i32
    %and3A_479 = arith.andi %ne3A_476, %lt3A_478 : i1
    %jit3A_480 = arith.constant 0.000000e+00 : f32
    %select_n3A_481 = arith.select %and3A_479, %reduce_sum3A_459, %jit3A_480 : f32
    %add3A_482 = arith.addf %add3A_395, %select_n3A_481 : f32
    %ge3A_483 = arith.constant 99968 : i32
    %ge3A_484 = arith.cmpi sge, %get3A_401, %ge3A_483 : i32
    %jit3A_485 = arith.constant 0.000000e+00 : f32
    %select_n3A_486 = arith.select %ge3A_484, %reduce_sum3A_474, %jit3A_485 : f32
    %add3A_487 = arith.addf %add3A_482, %select_n3A_486 : f32
    %mul3A_488 = arith.constant 32 : i32
    %mul3A_489 = arith.muli %arg0, %mul3A_488 : i32
    %add3A_490 = arith.constant 5 : i32
    %add3A_491 = arith.addi %mul3A_489, %add3A_490 : i32
    %get3A_492 = arith.index_cast %add3A_491 : i32 to index
    %get3A_493 = memref.load %arg1[%get3A_492] : memref<1024xi32, #tpu.memory_space<smem>>
    %min3A_494 = arith.constant 83583 : i32
    %min3A_495 = arith.minsi %get3A_493, %min3A_494 : i32
    %jit3A_496 = arith.constant 128 : i32
    %div3A_497 = arith.divsi %min3A_495, %jit3A_496 : i32
    %sign3A_498 = arith.constant 0 : i32
    %sign3A_499 = arith.cmpi sgt, %min3A_495, %sign3A_498 : i32
    %sign3A_500 = arith.extui %sign3A_499 : i1 to i32
    %sign3A_501 = arith.constant 0 : i32
    %sign3A_502 = arith.cmpi slt, %min3A_495, %sign3A_501 : i32
    %sign3A_503 = arith.extui %sign3A_502 : i1 to i32
    %sign3A_504 = arith.subi %sign3A_500, %sign3A_503 : i32
    %sign3A_505 = arith.constant 0 : i32
    %sign3A_506 = arith.cmpi sgt, %jit3A_496, %sign3A_505 : i32
    %sign3A_507 = arith.extui %sign3A_506 : i1 to i32
    %sign3A_508 = arith.constant 0 : i32
    %sign3A_509 = arith.cmpi slt, %jit3A_496, %sign3A_508 : i32
    %sign3A_510 = arith.extui %sign3A_509 : i1 to i32
    %sign3A_511 = arith.subi %sign3A_507, %sign3A_510 : i32
    %ne3A_512 = arith.cmpi ne, %sign3A_504, %sign3A_511 : i32
    %rem3A_513 = arith.remsi %min3A_495, %jit3A_496 : i32
    %ne3A_514 = arith.constant 0 : i32
    %ne3A_515 = arith.cmpi ne, %rem3A_513, %ne3A_514 : i32
    %and3A_516 = arith.andi %ne3A_512, %ne3A_515 : i1
    %sub3A_517 = arith.constant 1 : i32
    %sub3A_518 = arith.subi %div3A_497, %sub3A_517 : i32
    %select_n3A_519 = arith.select %and3A_516, %sub3A_518, %div3A_497 : i32
    %mul3A_520 = arith.constant 128 : i32
    %mul3A_521 = arith.muli %select_n3A_519, %mul3A_520 : i32
    %multiple_of3A_522 = tpu.assume_multiple %mul3A_521, 128 : i32
    %get3A_523 = arith.constant 5 : index
    %get3A_524 = arith.index_cast %multiple_of3A_522 : i32 to index
    %get3A_525 = vector.load %arg3[%get3A_523, %get3A_524] : memref<32x83584xf32, #tpu.memory_space<vmem>>, vector<1x128xf32>
    %jit3A_526 = arith.constant 128 : i32
    %eq3A_527 = arith.constant 0 : i32
    %eq3A_528 = arith.cmpi eq, %jit3A_526, %eq3A_527 : i32
    %jit3A_529 = arith.constant 1 : i32
    %select_n3A_530 = arith.select %eq3A_528, %jit3A_529, %jit3A_526 : i32
    %rem3A_531 = arith.remsi %get3A_493, %select_n3A_530 : i32
    %ne3A_532 = arith.constant 0 : i32
    %ne3A_533 = arith.cmpi ne, %rem3A_531, %ne3A_532 : i32
    %lt3A_534 = arith.constant 0 : i32
    %lt3A_535 = arith.cmpi slt, %rem3A_531, %lt3A_534 : i32
    %lt3A_536 = arith.constant 0 : i32
    %lt3A_537 = arith.cmpi slt, %select_n3A_530, %lt3A_536 : i32
    %ne3A_538 = arith.xori %lt3A_535, %lt3A_537 : i1
    %and3A_539 = arith.andi %ne3A_538, %ne3A_533 : i1
    %add3A_540 = arith.addi %rem3A_531, %select_n3A_530 : i32
    %select_n3A_541 = arith.select %and3A_539, %add3A_540, %rem3A_531 : i32
    %eq3A_542 = vector.broadcast %select_n3A_541 : i32 to vector<1x128xi32>
    %eq3A_543 = arith.cmpi eq, %iota3A_35, %eq3A_542 : vector<1x128xi32>
    %jit3A_544 = arith.constant 0.000000e+00 : f32
    %broadcast_in_dim3A_545 = vector.broadcast %jit3A_544 : f32 to vector<1x128xf32>
    %select_n3A_546 = arith.select %eq3A_543, %get3A_525, %broadcast_in_dim3A_545 : vector<1x128xi1>, vector<1x128xf32>
    %reduce_sum3A_547 = vector.shape_cast %select_n3A_546 : vector<1x128xf32> to vector<1x1x128xf32>
    %reduce_sum3A_548 = arith.constant dense<0.000000e+00> : vector<1xf32>
    %reduce_sum3A_549 = vector.multi_reduction <add>, %reduce_sum3A_547, %reduce_sum3A_548 [1, 2] : vector<1x1x128xf32> to vector<1xf32>
    %reduce_sum3A_550 = vector.shape_cast %reduce_sum3A_549 : vector<1xf32> to vector<1x1x1xf32>
    %reduce_sum3A_551 = vector.extract %reduce_sum3A_550[0, 0, 0] : f32 from vector<1x1x1xf32>
    %sub3A_552 = arith.constant 99968 : i32
    %sub3A_553 = arith.subi %get3A_493, %sub3A_552 : i32
    %eq3A_554 = vector.broadcast %sub3A_553 : i32 to vector<1x128xi32>
    %eq3A_555 = arith.cmpi eq, %iota3A_35, %eq3A_554 : vector<1x128xi32>
    %get3A_556 = arith.constant 5 : index
    %get3A_557 = arith.constant 0 : index
    %get3A_558 = vector.load %arg4[%get3A_556, %get3A_557] : memref<32x128xf32, #tpu.memory_space<vmem>>, vector<1x128xf32>
    %jit3A_559 = arith.constant 0.000000e+00 : f32
    %broadcast_in_dim3A_560 = vector.broadcast %jit3A_559 : f32 to vector<1x128xf32>
    %select_n3A_561 = arith.select %eq3A_555, %get3A_558, %broadcast_in_dim3A_560 : vector<1x128xi1>, vector<1x128xf32>
    %reduce_sum3A_562 = vector.shape_cast %select_n3A_561 : vector<1x128xf32> to vector<1x1x128xf32>
    %reduce_sum3A_563 = arith.constant dense<0.000000e+00> : vector<1xf32>
    %reduce_sum3A_564 = vector.multi_reduction <add>, %reduce_sum3A_562, %reduce_sum3A_563 [1, 2] : vector<1x1x128xf32> to vector<1xf32>
    %reduce_sum3A_565 = vector.shape_cast %reduce_sum3A_564 : vector<1xf32> to vector<1x1x1xf32>
    %reduce_sum3A_566 = vector.extract %reduce_sum3A_565[0, 0, 0] : f32 from vector<1x1x1xf32>
    %ne3A_567 = arith.constant 0 : i32
    %ne3A_568 = arith.cmpi ne, %get3A_493, %ne3A_567 : i32
    %lt3A_569 = arith.constant 83584 : i32
    %lt3A_570 = arith.cmpi slt, %get3A_493, %lt3A_569 : i32
    %and3A_571 = arith.andi %ne3A_568, %lt3A_570 : i1
    %jit3A_572 = arith.constant 0.000000e+00 : f32
    %select_n3A_573 = arith.select %and3A_571, %reduce_sum3A_551, %jit3A_572 : f32
    %add3A_574 = arith.addf %add3A_487, %select_n3A_573 : f32
    %ge3A_575 = arith.constant 99968 : i32
    %ge3A_576 = arith.cmpi sge, %get3A_493, %ge3A_575 : i32
    %jit3A_577 = arith.constant 0.000000e+00 : f32
    %select_n3A_578 = arith.select %ge3A_576, %reduce_sum3A_566, %jit3A_577 : f32
    %add3A_579 = arith.addf %add3A_574, %select_n3A_578 : f32
    %mul3A_580 = arith.constant 32 : i32
    %mul3A_581 = arith.muli %arg0, %mul3A_580 : i32
    %add3A_582 = arith.constant 6 : i32
    %add3A_583 = arith.addi %mul3A_581, %add3A_582 : i32
    %get3A_584 = arith.index_cast %add3A_583 : i32 to index
    %get3A_585 = memref.load %arg1[%get3A_584] : memref<1024xi32, #tpu.memory_space<smem>>
    %min3A_586 = arith.constant 83583 : i32
    %min3A_587 = arith.minsi %get3A_585, %min3A_586 : i32
    %jit3A_588 = arith.constant 128 : i32
    %div3A_589 = arith.divsi %min3A_587, %jit3A_588 : i32
    %sign3A_590 = arith.constant 0 : i32
    %sign3A_591 = arith.cmpi sgt, %min3A_587, %sign3A_590 : i32
    %sign3A_592 = arith.extui %sign3A_591 : i1 to i32
    %sign3A_593 = arith.constant 0 : i32
    %sign3A_594 = arith.cmpi slt, %min3A_587, %sign3A_593 : i32
    %sign3A_595 = arith.extui %sign3A_594 : i1 to i32
    %sign3A_596 = arith.subi %sign3A_592, %sign3A_595 : i32
    %sign3A_597 = arith.constant 0 : i32
    %sign3A_598 = arith.cmpi sgt, %jit3A_588, %sign3A_597 : i32
    %sign3A_599 = arith.extui %sign3A_598 : i1 to i32
    %sign3A_600 = arith.constant 0 : i32
    %sign3A_601 = arith.cmpi slt, %jit3A_588, %sign3A_600 : i32
    %sign3A_602 = arith.extui %sign3A_601 : i1 to i32
    %sign3A_603 = arith.subi %sign3A_599, %sign3A_602 : i32
    %ne3A_604 = arith.cmpi ne, %sign3A_596, %sign3A_603 : i32
    %rem3A_605 = arith.remsi %min3A_587, %jit3A_588 : i32
    %ne3A_606 = arith.constant 0 : i32
    %ne3A_607 = arith.cmpi ne, %rem3A_605, %ne3A_606 : i32
    %and3A_608 = arith.andi %ne3A_604, %ne3A_607 : i1
    %sub3A_609 = arith.constant 1 : i32
    %sub3A_610 = arith.subi %div3A_589, %sub3A_609 : i32
    %select_n3A_611 = arith.select %and3A_608, %sub3A_610, %div3A_589 : i32
    %mul3A_612 = arith.constant 128 : i32
    %mul3A_613 = arith.muli %select_n3A_611, %mul3A_612 : i32
    %multiple_of3A_614 = tpu.assume_multiple %mul3A_613, 128 : i32
    %get3A_615 = arith.constant 6 : index
    %get3A_616 = arith.index_cast %multiple_of3A_614 : i32 to index
    %get3A_617 = vector.load %arg3[%get3A_615, %get3A_616] : memref<32x83584xf32, #tpu.memory_space<vmem>>, vector<1x128xf32>
    %jit3A_618 = arith.constant 128 : i32
    %eq3A_619 = arith.constant 0 : i32
    %eq3A_620 = arith.cmpi eq, %jit3A_618, %eq3A_619 : i32
    %jit3A_621 = arith.constant 1 : i32
    %select_n3A_622 = arith.select %eq3A_620, %jit3A_621, %jit3A_618 : i32
    %rem3A_623 = arith.remsi %get3A_585, %select_n3A_622 : i32
    %ne3A_624 = arith.constant 0 : i32
    %ne3A_625 = arith.cmpi ne, %rem3A_623, %ne3A_624 : i32
    %lt3A_626 = arith.constant 0 : i32
    %lt3A_627 = arith.cmpi slt, %rem3A_623, %lt3A_626 : i32
    %lt3A_628 = arith.constant 0 : i32
    %lt3A_629 = arith.cmpi slt, %select_n3A_622, %lt3A_628 : i32
    %ne3A_630 = arith.xori %lt3A_627, %lt3A_629 : i1
    %and3A_631 = arith.andi %ne3A_630, %ne3A_625 : i1
    %add3A_632 = arith.addi %rem3A_623, %select_n3A_622 : i32
    %select_n3A_633 = arith.select %and3A_631, %add3A_632, %rem3A_623 : i32
    %eq3A_634 = vector.broadcast %select_n3A_633 : i32 to vector<1x128xi32>
    %eq3A_635 = arith.cmpi eq, %iota3A_35, %eq3A_634 : vector<1x128xi32>
    %jit3A_636 = arith.constant 0.000000e+00 : f32
    %broadcast_in_dim3A_637 = vector.broadcast %jit3A_636 : f32 to vector<1x128xf32>
    %select_n3A_638 = arith.select %eq3A_635, %get3A_617, %broadcast_in_dim3A_637 : vector<1x128xi1>, vector<1x128xf32>
    %reduce_sum3A_639 = vector.shape_cast %select_n3A_638 : vector<1x128xf32> to vector<1x1x128xf32>
    %reduce_sum3A_640 = arith.constant dense<0.000000e+00> : vector<1xf32>
    %reduce_sum3A_641 = vector.multi_reduction <add>, %reduce_sum3A_639, %reduce_sum3A_640 [1, 2] : vector<1x1x128xf32> to vector<1xf32>
    %reduce_sum3A_642 = vector.shape_cast %reduce_sum3A_641 : vector<1xf32> to vector<1x1x1xf32>
    %reduce_sum3A_643 = vector.extract %reduce_sum3A_642[0, 0, 0] : f32 from vector<1x1x1xf32>
    %sub3A_644 = arith.constant 99968 : i32
    %sub3A_645 = arith.subi %get3A_585, %sub3A_644 : i32
    %eq3A_646 = vector.broadcast %sub3A_645 : i32 to vector<1x128xi32>
    %eq3A_647 = arith.cmpi eq, %iota3A_35, %eq3A_646 : vector<1x128xi32>
    %get3A_648 = arith.constant 6 : index
    %get3A_649 = arith.constant 0 : index
    %get3A_650 = vector.load %arg4[%get3A_648, %get3A_649] : memref<32x128xf32, #tpu.memory_space<vmem>>, vector<1x128xf32>
    %jit3A_651 = arith.constant 0.000000e+00 : f32
    %broadcast_in_dim3A_652 = vector.broadcast %jit3A_651 : f32 to vector<1x128xf32>
    %select_n3A_653 = arith.select %eq3A_647, %get3A_650, %broadcast_in_dim3A_652 : vector<1x128xi1>, vector<1x128xf32>
    %reduce_sum3A_654 = vector.shape_cast %select_n3A_653 : vector<1x128xf32> to vector<1x1x128xf32>
    %reduce_sum3A_655 = arith.constant dense<0.000000e+00> : vector<1xf32>
    %reduce_sum3A_656 = vector.multi_reduction <add>, %reduce_sum3A_654, %reduce_sum3A_655 [1, 2] : vector<1x1x128xf32> to vector<1xf32>
    %reduce_sum3A_657 = vector.shape_cast %reduce_sum3A_656 : vector<1xf32> to vector<1x1x1xf32>
    %reduce_sum3A_658 = vector.extract %reduce_sum3A_657[0, 0, 0] : f32 from vector<1x1x1xf32>
    %ne3A_659 = arith.constant 0 : i32
    %ne3A_660 = arith.cmpi ne, %get3A_585, %ne3A_659 : i32
    %lt3A_661 = arith.constant 83584 : i32
    %lt3A_662 = arith.cmpi slt, %get3A_585, %lt3A_661 : i32
    %and3A_663 = arith.andi %ne3A_660, %lt3A_662 : i1
    %jit3A_664 = arith.constant 0.000000e+00 : f32
    %select_n3A_665 = arith.select %and3A_663, %reduce_sum3A_643, %jit3A_664 : f32
    %add3A_666 = arith.addf %add3A_579, %select_n3A_665 : f32
    %ge3A_667 = arith.constant 99968 : i32
    %ge3A_668 = arith.cmpi sge, %get3A_585, %ge3A_667 : i32
    %jit3A_669 = arith.constant 0.000000e+00 : f32
    %select_n3A_670 = arith.select %ge3A_668, %reduce_sum3A_658, %jit3A_669 : f32
    %add3A_671 = arith.addf %add3A_666, %select_n3A_670 : f32
    %mul3A_672 = arith.constant 32 : i32
    %mul3A_673 = arith.muli %arg0, %mul3A_672 : i32
    %add3A_674 = arith.constant 7 : i32
    %add3A_675 = arith.addi %mul3A_673, %add3A_674 : i32
    %get3A_676 = arith.index_cast %add3A_675 : i32 to index
    %get3A_677 = memref.load %arg1[%get3A_676] : memref<1024xi32, #tpu.memory_space<smem>>
    %min3A_678 = arith.constant 83583 : i32
    %min3A_679 = arith.minsi %get3A_677, %min3A_678 : i32
    %jit3A_680 = arith.constant 128 : i32
    %div3A_681 = arith.divsi %min3A_679, %jit3A_680 : i32
    %sign3A_682 = arith.constant 0 : i32
    %sign3A_683 = arith.cmpi sgt, %min3A_679, %sign3A_682 : i32
    %sign3A_684 = arith.extui %sign3A_683 : i1 to i32
    %sign3A_685 = arith.constant 0 : i32
    %sign3A_686 = arith.cmpi slt, %min3A_679, %sign3A_685 : i32
    %sign3A_687 = arith.extui %sign3A_686 : i1 to i32
    %sign3A_688 = arith.subi %sign3A_684, %sign3A_687 : i32
    %sign3A_689 = arith.constant 0 : i32
    %sign3A_690 = arith.cmpi sgt, %jit3A_680, %sign3A_689 : i32
    %sign3A_691 = arith.extui %sign3A_690 : i1 to i32
    %sign3A_692 = arith.constant 0 : i32
    %sign3A_693 = arith.cmpi slt, %jit3A_680, %sign3A_692 : i32
    %sign3A_694 = arith.extui %sign3A_693 : i1 to i32
    %sign3A_695 = arith.subi %sign3A_691, %sign3A_694 : i32
    %ne3A_696 = arith.cmpi ne, %sign3A_688, %sign3A_695 : i32
    %rem3A_697 = arith.remsi %min3A_679, %jit3A_680 : i32
    %ne3A_698 = arith.constant 0 : i32
    %ne3A_699 = arith.cmpi ne, %rem3A_697, %ne3A_698 : i32
    %and3A_700 = arith.andi %ne3A_696, %ne3A_699 : i1
    %sub3A_701 = arith.constant 1 : i32
    %sub3A_702 = arith.subi %div3A_681, %sub3A_701 : i32
    %select_n3A_703 = arith.select %and3A_700, %sub3A_702, %div3A_681 : i32
    %mul3A_704 = arith.constant 128 : i32
    %mul3A_705 = arith.muli %select_n3A_703, %mul3A_704 : i32
    %multiple_of3A_706 = tpu.assume_multiple %mul3A_705, 128 : i32
    %get3A_707 = arith.constant 7 : index
    %get3A_708 = arith.index_cast %multiple_of3A_706 : i32 to index
    %get3A_709 = vector.load %arg3[%get3A_707, %get3A_708] : memref<32x83584xf32, #tpu.memory_space<vmem>>, vector<1x128xf32>
    %jit3A_710 = arith.constant 128 : i32
    %eq3A_711 = arith.constant 0 : i32
    %eq3A_712 = arith.cmpi eq, %jit3A_710, %eq3A_711 : i32
    %jit3A_713 = arith.constant 1 : i32
    %select_n3A_714 = arith.select %eq3A_712, %jit3A_713, %jit3A_710 : i32
    %rem3A_715 = arith.remsi %get3A_677, %select_n3A_714 : i32
    %ne3A_716 = arith.constant 0 : i32
    %ne3A_717 = arith.cmpi ne, %rem3A_715, %ne3A_716 : i32
    %lt3A_718 = arith.constant 0 : i32
    %lt3A_719 = arith.cmpi slt, %rem3A_715, %lt3A_718 : i32
    %lt3A_720 = arith.constant 0 : i32
    %lt3A_721 = arith.cmpi slt, %select_n3A_714, %lt3A_720 : i32
    %ne3A_722 = arith.xori %lt3A_719, %lt3A_721 : i1
    %and3A_723 = arith.andi %ne3A_722, %ne3A_717 : i1
    %add3A_724 = arith.addi %rem3A_715, %select_n3A_714 : i32
    %select_n3A_725 = arith.select %and3A_723, %add3A_724, %rem3A_715 : i32
    %eq3A_726 = vector.broadcast %select_n3A_725 : i32 to vector<1x128xi32>
    %eq3A_727 = arith.cmpi eq, %iota3A_35, %eq3A_726 : vector<1x128xi32>
    %jit3A_728 = arith.constant 0.000000e+00 : f32
    %broadcast_in_dim3A_729 = vector.broadcast %jit3A_728 : f32 to vector<1x128xf32>
    %select_n3A_730 = arith.select %eq3A_727, %get3A_709, %broadcast_in_dim3A_729 : vector<1x128xi1>, vector<1x128xf32>
    %reduce_sum3A_731 = vector.shape_cast %select_n3A_730 : vector<1x128xf32> to vector<1x1x128xf32>
    %reduce_sum3A_732 = arith.constant dense<0.000000e+00> : vector<1xf32>
    %reduce_sum3A_733 = vector.multi_reduction <add>, %reduce_sum3A_731, %reduce_sum3A_732 [1, 2] : vector<1x1x128xf32> to vector<1xf32>
    %reduce_sum3A_734 = vector.shape_cast %reduce_sum3A_733 : vector<1xf32> to vector<1x1x1xf32>
    %reduce_sum3A_735 = vector.extract %reduce_sum3A_734[0, 0, 0] : f32 from vector<1x1x1xf32>
    %sub3A_736 = arith.constant 99968 : i32
    %sub3A_737 = arith.subi %get3A_677, %sub3A_736 : i32
    %eq3A_738 = vector.broadcast %sub3A_737 : i32 to vector<1x128xi32>
    %eq3A_739 = arith.cmpi eq, %iota3A_35, %eq3A_738 : vector<1x128xi32>
    %get3A_740 = arith.constant 7 : index
    %get3A_741 = arith.constant 0 : index
    %get3A_742 = vector.load %arg4[%get3A_740, %get3A_741] : memref<32x128xf32, #tpu.memory_space<vmem>>, vector<1x128xf32>
    %jit3A_743 = arith.constant 0.000000e+00 : f32
    %broadcast_in_dim3A_744 = vector.broadcast %jit3A_743 : f32 to vector<1x128xf32>
    %select_n3A_745 = arith.select %eq3A_739, %get3A_742, %broadcast_in_dim3A_744 : vector<1x128xi1>, vector<1x128xf32>
    %reduce_sum3A_746 = vector.shape_cast %select_n3A_745 : vector<1x128xf32> to vector<1x1x128xf32>
    %reduce_sum3A_747 = arith.constant dense<0.000000e+00> : vector<1xf32>
    %reduce_sum3A_748 = vector.multi_reduction <add>, %reduce_sum3A_746, %reduce_sum3A_747 [1, 2] : vector<1x1x128xf32> to vector<1xf32>
    %reduce_sum3A_749 = vector.shape_cast %reduce_sum3A_748 : vector<1xf32> to vector<1x1x1xf32>
    %reduce_sum3A_750 = vector.extract %reduce_sum3A_749[0, 0, 0] : f32 from vector<1x1x1xf32>
    %ne3A_751 = arith.constant 0 : i32
    %ne3A_752 = arith.cmpi ne, %get3A_677, %ne3A_751 : i32
    %lt3A_753 = arith.constant 83584 : i32
    %lt3A_754 = arith.cmpi slt, %get3A_677, %lt3A_753 : i32
    %and3A_755 = arith.andi %ne3A_752, %lt3A_754 : i1
    %jit3A_756 = arith.constant 0.000000e+00 : f32
    %select_n3A_757 = arith.select %and3A_755, %reduce_sum3A_735, %jit3A_756 : f32
    %add3A_758 = arith.addf %add3A_671, %select_n3A_757 : f32
    %ge3A_759 = arith.constant 99968 : i32
    %ge3A_760 = arith.cmpi sge, %get3A_677, %ge3A_759 : i32
    %jit3A_761 = arith.constant 0.000000e+00 : f32
    %select_n3A_762 = arith.select %ge3A_760, %reduce_sum3A_750, %jit3A_761 : f32
    %add3A_763 = arith.addf %add3A_758, %select_n3A_762 : f32
    %mul3A_764 = arith.constant 32 : i32
    %mul3A_765 = arith.muli %arg0, %mul3A_764 : i32
    %add3A_766 = arith.constant 8 : i32
    %add3A_767 = arith.addi %mul3A_765, %add3A_766 : i32
    %get3A_768 = arith.index_cast %add3A_767 : i32 to index
    %get3A_769 = memref.load %arg1[%get3A_768] : memref<1024xi32, #tpu.memory_space<smem>>
    %min3A_770 = arith.constant 83583 : i32
    %min3A_771 = arith.minsi %get3A_769, %min3A_770 : i32
    %jit3A_772 = arith.constant 128 : i32
    %div3A_773 = arith.divsi %min3A_771, %jit3A_772 : i32
    %sign3A_774 = arith.constant 0 : i32
    %sign3A_775 = arith.cmpi sgt, %min3A_771, %sign3A_774 : i32
    %sign3A_776 = arith.extui %sign3A_775 : i1 to i32
    %sign3A_777 = arith.constant 0 : i32
    %sign3A_778 = arith.cmpi slt, %min3A_771, %sign3A_777 : i32
    %sign3A_779 = arith.extui %sign3A_778 : i1 to i32
    %sign3A_780 = arith.subi %sign3A_776, %sign3A_779 : i32
    %sign3A_781 = arith.constant 0 : i32
    %sign3A_782 = arith.cmpi sgt, %jit3A_772, %sign3A_781 : i32
    %sign3A_783 = arith.extui %sign3A_782 : i1 to i32
    %sign3A_784 = arith.constant 0 : i32
    %sign3A_785 = arith.cmpi slt, %jit3A_772, %sign3A_784 : i32
    %sign3A_786 = arith.extui %sign3A_785 : i1 to i32
    %sign3A_787 = arith.subi %sign3A_783, %sign3A_786 : i32
    %ne3A_788 = arith.cmpi ne, %sign3A_780, %sign3A_787 : i32
    %rem3A_789 = arith.remsi %min3A_771, %jit3A_772 : i32
    %ne3A_790 = arith.constant 0 : i32
    %ne3A_791 = arith.cmpi ne, %rem3A_789, %ne3A_790 : i32
    %and3A_792 = arith.andi %ne3A_788, %ne3A_791 : i1
    %sub3A_793 = arith.constant 1 : i32
    %sub3A_794 = arith.subi %div3A_773, %sub3A_793 : i32
    %select_n3A_795 = arith.select %and3A_792, %sub3A_794, %div3A_773 : i32
    %mul3A_796 = arith.constant 128 : i32
    %mul3A_797 = arith.muli %select_n3A_795, %mul3A_796 : i32
    %multiple_of3A_798 = tpu.assume_multiple %mul3A_797, 128 : i32
    %get3A_799 = arith.constant 8 : index
    %get3A_800 = arith.index_cast %multiple_of3A_798 : i32 to index
    %get3A_801 = vector.load %arg3[%get3A_799, %get3A_800] : memref<32x83584xf32, #tpu.memory_space<vmem>>, vector<1x128xf32>
    %jit3A_802 = arith.constant 128 : i32
    %eq3A_803 = arith.constant 0 : i32
    %eq3A_804 = arith.cmpi eq, %jit3A_802, %eq3A_803 : i32
    %jit3A_805 = arith.constant 1 : i32
    %select_n3A_806 = arith.select %eq3A_804, %jit3A_805, %jit3A_802 : i32
    %rem3A_807 = arith.remsi %get3A_769, %select_n3A_806 : i32
    %ne3A_808 = arith.constant 0 : i32
    %ne3A_809 = arith.cmpi ne, %rem3A_807, %ne3A_808 : i32
    %lt3A_810 = arith.constant 0 : i32
    %lt3A_811 = arith.cmpi slt, %rem3A_807, %lt3A_810 : i32
    %lt3A_812 = arith.constant 0 : i32
    %lt3A_813 = arith.cmpi slt, %select_n3A_806, %lt3A_812 : i32
    %ne3A_814 = arith.xori %lt3A_811, %lt3A_813 : i1
    %and3A_815 = arith.andi %ne3A_814, %ne3A_809 : i1
    %add3A_816 = arith.addi %rem3A_807, %select_n3A_806 : i32
    %select_n3A_817 = arith.select %and3A_815, %add3A_816, %rem3A_807 : i32
    %eq3A_818 = vector.broadcast %select_n3A_817 : i32 to vector<1x128xi32>
    %eq3A_819 = arith.cmpi eq, %iota3A_35, %eq3A_818 : vector<1x128xi32>
    %jit3A_820 = arith.constant 0.000000e+00 : f32
    %broadcast_in_dim3A_821 = vector.broadcast %jit3A_820 : f32 to vector<1x128xf32>
    %select_n3A_822 = arith.select %eq3A_819, %get3A_801, %broadcast_in_dim3A_821 : vector<1x128xi1>, vector<1x128xf32>
    %reduce_sum3A_823 = vector.shape_cast %select_n3A_822 : vector<1x128xf32> to vector<1x1x128xf32>
    %reduce_sum3A_824 = arith.constant dense<0.000000e+00> : vector<1xf32>
    %reduce_sum3A_825 = vector.multi_reduction <add>, %reduce_sum3A_823, %reduce_sum3A_824 [1, 2] : vector<1x1x128xf32> to vector<1xf32>
    %reduce_sum3A_826 = vector.shape_cast %reduce_sum3A_825 : vector<1xf32> to vector<1x1x1xf32>
    %reduce_sum3A_827 = vector.extract %reduce_sum3A_826[0, 0, 0] : f32 from vector<1x1x1xf32>
    %sub3A_828 = arith.constant 99968 : i32
    %sub3A_829 = arith.subi %get3A_769, %sub3A_828 : i32
    %eq3A_830 = vector.broadcast %sub3A_829 : i32 to vector<1x128xi32>
    %eq3A_831 = arith.cmpi eq, %iota3A_35, %eq3A_830 : vector<1x128xi32>
    %get3A_832 = arith.constant 8 : index
    %get3A_833 = arith.constant 0 : index
    %get3A_834 = vector.load %arg4[%get3A_832, %get3A_833] : memref<32x128xf32, #tpu.memory_space<vmem>>, vector<1x128xf32>
    %jit3A_835 = arith.constant 0.000000e+00 : f32
    %broadcast_in_dim3A_836 = vector.broadcast %jit3A_835 : f32 to vector<1x128xf32>
    %select_n3A_837 = arith.select %eq3A_831, %get3A_834, %broadcast_in_dim3A_836 : vector<1x128xi1>, vector<1x128xf32>
    %reduce_sum3A_838 = vector.shape_cast %select_n3A_837 : vector<1x128xf32> to vector<1x1x128xf32>
    %reduce_sum3A_839 = arith.constant dense<0.000000e+00> : vector<1xf32>
    %reduce_sum3A_840 = vector.multi_reduction <add>, %reduce_sum3A_838, %reduce_sum3A_839 [1, 2] : vector<1x1x128xf32> to vector<1xf32>
    %reduce_sum3A_841 = vector.shape_cast %reduce_sum3A_840 : vector<1xf32> to vector<1x1x1xf32>
    %reduce_sum3A_842 = vector.extract %reduce_sum3A_841[0, 0, 0] : f32 from vector<1x1x1xf32>
    %ne3A_843 = arith.constant 0 : i32
    %ne3A_844 = arith.cmpi ne, %get3A_769, %ne3A_843 : i32
    %lt3A_845 = arith.constant 83584 : i32
    %lt3A_846 = arith.cmpi slt, %get3A_769, %lt3A_845 : i32
    %and3A_847 = arith.andi %ne3A_844, %lt3A_846 : i1
    %jit3A_848 = arith.constant 0.000000e+00 : f32
    %select_n3A_849 = arith.select %and3A_847, %reduce_sum3A_827, %jit3A_848 : f32
    %add3A_850 = arith.addf %add3A_763, %select_n3A_849 : f32
    %ge3A_851 = arith.constant 99968 : i32
    %ge3A_852 = arith.cmpi sge, %get3A_769, %ge3A_851 : i32
    %jit3A_853 = arith.constant 0.000000e+00 : f32
    %select_n3A_854 = arith.select %ge3A_852, %reduce_sum3A_842, %jit3A_853 : f32
    %add3A_855 = arith.addf %add3A_850, %select_n3A_854 : f32
    %mul3A_856 = arith.constant 32 : i32
    %mul3A_857 = arith.muli %arg0, %mul3A_856 : i32
    %add3A_858 = arith.constant 9 : i32
    %add3A_859 = arith.addi %mul3A_857, %add3A_858 : i32
    %get3A_860 = arith.index_cast %add3A_859 : i32 to index
    %get3A_861 = memref.load %arg1[%get3A_860] : memref<1024xi32, #tpu.memory_space<smem>>
    %min3A_862 = arith.constant 83583 : i32
    %min3A_863 = arith.minsi %get3A_861, %min3A_862 : i32
    %jit3A_864 = arith.constant 128 : i32
    %div3A_865 = arith.divsi %min3A_863, %jit3A_864 : i32
    %sign3A_866 = arith.constant 0 : i32
    %sign3A_867 = arith.cmpi sgt, %min3A_863, %sign3A_866 : i32
    %sign3A_868 = arith.extui %sign3A_867 : i1 to i32
    %sign3A_869 = arith.constant 0 : i32
    %sign3A_870 = arith.cmpi slt, %min3A_863, %sign3A_869 : i32
    %sign3A_871 = arith.extui %sign3A_870 : i1 to i32
    %sign3A_872 = arith.subi %sign3A_868, %sign3A_871 : i32
    %sign3A_873 = arith.constant 0 : i32
    %sign3A_874 = arith.cmpi sgt, %jit3A_864, %sign3A_873 : i32
    %sign3A_875 = arith.extui %sign3A_874 : i1 to i32
    %sign3A_876 = arith.constant 0 : i32
    %sign3A_877 = arith.cmpi slt, %jit3A_864, %sign3A_876 : i32
    %sign3A_878 = arith.extui %sign3A_877 : i1 to i32
    %sign3A_879 = arith.subi %sign3A_875, %sign3A_878 : i32
    %ne3A_880 = arith.cmpi ne, %sign3A_872, %sign3A_879 : i32
    %rem3A_881 = arith.remsi %min3A_863, %jit3A_864 : i32
    %ne3A_882 = arith.constant 0 : i32
    %ne3A_883 = arith.cmpi ne, %rem3A_881, %ne3A_882 : i32
    %and3A_884 = arith.andi %ne3A_880, %ne3A_883 : i1
    %sub3A_885 = arith.constant 1 : i32
    %sub3A_886 = arith.subi %div3A_865, %sub3A_885 : i32
    %select_n3A_887 = arith.select %and3A_884, %sub3A_886, %div3A_865 : i32
    %mul3A_888 = arith.constant 128 : i32
    %mul3A_889 = arith.muli %select_n3A_887, %mul3A_888 : i32
    %multiple_of3A_890 = tpu.assume_multiple %mul3A_889, 128 : i32
    %get3A_891 = arith.constant 9 : index
    %get3A_892 = arith.index_cast %multiple_of3A_890 : i32 to index
    %get3A_893 = vector.load %arg3[%get3A_891, %get3A_892] : memref<32x83584xf32, #tpu.memory_space<vmem>>, vector<1x128xf32>
    %jit3A_894 = arith.constant 128 : i32
    %eq3A_895 = arith.constant 0 : i32
    %eq3A_896 = arith.cmpi eq, %jit3A_894, %eq3A_895 : i32
    %jit3A_897 = arith.constant 1 : i32
    %select_n3A_898 = arith.select %eq3A_896, %jit3A_897, %jit3A_894 : i32
    %rem3A_899 = arith.remsi %get3A_861, %select_n3A_898 : i32
    %ne3A_900 = arith.constant 0 : i32
    %ne3A_901 = arith.cmpi ne, %rem3A_899, %ne3A_900 : i32
    %lt3A_902 = arith.constant 0 : i32
    %lt3A_903 = arith.cmpi slt, %rem3A_899, %lt3A_902 : i32
    %lt3A_904 = arith.constant 0 : i32
    %lt3A_905 = arith.cmpi slt, %select_n3A_898, %lt3A_904 : i32
    %ne3A_906 = arith.xori %lt3A_903, %lt3A_905 : i1
    %and3A_907 = arith.andi %ne3A_906, %ne3A_901 : i1
    %add3A_908 = arith.addi %rem3A_899, %select_n3A_898 : i32
    %select_n3A_909 = arith.select %and3A_907, %add3A_908, %rem3A_899 : i32
    %eq3A_910 = vector.broadcast %select_n3A_909 : i32 to vector<1x128xi32>
    %eq3A_911 = arith.cmpi eq, %iota3A_35, %eq3A_910 : vector<1x128xi32>
    %jit3A_912 = arith.constant 0.000000e+00 : f32
    %broadcast_in_dim3A_913 = vector.broadcast %jit3A_912 : f32 to vector<1x128xf32>
    %select_n3A_914 = arith.select %eq3A_911, %get3A_893, %broadcast_in_dim3A_913 : vector<1x128xi1>, vector<1x128xf32>
    %reduce_sum3A_915 = vector.shape_cast %select_n3A_914 : vector<1x128xf32> to vector<1x1x128xf32>
    %reduce_sum3A_916 = arith.constant dense<0.000000e+00> : vector<1xf32>
    %reduce_sum3A_917 = vector.multi_reduction <add>, %reduce_sum3A_915, %reduce_sum3A_916 [1, 2] : vector<1x1x128xf32> to vector<1xf32>
    %reduce_sum3A_918 = vector.shape_cast %reduce_sum3A_917 : vector<1xf32> to vector<1x1x1xf32>
    %reduce_sum3A_919 = vector.extract %reduce_sum3A_918[0, 0, 0] : f32 from vector<1x1x1xf32>
    %sub3A_920 = arith.constant 99968 : i32
    %sub3A_921 = arith.subi %get3A_861, %sub3A_920 : i32
    %eq3A_922 = vector.broadcast %sub3A_921 : i32 to vector<1x128xi32>
    %eq3A_923 = arith.cmpi eq, %iota3A_35, %eq3A_922 : vector<1x128xi32>
    %get3A_924 = arith.constant 9 : index
    %get3A_925 = arith.constant 0 : index
    %get3A_926 = vector.load %arg4[%get3A_924, %get3A_925] : memref<32x128xf32, #tpu.memory_space<vmem>>, vector<1x128xf32>
    %jit3A_927 = arith.constant 0.000000e+00 : f32
    %broadcast_in_dim3A_928 = vector.broadcast %jit3A_927 : f32 to vector<1x128xf32>
    %select_n3A_929 = arith.select %eq3A_923, %get3A_926, %broadcast_in_dim3A_928 : vector<1x128xi1>, vector<1x128xf32>
    %reduce_sum3A_930 = vector.shape_cast %select_n3A_929 : vector<1x128xf32> to vector<1x1x128xf32>
    %reduce_sum3A_931 = arith.constant dense<0.000000e+00> : vector<1xf32>
    %reduce_sum3A_932 = vector.multi_reduction <add>, %reduce_sum3A_930, %reduce_sum3A_931 [1, 2] : vector<1x1x128xf32> to vector<1xf32>
    %reduce_sum3A_933 = vector.shape_cast %reduce_sum3A_932 : vector<1xf32> to vector<1x1x1xf32>
    %reduce_sum3A_934 = vector.extract %reduce_sum3A_933[0, 0, 0] : f32 from vector<1x1x1xf32>
    %ne3A_935 = arith.constant 0 : i32
    %ne3A_936 = arith.cmpi ne, %get3A_861, %ne3A_935 : i32
    %lt3A_937 = arith.constant 83584 : i32
    %lt3A_938 = arith.cmpi slt, %get3A_861, %lt3A_937 : i32
    %and3A_939 = arith.andi %ne3A_936, %lt3A_938 : i1
    %jit3A_940 = arith.constant 0.000000e+00 : f32
    %select_n3A_941 = arith.select %and3A_939, %reduce_sum3A_919, %jit3A_940 : f32
    %add3A_942 = arith.addf %add3A_855, %select_n3A_941 : f32
    %ge3A_943 = arith.constant 99968 : i32
    %ge3A_944 = arith.cmpi sge, %get3A_861, %ge3A_943 : i32
    %jit3A_945 = arith.constant 0.000000e+00 : f32
    %select_n3A_946 = arith.select %ge3A_944, %reduce_sum3A_934, %jit3A_945 : f32
    %add3A_947 = arith.addf %add3A_942, %select_n3A_946 : f32
    %mul3A_948 = arith.constant 32 : i32
    %mul3A_949 = arith.muli %arg0, %mul3A_948 : i32
    %add3A_950 = arith.constant 10 : i32
    %add3A_951 = arith.addi %mul3A_949, %add3A_950 : i32
    %get3A_952 = arith.index_cast %add3A_951 : i32 to index
    %get3A_953 = memref.load %arg1[%get3A_952] : memref<1024xi32, #tpu.memory_space<smem>>
    %min3A_954 = arith.constant 83583 : i32
    %min3A_955 = arith.minsi %get3A_953, %min3A_954 : i32
    %jit3A_956 = arith.constant 128 : i32
    %div3A_957 = arith.divsi %min3A_955, %jit3A_956 : i32
    %sign3A_958 = arith.constant 0 : i32
    %sign3A_959 = arith.cmpi sgt, %min3A_955, %sign3A_958 : i32
    %sign3A_960 = arith.extui %sign3A_959 : i1 to i32
    %sign3A_961 = arith.constant 0 : i32
    %sign3A_962 = arith.cmpi slt, %min3A_955, %sign3A_961 : i32
    %sign3A_963 = arith.extui %sign3A_962 : i1 to i32
    %sign3A_964 = arith.subi %sign3A_960, %sign3A_963 : i32
    %sign3A_965 = arith.constant 0 : i32
    %sign3A_966 = arith.cmpi sgt, %jit3A_956, %sign3A_965 : i32
    %sign3A_967 = arith.extui %sign3A_966 : i1 to i32
    %sign3A_968 = arith.constant 0 : i32
    %sign3A_969 = arith.cmpi slt, %jit3A_956, %sign3A_968 : i32
    %sign3A_970 = arith.extui %sign3A_969 : i1 to i32
    %sign3A_971 = arith.subi %sign3A_967, %sign3A_970 : i32
    %ne3A_972 = arith.cmpi ne, %sign3A_964, %sign3A_971 : i32
    %rem3A_973 = arith.remsi %min3A_955, %jit3A_956 : i32
    %ne3A_974 = arith.constant 0 : i32
    %ne3A_975 = arith.cmpi ne, %rem3A_973, %ne3A_974 : i32
    %and3A_976 = arith.andi %ne3A_972, %ne3A_975 : i1
    %sub3A_977 = arith.constant 1 : i32
    %sub3A_978 = arith.subi %div3A_957, %sub3A_977 : i32
    %select_n3A_979 = arith.select %and3A_976, %sub3A_978, %div3A_957 : i32
    %mul3A_980 = arith.constant 128 : i32
    %mul3A_981 = arith.muli %select_n3A_979, %mul3A_980 : i32
    %multiple_of3A_982 = tpu.assume_multiple %mul3A_981, 128 : i32
    %get3A_983 = arith.constant 10 : index
    %get3A_984 = arith.index_cast %multiple_of3A_982 : i32 to index
    %get3A_985 = vector.load %arg3[%get3A_983, %get3A_984] : memref<32x83584xf32, #tpu.memory_space<vmem>>, vector<1x128xf32>
    %jit3A_986 = arith.constant 128 : i32
    %eq3A_987 = arith.constant 0 : i32
    %eq3A_988 = arith.cmpi eq, %jit3A_986, %eq3A_987 : i32
    %jit3A_989 = arith.constant 1 : i32
    %select_n3A_990 = arith.select %eq3A_988, %jit3A_989, %jit3A_986 : i32
    %rem3A_991 = arith.remsi %get3A_953, %select_n3A_990 : i32
    %ne3A_992 = arith.constant 0 : i32
    %ne3A_993 = arith.cmpi ne, %rem3A_991, %ne3A_992 : i32
    %lt3A_994 = arith.constant 0 : i32
    %lt3A_995 = arith.cmpi slt, %rem3A_991, %lt3A_994 : i32
    %lt3A_996 = arith.constant 0 : i32
    %lt3A_997 = arith.cmpi slt, %select_n3A_990, %lt3A_996 : i32
    %ne3A_998 = arith.xori %lt3A_995, %lt3A_997 : i1
    %and3A_999 = arith.andi %ne3A_998, %ne3A_993 : i1
    %add3A_1000 = arith.addi %rem3A_991, %select_n3A_990 : i32
    %select_n3A_1001 = arith.select %and3A_999, %add3A_1000, %rem3A_991 : i32
    %eq3A_1002 = vector.broadcast %select_n3A_1001 : i32 to vector<1x128xi32>
    %eq3A_1003 = arith.cmpi eq, %iota3A_35, %eq3A_1002 : vector<1x128xi32>
    %jit3A_1004 = arith.constant 0.000000e+00 : f32
    %broadcast_in_dim3A_1005 = vector.broadcast %jit3A_1004 : f32 to vector<1x128xf32>
    %select_n3A_1006 = arith.select %eq3A_1003, %get3A_985, %broadcast_in_dim3A_1005 : vector<1x128xi1>, vector<1x128xf32>
    %reduce_sum3A_1007 = vector.shape_cast %select_n3A_1006 : vector<1x128xf32> to vector<1x1x128xf32>
    %reduce_sum3A_1008 = arith.constant dense<0.000000e+00> : vector<1xf32>
    %reduce_sum3A_1009 = vector.multi_reduction <add>, %reduce_sum3A_1007, %reduce_sum3A_1008 [1, 2] : vector<1x1x128xf32> to vector<1xf32>
    %reduce_sum3A_1010 = vector.shape_cast %reduce_sum3A_1009 : vector<1xf32> to vector<1x1x1xf32>
    %reduce_sum3A_1011 = vector.extract %reduce_sum3A_1010[0, 0, 0] : f32 from vector<1x1x1xf32>
    %sub3A_1012 = arith.constant 99968 : i32
    %sub3A_1013 = arith.subi %get3A_953, %sub3A_1012 : i32
    %eq3A_1014 = vector.broadcast %sub3A_1013 : i32 to vector<1x128xi32>
    %eq3A_1015 = arith.cmpi eq, %iota3A_35, %eq3A_1014 : vector<1x128xi32>
    %get3A_1016 = arith.constant 10 : index
    %get3A_1017 = arith.constant 0 : index
    %get3A_1018 = vector.load %arg4[%get3A_1016, %get3A_1017] : memref<32x128xf32, #tpu.memory_space<vmem>>, vector<1x128xf32>
    %jit3A_1019 = arith.constant 0.000000e+00 : f32
    %broadcast_in_dim3A_1020 = vector.broadcast %jit3A_1019 : f32 to vector<1x128xf32>
    %select_n3A_1021 = arith.select %eq3A_1015, %get3A_1018, %broadcast_in_dim3A_1020 : vector<1x128xi1>, vector<1x128xf32>
    %reduce_sum3A_1022 = vector.shape_cast %select_n3A_1021 : vector<1x128xf32> to vector<1x1x128xf32>
    %reduce_sum3A_1023 = arith.constant dense<0.000000e+00> : vector<1xf32>
    %reduce_sum3A_1024 = vector.multi_reduction <add>, %reduce_sum3A_1022, %reduce_sum3A_1023 [1, 2] : vector<1x1x128xf32> to vector<1xf32>
    %reduce_sum3A_1025 = vector.shape_cast %reduce_sum3A_1024 : vector<1xf32> to vector<1x1x1xf32>
    %reduce_sum3A_1026 = vector.extract %reduce_sum3A_1025[0, 0, 0] : f32 from vector<1x1x1xf32>
    %ne3A_1027 = arith.constant 0 : i32
    %ne3A_1028 = arith.cmpi ne, %get3A_953, %ne3A_1027 : i32
    %lt3A_1029 = arith.constant 83584 : i32
    %lt3A_1030 = arith.cmpi slt, %get3A_953, %lt3A_1029 : i32
    %and3A_1031 = arith.andi %ne3A_1028, %lt3A_1030 : i1
    %jit3A_1032 = arith.constant 0.000000e+00 : f32
    %select_n3A_1033 = arith.select %and3A_1031, %reduce_sum3A_1011, %jit3A_1032 : f32
    %add3A_1034 = arith.addf %add3A_947, %select_n3A_1033 : f32
    %ge3A_1035 = arith.constant 99968 : i32
    %ge3A_1036 = arith.cmpi sge, %get3A_953, %ge3A_1035 : i32
    %jit3A_1037 = arith.constant 0.000000e+00 : f32
    %select_n3A_1038 = arith.select %ge3A_1036, %reduce_sum3A_1026, %jit3A_1037 : f32
    %add3A_1039 = arith.addf %add3A_1034, %select_n3A_1038 : f32
    %mul3A_1040 = arith.constant 32 : i32
    %mul3A_1041 = arith.muli %arg0, %mul3A_1040 : i32
    %add3A_1042 = arith.constant 11 : i32
    %add3A_1043 = arith.addi %mul3A_1041, %add3A_1042 : i32
    %get3A_1044 = arith.index_cast %add3A_1043 : i32 to index
    %get3A_1045 = memref.load %arg1[%get3A_1044] : memref<1024xi32, #tpu.memory_space<smem>>
    %min3A_1046 = arith.constant 83583 : i32
    %min3A_1047 = arith.minsi %get3A_1045, %min3A_1046 : i32
    %jit3A_1048 = arith.constant 128 : i32
    %div3A_1049 = arith.divsi %min3A_1047, %jit3A_1048 : i32
    %sign3A_1050 = arith.constant 0 : i32
    %sign3A_1051 = arith.cmpi sgt, %min3A_1047, %sign3A_1050 : i32
    %sign3A_1052 = arith.extui %sign3A_1051 : i1 to i32
    %sign3A_1053 = arith.constant 0 : i32
    %sign3A_1054 = arith.cmpi slt, %min3A_1047, %sign3A_1053 : i32
    %sign3A_1055 = arith.extui %sign3A_1054 : i1 to i32
    %sign3A_1056 = arith.subi %sign3A_1052, %sign3A_1055 : i32
    %sign3A_1057 = arith.constant 0 : i32
    %sign3A_1058 = arith.cmpi sgt, %jit3A_1048, %sign3A_1057 : i32
    %sign3A_1059 = arith.extui %sign3A_1058 : i1 to i32
    %sign3A_1060 = arith.constant 0 : i32
    %sign3A_1061 = arith.cmpi slt, %jit3A_1048, %sign3A_1060 : i32
    %sign3A_1062 = arith.extui %sign3A_1061 : i1 to i32
    %sign3A_1063 = arith.subi %sign3A_1059, %sign3A_1062 : i32
    %ne3A_1064 = arith.cmpi ne, %sign3A_1056, %sign3A_1063 : i32
    %rem3A_1065 = arith.remsi %min3A_1047, %jit3A_1048 : i32
    %ne3A_1066 = arith.constant 0 : i32
    %ne3A_1067 = arith.cmpi ne, %rem3A_1065, %ne3A_1066 : i32
    %and3A_1068 = arith.andi %ne3A_1064, %ne3A_1067 : i1
    %sub3A_1069 = arith.constant 1 : i32
    %sub3A_1070 = arith.subi %div3A_1049, %sub3A_1069 : i32
    %select_n3A_1071 = arith.select %and3A_1068, %sub3A_1070, %div3A_1049 : i32
    %mul3A_1072 = arith.constant 128 : i32
    %mul3A_1073 = arith.muli %select_n3A_1071, %mul3A_1072 : i32
    %multiple_of3A_1074 = tpu.assume_multiple %mul3A_1073, 128 : i32
    %get3A_1075 = arith.constant 11 : index
    %get3A_1076 = arith.index_cast %multiple_of3A_1074 : i32 to index
    %get3A_1077 = vector.load %arg3[%get3A_1075, %get3A_1076] : memref<32x83584xf32, #tpu.memory_space<vmem>>, vector<1x128xf32>
    %jit3A_1078 = arith.constant 128 : i32
    %eq3A_1079 = arith.constant 0 : i32
    %eq3A_1080 = arith.cmpi eq, %jit3A_1078, %eq3A_1079 : i32
    %jit3A_1081 = arith.constant 1 : i32
    %select_n3A_1082 = arith.select %eq3A_1080, %jit3A_1081, %jit3A_1078 : i32
    %rem3A_1083 = arith.remsi %get3A_1045, %select_n3A_1082 : i32
    %ne3A_1084 = arith.constant 0 : i32
    %ne3A_1085 = arith.cmpi ne, %rem3A_1083, %ne3A_1084 : i32
    %lt3A_1086 = arith.constant 0 : i32
    %lt3A_1087 = arith.cmpi slt, %rem3A_1083, %lt3A_1086 : i32
    %lt3A_1088 = arith.constant 0 : i32
    %lt3A_1089 = arith.cmpi slt, %select_n3A_1082, %lt3A_1088 : i32
    %ne3A_1090 = arith.xori %lt3A_1087, %lt3A_1089 : i1
    %and3A_1091 = arith.andi %ne3A_1090, %ne3A_1085 : i1
    %add3A_1092 = arith.addi %rem3A_1083, %select_n3A_1082 : i32
    %select_n3A_1093 = arith.select %and3A_1091, %add3A_1092, %rem3A_1083 : i32
    %eq3A_1094 = vector.broadcast %select_n3A_1093 : i32 to vector<1x128xi32>
    %eq3A_1095 = arith.cmpi eq, %iota3A_35, %eq3A_1094 : vector<1x128xi32>
    %jit3A_1096 = arith.constant 0.000000e+00 : f32
    %broadcast_in_dim3A_1097 = vector.broadcast %jit3A_1096 : f32 to vector<1x128xf32>
    %select_n3A_1098 = arith.select %eq3A_1095, %get3A_1077, %broadcast_in_dim3A_1097 : vector<1x128xi1>, vector<1x128xf32>
    %reduce_sum3A_1099 = vector.shape_cast %select_n3A_1098 : vector<1x128xf32> to vector<1x1x128xf32>
    %reduce_sum3A_1100 = arith.constant dense<0.000000e+00> : vector<1xf32>
    %reduce_sum3A_1101 = vector.multi_reduction <add>, %reduce_sum3A_1099, %reduce_sum3A_1100 [1, 2] : vector<1x1x128xf32> to vector<1xf32>
    %reduce_sum3A_1102 = vector.shape_cast %reduce_sum3A_1101 : vector<1xf32> to vector<1x1x1xf32>
    %reduce_sum3A_1103 = vector.extract %reduce_sum3A_1102[0, 0, 0] : f32 from vector<1x1x1xf32>
    %sub3A_1104 = arith.constant 99968 : i32
    %sub3A_1105 = arith.subi %get3A_1045, %sub3A_1104 : i32
    %eq3A_1106 = vector.broadcast %sub3A_1105 : i32 to vector<1x128xi32>
    %eq3A_1107 = arith.cmpi eq, %iota3A_35, %eq3A_1106 : vector<1x128xi32>
    %get3A_1108 = arith.constant 11 : index
    %get3A_1109 = arith.constant 0 : index
    %get3A_1110 = vector.load %arg4[%get3A_1108, %get3A_1109] : memref<32x128xf32, #tpu.memory_space<vmem>>, vector<1x128xf32>
    %jit3A_1111 = arith.constant 0.000000e+00 : f32
    %broadcast_in_dim3A_1112 = vector.broadcast %jit3A_1111 : f32 to vector<1x128xf32>
    %select_n3A_1113 = arith.select %eq3A_1107, %get3A_1110, %broadcast_in_dim3A_1112 : vector<1x128xi1>, vector<1x128xf32>
    %reduce_sum3A_1114 = vector.shape_cast %select_n3A_1113 : vector<1x128xf32> to vector<1x1x128xf32>
    %reduce_sum3A_1115 = arith.constant dense<0.000000e+00> : vector<1xf32>
    %reduce_sum3A_1116 = vector.multi_reduction <add>, %reduce_sum3A_1114, %reduce_sum3A_1115 [1, 2] : vector<1x1x128xf32> to vector<1xf32>
    %reduce_sum3A_1117 = vector.shape_cast %reduce_sum3A_1116 : vector<1xf32> to vector<1x1x1xf32>
    %reduce_sum3A_1118 = vector.extract %reduce_sum3A_1117[0, 0, 0] : f32 from vector<1x1x1xf32>
    %ne3A_1119 = arith.constant 0 : i32
    %ne3A_1120 = arith.cmpi ne, %get3A_1045, %ne3A_1119 : i32
    %lt3A_1121 = arith.constant 83584 : i32
    %lt3A_1122 = arith.cmpi slt, %get3A_1045, %lt3A_1121 : i32
    %and3A_1123 = arith.andi %ne3A_1120, %lt3A_1122 : i1
    %jit3A_1124 = arith.constant 0.000000e+00 : f32
    %select_n3A_1125 = arith.select %and3A_1123, %reduce_sum3A_1103, %jit3A_1124 : f32
    %add3A_1126 = arith.addf %add3A_1039, %select_n3A_1125 : f32
    %ge3A_1127 = arith.constant 99968 : i32
    %ge3A_1128 = arith.cmpi sge, %get3A_1045, %ge3A_1127 : i32
    %jit3A_1129 = arith.constant 0.000000e+00 : f32
    %select_n3A_1130 = arith.select %ge3A_1128, %reduce_sum3A_1118, %jit3A_1129 : f32
    %add3A_1131 = arith.addf %add3A_1126, %select_n3A_1130 : f32
    %mul3A_1132 = arith.constant 32 : i32
    %mul3A_1133 = arith.muli %arg0, %mul3A_1132 : i32
    %add3A_1134 = arith.constant 12 : i32
    %add3A_1135 = arith.addi %mul3A_1133, %add3A_1134 : i32
    %get3A_1136 = arith.index_cast %add3A_1135 : i32 to index
    %get3A_1137 = memref.load %arg1[%get3A_1136] : memref<1024xi32, #tpu.memory_space<smem>>
    %min3A_1138 = arith.constant 83583 : i32
    %min3A_1139 = arith.minsi %get3A_1137, %min3A_1138 : i32
    %jit3A_1140 = arith.constant 128 : i32
    %div3A_1141 = arith.divsi %min3A_1139, %jit3A_1140 : i32
    %sign3A_1142 = arith.constant 0 : i32
    %sign3A_1143 = arith.cmpi sgt, %min3A_1139, %sign3A_1142 : i32
    %sign3A_1144 = arith.extui %sign3A_1143 : i1 to i32
    %sign3A_1145 = arith.constant 0 : i32
    %sign3A_1146 = arith.cmpi slt, %min3A_1139, %sign3A_1145 : i32
    %sign3A_1147 = arith.extui %sign3A_1146 : i1 to i32
    %sign3A_1148 = arith.subi %sign3A_1144, %sign3A_1147 : i32
    %sign3A_1149 = arith.constant 0 : i32
    %sign3A_1150 = arith.cmpi sgt, %jit3A_1140, %sign3A_1149 : i32
    %sign3A_1151 = arith.extui %sign3A_1150 : i1 to i32
    %sign3A_1152 = arith.constant 0 : i32
    %sign3A_1153 = arith.cmpi slt, %jit3A_1140, %sign3A_1152 : i32
    %sign3A_1154 = arith.extui %sign3A_1153 : i1 to i32
    %sign3A_1155 = arith.subi %sign3A_1151, %sign3A_1154 : i32
    %ne3A_1156 = arith.cmpi ne, %sign3A_1148, %sign3A_1155 : i32
    %rem3A_1157 = arith.remsi %min3A_1139, %jit3A_1140 : i32
    %ne3A_1158 = arith.constant 0 : i32
    %ne3A_1159 = arith.cmpi ne, %rem3A_1157, %ne3A_1158 : i32
    %and3A_1160 = arith.andi %ne3A_1156, %ne3A_1159 : i1
    %sub3A_1161 = arith.constant 1 : i32
    %sub3A_1162 = arith.subi %div3A_1141, %sub3A_1161 : i32
    %select_n3A_1163 = arith.select %and3A_1160, %sub3A_1162, %div3A_1141 : i32
    %mul3A_1164 = arith.constant 128 : i32
    %mul3A_1165 = arith.muli %select_n3A_1163, %mul3A_1164 : i32
    %multiple_of3A_1166 = tpu.assume_multiple %mul3A_1165, 128 : i32
    %get3A_1167 = arith.constant 12 : index
    %get3A_1168 = arith.index_cast %multiple_of3A_1166 : i32 to index
    %get3A_1169 = vector.load %arg3[%get3A_1167, %get3A_1168] : memref<32x83584xf32, #tpu.memory_space<vmem>>, vector<1x128xf32>
    %jit3A_1170 = arith.constant 128 : i32
    %eq3A_1171 = arith.constant 0 : i32
    %eq3A_1172 = arith.cmpi eq, %jit3A_1170, %eq3A_1171 : i32
    %jit3A_1173 = arith.constant 1 : i32
    %select_n3A_1174 = arith.select %eq3A_1172, %jit3A_1173, %jit3A_1170 : i32
    %rem3A_1175 = arith.remsi %get3A_1137, %select_n3A_1174 : i32
    %ne3A_1176 = arith.constant 0 : i32
    %ne3A_1177 = arith.cmpi ne, %rem3A_1175, %ne3A_1176 : i32
    %lt3A_1178 = arith.constant 0 : i32
    %lt3A_1179 = arith.cmpi slt, %rem3A_1175, %lt3A_1178 : i32
    %lt3A_1180 = arith.constant 0 : i32
    %lt3A_1181 = arith.cmpi slt, %select_n3A_1174, %lt3A_1180 : i32
    %ne3A_1182 = arith.xori %lt3A_1179, %lt3A_1181 : i1
    %and3A_1183 = arith.andi %ne3A_1182, %ne3A_1177 : i1
    %add3A_1184 = arith.addi %rem3A_1175, %select_n3A_1174 : i32
    %select_n3A_1185 = arith.select %and3A_1183, %add3A_1184, %rem3A_1175 : i32
    %eq3A_1186 = vector.broadcast %select_n3A_1185 : i32 to vector<1x128xi32>
    %eq3A_1187 = arith.cmpi eq, %iota3A_35, %eq3A_1186 : vector<1x128xi32>
    %jit3A_1188 = arith.constant 0.000000e+00 : f32
    %broadcast_in_dim3A_1189 = vector.broadcast %jit3A_1188 : f32 to vector<1x128xf32>
    %select_n3A_1190 = arith.select %eq3A_1187, %get3A_1169, %broadcast_in_dim3A_1189 : vector<1x128xi1>, vector<1x128xf32>
    %reduce_sum3A_1191 = vector.shape_cast %select_n3A_1190 : vector<1x128xf32> to vector<1x1x128xf32>
    %reduce_sum3A_1192 = arith.constant dense<0.000000e+00> : vector<1xf32>
    %reduce_sum3A_1193 = vector.multi_reduction <add>, %reduce_sum3A_1191, %reduce_sum3A_1192 [1, 2] : vector<1x1x128xf32> to vector<1xf32>
    %reduce_sum3A_1194 = vector.shape_cast %reduce_sum3A_1193 : vector<1xf32> to vector<1x1x1xf32>
    %reduce_sum3A_1195 = vector.extract %reduce_sum3A_1194[0, 0, 0] : f32 from vector<1x1x1xf32>
    %sub3A_1196 = arith.constant 99968 : i32
    %sub3A_1197 = arith.subi %get3A_1137, %sub3A_1196 : i32
    %eq3A_1198 = vector.broadcast %sub3A_1197 : i32 to vector<1x128xi32>
    %eq3A_1199 = arith.cmpi eq, %iota3A_35, %eq3A_1198 : vector<1x128xi32>
    %get3A_1200 = arith.constant 12 : index
    %get3A_1201 = arith.constant 0 : index
    %get3A_1202 = vector.load %arg4[%get3A_1200, %get3A_1201] : memref<32x128xf32, #tpu.memory_space<vmem>>, vector<1x128xf32>
    %jit3A_1203 = arith.constant 0.000000e+00 : f32
    %broadcast_in_dim3A_1204 = vector.broadcast %jit3A_1203 : f32 to vector<1x128xf32>
    %select_n3A_1205 = arith.select %eq3A_1199, %get3A_1202, %broadcast_in_dim3A_1204 : vector<1x128xi1>, vector<1x128xf32>
    %reduce_sum3A_1206 = vector.shape_cast %select_n3A_1205 : vector<1x128xf32> to vector<1x1x128xf32>
    %reduce_sum3A_1207 = arith.constant dense<0.000000e+00> : vector<1xf32>
    %reduce_sum3A_1208 = vector.multi_reduction <add>, %reduce_sum3A_1206, %reduce_sum3A_1207 [1, 2] : vector<1x1x128xf32> to vector<1xf32>
    %reduce_sum3A_1209 = vector.shape_cast %reduce_sum3A_1208 : vector<1xf32> to vector<1x1x1xf32>
    %reduce_sum3A_1210 = vector.extract %reduce_sum3A_1209[0, 0, 0] : f32 from vector<1x1x1xf32>
    %ne3A_1211 = arith.constant 0 : i32
    %ne3A_1212 = arith.cmpi ne, %get3A_1137, %ne3A_1211 : i32
    %lt3A_1213 = arith.constant 83584 : i32
    %lt3A_1214 = arith.cmpi slt, %get3A_1137, %lt3A_1213 : i32
    %and3A_1215 = arith.andi %ne3A_1212, %lt3A_1214 : i1
    %jit3A_1216 = arith.constant 0.000000e+00 : f32
    %select_n3A_1217 = arith.select %and3A_1215, %reduce_sum3A_1195, %jit3A_1216 : f32
    %add3A_1218 = arith.addf %add3A_1131, %select_n3A_1217 : f32
    %ge3A_1219 = arith.constant 99968 : i32
    %ge3A_1220 = arith.cmpi sge, %get3A_1137, %ge3A_1219 : i32
    %jit3A_1221 = arith.constant 0.000000e+00 : f32
    %select_n3A_1222 = arith.select %ge3A_1220, %reduce_sum3A_1210, %jit3A_1221 : f32
    %add3A_1223 = arith.addf %add3A_1218, %select_n3A_1222 : f32
    %mul3A_1224 = arith.constant 32 : i32
    %mul3A_1225 = arith.muli %arg0, %mul3A_1224 : i32
    %add3A_1226 = arith.constant 13 : i32
    %add3A_1227 = arith.addi %mul3A_1225, %add3A_1226 : i32
    %get3A_1228 = arith.index_cast %add3A_1227 : i32 to index
    %get3A_1229 = memref.load %arg1[%get3A_1228] : memref<1024xi32, #tpu.memory_space<smem>>
    %min3A_1230 = arith.constant 83583 : i32
    %min3A_1231 = arith.minsi %get3A_1229, %min3A_1230 : i32
    %jit3A_1232 = arith.constant 128 : i32
    %div3A_1233 = arith.divsi %min3A_1231, %jit3A_1232 : i32
    %sign3A_1234 = arith.constant 0 : i32
    %sign3A_1235 = arith.cmpi sgt, %min3A_1231, %sign3A_1234 : i32
    %sign3A_1236 = arith.extui %sign3A_1235 : i1 to i32
    %sign3A_1237 = arith.constant 0 : i32
    %sign3A_1238 = arith.cmpi slt, %min3A_1231, %sign3A_1237 : i32
    %sign3A_1239 = arith.extui %sign3A_1238 : i1 to i32
    %sign3A_1240 = arith.subi %sign3A_1236, %sign3A_1239 : i32
    %sign3A_1241 = arith.constant 0 : i32
    %sign3A_1242 = arith.cmpi sgt, %jit3A_1232, %sign3A_1241 : i32
    %sign3A_1243 = arith.extui %sign3A_1242 : i1 to i32
    %sign3A_1244 = arith.constant 0 : i32
    %sign3A_1245 = arith.cmpi slt, %jit3A_1232, %sign3A_1244 : i32
    %sign3A_1246 = arith.extui %sign3A_1245 : i1 to i32
    %sign3A_1247 = arith.subi %sign3A_1243, %sign3A_1246 : i32
    %ne3A_1248 = arith.cmpi ne, %sign3A_1240, %sign3A_1247 : i32
    %rem3A_1249 = arith.remsi %min3A_1231, %jit3A_1232 : i32
    %ne3A_1250 = arith.constant 0 : i32
    %ne3A_1251 = arith.cmpi ne, %rem3A_1249, %ne3A_1250 : i32
    %and3A_1252 = arith.andi %ne3A_1248, %ne3A_1251 : i1
    %sub3A_1253 = arith.constant 1 : i32
    %sub3A_1254 = arith.subi %div3A_1233, %sub3A_1253 : i32
    %select_n3A_1255 = arith.select %and3A_1252, %sub3A_1254, %div3A_1233 : i32
    %mul3A_1256 = arith.constant 128 : i32
    %mul3A_1257 = arith.muli %select_n3A_1255, %mul3A_1256 : i32
    %multiple_of3A_1258 = tpu.assume_multiple %mul3A_1257, 128 : i32
    %get3A_1259 = arith.constant 13 : index
    %get3A_1260 = arith.index_cast %multiple_of3A_1258 : i32 to index
    %get3A_1261 = vector.load %arg3[%get3A_1259, %get3A_1260] : memref<32x83584xf32, #tpu.memory_space<vmem>>, vector<1x128xf32>
    %jit3A_1262 = arith.constant 128 : i32
    %eq3A_1263 = arith.constant 0 : i32
    %eq3A_1264 = arith.cmpi eq, %jit3A_1262, %eq3A_1263 : i32
    %jit3A_1265 = arith.constant 1 : i32
    %select_n3A_1266 = arith.select %eq3A_1264, %jit3A_1265, %jit3A_1262 : i32
    %rem3A_1267 = arith.remsi %get3A_1229, %select_n3A_1266 : i32
    %ne3A_1268 = arith.constant 0 : i32
    %ne3A_1269 = arith.cmpi ne, %rem3A_1267, %ne3A_1268 : i32
    %lt3A_1270 = arith.constant 0 : i32
    %lt3A_1271 = arith.cmpi slt, %rem3A_1267, %lt3A_1270 : i32
    %lt3A_1272 = arith.constant 0 : i32
    %lt3A_1273 = arith.cmpi slt, %select_n3A_1266, %lt3A_1272 : i32
    %ne3A_1274 = arith.xori %lt3A_1271, %lt3A_1273 : i1
    %and3A_1275 = arith.andi %ne3A_1274, %ne3A_1269 : i1
    %add3A_1276 = arith.addi %rem3A_1267, %select_n3A_1266 : i32
    %select_n3A_1277 = arith.select %and3A_1275, %add3A_1276, %rem3A_1267 : i32
    %eq3A_1278 = vector.broadcast %select_n3A_1277 : i32 to vector<1x128xi32>
    %eq3A_1279 = arith.cmpi eq, %iota3A_35, %eq3A_1278 : vector<1x128xi32>
    %jit3A_1280 = arith.constant 0.000000e+00 : f32
    %broadcast_in_dim3A_1281 = vector.broadcast %jit3A_1280 : f32 to vector<1x128xf32>
    %select_n3A_1282 = arith.select %eq3A_1279, %get3A_1261, %broadcast_in_dim3A_1281 : vector<1x128xi1>, vector<1x128xf32>
    %reduce_sum3A_1283 = vector.shape_cast %select_n3A_1282 : vector<1x128xf32> to vector<1x1x128xf32>
    %reduce_sum3A_1284 = arith.constant dense<0.000000e+00> : vector<1xf32>
    %reduce_sum3A_1285 = vector.multi_reduction <add>, %reduce_sum3A_1283, %reduce_sum3A_1284 [1, 2] : vector<1x1x128xf32> to vector<1xf32>
    %reduce_sum3A_1286 = vector.shape_cast %reduce_sum3A_1285 : vector<1xf32> to vector<1x1x1xf32>
    %reduce_sum3A_1287 = vector.extract %reduce_sum3A_1286[0, 0, 0] : f32 from vector<1x1x1xf32>
    %sub3A_1288 = arith.constant 99968 : i32
    %sub3A_1289 = arith.subi %get3A_1229, %sub3A_1288 : i32
    %eq3A_1290 = vector.broadcast %sub3A_1289 : i32 to vector<1x128xi32>
    %eq3A_1291 = arith.cmpi eq, %iota3A_35, %eq3A_1290 : vector<1x128xi32>
    %get3A_1292 = arith.constant 13 : index
    %get3A_1293 = arith.constant 0 : index
    %get3A_1294 = vector.load %arg4[%get3A_1292, %get3A_1293] : memref<32x128xf32, #tpu.memory_space<vmem>>, vector<1x128xf32>
    %jit3A_1295 = arith.constant 0.000000e+00 : f32
    %broadcast_in_dim3A_1296 = vector.broadcast %jit3A_1295 : f32 to vector<1x128xf32>
    %select_n3A_1297 = arith.select %eq3A_1291, %get3A_1294, %broadcast_in_dim3A_1296 : vector<1x128xi1>, vector<1x128xf32>
    %reduce_sum3A_1298 = vector.shape_cast %select_n3A_1297 : vector<1x128xf32> to vector<1x1x128xf32>
    %reduce_sum3A_1299 = arith.constant dense<0.000000e+00> : vector<1xf32>
    %reduce_sum3A_1300 = vector.multi_reduction <add>, %reduce_sum3A_1298, %reduce_sum3A_1299 [1, 2] : vector<1x1x128xf32> to vector<1xf32>
    %reduce_sum3A_1301 = vector.shape_cast %reduce_sum3A_1300 : vector<1xf32> to vector<1x1x1xf32>
    %reduce_sum3A_1302 = vector.extract %reduce_sum3A_1301[0, 0, 0] : f32 from vector<1x1x1xf32>
    %ne3A_1303 = arith.constant 0 : i32
    %ne3A_1304 = arith.cmpi ne, %get3A_1229, %ne3A_1303 : i32
    %lt3A_1305 = arith.constant 83584 : i32
    %lt3A_1306 = arith.cmpi slt, %get3A_1229, %lt3A_1305 : i32
    %and3A_1307 = arith.andi %ne3A_1304, %lt3A_1306 : i1
    %jit3A_1308 = arith.constant 0.000000e+00 : f32
    %select_n3A_1309 = arith.select %and3A_1307, %reduce_sum3A_1287, %jit3A_1308 : f32
    %add3A_1310 = arith.addf %add3A_1223, %select_n3A_1309 : f32
    %ge3A_1311 = arith.constant 99968 : i32
    %ge3A_1312 = arith.cmpi sge, %get3A_1229, %ge3A_1311 : i32
    %jit3A_1313 = arith.constant 0.000000e+00 : f32
    %select_n3A_1314 = arith.select %ge3A_1312, %reduce_sum3A_1302, %jit3A_1313 : f32
    %add3A_1315 = arith.addf %add3A_1310, %select_n3A_1314 : f32
    %mul3A_1316 = arith.constant 32 : i32
    %mul3A_1317 = arith.muli %arg0, %mul3A_1316 : i32
    %add3A_1318 = arith.constant 14 : i32
    %add3A_1319 = arith.addi %mul3A_1317, %add3A_1318 : i32
    %get3A_1320 = arith.index_cast %add3A_1319 : i32 to index
    %get3A_1321 = memref.load %arg1[%get3A_1320] : memref<1024xi32, #tpu.memory_space<smem>>
    %min3A_1322 = arith.constant 83583 : i32
    %min3A_1323 = arith.minsi %get3A_1321, %min3A_1322 : i32
    %jit3A_1324 = arith.constant 128 : i32
    %div3A_1325 = arith.divsi %min3A_1323, %jit3A_1324 : i32
    %sign3A_1326 = arith.constant 0 : i32
    %sign3A_1327 = arith.cmpi sgt, %min3A_1323, %sign3A_1326 : i32
    %sign3A_1328 = arith.extui %sign3A_1327 : i1 to i32
    %sign3A_1329 = arith.constant 0 : i32
    %sign3A_1330 = arith.cmpi slt, %min3A_1323, %sign3A_1329 : i32
    %sign3A_1331 = arith.extui %sign3A_1330 : i1 to i32
    %sign3A_1332 = arith.subi %sign3A_1328, %sign3A_1331 : i32
    %sign3A_1333 = arith.constant 0 : i32
    %sign3A_1334 = arith.cmpi sgt, %jit3A_1324, %sign3A_1333 : i32
    %sign3A_1335 = arith.extui %sign3A_1334 : i1 to i32
    %sign3A_1336 = arith.constant 0 : i32
    %sign3A_1337 = arith.cmpi slt, %jit3A_1324, %sign3A_1336 : i32
    %sign3A_1338 = arith.extui %sign3A_1337 : i1 to i32
    %sign3A_1339 = arith.subi %sign3A_1335, %sign3A_1338 : i32
    %ne3A_1340 = arith.cmpi ne, %sign3A_1332, %sign3A_1339 : i32
    %rem3A_1341 = arith.remsi %min3A_1323, %jit3A_1324 : i32
    %ne3A_1342 = arith.constant 0 : i32
    %ne3A_1343 = arith.cmpi ne, %rem3A_1341, %ne3A_1342 : i32
    %and3A_1344 = arith.andi %ne3A_1340, %ne3A_1343 : i1
    %sub3A_1345 = arith.constant 1 : i32
    %sub3A_1346 = arith.subi %div3A_1325, %sub3A_1345 : i32
    %select_n3A_1347 = arith.select %and3A_1344, %sub3A_1346, %div3A_1325 : i32
    %mul3A_1348 = arith.constant 128 : i32
    %mul3A_1349 = arith.muli %select_n3A_1347, %mul3A_1348 : i32
    %multiple_of3A_1350 = tpu.assume_multiple %mul3A_1349, 128 : i32
    %get3A_1351 = arith.constant 14 : index
    %get3A_1352 = arith.index_cast %multiple_of3A_1350 : i32 to index
    %get3A_1353 = vector.load %arg3[%get3A_1351, %get3A_1352] : memref<32x83584xf32, #tpu.memory_space<vmem>>, vector<1x128xf32>
    %jit3A_1354 = arith.constant 128 : i32
    %eq3A_1355 = arith.constant 0 : i32
    %eq3A_1356 = arith.cmpi eq, %jit3A_1354, %eq3A_1355 : i32
    %jit3A_1357 = arith.constant 1 : i32
    %select_n3A_1358 = arith.select %eq3A_1356, %jit3A_1357, %jit3A_1354 : i32
    %rem3A_1359 = arith.remsi %get3A_1321, %select_n3A_1358 : i32
    %ne3A_1360 = arith.constant 0 : i32
    %ne3A_1361 = arith.cmpi ne, %rem3A_1359, %ne3A_1360 : i32
    %lt3A_1362 = arith.constant 0 : i32
    %lt3A_1363 = arith.cmpi slt, %rem3A_1359, %lt3A_1362 : i32
    %lt3A_1364 = arith.constant 0 : i32
    %lt3A_1365 = arith.cmpi slt, %select_n3A_1358, %lt3A_1364 : i32
    %ne3A_1366 = arith.xori %lt3A_1363, %lt3A_1365 : i1
    %and3A_1367 = arith.andi %ne3A_1366, %ne3A_1361 : i1
    %add3A_1368 = arith.addi %rem3A_1359, %select_n3A_1358 : i32
    %select_n3A_1369 = arith.select %and3A_1367, %add3A_1368, %rem3A_1359 : i32
    %eq3A_1370 = vector.broadcast %select_n3A_1369 : i32 to vector<1x128xi32>
    %eq3A_1371 = arith.cmpi eq, %iota3A_35, %eq3A_1370 : vector<1x128xi32>
    %jit3A_1372 = arith.constant 0.000000e+00 : f32
    %broadcast_in_dim3A_1373 = vector.broadcast %jit3A_1372 : f32 to vector<1x128xf32>
    %select_n3A_1374 = arith.select %eq3A_1371, %get3A_1353, %broadcast_in_dim3A_1373 : vector<1x128xi1>, vector<1x128xf32>
    %reduce_sum3A_1375 = vector.shape_cast %select_n3A_1374 : vector<1x128xf32> to vector<1x1x128xf32>
    %reduce_sum3A_1376 = arith.constant dense<0.000000e+00> : vector<1xf32>
    %reduce_sum3A_1377 = vector.multi_reduction <add>, %reduce_sum3A_1375, %reduce_sum3A_1376 [1, 2] : vector<1x1x128xf32> to vector<1xf32>
    %reduce_sum3A_1378 = vector.shape_cast %reduce_sum3A_1377 : vector<1xf32> to vector<1x1x1xf32>
    %reduce_sum3A_1379 = vector.extract %reduce_sum3A_1378[0, 0, 0] : f32 from vector<1x1x1xf32>
    %sub3A_1380 = arith.constant 99968 : i32
    %sub3A_1381 = arith.subi %get3A_1321, %sub3A_1380 : i32
    %eq3A_1382 = vector.broadcast %sub3A_1381 : i32 to vector<1x128xi32>
    %eq3A_1383 = arith.cmpi eq, %iota3A_35, %eq3A_1382 : vector<1x128xi32>
    %get3A_1384 = arith.constant 14 : index
    %get3A_1385 = arith.constant 0 : index
    %get3A_1386 = vector.load %arg4[%get3A_1384, %get3A_1385] : memref<32x128xf32, #tpu.memory_space<vmem>>, vector<1x128xf32>
    %jit3A_1387 = arith.constant 0.000000e+00 : f32
    %broadcast_in_dim3A_1388 = vector.broadcast %jit3A_1387 : f32 to vector<1x128xf32>
    %select_n3A_1389 = arith.select %eq3A_1383, %get3A_1386, %broadcast_in_dim3A_1388 : vector<1x128xi1>, vector<1x128xf32>
    %reduce_sum3A_1390 = vector.shape_cast %select_n3A_1389 : vector<1x128xf32> to vector<1x1x128xf32>
    %reduce_sum3A_1391 = arith.constant dense<0.000000e+00> : vector<1xf32>
    %reduce_sum3A_1392 = vector.multi_reduction <add>, %reduce_sum3A_1390, %reduce_sum3A_1391 [1, 2] : vector<1x1x128xf32> to vector<1xf32>
    %reduce_sum3A_1393 = vector.shape_cast %reduce_sum3A_1392 : vector<1xf32> to vector<1x1x1xf32>
    %reduce_sum3A_1394 = vector.extract %reduce_sum3A_1393[0, 0, 0] : f32 from vector<1x1x1xf32>
    %ne3A_1395 = arith.constant 0 : i32
    %ne3A_1396 = arith.cmpi ne, %get3A_1321, %ne3A_1395 : i32
    %lt3A_1397 = arith.constant 83584 : i32
    %lt3A_1398 = arith.cmpi slt, %get3A_1321, %lt3A_1397 : i32
    %and3A_1399 = arith.andi %ne3A_1396, %lt3A_1398 : i1
    %jit3A_1400 = arith.constant 0.000000e+00 : f32
    %select_n3A_1401 = arith.select %and3A_1399, %reduce_sum3A_1379, %jit3A_1400 : f32
    %add3A_1402 = arith.addf %add3A_1315, %select_n3A_1401 : f32
    %ge3A_1403 = arith.constant 99968 : i32
    %ge3A_1404 = arith.cmpi sge, %get3A_1321, %ge3A_1403 : i32
    %jit3A_1405 = arith.constant 0.000000e+00 : f32
    %select_n3A_1406 = arith.select %ge3A_1404, %reduce_sum3A_1394, %jit3A_1405 : f32
    %add3A_1407 = arith.addf %add3A_1402, %select_n3A_1406 : f32
    %mul3A_1408 = arith.constant 32 : i32
    %mul3A_1409 = arith.muli %arg0, %mul3A_1408 : i32
    %add3A_1410 = arith.constant 15 : i32
    %add3A_1411 = arith.addi %mul3A_1409, %add3A_1410 : i32
    %get3A_1412 = arith.index_cast %add3A_1411 : i32 to index
    %get3A_1413 = memref.load %arg1[%get3A_1412] : memref<1024xi32, #tpu.memory_space<smem>>
    %min3A_1414 = arith.constant 83583 : i32
    %min3A_1415 = arith.minsi %get3A_1413, %min3A_1414 : i32
    %jit3A_1416 = arith.constant 128 : i32
    %div3A_1417 = arith.divsi %min3A_1415, %jit3A_1416 : i32
    %sign3A_1418 = arith.constant 0 : i32
    %sign3A_1419 = arith.cmpi sgt, %min3A_1415, %sign3A_1418 : i32
    %sign3A_1420 = arith.extui %sign3A_1419 : i1 to i32
    %sign3A_1421 = arith.constant 0 : i32
    %sign3A_1422 = arith.cmpi slt, %min3A_1415, %sign3A_1421 : i32
    %sign3A_1423 = arith.extui %sign3A_1422 : i1 to i32
    %sign3A_1424 = arith.subi %sign3A_1420, %sign3A_1423 : i32
    %sign3A_1425 = arith.constant 0 : i32
    %sign3A_1426 = arith.cmpi sgt, %jit3A_1416, %sign3A_1425 : i32
    %sign3A_1427 = arith.extui %sign3A_1426 : i1 to i32
    %sign3A_1428 = arith.constant 0 : i32
    %sign3A_1429 = arith.cmpi slt, %jit3A_1416, %sign3A_1428 : i32
    %sign3A_1430 = arith.extui %sign3A_1429 : i1 to i32
    %sign3A_1431 = arith.subi %sign3A_1427, %sign3A_1430 : i32
    %ne3A_1432 = arith.cmpi ne, %sign3A_1424, %sign3A_1431 : i32
    %rem3A_1433 = arith.remsi %min3A_1415, %jit3A_1416 : i32
    %ne3A_1434 = arith.constant 0 : i32
    %ne3A_1435 = arith.cmpi ne, %rem3A_1433, %ne3A_1434 : i32
    %and3A_1436 = arith.andi %ne3A_1432, %ne3A_1435 : i1
    %sub3A_1437 = arith.constant 1 : i32
    %sub3A_1438 = arith.subi %div3A_1417, %sub3A_1437 : i32
    %select_n3A_1439 = arith.select %and3A_1436, %sub3A_1438, %div3A_1417 : i32
    %mul3A_1440 = arith.constant 128 : i32
    %mul3A_1441 = arith.muli %select_n3A_1439, %mul3A_1440 : i32
    %multiple_of3A_1442 = tpu.assume_multiple %mul3A_1441, 128 : i32
    %get3A_1443 = arith.constant 15 : index
    %get3A_1444 = arith.index_cast %multiple_of3A_1442 : i32 to index
    %get3A_1445 = vector.load %arg3[%get3A_1443, %get3A_1444] : memref<32x83584xf32, #tpu.memory_space<vmem>>, vector<1x128xf32>
    %jit3A_1446 = arith.constant 128 : i32
    %eq3A_1447 = arith.constant 0 : i32
    %eq3A_1448 = arith.cmpi eq, %jit3A_1446, %eq3A_1447 : i32
    %jit3A_1449 = arith.constant 1 : i32
    %select_n3A_1450 = arith.select %eq3A_1448, %jit3A_1449, %jit3A_1446 : i32
    %rem3A_1451 = arith.remsi %get3A_1413, %select_n3A_1450 : i32
    %ne3A_1452 = arith.constant 0 : i32
    %ne3A_1453 = arith.cmpi ne, %rem3A_1451, %ne3A_1452 : i32
    %lt3A_1454 = arith.constant 0 : i32
    %lt3A_1455 = arith.cmpi slt, %rem3A_1451, %lt3A_1454 : i32
    %lt3A_1456 = arith.constant 0 : i32
    %lt3A_1457 = arith.cmpi slt, %select_n3A_1450, %lt3A_1456 : i32
    %ne3A_1458 = arith.xori %lt3A_1455, %lt3A_1457 : i1
    %and3A_1459 = arith.andi %ne3A_1458, %ne3A_1453 : i1
    %add3A_1460 = arith.addi %rem3A_1451, %select_n3A_1450 : i32
    %select_n3A_1461 = arith.select %and3A_1459, %add3A_1460, %rem3A_1451 : i32
    %eq3A_1462 = vector.broadcast %select_n3A_1461 : i32 to vector<1x128xi32>
    %eq3A_1463 = arith.cmpi eq, %iota3A_35, %eq3A_1462 : vector<1x128xi32>
    %jit3A_1464 = arith.constant 0.000000e+00 : f32
    %broadcast_in_dim3A_1465 = vector.broadcast %jit3A_1464 : f32 to vector<1x128xf32>
    %select_n3A_1466 = arith.select %eq3A_1463, %get3A_1445, %broadcast_in_dim3A_1465 : vector<1x128xi1>, vector<1x128xf32>
    %reduce_sum3A_1467 = vector.shape_cast %select_n3A_1466 : vector<1x128xf32> to vector<1x1x128xf32>
    %reduce_sum3A_1468 = arith.constant dense<0.000000e+00> : vector<1xf32>
    %reduce_sum3A_1469 = vector.multi_reduction <add>, %reduce_sum3A_1467, %reduce_sum3A_1468 [1, 2] : vector<1x1x128xf32> to vector<1xf32>
    %reduce_sum3A_1470 = vector.shape_cast %reduce_sum3A_1469 : vector<1xf32> to vector<1x1x1xf32>
    %reduce_sum3A_1471 = vector.extract %reduce_sum3A_1470[0, 0, 0] : f32 from vector<1x1x1xf32>
    %sub3A_1472 = arith.constant 99968 : i32
    %sub3A_1473 = arith.subi %get3A_1413, %sub3A_1472 : i32
    %eq3A_1474 = vector.broadcast %sub3A_1473 : i32 to vector<1x128xi32>
    %eq3A_1475 = arith.cmpi eq, %iota3A_35, %eq3A_1474 : vector<1x128xi32>
    %get3A_1476 = arith.constant 15 : index
    %get3A_1477 = arith.constant 0 : index
    %get3A_1478 = vector.load %arg4[%get3A_1476, %get3A_1477] : memref<32x128xf32, #tpu.memory_space<vmem>>, vector<1x128xf32>
    %jit3A_1479 = arith.constant 0.000000e+00 : f32
    %broadcast_in_dim3A_1480 = vector.broadcast %jit3A_1479 : f32 to vector<1x128xf32>
    %select_n3A_1481 = arith.select %eq3A_1475, %get3A_1478, %broadcast_in_dim3A_1480 : vector<1x128xi1>, vector<1x128xf32>
    %reduce_sum3A_1482 = vector.shape_cast %select_n3A_1481 : vector<1x128xf32> to vector<1x1x128xf32>
    %reduce_sum3A_1483 = arith.constant dense<0.000000e+00> : vector<1xf32>
    %reduce_sum3A_1484 = vector.multi_reduction <add>, %reduce_sum3A_1482, %reduce_sum3A_1483 [1, 2] : vector<1x1x128xf32> to vector<1xf32>
    %reduce_sum3A_1485 = vector.shape_cast %reduce_sum3A_1484 : vector<1xf32> to vector<1x1x1xf32>
    %reduce_sum3A_1486 = vector.extract %reduce_sum3A_1485[0, 0, 0] : f32 from vector<1x1x1xf32>
    %ne3A_1487 = arith.constant 0 : i32
    %ne3A_1488 = arith.cmpi ne, %get3A_1413, %ne3A_1487 : i32
    %lt3A_1489 = arith.constant 83584 : i32
    %lt3A_1490 = arith.cmpi slt, %get3A_1413, %lt3A_1489 : i32
    %and3A_1491 = arith.andi %ne3A_1488, %lt3A_1490 : i1
    %jit3A_1492 = arith.constant 0.000000e+00 : f32
    %select_n3A_1493 = arith.select %and3A_1491, %reduce_sum3A_1471, %jit3A_1492 : f32
    %add3A_1494 = arith.addf %add3A_1407, %select_n3A_1493 : f32
    %ge3A_1495 = arith.constant 99968 : i32
    %ge3A_1496 = arith.cmpi sge, %get3A_1413, %ge3A_1495 : i32
    %jit3A_1497 = arith.constant 0.000000e+00 : f32
    %select_n3A_1498 = arith.select %ge3A_1496, %reduce_sum3A_1486, %jit3A_1497 : f32
    %add3A_1499 = arith.addf %add3A_1494, %select_n3A_1498 : f32
    %mul3A_1500 = arith.constant 32 : i32
    %mul3A_1501 = arith.muli %arg0, %mul3A_1500 : i32
    %add3A_1502 = arith.constant 16 : i32
    %add3A_1503 = arith.addi %mul3A_1501, %add3A_1502 : i32
    %get3A_1504 = arith.index_cast %add3A_1503 : i32 to index
    %get3A_1505 = memref.load %arg1[%get3A_1504] : memref<1024xi32, #tpu.memory_space<smem>>
    %min3A_1506 = arith.constant 83583 : i32
    %min3A_1507 = arith.minsi %get3A_1505, %min3A_1506 : i32
    %jit3A_1508 = arith.constant 128 : i32
    %div3A_1509 = arith.divsi %min3A_1507, %jit3A_1508 : i32
    %sign3A_1510 = arith.constant 0 : i32
    %sign3A_1511 = arith.cmpi sgt, %min3A_1507, %sign3A_1510 : i32
    %sign3A_1512 = arith.extui %sign3A_1511 : i1 to i32
    %sign3A_1513 = arith.constant 0 : i32
    %sign3A_1514 = arith.cmpi slt, %min3A_1507, %sign3A_1513 : i32
    %sign3A_1515 = arith.extui %sign3A_1514 : i1 to i32
    %sign3A_1516 = arith.subi %sign3A_1512, %sign3A_1515 : i32
    %sign3A_1517 = arith.constant 0 : i32
    %sign3A_1518 = arith.cmpi sgt, %jit3A_1508, %sign3A_1517 : i32
    %sign3A_1519 = arith.extui %sign3A_1518 : i1 to i32
    %sign3A_1520 = arith.constant 0 : i32
    %sign3A_1521 = arith.cmpi slt, %jit3A_1508, %sign3A_1520 : i32
    %sign3A_1522 = arith.extui %sign3A_1521 : i1 to i32
    %sign3A_1523 = arith.subi %sign3A_1519, %sign3A_1522 : i32
    %ne3A_1524 = arith.cmpi ne, %sign3A_1516, %sign3A_1523 : i32
    %rem3A_1525 = arith.remsi %min3A_1507, %jit3A_1508 : i32
    %ne3A_1526 = arith.constant 0 : i32
    %ne3A_1527 = arith.cmpi ne, %rem3A_1525, %ne3A_1526 : i32
    %and3A_1528 = arith.andi %ne3A_1524, %ne3A_1527 : i1
    %sub3A_1529 = arith.constant 1 : i32
    %sub3A_1530 = arith.subi %div3A_1509, %sub3A_1529 : i32
    %select_n3A_1531 = arith.select %and3A_1528, %sub3A_1530, %div3A_1509 : i32
    %mul3A_1532 = arith.constant 128 : i32
    %mul3A_1533 = arith.muli %select_n3A_1531, %mul3A_1532 : i32
    %multiple_of3A_1534 = tpu.assume_multiple %mul3A_1533, 128 : i32
    %get3A_1535 = arith.constant 16 : index
    %get3A_1536 = arith.index_cast %multiple_of3A_1534 : i32 to index
    %get3A_1537 = vector.load %arg3[%get3A_1535, %get3A_1536] : memref<32x83584xf32, #tpu.memory_space<vmem>>, vector<1x128xf32>
    %jit3A_1538 = arith.constant 128 : i32
    %eq3A_1539 = arith.constant 0 : i32
    %eq3A_1540 = arith.cmpi eq, %jit3A_1538, %eq3A_1539 : i32
    %jit3A_1541 = arith.constant 1 : i32
    %select_n3A_1542 = arith.select %eq3A_1540, %jit3A_1541, %jit3A_1538 : i32
    %rem3A_1543 = arith.remsi %get3A_1505, %select_n3A_1542 : i32
    %ne3A_1544 = arith.constant 0 : i32
    %ne3A_1545 = arith.cmpi ne, %rem3A_1543, %ne3A_1544 : i32
    %lt3A_1546 = arith.constant 0 : i32
    %lt3A_1547 = arith.cmpi slt, %rem3A_1543, %lt3A_1546 : i32
    %lt3A_1548 = arith.constant 0 : i32
    %lt3A_1549 = arith.cmpi slt, %select_n3A_1542, %lt3A_1548 : i32
    %ne3A_1550 = arith.xori %lt3A_1547, %lt3A_1549 : i1
    %and3A_1551 = arith.andi %ne3A_1550, %ne3A_1545 : i1
    %add3A_1552 = arith.addi %rem3A_1543, %select_n3A_1542 : i32
    %select_n3A_1553 = arith.select %and3A_1551, %add3A_1552, %rem3A_1543 : i32
    %eq3A_1554 = vector.broadcast %select_n3A_1553 : i32 to vector<1x128xi32>
    %eq3A_1555 = arith.cmpi eq, %iota3A_35, %eq3A_1554 : vector<1x128xi32>
    %jit3A_1556 = arith.constant 0.000000e+00 : f32
    %broadcast_in_dim3A_1557 = vector.broadcast %jit3A_1556 : f32 to vector<1x128xf32>
    %select_n3A_1558 = arith.select %eq3A_1555, %get3A_1537, %broadcast_in_dim3A_1557 : vector<1x128xi1>, vector<1x128xf32>
    %reduce_sum3A_1559 = vector.shape_cast %select_n3A_1558 : vector<1x128xf32> to vector<1x1x128xf32>
    %reduce_sum3A_1560 = arith.constant dense<0.000000e+00> : vector<1xf32>
    %reduce_sum3A_1561 = vector.multi_reduction <add>, %reduce_sum3A_1559, %reduce_sum3A_1560 [1, 2] : vector<1x1x128xf32> to vector<1xf32>
    %reduce_sum3A_1562 = vector.shape_cast %reduce_sum3A_1561 : vector<1xf32> to vector<1x1x1xf32>
    %reduce_sum3A_1563 = vector.extract %reduce_sum3A_1562[0, 0, 0] : f32 from vector<1x1x1xf32>
    %sub3A_1564 = arith.constant 99968 : i32
    %sub3A_1565 = arith.subi %get3A_1505, %sub3A_1564 : i32
    %eq3A_1566 = vector.broadcast %sub3A_1565 : i32 to vector<1x128xi32>
    %eq3A_1567 = arith.cmpi eq, %iota3A_35, %eq3A_1566 : vector<1x128xi32>
    %get3A_1568 = arith.constant 16 : index
    %get3A_1569 = arith.constant 0 : index
    %get3A_1570 = vector.load %arg4[%get3A_1568, %get3A_1569] : memref<32x128xf32, #tpu.memory_space<vmem>>, vector<1x128xf32>
    %jit3A_1571 = arith.constant 0.000000e+00 : f32
    %broadcast_in_dim3A_1572 = vector.broadcast %jit3A_1571 : f32 to vector<1x128xf32>
    %select_n3A_1573 = arith.select %eq3A_1567, %get3A_1570, %broadcast_in_dim3A_1572 : vector<1x128xi1>, vector<1x128xf32>
    %reduce_sum3A_1574 = vector.shape_cast %select_n3A_1573 : vector<1x128xf32> to vector<1x1x128xf32>
    %reduce_sum3A_1575 = arith.constant dense<0.000000e+00> : vector<1xf32>
    %reduce_sum3A_1576 = vector.multi_reduction <add>, %reduce_sum3A_1574, %reduce_sum3A_1575 [1, 2] : vector<1x1x128xf32> to vector<1xf32>
    %reduce_sum3A_1577 = vector.shape_cast %reduce_sum3A_1576 : vector<1xf32> to vector<1x1x1xf32>
    %reduce_sum3A_1578 = vector.extract %reduce_sum3A_1577[0, 0, 0] : f32 from vector<1x1x1xf32>
    %ne3A_1579 = arith.constant 0 : i32
    %ne3A_1580 = arith.cmpi ne, %get3A_1505, %ne3A_1579 : i32
    %lt3A_1581 = arith.constant 83584 : i32
    %lt3A_1582 = arith.cmpi slt, %get3A_1505, %lt3A_1581 : i32
    %and3A_1583 = arith.andi %ne3A_1580, %lt3A_1582 : i1
    %jit3A_1584 = arith.constant 0.000000e+00 : f32
    %select_n3A_1585 = arith.select %and3A_1583, %reduce_sum3A_1563, %jit3A_1584 : f32
    %add3A_1586 = arith.addf %add3A_1499, %select_n3A_1585 : f32
    %ge3A_1587 = arith.constant 99968 : i32
    %ge3A_1588 = arith.cmpi sge, %get3A_1505, %ge3A_1587 : i32
    %jit3A_1589 = arith.constant 0.000000e+00 : f32
    %select_n3A_1590 = arith.select %ge3A_1588, %reduce_sum3A_1578, %jit3A_1589 : f32
    %add3A_1591 = arith.addf %add3A_1586, %select_n3A_1590 : f32
    %mul3A_1592 = arith.constant 32 : i32
    %mul3A_1593 = arith.muli %arg0, %mul3A_1592 : i32
    %add3A_1594 = arith.constant 17 : i32
    %add3A_1595 = arith.addi %mul3A_1593, %add3A_1594 : i32
    %get3A_1596 = arith.index_cast %add3A_1595 : i32 to index
    %get3A_1597 = memref.load %arg1[%get3A_1596] : memref<1024xi32, #tpu.memory_space<smem>>
    %min3A_1598 = arith.constant 83583 : i32
    %min3A_1599 = arith.minsi %get3A_1597, %min3A_1598 : i32
    %jit3A_1600 = arith.constant 128 : i32
    %div3A_1601 = arith.divsi %min3A_1599, %jit3A_1600 : i32
    %sign3A_1602 = arith.constant 0 : i32
    %sign3A_1603 = arith.cmpi sgt, %min3A_1599, %sign3A_1602 : i32
    %sign3A_1604 = arith.extui %sign3A_1603 : i1 to i32
    %sign3A_1605 = arith.constant 0 : i32
    %sign3A_1606 = arith.cmpi slt, %min3A_1599, %sign3A_1605 : i32
    %sign3A_1607 = arith.extui %sign3A_1606 : i1 to i32
    %sign3A_1608 = arith.subi %sign3A_1604, %sign3A_1607 : i32
    %sign3A_1609 = arith.constant 0 : i32
    %sign3A_1610 = arith.cmpi sgt, %jit3A_1600, %sign3A_1609 : i32
    %sign3A_1611 = arith.extui %sign3A_1610 : i1 to i32
    %sign3A_1612 = arith.constant 0 : i32
    %sign3A_1613 = arith.cmpi slt, %jit3A_1600, %sign3A_1612 : i32
    %sign3A_1614 = arith.extui %sign3A_1613 : i1 to i32
    %sign3A_1615 = arith.subi %sign3A_1611, %sign3A_1614 : i32
    %ne3A_1616 = arith.cmpi ne, %sign3A_1608, %sign3A_1615 : i32
    %rem3A_1617 = arith.remsi %min3A_1599, %jit3A_1600 : i32
    %ne3A_1618 = arith.constant 0 : i32
    %ne3A_1619 = arith.cmpi ne, %rem3A_1617, %ne3A_1618 : i32
    %and3A_1620 = arith.andi %ne3A_1616, %ne3A_1619 : i1
    %sub3A_1621 = arith.constant 1 : i32
    %sub3A_1622 = arith.subi %div3A_1601, %sub3A_1621 : i32
    %select_n3A_1623 = arith.select %and3A_1620, %sub3A_1622, %div3A_1601 : i32
    %mul3A_1624 = arith.constant 128 : i32
    %mul3A_1625 = arith.muli %select_n3A_1623, %mul3A_1624 : i32
    %multiple_of3A_1626 = tpu.assume_multiple %mul3A_1625, 128 : i32
    %get3A_1627 = arith.constant 17 : index
    %get3A_1628 = arith.index_cast %multiple_of3A_1626 : i32 to index
    %get3A_1629 = vector.load %arg3[%get3A_1627, %get3A_1628] : memref<32x83584xf32, #tpu.memory_space<vmem>>, vector<1x128xf32>
    %jit3A_1630 = arith.constant 128 : i32
    %eq3A_1631 = arith.constant 0 : i32
    %eq3A_1632 = arith.cmpi eq, %jit3A_1630, %eq3A_1631 : i32
    %jit3A_1633 = arith.constant 1 : i32
    %select_n3A_1634 = arith.select %eq3A_1632, %jit3A_1633, %jit3A_1630 : i32
    %rem3A_1635 = arith.remsi %get3A_1597, %select_n3A_1634 : i32
    %ne3A_1636 = arith.constant 0 : i32
    %ne3A_1637 = arith.cmpi ne, %rem3A_1635, %ne3A_1636 : i32
    %lt3A_1638 = arith.constant 0 : i32
    %lt3A_1639 = arith.cmpi slt, %rem3A_1635, %lt3A_1638 : i32
    %lt3A_1640 = arith.constant 0 : i32
    %lt3A_1641 = arith.cmpi slt, %select_n3A_1634, %lt3A_1640 : i32
    %ne3A_1642 = arith.xori %lt3A_1639, %lt3A_1641 : i1
    %and3A_1643 = arith.andi %ne3A_1642, %ne3A_1637 : i1
    %add3A_1644 = arith.addi %rem3A_1635, %select_n3A_1634 : i32
    %select_n3A_1645 = arith.select %and3A_1643, %add3A_1644, %rem3A_1635 : i32
    %eq3A_1646 = vector.broadcast %select_n3A_1645 : i32 to vector<1x128xi32>
    %eq3A_1647 = arith.cmpi eq, %iota3A_35, %eq3A_1646 : vector<1x128xi32>
    %jit3A_1648 = arith.constant 0.000000e+00 : f32
    %broadcast_in_dim3A_1649 = vector.broadcast %jit3A_1648 : f32 to vector<1x128xf32>
    %select_n3A_1650 = arith.select %eq3A_1647, %get3A_1629, %broadcast_in_dim3A_1649 : vector<1x128xi1>, vector<1x128xf32>
    %reduce_sum3A_1651 = vector.shape_cast %select_n3A_1650 : vector<1x128xf32> to vector<1x1x128xf32>
    %reduce_sum3A_1652 = arith.constant dense<0.000000e+00> : vector<1xf32>
    %reduce_sum3A_1653 = vector.multi_reduction <add>, %reduce_sum3A_1651, %reduce_sum3A_1652 [1, 2] : vector<1x1x128xf32> to vector<1xf32>
    %reduce_sum3A_1654 = vector.shape_cast %reduce_sum3A_1653 : vector<1xf32> to vector<1x1x1xf32>
    %reduce_sum3A_1655 = vector.extract %reduce_sum3A_1654[0, 0, 0] : f32 from vector<1x1x1xf32>
    %sub3A_1656 = arith.constant 99968 : i32
    %sub3A_1657 = arith.subi %get3A_1597, %sub3A_1656 : i32
    %eq3A_1658 = vector.broadcast %sub3A_1657 : i32 to vector<1x128xi32>
    %eq3A_1659 = arith.cmpi eq, %iota3A_35, %eq3A_1658 : vector<1x128xi32>
    %get3A_1660 = arith.constant 17 : index
    %get3A_1661 = arith.constant 0 : index
    %get3A_1662 = vector.load %arg4[%get3A_1660, %get3A_1661] : memref<32x128xf32, #tpu.memory_space<vmem>>, vector<1x128xf32>
    %jit3A_1663 = arith.constant 0.000000e+00 : f32
    %broadcast_in_dim3A_1664 = vector.broadcast %jit3A_1663 : f32 to vector<1x128xf32>
    %select_n3A_1665 = arith.select %eq3A_1659, %get3A_1662, %broadcast_in_dim3A_1664 : vector<1x128xi1>, vector<1x128xf32>
    %reduce_sum3A_1666 = vector.shape_cast %select_n3A_1665 : vector<1x128xf32> to vector<1x1x128xf32>
    %reduce_sum3A_1667 = arith.constant dense<0.000000e+00> : vector<1xf32>
    %reduce_sum3A_1668 = vector.multi_reduction <add>, %reduce_sum3A_1666, %reduce_sum3A_1667 [1, 2] : vector<1x1x128xf32> to vector<1xf32>
    %reduce_sum3A_1669 = vector.shape_cast %reduce_sum3A_1668 : vector<1xf32> to vector<1x1x1xf32>
    %reduce_sum3A_1670 = vector.extract %reduce_sum3A_1669[0, 0, 0] : f32 from vector<1x1x1xf32>
    %ne3A_1671 = arith.constant 0 : i32
    %ne3A_1672 = arith.cmpi ne, %get3A_1597, %ne3A_1671 : i32
    %lt3A_1673 = arith.constant 83584 : i32
    %lt3A_1674 = arith.cmpi slt, %get3A_1597, %lt3A_1673 : i32
    %and3A_1675 = arith.andi %ne3A_1672, %lt3A_1674 : i1
    %jit3A_1676 = arith.constant 0.000000e+00 : f32
    %select_n3A_1677 = arith.select %and3A_1675, %reduce_sum3A_1655, %jit3A_1676 : f32
    %add3A_1678 = arith.addf %add3A_1591, %select_n3A_1677 : f32
    %ge3A_1679 = arith.constant 99968 : i32
    %ge3A_1680 = arith.cmpi sge, %get3A_1597, %ge3A_1679 : i32
    %jit3A_1681 = arith.constant 0.000000e+00 : f32
    %select_n3A_1682 = arith.select %ge3A_1680, %reduce_sum3A_1670, %jit3A_1681 : f32
    %add3A_1683 = arith.addf %add3A_1678, %select_n3A_1682 : f32
    %mul3A_1684 = arith.constant 32 : i32
    %mul3A_1685 = arith.muli %arg0, %mul3A_1684 : i32
    %add3A_1686 = arith.constant 18 : i32
    %add3A_1687 = arith.addi %mul3A_1685, %add3A_1686 : i32
    %get3A_1688 = arith.index_cast %add3A_1687 : i32 to index
    %get3A_1689 = memref.load %arg1[%get3A_1688] : memref<1024xi32, #tpu.memory_space<smem>>
    %min3A_1690 = arith.constant 83583 : i32
    %min3A_1691 = arith.minsi %get3A_1689, %min3A_1690 : i32
    %jit3A_1692 = arith.constant 128 : i32
    %div3A_1693 = arith.divsi %min3A_1691, %jit3A_1692 : i32
    %sign3A_1694 = arith.constant 0 : i32
    %sign3A_1695 = arith.cmpi sgt, %min3A_1691, %sign3A_1694 : i32
    %sign3A_1696 = arith.extui %sign3A_1695 : i1 to i32
    %sign3A_1697 = arith.constant 0 : i32
    %sign3A_1698 = arith.cmpi slt, %min3A_1691, %sign3A_1697 : i32
    %sign3A_1699 = arith.extui %sign3A_1698 : i1 to i32
    %sign3A_1700 = arith.subi %sign3A_1696, %sign3A_1699 : i32
    %sign3A_1701 = arith.constant 0 : i32
    %sign3A_1702 = arith.cmpi sgt, %jit3A_1692, %sign3A_1701 : i32
    %sign3A_1703 = arith.extui %sign3A_1702 : i1 to i32
    %sign3A_1704 = arith.constant 0 : i32
    %sign3A_1705 = arith.cmpi slt, %jit3A_1692, %sign3A_1704 : i32
    %sign3A_1706 = arith.extui %sign3A_1705 : i1 to i32
    %sign3A_1707 = arith.subi %sign3A_1703, %sign3A_1706 : i32
    %ne3A_1708 = arith.cmpi ne, %sign3A_1700, %sign3A_1707 : i32
    %rem3A_1709 = arith.remsi %min3A_1691, %jit3A_1692 : i32
    %ne3A_1710 = arith.constant 0 : i32
    %ne3A_1711 = arith.cmpi ne, %rem3A_1709, %ne3A_1710 : i32
    %and3A_1712 = arith.andi %ne3A_1708, %ne3A_1711 : i1
    %sub3A_1713 = arith.constant 1 : i32
    %sub3A_1714 = arith.subi %div3A_1693, %sub3A_1713 : i32
    %select_n3A_1715 = arith.select %and3A_1712, %sub3A_1714, %div3A_1693 : i32
    %mul3A_1716 = arith.constant 128 : i32
    %mul3A_1717 = arith.muli %select_n3A_1715, %mul3A_1716 : i32
    %multiple_of3A_1718 = tpu.assume_multiple %mul3A_1717, 128 : i32
    %get3A_1719 = arith.constant 18 : index
    %get3A_1720 = arith.index_cast %multiple_of3A_1718 : i32 to index
    %get3A_1721 = vector.load %arg3[%get3A_1719, %get3A_1720] : memref<32x83584xf32, #tpu.memory_space<vmem>>, vector<1x128xf32>
    %jit3A_1722 = arith.constant 128 : i32
    %eq3A_1723 = arith.constant 0 : i32
    %eq3A_1724 = arith.cmpi eq, %jit3A_1722, %eq3A_1723 : i32
    %jit3A_1725 = arith.constant 1 : i32
    %select_n3A_1726 = arith.select %eq3A_1724, %jit3A_1725, %jit3A_1722 : i32
    %rem3A_1727 = arith.remsi %get3A_1689, %select_n3A_1726 : i32
    %ne3A_1728 = arith.constant 0 : i32
    %ne3A_1729 = arith.cmpi ne, %rem3A_1727, %ne3A_1728 : i32
    %lt3A_1730 = arith.constant 0 : i32
    %lt3A_1731 = arith.cmpi slt, %rem3A_1727, %lt3A_1730 : i32
    %lt3A_1732 = arith.constant 0 : i32
    %lt3A_1733 = arith.cmpi slt, %select_n3A_1726, %lt3A_1732 : i32
    %ne3A_1734 = arith.xori %lt3A_1731, %lt3A_1733 : i1
    %and3A_1735 = arith.andi %ne3A_1734, %ne3A_1729 : i1
    %add3A_1736 = arith.addi %rem3A_1727, %select_n3A_1726 : i32
    %select_n3A_1737 = arith.select %and3A_1735, %add3A_1736, %rem3A_1727 : i32
    %eq3A_1738 = vector.broadcast %select_n3A_1737 : i32 to vector<1x128xi32>
    %eq3A_1739 = arith.cmpi eq, %iota3A_35, %eq3A_1738 : vector<1x128xi32>
    %jit3A_1740 = arith.constant 0.000000e+00 : f32
    %broadcast_in_dim3A_1741 = vector.broadcast %jit3A_1740 : f32 to vector<1x128xf32>
    %select_n3A_1742 = arith.select %eq3A_1739, %get3A_1721, %broadcast_in_dim3A_1741 : vector<1x128xi1>, vector<1x128xf32>
    %reduce_sum3A_1743 = vector.shape_cast %select_n3A_1742 : vector<1x128xf32> to vector<1x1x128xf32>
    %reduce_sum3A_1744 = arith.constant dense<0.000000e+00> : vector<1xf32>
    %reduce_sum3A_1745 = vector.multi_reduction <add>, %reduce_sum3A_1743, %reduce_sum3A_1744 [1, 2] : vector<1x1x128xf32> to vector<1xf32>
    %reduce_sum3A_1746 = vector.shape_cast %reduce_sum3A_1745 : vector<1xf32> to vector<1x1x1xf32>
    %reduce_sum3A_1747 = vector.extract %reduce_sum3A_1746[0, 0, 0] : f32 from vector<1x1x1xf32>
    %sub3A_1748 = arith.constant 99968 : i32
    %sub3A_1749 = arith.subi %get3A_1689, %sub3A_1748 : i32
    %eq3A_1750 = vector.broadcast %sub3A_1749 : i32 to vector<1x128xi32>
    %eq3A_1751 = arith.cmpi eq, %iota3A_35, %eq3A_1750 : vector<1x128xi32>
    %get3A_1752 = arith.constant 18 : index
    %get3A_1753 = arith.constant 0 : index
    %get3A_1754 = vector.load %arg4[%get3A_1752, %get3A_1753] : memref<32x128xf32, #tpu.memory_space<vmem>>, vector<1x128xf32>
    %jit3A_1755 = arith.constant 0.000000e+00 : f32
    %broadcast_in_dim3A_1756 = vector.broadcast %jit3A_1755 : f32 to vector<1x128xf32>
    %select_n3A_1757 = arith.select %eq3A_1751, %get3A_1754, %broadcast_in_dim3A_1756 : vector<1x128xi1>, vector<1x128xf32>
    %reduce_sum3A_1758 = vector.shape_cast %select_n3A_1757 : vector<1x128xf32> to vector<1x1x128xf32>
    %reduce_sum3A_1759 = arith.constant dense<0.000000e+00> : vector<1xf32>
    %reduce_sum3A_1760 = vector.multi_reduction <add>, %reduce_sum3A_1758, %reduce_sum3A_1759 [1, 2] : vector<1x1x128xf32> to vector<1xf32>
    %reduce_sum3A_1761 = vector.shape_cast %reduce_sum3A_1760 : vector<1xf32> to vector<1x1x1xf32>
    %reduce_sum3A_1762 = vector.extract %reduce_sum3A_1761[0, 0, 0] : f32 from vector<1x1x1xf32>
    %ne3A_1763 = arith.constant 0 : i32
    %ne3A_1764 = arith.cmpi ne, %get3A_1689, %ne3A_1763 : i32
    %lt3A_1765 = arith.constant 83584 : i32
    %lt3A_1766 = arith.cmpi slt, %get3A_1689, %lt3A_1765 : i32
    %and3A_1767 = arith.andi %ne3A_1764, %lt3A_1766 : i1
    %jit3A_1768 = arith.constant 0.000000e+00 : f32
    %select_n3A_1769 = arith.select %and3A_1767, %reduce_sum3A_1747, %jit3A_1768 : f32
    %add3A_1770 = arith.addf %add3A_1683, %select_n3A_1769 : f32
    %ge3A_1771 = arith.constant 99968 : i32
    %ge3A_1772 = arith.cmpi sge, %get3A_1689, %ge3A_1771 : i32
    %jit3A_1773 = arith.constant 0.000000e+00 : f32
    %select_n3A_1774 = arith.select %ge3A_1772, %reduce_sum3A_1762, %jit3A_1773 : f32
    %add3A_1775 = arith.addf %add3A_1770, %select_n3A_1774 : f32
    %mul3A_1776 = arith.constant 32 : i32
    %mul3A_1777 = arith.muli %arg0, %mul3A_1776 : i32
    %add3A_1778 = arith.constant 19 : i32
    %add3A_1779 = arith.addi %mul3A_1777, %add3A_1778 : i32
    %get3A_1780 = arith.index_cast %add3A_1779 : i32 to index
    %get3A_1781 = memref.load %arg1[%get3A_1780] : memref<1024xi32, #tpu.memory_space<smem>>
    %min3A_1782 = arith.constant 83583 : i32
    %min3A_1783 = arith.minsi %get3A_1781, %min3A_1782 : i32
    %jit3A_1784 = arith.constant 128 : i32
    %div3A_1785 = arith.divsi %min3A_1783, %jit3A_1784 : i32
    %sign3A_1786 = arith.constant 0 : i32
    %sign3A_1787 = arith.cmpi sgt, %min3A_1783, %sign3A_1786 : i32
    %sign3A_1788 = arith.extui %sign3A_1787 : i1 to i32
    %sign3A_1789 = arith.constant 0 : i32
    %sign3A_1790 = arith.cmpi slt, %min3A_1783, %sign3A_1789 : i32
    %sign3A_1791 = arith.extui %sign3A_1790 : i1 to i32
    %sign3A_1792 = arith.subi %sign3A_1788, %sign3A_1791 : i32
    %sign3A_1793 = arith.constant 0 : i32
    %sign3A_1794 = arith.cmpi sgt, %jit3A_1784, %sign3A_1793 : i32
    %sign3A_1795 = arith.extui %sign3A_1794 : i1 to i32
    %sign3A_1796 = arith.constant 0 : i32
    %sign3A_1797 = arith.cmpi slt, %jit3A_1784, %sign3A_1796 : i32
    %sign3A_1798 = arith.extui %sign3A_1797 : i1 to i32
    %sign3A_1799 = arith.subi %sign3A_1795, %sign3A_1798 : i32
    %ne3A_1800 = arith.cmpi ne, %sign3A_1792, %sign3A_1799 : i32
    %rem3A_1801 = arith.remsi %min3A_1783, %jit3A_1784 : i32
    %ne3A_1802 = arith.constant 0 : i32
    %ne3A_1803 = arith.cmpi ne, %rem3A_1801, %ne3A_1802 : i32
    %and3A_1804 = arith.andi %ne3A_1800, %ne3A_1803 : i1
    %sub3A_1805 = arith.constant 1 : i32
    %sub3A_1806 = arith.subi %div3A_1785, %sub3A_1805 : i32
    %select_n3A_1807 = arith.select %and3A_1804, %sub3A_1806, %div3A_1785 : i32
    %mul3A_1808 = arith.constant 128 : i32
    %mul3A_1809 = arith.muli %select_n3A_1807, %mul3A_1808 : i32
    %multiple_of3A_1810 = tpu.assume_multiple %mul3A_1809, 128 : i32
    %get3A_1811 = arith.constant 19 : index
    %get3A_1812 = arith.index_cast %multiple_of3A_1810 : i32 to index
    %get3A_1813 = vector.load %arg3[%get3A_1811, %get3A_1812] : memref<32x83584xf32, #tpu.memory_space<vmem>>, vector<1x128xf32>
    %jit3A_1814 = arith.constant 128 : i32
    %eq3A_1815 = arith.constant 0 : i32
    %eq3A_1816 = arith.cmpi eq, %jit3A_1814, %eq3A_1815 : i32
    %jit3A_1817 = arith.constant 1 : i32
    %select_n3A_1818 = arith.select %eq3A_1816, %jit3A_1817, %jit3A_1814 : i32
    %rem3A_1819 = arith.remsi %get3A_1781, %select_n3A_1818 : i32
    %ne3A_1820 = arith.constant 0 : i32
    %ne3A_1821 = arith.cmpi ne, %rem3A_1819, %ne3A_1820 : i32
    %lt3A_1822 = arith.constant 0 : i32
    %lt3A_1823 = arith.cmpi slt, %rem3A_1819, %lt3A_1822 : i32
    %lt3A_1824 = arith.constant 0 : i32
    %lt3A_1825 = arith.cmpi slt, %select_n3A_1818, %lt3A_1824 : i32
    %ne3A_1826 = arith.xori %lt3A_1823, %lt3A_1825 : i1
    %and3A_1827 = arith.andi %ne3A_1826, %ne3A_1821 : i1
    %add3A_1828 = arith.addi %rem3A_1819, %select_n3A_1818 : i32
    %select_n3A_1829 = arith.select %and3A_1827, %add3A_1828, %rem3A_1819 : i32
    %eq3A_1830 = vector.broadcast %select_n3A_1829 : i32 to vector<1x128xi32>
    %eq3A_1831 = arith.cmpi eq, %iota3A_35, %eq3A_1830 : vector<1x128xi32>
    %jit3A_1832 = arith.constant 0.000000e+00 : f32
    %broadcast_in_dim3A_1833 = vector.broadcast %jit3A_1832 : f32 to vector<1x128xf32>
    %select_n3A_1834 = arith.select %eq3A_1831, %get3A_1813, %broadcast_in_dim3A_1833 : vector<1x128xi1>, vector<1x128xf32>
    %reduce_sum3A_1835 = vector.shape_cast %select_n3A_1834 : vector<1x128xf32> to vector<1x1x128xf32>
    %reduce_sum3A_1836 = arith.constant dense<0.000000e+00> : vector<1xf32>
    %reduce_sum3A_1837 = vector.multi_reduction <add>, %reduce_sum3A_1835, %reduce_sum3A_1836 [1, 2] : vector<1x1x128xf32> to vector<1xf32>
    %reduce_sum3A_1838 = vector.shape_cast %reduce_sum3A_1837 : vector<1xf32> to vector<1x1x1xf32>
    %reduce_sum3A_1839 = vector.extract %reduce_sum3A_1838[0, 0, 0] : f32 from vector<1x1x1xf32>
    %sub3A_1840 = arith.constant 99968 : i32
    %sub3A_1841 = arith.subi %get3A_1781, %sub3A_1840 : i32
    %eq3A_1842 = vector.broadcast %sub3A_1841 : i32 to vector<1x128xi32>
    %eq3A_1843 = arith.cmpi eq, %iota3A_35, %eq3A_1842 : vector<1x128xi32>
    %get3A_1844 = arith.constant 19 : index
    %get3A_1845 = arith.constant 0 : index
    %get3A_1846 = vector.load %arg4[%get3A_1844, %get3A_1845] : memref<32x128xf32, #tpu.memory_space<vmem>>, vector<1x128xf32>
    %jit3A_1847 = arith.constant 0.000000e+00 : f32
    %broadcast_in_dim3A_1848 = vector.broadcast %jit3A_1847 : f32 to vector<1x128xf32>
    %select_n3A_1849 = arith.select %eq3A_1843, %get3A_1846, %broadcast_in_dim3A_1848 : vector<1x128xi1>, vector<1x128xf32>
    %reduce_sum3A_1850 = vector.shape_cast %select_n3A_1849 : vector<1x128xf32> to vector<1x1x128xf32>
    %reduce_sum3A_1851 = arith.constant dense<0.000000e+00> : vector<1xf32>
    %reduce_sum3A_1852 = vector.multi_reduction <add>, %reduce_sum3A_1850, %reduce_sum3A_1851 [1, 2] : vector<1x1x128xf32> to vector<1xf32>
    %reduce_sum3A_1853 = vector.shape_cast %reduce_sum3A_1852 : vector<1xf32> to vector<1x1x1xf32>
    %reduce_sum3A_1854 = vector.extract %reduce_sum3A_1853[0, 0, 0] : f32 from vector<1x1x1xf32>
    %ne3A_1855 = arith.constant 0 : i32
    %ne3A_1856 = arith.cmpi ne, %get3A_1781, %ne3A_1855 : i32
    %lt3A_1857 = arith.constant 83584 : i32
    %lt3A_1858 = arith.cmpi slt, %get3A_1781, %lt3A_1857 : i32
    %and3A_1859 = arith.andi %ne3A_1856, %lt3A_1858 : i1
    %jit3A_1860 = arith.constant 0.000000e+00 : f32
    %select_n3A_1861 = arith.select %and3A_1859, %reduce_sum3A_1839, %jit3A_1860 : f32
    %add3A_1862 = arith.addf %add3A_1775, %select_n3A_1861 : f32
    %ge3A_1863 = arith.constant 99968 : i32
    %ge3A_1864 = arith.cmpi sge, %get3A_1781, %ge3A_1863 : i32
    %jit3A_1865 = arith.constant 0.000000e+00 : f32
    %select_n3A_1866 = arith.select %ge3A_1864, %reduce_sum3A_1854, %jit3A_1865 : f32
    %add3A_1867 = arith.addf %add3A_1862, %select_n3A_1866 : f32
    %mul3A_1868 = arith.constant 32 : i32
    %mul3A_1869 = arith.muli %arg0, %mul3A_1868 : i32
    %add3A_1870 = arith.constant 20 : i32
    %add3A_1871 = arith.addi %mul3A_1869, %add3A_1870 : i32
    %get3A_1872 = arith.index_cast %add3A_1871 : i32 to index
    %get3A_1873 = memref.load %arg1[%get3A_1872] : memref<1024xi32, #tpu.memory_space<smem>>
    %min3A_1874 = arith.constant 83583 : i32
    %min3A_1875 = arith.minsi %get3A_1873, %min3A_1874 : i32
    %jit3A_1876 = arith.constant 128 : i32
    %div3A_1877 = arith.divsi %min3A_1875, %jit3A_1876 : i32
    %sign3A_1878 = arith.constant 0 : i32
    %sign3A_1879 = arith.cmpi sgt, %min3A_1875, %sign3A_1878 : i32
    %sign3A_1880 = arith.extui %sign3A_1879 : i1 to i32
    %sign3A_1881 = arith.constant 0 : i32
    %sign3A_1882 = arith.cmpi slt, %min3A_1875, %sign3A_1881 : i32
    %sign3A_1883 = arith.extui %sign3A_1882 : i1 to i32
    %sign3A_1884 = arith.subi %sign3A_1880, %sign3A_1883 : i32
    %sign3A_1885 = arith.constant 0 : i32
    %sign3A_1886 = arith.cmpi sgt, %jit3A_1876, %sign3A_1885 : i32
    %sign3A_1887 = arith.extui %sign3A_1886 : i1 to i32
    %sign3A_1888 = arith.constant 0 : i32
    %sign3A_1889 = arith.cmpi slt, %jit3A_1876, %sign3A_1888 : i32
    %sign3A_1890 = arith.extui %sign3A_1889 : i1 to i32
    %sign3A_1891 = arith.subi %sign3A_1887, %sign3A_1890 : i32
    %ne3A_1892 = arith.cmpi ne, %sign3A_1884, %sign3A_1891 : i32
    %rem3A_1893 = arith.remsi %min3A_1875, %jit3A_1876 : i32
    %ne3A_1894 = arith.constant 0 : i32
    %ne3A_1895 = arith.cmpi ne, %rem3A_1893, %ne3A_1894 : i32
    %and3A_1896 = arith.andi %ne3A_1892, %ne3A_1895 : i1
    %sub3A_1897 = arith.constant 1 : i32
    %sub3A_1898 = arith.subi %div3A_1877, %sub3A_1897 : i32
    %select_n3A_1899 = arith.select %and3A_1896, %sub3A_1898, %div3A_1877 : i32
    %mul3A_1900 = arith.constant 128 : i32
    %mul3A_1901 = arith.muli %select_n3A_1899, %mul3A_1900 : i32
    %multiple_of3A_1902 = tpu.assume_multiple %mul3A_1901, 128 : i32
    %get3A_1903 = arith.constant 20 : index
    %get3A_1904 = arith.index_cast %multiple_of3A_1902 : i32 to index
    %get3A_1905 = vector.load %arg3[%get3A_1903, %get3A_1904] : memref<32x83584xf32, #tpu.memory_space<vmem>>, vector<1x128xf32>
    %jit3A_1906 = arith.constant 128 : i32
    %eq3A_1907 = arith.constant 0 : i32
    %eq3A_1908 = arith.cmpi eq, %jit3A_1906, %eq3A_1907 : i32
    %jit3A_1909 = arith.constant 1 : i32
    %select_n3A_1910 = arith.select %eq3A_1908, %jit3A_1909, %jit3A_1906 : i32
    %rem3A_1911 = arith.remsi %get3A_1873, %select_n3A_1910 : i32
    %ne3A_1912 = arith.constant 0 : i32
    %ne3A_1913 = arith.cmpi ne, %rem3A_1911, %ne3A_1912 : i32
    %lt3A_1914 = arith.constant 0 : i32
    %lt3A_1915 = arith.cmpi slt, %rem3A_1911, %lt3A_1914 : i32
    %lt3A_1916 = arith.constant 0 : i32
    %lt3A_1917 = arith.cmpi slt, %select_n3A_1910, %lt3A_1916 : i32
    %ne3A_1918 = arith.xori %lt3A_1915, %lt3A_1917 : i1
    %and3A_1919 = arith.andi %ne3A_1918, %ne3A_1913 : i1
    %add3A_1920 = arith.addi %rem3A_1911, %select_n3A_1910 : i32
    %select_n3A_1921 = arith.select %and3A_1919, %add3A_1920, %rem3A_1911 : i32
    %eq3A_1922 = vector.broadcast %select_n3A_1921 : i32 to vector<1x128xi32>
    %eq3A_1923 = arith.cmpi eq, %iota3A_35, %eq3A_1922 : vector<1x128xi32>
    %jit3A_1924 = arith.constant 0.000000e+00 : f32
    %broadcast_in_dim3A_1925 = vector.broadcast %jit3A_1924 : f32 to vector<1x128xf32>
    %select_n3A_1926 = arith.select %eq3A_1923, %get3A_1905, %broadcast_in_dim3A_1925 : vector<1x128xi1>, vector<1x128xf32>
    %reduce_sum3A_1927 = vector.shape_cast %select_n3A_1926 : vector<1x128xf32> to vector<1x1x128xf32>
    %reduce_sum3A_1928 = arith.constant dense<0.000000e+00> : vector<1xf32>
    %reduce_sum3A_1929 = vector.multi_reduction <add>, %reduce_sum3A_1927, %reduce_sum3A_1928 [1, 2] : vector<1x1x128xf32> to vector<1xf32>
    %reduce_sum3A_1930 = vector.shape_cast %reduce_sum3A_1929 : vector<1xf32> to vector<1x1x1xf32>
    %reduce_sum3A_1931 = vector.extract %reduce_sum3A_1930[0, 0, 0] : f32 from vector<1x1x1xf32>
    %sub3A_1932 = arith.constant 99968 : i32
    %sub3A_1933 = arith.subi %get3A_1873, %sub3A_1932 : i32
    %eq3A_1934 = vector.broadcast %sub3A_1933 : i32 to vector<1x128xi32>
    %eq3A_1935 = arith.cmpi eq, %iota3A_35, %eq3A_1934 : vector<1x128xi32>
    %get3A_1936 = arith.constant 20 : index
    %get3A_1937 = arith.constant 0 : index
    %get3A_1938 = vector.load %arg4[%get3A_1936, %get3A_1937] : memref<32x128xf32, #tpu.memory_space<vmem>>, vector<1x128xf32>
    %jit3A_1939 = arith.constant 0.000000e+00 : f32
    %broadcast_in_dim3A_1940 = vector.broadcast %jit3A_1939 : f32 to vector<1x128xf32>
    %select_n3A_1941 = arith.select %eq3A_1935, %get3A_1938, %broadcast_in_dim3A_1940 : vector<1x128xi1>, vector<1x128xf32>
    %reduce_sum3A_1942 = vector.shape_cast %select_n3A_1941 : vector<1x128xf32> to vector<1x1x128xf32>
    %reduce_sum3A_1943 = arith.constant dense<0.000000e+00> : vector<1xf32>
    %reduce_sum3A_1944 = vector.multi_reduction <add>, %reduce_sum3A_1942, %reduce_sum3A_1943 [1, 2] : vector<1x1x128xf32> to vector<1xf32>
    %reduce_sum3A_1945 = vector.shape_cast %reduce_sum3A_1944 : vector<1xf32> to vector<1x1x1xf32>
    %reduce_sum3A_1946 = vector.extract %reduce_sum3A_1945[0, 0, 0] : f32 from vector<1x1x1xf32>
    %ne3A_1947 = arith.constant 0 : i32
    %ne3A_1948 = arith.cmpi ne, %get3A_1873, %ne3A_1947 : i32
    %lt3A_1949 = arith.constant 83584 : i32
    %lt3A_1950 = arith.cmpi slt, %get3A_1873, %lt3A_1949 : i32
    %and3A_1951 = arith.andi %ne3A_1948, %lt3A_1950 : i1
    %jit3A_1952 = arith.constant 0.000000e+00 : f32
    %select_n3A_1953 = arith.select %and3A_1951, %reduce_sum3A_1931, %jit3A_1952 : f32
    %add3A_1954 = arith.addf %add3A_1867, %select_n3A_1953 : f32
    %ge3A_1955 = arith.constant 99968 : i32
    %ge3A_1956 = arith.cmpi sge, %get3A_1873, %ge3A_1955 : i32
    %jit3A_1957 = arith.constant 0.000000e+00 : f32
    %select_n3A_1958 = arith.select %ge3A_1956, %reduce_sum3A_1946, %jit3A_1957 : f32
    %add3A_1959 = arith.addf %add3A_1954, %select_n3A_1958 : f32
    %mul3A_1960 = arith.constant 32 : i32
    %mul3A_1961 = arith.muli %arg0, %mul3A_1960 : i32
    %add3A_1962 = arith.constant 21 : i32
    %add3A_1963 = arith.addi %mul3A_1961, %add3A_1962 : i32
    %get3A_1964 = arith.index_cast %add3A_1963 : i32 to index
    %get3A_1965 = memref.load %arg1[%get3A_1964] : memref<1024xi32, #tpu.memory_space<smem>>
    %min3A_1966 = arith.constant 83583 : i32
    %min3A_1967 = arith.minsi %get3A_1965, %min3A_1966 : i32
    %jit3A_1968 = arith.constant 128 : i32
    %div3A_1969 = arith.divsi %min3A_1967, %jit3A_1968 : i32
    %sign3A_1970 = arith.constant 0 : i32
    %sign3A_1971 = arith.cmpi sgt, %min3A_1967, %sign3A_1970 : i32
    %sign3A_1972 = arith.extui %sign3A_1971 : i1 to i32
    %sign3A_1973 = arith.constant 0 : i32
    %sign3A_1974 = arith.cmpi slt, %min3A_1967, %sign3A_1973 : i32
    %sign3A_1975 = arith.extui %sign3A_1974 : i1 to i32
    %sign3A_1976 = arith.subi %sign3A_1972, %sign3A_1975 : i32
    %sign3A_1977 = arith.constant 0 : i32
    %sign3A_1978 = arith.cmpi sgt, %jit3A_1968, %sign3A_1977 : i32
    %sign3A_1979 = arith.extui %sign3A_1978 : i1 to i32
    %sign3A_1980 = arith.constant 0 : i32
    %sign3A_1981 = arith.cmpi slt, %jit3A_1968, %sign3A_1980 : i32
    %sign3A_1982 = arith.extui %sign3A_1981 : i1 to i32
    %sign3A_1983 = arith.subi %sign3A_1979, %sign3A_1982 : i32
    %ne3A_1984 = arith.cmpi ne, %sign3A_1976, %sign3A_1983 : i32
    %rem3A_1985 = arith.remsi %min3A_1967, %jit3A_1968 : i32
    %ne3A_1986 = arith.constant 0 : i32
    %ne3A_1987 = arith.cmpi ne, %rem3A_1985, %ne3A_1986 : i32
    %and3A_1988 = arith.andi %ne3A_1984, %ne3A_1987 : i1
    %sub3A_1989 = arith.constant 1 : i32
    %sub3A_1990 = arith.subi %div3A_1969, %sub3A_1989 : i32
    %select_n3A_1991 = arith.select %and3A_1988, %sub3A_1990, %div3A_1969 : i32
    %mul3A_1992 = arith.constant 128 : i32
    %mul3A_1993 = arith.muli %select_n3A_1991, %mul3A_1992 : i32
    %multiple_of3A_1994 = tpu.assume_multiple %mul3A_1993, 128 : i32
    %get3A_1995 = arith.constant 21 : index
    %get3A_1996 = arith.index_cast %multiple_of3A_1994 : i32 to index
    %get3A_1997 = vector.load %arg3[%get3A_1995, %get3A_1996] : memref<32x83584xf32, #tpu.memory_space<vmem>>, vector<1x128xf32>
    %jit3A_1998 = arith.constant 128 : i32
    %eq3A_1999 = arith.constant 0 : i32
    %eq3A_2000 = arith.cmpi eq, %jit3A_1998, %eq3A_1999 : i32
    %jit3A_2001 = arith.constant 1 : i32
    %select_n3A_2002 = arith.select %eq3A_2000, %jit3A_2001, %jit3A_1998 : i32
    %rem3A_2003 = arith.remsi %get3A_1965, %select_n3A_2002 : i32
    %ne3A_2004 = arith.constant 0 : i32
    %ne3A_2005 = arith.cmpi ne, %rem3A_2003, %ne3A_2004 : i32
    %lt3A_2006 = arith.constant 0 : i32
    %lt3A_2007 = arith.cmpi slt, %rem3A_2003, %lt3A_2006 : i32
    %lt3A_2008 = arith.constant 0 : i32
    %lt3A_2009 = arith.cmpi slt, %select_n3A_2002, %lt3A_2008 : i32
    %ne3A_2010 = arith.xori %lt3A_2007, %lt3A_2009 : i1
    %and3A_2011 = arith.andi %ne3A_2010, %ne3A_2005 : i1
    %add3A_2012 = arith.addi %rem3A_2003, %select_n3A_2002 : i32
    %select_n3A_2013 = arith.select %and3A_2011, %add3A_2012, %rem3A_2003 : i32
    %eq3A_2014 = vector.broadcast %select_n3A_2013 : i32 to vector<1x128xi32>
    %eq3A_2015 = arith.cmpi eq, %iota3A_35, %eq3A_2014 : vector<1x128xi32>
    %jit3A_2016 = arith.constant 0.000000e+00 : f32
    %broadcast_in_dim3A_2017 = vector.broadcast %jit3A_2016 : f32 to vector<1x128xf32>
    %select_n3A_2018 = arith.select %eq3A_2015, %get3A_1997, %broadcast_in_dim3A_2017 : vector<1x128xi1>, vector<1x128xf32>
    %reduce_sum3A_2019 = vector.shape_cast %select_n3A_2018 : vector<1x128xf32> to vector<1x1x128xf32>
    %reduce_sum3A_2020 = arith.constant dense<0.000000e+00> : vector<1xf32>
    %reduce_sum3A_2021 = vector.multi_reduction <add>, %reduce_sum3A_2019, %reduce_sum3A_2020 [1, 2] : vector<1x1x128xf32> to vector<1xf32>
    %reduce_sum3A_2022 = vector.shape_cast %reduce_sum3A_2021 : vector<1xf32> to vector<1x1x1xf32>
    %reduce_sum3A_2023 = vector.extract %reduce_sum3A_2022[0, 0, 0] : f32 from vector<1x1x1xf32>
    %sub3A_2024 = arith.constant 99968 : i32
    %sub3A_2025 = arith.subi %get3A_1965, %sub3A_2024 : i32
    %eq3A_2026 = vector.broadcast %sub3A_2025 : i32 to vector<1x128xi32>
    %eq3A_2027 = arith.cmpi eq, %iota3A_35, %eq3A_2026 : vector<1x128xi32>
    %get3A_2028 = arith.constant 21 : index
    %get3A_2029 = arith.constant 0 : index
    %get3A_2030 = vector.load %arg4[%get3A_2028, %get3A_2029] : memref<32x128xf32, #tpu.memory_space<vmem>>, vector<1x128xf32>
    %jit3A_2031 = arith.constant 0.000000e+00 : f32
    %broadcast_in_dim3A_2032 = vector.broadcast %jit3A_2031 : f32 to vector<1x128xf32>
    %select_n3A_2033 = arith.select %eq3A_2027, %get3A_2030, %broadcast_in_dim3A_2032 : vector<1x128xi1>, vector<1x128xf32>
    %reduce_sum3A_2034 = vector.shape_cast %select_n3A_2033 : vector<1x128xf32> to vector<1x1x128xf32>
    %reduce_sum3A_2035 = arith.constant dense<0.000000e+00> : vector<1xf32>
    %reduce_sum3A_2036 = vector.multi_reduction <add>, %reduce_sum3A_2034, %reduce_sum3A_2035 [1, 2] : vector<1x1x128xf32> to vector<1xf32>
    %reduce_sum3A_2037 = vector.shape_cast %reduce_sum3A_2036 : vector<1xf32> to vector<1x1x1xf32>
    %reduce_sum3A_2038 = vector.extract %reduce_sum3A_2037[0, 0, 0] : f32 from vector<1x1x1xf32>
    %ne3A_2039 = arith.constant 0 : i32
    %ne3A_2040 = arith.cmpi ne, %get3A_1965, %ne3A_2039 : i32
    %lt3A_2041 = arith.constant 83584 : i32
    %lt3A_2042 = arith.cmpi slt, %get3A_1965, %lt3A_2041 : i32
    %and3A_2043 = arith.andi %ne3A_2040, %lt3A_2042 : i1
    %jit3A_2044 = arith.constant 0.000000e+00 : f32
    %select_n3A_2045 = arith.select %and3A_2043, %reduce_sum3A_2023, %jit3A_2044 : f32
    %add3A_2046 = arith.addf %add3A_1959, %select_n3A_2045 : f32
    %ge3A_2047 = arith.constant 99968 : i32
    %ge3A_2048 = arith.cmpi sge, %get3A_1965, %ge3A_2047 : i32
    %jit3A_2049 = arith.constant 0.000000e+00 : f32
    %select_n3A_2050 = arith.select %ge3A_2048, %reduce_sum3A_2038, %jit3A_2049 : f32
    %add3A_2051 = arith.addf %add3A_2046, %select_n3A_2050 : f32
    %mul3A_2052 = arith.constant 32 : i32
    %mul3A_2053 = arith.muli %arg0, %mul3A_2052 : i32
    %add3A_2054 = arith.constant 22 : i32
    %add3A_2055 = arith.addi %mul3A_2053, %add3A_2054 : i32
    %get3A_2056 = arith.index_cast %add3A_2055 : i32 to index
    %get3A_2057 = memref.load %arg1[%get3A_2056] : memref<1024xi32, #tpu.memory_space<smem>>
    %min3A_2058 = arith.constant 83583 : i32
    %min3A_2059 = arith.minsi %get3A_2057, %min3A_2058 : i32
    %jit3A_2060 = arith.constant 128 : i32
    %div3A_2061 = arith.divsi %min3A_2059, %jit3A_2060 : i32
    %sign3A_2062 = arith.constant 0 : i32
    %sign3A_2063 = arith.cmpi sgt, %min3A_2059, %sign3A_2062 : i32
    %sign3A_2064 = arith.extui %sign3A_2063 : i1 to i32
    %sign3A_2065 = arith.constant 0 : i32
    %sign3A_2066 = arith.cmpi slt, %min3A_2059, %sign3A_2065 : i32
    %sign3A_2067 = arith.extui %sign3A_2066 : i1 to i32
    %sign3A_2068 = arith.subi %sign3A_2064, %sign3A_2067 : i32
    %sign3A_2069 = arith.constant 0 : i32
    %sign3A_2070 = arith.cmpi sgt, %jit3A_2060, %sign3A_2069 : i32
    %sign3A_2071 = arith.extui %sign3A_2070 : i1 to i32
    %sign3A_2072 = arith.constant 0 : i32
    %sign3A_2073 = arith.cmpi slt, %jit3A_2060, %sign3A_2072 : i32
    %sign3A_2074 = arith.extui %sign3A_2073 : i1 to i32
    %sign3A_2075 = arith.subi %sign3A_2071, %sign3A_2074 : i32
    %ne3A_2076 = arith.cmpi ne, %sign3A_2068, %sign3A_2075 : i32
    %rem3A_2077 = arith.remsi %min3A_2059, %jit3A_2060 : i32
    %ne3A_2078 = arith.constant 0 : i32
    %ne3A_2079 = arith.cmpi ne, %rem3A_2077, %ne3A_2078 : i32
    %and3A_2080 = arith.andi %ne3A_2076, %ne3A_2079 : i1
    %sub3A_2081 = arith.constant 1 : i32
    %sub3A_2082 = arith.subi %div3A_2061, %sub3A_2081 : i32
    %select_n3A_2083 = arith.select %and3A_2080, %sub3A_2082, %div3A_2061 : i32
    %mul3A_2084 = arith.constant 128 : i32
    %mul3A_2085 = arith.muli %select_n3A_2083, %mul3A_2084 : i32
    %multiple_of3A_2086 = tpu.assume_multiple %mul3A_2085, 128 : i32
    %get3A_2087 = arith.constant 22 : index
    %get3A_2088 = arith.index_cast %multiple_of3A_2086 : i32 to index
    %get3A_2089 = vector.load %arg3[%get3A_2087, %get3A_2088] : memref<32x83584xf32, #tpu.memory_space<vmem>>, vector<1x128xf32>
    %jit3A_2090 = arith.constant 128 : i32
    %eq3A_2091 = arith.constant 0 : i32
    %eq3A_2092 = arith.cmpi eq, %jit3A_2090, %eq3A_2091 : i32
    %jit3A_2093 = arith.constant 1 : i32
    %select_n3A_2094 = arith.select %eq3A_2092, %jit3A_2093, %jit3A_2090 : i32
    %rem3A_2095 = arith.remsi %get3A_2057, %select_n3A_2094 : i32
    %ne3A_2096 = arith.constant 0 : i32
    %ne3A_2097 = arith.cmpi ne, %rem3A_2095, %ne3A_2096 : i32
    %lt3A_2098 = arith.constant 0 : i32
    %lt3A_2099 = arith.cmpi slt, %rem3A_2095, %lt3A_2098 : i32
    %lt3A_2100 = arith.constant 0 : i32
    %lt3A_2101 = arith.cmpi slt, %select_n3A_2094, %lt3A_2100 : i32
    %ne3A_2102 = arith.xori %lt3A_2099, %lt3A_2101 : i1
    %and3A_2103 = arith.andi %ne3A_2102, %ne3A_2097 : i1
    %add3A_2104 = arith.addi %rem3A_2095, %select_n3A_2094 : i32
    %select_n3A_2105 = arith.select %and3A_2103, %add3A_2104, %rem3A_2095 : i32
    %eq3A_2106 = vector.broadcast %select_n3A_2105 : i32 to vector<1x128xi32>
    %eq3A_2107 = arith.cmpi eq, %iota3A_35, %eq3A_2106 : vector<1x128xi32>
    %jit3A_2108 = arith.constant 0.000000e+00 : f32
    %broadcast_in_dim3A_2109 = vector.broadcast %jit3A_2108 : f32 to vector<1x128xf32>
    %select_n3A_2110 = arith.select %eq3A_2107, %get3A_2089, %broadcast_in_dim3A_2109 : vector<1x128xi1>, vector<1x128xf32>
    %reduce_sum3A_2111 = vector.shape_cast %select_n3A_2110 : vector<1x128xf32> to vector<1x1x128xf32>
    %reduce_sum3A_2112 = arith.constant dense<0.000000e+00> : vector<1xf32>
    %reduce_sum3A_2113 = vector.multi_reduction <add>, %reduce_sum3A_2111, %reduce_sum3A_2112 [1, 2] : vector<1x1x128xf32> to vector<1xf32>
    %reduce_sum3A_2114 = vector.shape_cast %reduce_sum3A_2113 : vector<1xf32> to vector<1x1x1xf32>
    %reduce_sum3A_2115 = vector.extract %reduce_sum3A_2114[0, 0, 0] : f32 from vector<1x1x1xf32>
    %sub3A_2116 = arith.constant 99968 : i32
    %sub3A_2117 = arith.subi %get3A_2057, %sub3A_2116 : i32
    %eq3A_2118 = vector.broadcast %sub3A_2117 : i32 to vector<1x128xi32>
    %eq3A_2119 = arith.cmpi eq, %iota3A_35, %eq3A_2118 : vector<1x128xi32>
    %get3A_2120 = arith.constant 22 : index
    %get3A_2121 = arith.constant 0 : index
    %get3A_2122 = vector.load %arg4[%get3A_2120, %get3A_2121] : memref<32x128xf32, #tpu.memory_space<vmem>>, vector<1x128xf32>
    %jit3A_2123 = arith.constant 0.000000e+00 : f32
    %broadcast_in_dim3A_2124 = vector.broadcast %jit3A_2123 : f32 to vector<1x128xf32>
    %select_n3A_2125 = arith.select %eq3A_2119, %get3A_2122, %broadcast_in_dim3A_2124 : vector<1x128xi1>, vector<1x128xf32>
    %reduce_sum3A_2126 = vector.shape_cast %select_n3A_2125 : vector<1x128xf32> to vector<1x1x128xf32>
    %reduce_sum3A_2127 = arith.constant dense<0.000000e+00> : vector<1xf32>
    %reduce_sum3A_2128 = vector.multi_reduction <add>, %reduce_sum3A_2126, %reduce_sum3A_2127 [1, 2] : vector<1x1x128xf32> to vector<1xf32>
    %reduce_sum3A_2129 = vector.shape_cast %reduce_sum3A_2128 : vector<1xf32> to vector<1x1x1xf32>
    %reduce_sum3A_2130 = vector.extract %reduce_sum3A_2129[0, 0, 0] : f32 from vector<1x1x1xf32>
    %ne3A_2131 = arith.constant 0 : i32
    %ne3A_2132 = arith.cmpi ne, %get3A_2057, %ne3A_2131 : i32
    %lt3A_2133 = arith.constant 83584 : i32
    %lt3A_2134 = arith.cmpi slt, %get3A_2057, %lt3A_2133 : i32
    %and3A_2135 = arith.andi %ne3A_2132, %lt3A_2134 : i1
    %jit3A_2136 = arith.constant 0.000000e+00 : f32
    %select_n3A_2137 = arith.select %and3A_2135, %reduce_sum3A_2115, %jit3A_2136 : f32
    %add3A_2138 = arith.addf %add3A_2051, %select_n3A_2137 : f32
    %ge3A_2139 = arith.constant 99968 : i32
    %ge3A_2140 = arith.cmpi sge, %get3A_2057, %ge3A_2139 : i32
    %jit3A_2141 = arith.constant 0.000000e+00 : f32
    %select_n3A_2142 = arith.select %ge3A_2140, %reduce_sum3A_2130, %jit3A_2141 : f32
    %add3A_2143 = arith.addf %add3A_2138, %select_n3A_2142 : f32
    %mul3A_2144 = arith.constant 32 : i32
    %mul3A_2145 = arith.muli %arg0, %mul3A_2144 : i32
    %add3A_2146 = arith.constant 23 : i32
    %add3A_2147 = arith.addi %mul3A_2145, %add3A_2146 : i32
    %get3A_2148 = arith.index_cast %add3A_2147 : i32 to index
    %get3A_2149 = memref.load %arg1[%get3A_2148] : memref<1024xi32, #tpu.memory_space<smem>>
    %min3A_2150 = arith.constant 83583 : i32
    %min3A_2151 = arith.minsi %get3A_2149, %min3A_2150 : i32
    %jit3A_2152 = arith.constant 128 : i32
    %div3A_2153 = arith.divsi %min3A_2151, %jit3A_2152 : i32
    %sign3A_2154 = arith.constant 0 : i32
    %sign3A_2155 = arith.cmpi sgt, %min3A_2151, %sign3A_2154 : i32
    %sign3A_2156 = arith.extui %sign3A_2155 : i1 to i32
    %sign3A_2157 = arith.constant 0 : i32
    %sign3A_2158 = arith.cmpi slt, %min3A_2151, %sign3A_2157 : i32
    %sign3A_2159 = arith.extui %sign3A_2158 : i1 to i32
    %sign3A_2160 = arith.subi %sign3A_2156, %sign3A_2159 : i32
    %sign3A_2161 = arith.constant 0 : i32
    %sign3A_2162 = arith.cmpi sgt, %jit3A_2152, %sign3A_2161 : i32
    %sign3A_2163 = arith.extui %sign3A_2162 : i1 to i32
    %sign3A_2164 = arith.constant 0 : i32
    %sign3A_2165 = arith.cmpi slt, %jit3A_2152, %sign3A_2164 : i32
    %sign3A_2166 = arith.extui %sign3A_2165 : i1 to i32
    %sign3A_2167 = arith.subi %sign3A_2163, %sign3A_2166 : i32
    %ne3A_2168 = arith.cmpi ne, %sign3A_2160, %sign3A_2167 : i32
    %rem3A_2169 = arith.remsi %min3A_2151, %jit3A_2152 : i32
    %ne3A_2170 = arith.constant 0 : i32
    %ne3A_2171 = arith.cmpi ne, %rem3A_2169, %ne3A_2170 : i32
    %and3A_2172 = arith.andi %ne3A_2168, %ne3A_2171 : i1
    %sub3A_2173 = arith.constant 1 : i32
    %sub3A_2174 = arith.subi %div3A_2153, %sub3A_2173 : i32
    %select_n3A_2175 = arith.select %and3A_2172, %sub3A_2174, %div3A_2153 : i32
    %mul3A_2176 = arith.constant 128 : i32
    %mul3A_2177 = arith.muli %select_n3A_2175, %mul3A_2176 : i32
    %multiple_of3A_2178 = tpu.assume_multiple %mul3A_2177, 128 : i32
    %get3A_2179 = arith.constant 23 : index
    %get3A_2180 = arith.index_cast %multiple_of3A_2178 : i32 to index
    %get3A_2181 = vector.load %arg3[%get3A_2179, %get3A_2180] : memref<32x83584xf32, #tpu.memory_space<vmem>>, vector<1x128xf32>
    %jit3A_2182 = arith.constant 128 : i32
    %eq3A_2183 = arith.constant 0 : i32
    %eq3A_2184 = arith.cmpi eq, %jit3A_2182, %eq3A_2183 : i32
    %jit3A_2185 = arith.constant 1 : i32
    %select_n3A_2186 = arith.select %eq3A_2184, %jit3A_2185, %jit3A_2182 : i32
    %rem3A_2187 = arith.remsi %get3A_2149, %select_n3A_2186 : i32
    %ne3A_2188 = arith.constant 0 : i32
    %ne3A_2189 = arith.cmpi ne, %rem3A_2187, %ne3A_2188 : i32
    %lt3A_2190 = arith.constant 0 : i32
    %lt3A_2191 = arith.cmpi slt, %rem3A_2187, %lt3A_2190 : i32
    %lt3A_2192 = arith.constant 0 : i32
    %lt3A_2193 = arith.cmpi slt, %select_n3A_2186, %lt3A_2192 : i32
    %ne3A_2194 = arith.xori %lt3A_2191, %lt3A_2193 : i1
    %and3A_2195 = arith.andi %ne3A_2194, %ne3A_2189 : i1
    %add3A_2196 = arith.addi %rem3A_2187, %select_n3A_2186 : i32
    %select_n3A_2197 = arith.select %and3A_2195, %add3A_2196, %rem3A_2187 : i32
    %eq3A_2198 = vector.broadcast %select_n3A_2197 : i32 to vector<1x128xi32>
    %eq3A_2199 = arith.cmpi eq, %iota3A_35, %eq3A_2198 : vector<1x128xi32>
    %jit3A_2200 = arith.constant 0.000000e+00 : f32
    %broadcast_in_dim3A_2201 = vector.broadcast %jit3A_2200 : f32 to vector<1x128xf32>
    %select_n3A_2202 = arith.select %eq3A_2199, %get3A_2181, %broadcast_in_dim3A_2201 : vector<1x128xi1>, vector<1x128xf32>
    %reduce_sum3A_2203 = vector.shape_cast %select_n3A_2202 : vector<1x128xf32> to vector<1x1x128xf32>
    %reduce_sum3A_2204 = arith.constant dense<0.000000e+00> : vector<1xf32>
    %reduce_sum3A_2205 = vector.multi_reduction <add>, %reduce_sum3A_2203, %reduce_sum3A_2204 [1, 2] : vector<1x1x128xf32> to vector<1xf32>
    %reduce_sum3A_2206 = vector.shape_cast %reduce_sum3A_2205 : vector<1xf32> to vector<1x1x1xf32>
    %reduce_sum3A_2207 = vector.extract %reduce_sum3A_2206[0, 0, 0] : f32 from vector<1x1x1xf32>
    %sub3A_2208 = arith.constant 99968 : i32
    %sub3A_2209 = arith.subi %get3A_2149, %sub3A_2208 : i32
    %eq3A_2210 = vector.broadcast %sub3A_2209 : i32 to vector<1x128xi32>
    %eq3A_2211 = arith.cmpi eq, %iota3A_35, %eq3A_2210 : vector<1x128xi32>
    %get3A_2212 = arith.constant 23 : index
    %get3A_2213 = arith.constant 0 : index
    %get3A_2214 = vector.load %arg4[%get3A_2212, %get3A_2213] : memref<32x128xf32, #tpu.memory_space<vmem>>, vector<1x128xf32>
    %jit3A_2215 = arith.constant 0.000000e+00 : f32
    %broadcast_in_dim3A_2216 = vector.broadcast %jit3A_2215 : f32 to vector<1x128xf32>
    %select_n3A_2217 = arith.select %eq3A_2211, %get3A_2214, %broadcast_in_dim3A_2216 : vector<1x128xi1>, vector<1x128xf32>
    %reduce_sum3A_2218 = vector.shape_cast %select_n3A_2217 : vector<1x128xf32> to vector<1x1x128xf32>
    %reduce_sum3A_2219 = arith.constant dense<0.000000e+00> : vector<1xf32>
    %reduce_sum3A_2220 = vector.multi_reduction <add>, %reduce_sum3A_2218, %reduce_sum3A_2219 [1, 2] : vector<1x1x128xf32> to vector<1xf32>
    %reduce_sum3A_2221 = vector.shape_cast %reduce_sum3A_2220 : vector<1xf32> to vector<1x1x1xf32>
    %reduce_sum3A_2222 = vector.extract %reduce_sum3A_2221[0, 0, 0] : f32 from vector<1x1x1xf32>
    %ne3A_2223 = arith.constant 0 : i32
    %ne3A_2224 = arith.cmpi ne, %get3A_2149, %ne3A_2223 : i32
    %lt3A_2225 = arith.constant 83584 : i32
    %lt3A_2226 = arith.cmpi slt, %get3A_2149, %lt3A_2225 : i32
    %and3A_2227 = arith.andi %ne3A_2224, %lt3A_2226 : i1
    %jit3A_2228 = arith.constant 0.000000e+00 : f32
    %select_n3A_2229 = arith.select %and3A_2227, %reduce_sum3A_2207, %jit3A_2228 : f32
    %add3A_2230 = arith.addf %add3A_2143, %select_n3A_2229 : f32
    %ge3A_2231 = arith.constant 99968 : i32
    %ge3A_2232 = arith.cmpi sge, %get3A_2149, %ge3A_2231 : i32
    %jit3A_2233 = arith.constant 0.000000e+00 : f32
    %select_n3A_2234 = arith.select %ge3A_2232, %reduce_sum3A_2222, %jit3A_2233 : f32
    %add3A_2235 = arith.addf %add3A_2230, %select_n3A_2234 : f32
    %mul3A_2236 = arith.constant 32 : i32
    %mul3A_2237 = arith.muli %arg0, %mul3A_2236 : i32
    %add3A_2238 = arith.constant 24 : i32
    %add3A_2239 = arith.addi %mul3A_2237, %add3A_2238 : i32
    %get3A_2240 = arith.index_cast %add3A_2239 : i32 to index
    %get3A_2241 = memref.load %arg1[%get3A_2240] : memref<1024xi32, #tpu.memory_space<smem>>
    %min3A_2242 = arith.constant 83583 : i32
    %min3A_2243 = arith.minsi %get3A_2241, %min3A_2242 : i32
    %jit3A_2244 = arith.constant 128 : i32
    %div3A_2245 = arith.divsi %min3A_2243, %jit3A_2244 : i32
    %sign3A_2246 = arith.constant 0 : i32
    %sign3A_2247 = arith.cmpi sgt, %min3A_2243, %sign3A_2246 : i32
    %sign3A_2248 = arith.extui %sign3A_2247 : i1 to i32
    %sign3A_2249 = arith.constant 0 : i32
    %sign3A_2250 = arith.cmpi slt, %min3A_2243, %sign3A_2249 : i32
    %sign3A_2251 = arith.extui %sign3A_2250 : i1 to i32
    %sign3A_2252 = arith.subi %sign3A_2248, %sign3A_2251 : i32
    %sign3A_2253 = arith.constant 0 : i32
    %sign3A_2254 = arith.cmpi sgt, %jit3A_2244, %sign3A_2253 : i32
    %sign3A_2255 = arith.extui %sign3A_2254 : i1 to i32
    %sign3A_2256 = arith.constant 0 : i32
    %sign3A_2257 = arith.cmpi slt, %jit3A_2244, %sign3A_2256 : i32
    %sign3A_2258 = arith.extui %sign3A_2257 : i1 to i32
    %sign3A_2259 = arith.subi %sign3A_2255, %sign3A_2258 : i32
    %ne3A_2260 = arith.cmpi ne, %sign3A_2252, %sign3A_2259 : i32
    %rem3A_2261 = arith.remsi %min3A_2243, %jit3A_2244 : i32
    %ne3A_2262 = arith.constant 0 : i32
    %ne3A_2263 = arith.cmpi ne, %rem3A_2261, %ne3A_2262 : i32
    %and3A_2264 = arith.andi %ne3A_2260, %ne3A_2263 : i1
    %sub3A_2265 = arith.constant 1 : i32
    %sub3A_2266 = arith.subi %div3A_2245, %sub3A_2265 : i32
    %select_n3A_2267 = arith.select %and3A_2264, %sub3A_2266, %div3A_2245 : i32
    %mul3A_2268 = arith.constant 128 : i32
    %mul3A_2269 = arith.muli %select_n3A_2267, %mul3A_2268 : i32
    %multiple_of3A_2270 = tpu.assume_multiple %mul3A_2269, 128 : i32
    %get3A_2271 = arith.constant 24 : index
    %get3A_2272 = arith.index_cast %multiple_of3A_2270 : i32 to index
    %get3A_2273 = vector.load %arg3[%get3A_2271, %get3A_2272] : memref<32x83584xf32, #tpu.memory_space<vmem>>, vector<1x128xf32>
    %jit3A_2274 = arith.constant 128 : i32
    %eq3A_2275 = arith.constant 0 : i32
    %eq3A_2276 = arith.cmpi eq, %jit3A_2274, %eq3A_2275 : i32
    %jit3A_2277 = arith.constant 1 : i32
    %select_n3A_2278 = arith.select %eq3A_2276, %jit3A_2277, %jit3A_2274 : i32
    %rem3A_2279 = arith.remsi %get3A_2241, %select_n3A_2278 : i32
    %ne3A_2280 = arith.constant 0 : i32
    %ne3A_2281 = arith.cmpi ne, %rem3A_2279, %ne3A_2280 : i32
    %lt3A_2282 = arith.constant 0 : i32
    %lt3A_2283 = arith.cmpi slt, %rem3A_2279, %lt3A_2282 : i32
    %lt3A_2284 = arith.constant 0 : i32
    %lt3A_2285 = arith.cmpi slt, %select_n3A_2278, %lt3A_2284 : i32
    %ne3A_2286 = arith.xori %lt3A_2283, %lt3A_2285 : i1
    %and3A_2287 = arith.andi %ne3A_2286, %ne3A_2281 : i1
    %add3A_2288 = arith.addi %rem3A_2279, %select_n3A_2278 : i32
    %select_n3A_2289 = arith.select %and3A_2287, %add3A_2288, %rem3A_2279 : i32
    %eq3A_2290 = vector.broadcast %select_n3A_2289 : i32 to vector<1x128xi32>
    %eq3A_2291 = arith.cmpi eq, %iota3A_35, %eq3A_2290 : vector<1x128xi32>
    %jit3A_2292 = arith.constant 0.000000e+00 : f32
    %broadcast_in_dim3A_2293 = vector.broadcast %jit3A_2292 : f32 to vector<1x128xf32>
    %select_n3A_2294 = arith.select %eq3A_2291, %get3A_2273, %broadcast_in_dim3A_2293 : vector<1x128xi1>, vector<1x128xf32>
    %reduce_sum3A_2295 = vector.shape_cast %select_n3A_2294 : vector<1x128xf32> to vector<1x1x128xf32>
    %reduce_sum3A_2296 = arith.constant dense<0.000000e+00> : vector<1xf32>
    %reduce_sum3A_2297 = vector.multi_reduction <add>, %reduce_sum3A_2295, %reduce_sum3A_2296 [1, 2] : vector<1x1x128xf32> to vector<1xf32>
    %reduce_sum3A_2298 = vector.shape_cast %reduce_sum3A_2297 : vector<1xf32> to vector<1x1x1xf32>
    %reduce_sum3A_2299 = vector.extract %reduce_sum3A_2298[0, 0, 0] : f32 from vector<1x1x1xf32>
    %sub3A_2300 = arith.constant 99968 : i32
    %sub3A_2301 = arith.subi %get3A_2241, %sub3A_2300 : i32
    %eq3A_2302 = vector.broadcast %sub3A_2301 : i32 to vector<1x128xi32>
    %eq3A_2303 = arith.cmpi eq, %iota3A_35, %eq3A_2302 : vector<1x128xi32>
    %get3A_2304 = arith.constant 24 : index
    %get3A_2305 = arith.constant 0 : index
    %get3A_2306 = vector.load %arg4[%get3A_2304, %get3A_2305] : memref<32x128xf32, #tpu.memory_space<vmem>>, vector<1x128xf32>
    %jit3A_2307 = arith.constant 0.000000e+00 : f32
    %broadcast_in_dim3A_2308 = vector.broadcast %jit3A_2307 : f32 to vector<1x128xf32>
    %select_n3A_2309 = arith.select %eq3A_2303, %get3A_2306, %broadcast_in_dim3A_2308 : vector<1x128xi1>, vector<1x128xf32>
    %reduce_sum3A_2310 = vector.shape_cast %select_n3A_2309 : vector<1x128xf32> to vector<1x1x128xf32>
    %reduce_sum3A_2311 = arith.constant dense<0.000000e+00> : vector<1xf32>
    %reduce_sum3A_2312 = vector.multi_reduction <add>, %reduce_sum3A_2310, %reduce_sum3A_2311 [1, 2] : vector<1x1x128xf32> to vector<1xf32>
    %reduce_sum3A_2313 = vector.shape_cast %reduce_sum3A_2312 : vector<1xf32> to vector<1x1x1xf32>
    %reduce_sum3A_2314 = vector.extract %reduce_sum3A_2313[0, 0, 0] : f32 from vector<1x1x1xf32>
    %ne3A_2315 = arith.constant 0 : i32
    %ne3A_2316 = arith.cmpi ne, %get3A_2241, %ne3A_2315 : i32
    %lt3A_2317 = arith.constant 83584 : i32
    %lt3A_2318 = arith.cmpi slt, %get3A_2241, %lt3A_2317 : i32
    %and3A_2319 = arith.andi %ne3A_2316, %lt3A_2318 : i1
    %jit3A_2320 = arith.constant 0.000000e+00 : f32
    %select_n3A_2321 = arith.select %and3A_2319, %reduce_sum3A_2299, %jit3A_2320 : f32
    %add3A_2322 = arith.addf %add3A_2235, %select_n3A_2321 : f32
    %ge3A_2323 = arith.constant 99968 : i32
    %ge3A_2324 = arith.cmpi sge, %get3A_2241, %ge3A_2323 : i32
    %jit3A_2325 = arith.constant 0.000000e+00 : f32
    %select_n3A_2326 = arith.select %ge3A_2324, %reduce_sum3A_2314, %jit3A_2325 : f32
    %add3A_2327 = arith.addf %add3A_2322, %select_n3A_2326 : f32
    %mul3A_2328 = arith.constant 32 : i32
    %mul3A_2329 = arith.muli %arg0, %mul3A_2328 : i32
    %add3A_2330 = arith.constant 25 : i32
    %add3A_2331 = arith.addi %mul3A_2329, %add3A_2330 : i32
    %get3A_2332 = arith.index_cast %add3A_2331 : i32 to index
    %get3A_2333 = memref.load %arg1[%get3A_2332] : memref<1024xi32, #tpu.memory_space<smem>>
    %min3A_2334 = arith.constant 83583 : i32
    %min3A_2335 = arith.minsi %get3A_2333, %min3A_2334 : i32
    %jit3A_2336 = arith.constant 128 : i32
    %div3A_2337 = arith.divsi %min3A_2335, %jit3A_2336 : i32
    %sign3A_2338 = arith.constant 0 : i32
    %sign3A_2339 = arith.cmpi sgt, %min3A_2335, %sign3A_2338 : i32
    %sign3A_2340 = arith.extui %sign3A_2339 : i1 to i32
    %sign3A_2341 = arith.constant 0 : i32
    %sign3A_2342 = arith.cmpi slt, %min3A_2335, %sign3A_2341 : i32
    %sign3A_2343 = arith.extui %sign3A_2342 : i1 to i32
    %sign3A_2344 = arith.subi %sign3A_2340, %sign3A_2343 : i32
    %sign3A_2345 = arith.constant 0 : i32
    %sign3A_2346 = arith.cmpi sgt, %jit3A_2336, %sign3A_2345 : i32
    %sign3A_2347 = arith.extui %sign3A_2346 : i1 to i32
    %sign3A_2348 = arith.constant 0 : i32
    %sign3A_2349 = arith.cmpi slt, %jit3A_2336, %sign3A_2348 : i32
    %sign3A_2350 = arith.extui %sign3A_2349 : i1 to i32
    %sign3A_2351 = arith.subi %sign3A_2347, %sign3A_2350 : i32
    %ne3A_2352 = arith.cmpi ne, %sign3A_2344, %sign3A_2351 : i32
    %rem3A_2353 = arith.remsi %min3A_2335, %jit3A_2336 : i32
    %ne3A_2354 = arith.constant 0 : i32
    %ne3A_2355 = arith.cmpi ne, %rem3A_2353, %ne3A_2354 : i32
    %and3A_2356 = arith.andi %ne3A_2352, %ne3A_2355 : i1
    %sub3A_2357 = arith.constant 1 : i32
    %sub3A_2358 = arith.subi %div3A_2337, %sub3A_2357 : i32
    %select_n3A_2359 = arith.select %and3A_2356, %sub3A_2358, %div3A_2337 : i32
    %mul3A_2360 = arith.constant 128 : i32
    %mul3A_2361 = arith.muli %select_n3A_2359, %mul3A_2360 : i32
    %multiple_of3A_2362 = tpu.assume_multiple %mul3A_2361, 128 : i32
    %get3A_2363 = arith.constant 25 : index
    %get3A_2364 = arith.index_cast %multiple_of3A_2362 : i32 to index
    %get3A_2365 = vector.load %arg3[%get3A_2363, %get3A_2364] : memref<32x83584xf32, #tpu.memory_space<vmem>>, vector<1x128xf32>
    %jit3A_2366 = arith.constant 128 : i32
    %eq3A_2367 = arith.constant 0 : i32
    %eq3A_2368 = arith.cmpi eq, %jit3A_2366, %eq3A_2367 : i32
    %jit3A_2369 = arith.constant 1 : i32
    %select_n3A_2370 = arith.select %eq3A_2368, %jit3A_2369, %jit3A_2366 : i32
    %rem3A_2371 = arith.remsi %get3A_2333, %select_n3A_2370 : i32
    %ne3A_2372 = arith.constant 0 : i32
    %ne3A_2373 = arith.cmpi ne, %rem3A_2371, %ne3A_2372 : i32
    %lt3A_2374 = arith.constant 0 : i32
    %lt3A_2375 = arith.cmpi slt, %rem3A_2371, %lt3A_2374 : i32
    %lt3A_2376 = arith.constant 0 : i32
    %lt3A_2377 = arith.cmpi slt, %select_n3A_2370, %lt3A_2376 : i32
    %ne3A_2378 = arith.xori %lt3A_2375, %lt3A_2377 : i1
    %and3A_2379 = arith.andi %ne3A_2378, %ne3A_2373 : i1
    %add3A_2380 = arith.addi %rem3A_2371, %select_n3A_2370 : i32
    %select_n3A_2381 = arith.select %and3A_2379, %add3A_2380, %rem3A_2371 : i32
    %eq3A_2382 = vector.broadcast %select_n3A_2381 : i32 to vector<1x128xi32>
    %eq3A_2383 = arith.cmpi eq, %iota3A_35, %eq3A_2382 : vector<1x128xi32>
    %jit3A_2384 = arith.constant 0.000000e+00 : f32
    %broadcast_in_dim3A_2385 = vector.broadcast %jit3A_2384 : f32 to vector<1x128xf32>
    %select_n3A_2386 = arith.select %eq3A_2383, %get3A_2365, %broadcast_in_dim3A_2385 : vector<1x128xi1>, vector<1x128xf32>
    %reduce_sum3A_2387 = vector.shape_cast %select_n3A_2386 : vector<1x128xf32> to vector<1x1x128xf32>
    %reduce_sum3A_2388 = arith.constant dense<0.000000e+00> : vector<1xf32>
    %reduce_sum3A_2389 = vector.multi_reduction <add>, %reduce_sum3A_2387, %reduce_sum3A_2388 [1, 2] : vector<1x1x128xf32> to vector<1xf32>
    %reduce_sum3A_2390 = vector.shape_cast %reduce_sum3A_2389 : vector<1xf32> to vector<1x1x1xf32>
    %reduce_sum3A_2391 = vector.extract %reduce_sum3A_2390[0, 0, 0] : f32 from vector<1x1x1xf32>
    %sub3A_2392 = arith.constant 99968 : i32
    %sub3A_2393 = arith.subi %get3A_2333, %sub3A_2392 : i32
    %eq3A_2394 = vector.broadcast %sub3A_2393 : i32 to vector<1x128xi32>
    %eq3A_2395 = arith.cmpi eq, %iota3A_35, %eq3A_2394 : vector<1x128xi32>
    %get3A_2396 = arith.constant 25 : index
    %get3A_2397 = arith.constant 0 : index
    %get3A_2398 = vector.load %arg4[%get3A_2396, %get3A_2397] : memref<32x128xf32, #tpu.memory_space<vmem>>, vector<1x128xf32>
    %jit3A_2399 = arith.constant 0.000000e+00 : f32
    %broadcast_in_dim3A_2400 = vector.broadcast %jit3A_2399 : f32 to vector<1x128xf32>
    %select_n3A_2401 = arith.select %eq3A_2395, %get3A_2398, %broadcast_in_dim3A_2400 : vector<1x128xi1>, vector<1x128xf32>
    %reduce_sum3A_2402 = vector.shape_cast %select_n3A_2401 : vector<1x128xf32> to vector<1x1x128xf32>
    %reduce_sum3A_2403 = arith.constant dense<0.000000e+00> : vector<1xf32>
    %reduce_sum3A_2404 = vector.multi_reduction <add>, %reduce_sum3A_2402, %reduce_sum3A_2403 [1, 2] : vector<1x1x128xf32> to vector<1xf32>
    %reduce_sum3A_2405 = vector.shape_cast %reduce_sum3A_2404 : vector<1xf32> to vector<1x1x1xf32>
    %reduce_sum3A_2406 = vector.extract %reduce_sum3A_2405[0, 0, 0] : f32 from vector<1x1x1xf32>
    %ne3A_2407 = arith.constant 0 : i32
    %ne3A_2408 = arith.cmpi ne, %get3A_2333, %ne3A_2407 : i32
    %lt3A_2409 = arith.constant 83584 : i32
    %lt3A_2410 = arith.cmpi slt, %get3A_2333, %lt3A_2409 : i32
    %and3A_2411 = arith.andi %ne3A_2408, %lt3A_2410 : i1
    %jit3A_2412 = arith.constant 0.000000e+00 : f32
    %select_n3A_2413 = arith.select %and3A_2411, %reduce_sum3A_2391, %jit3A_2412 : f32
    %add3A_2414 = arith.addf %add3A_2327, %select_n3A_2413 : f32
    %ge3A_2415 = arith.constant 99968 : i32
    %ge3A_2416 = arith.cmpi sge, %get3A_2333, %ge3A_2415 : i32
    %jit3A_2417 = arith.constant 0.000000e+00 : f32
    %select_n3A_2418 = arith.select %ge3A_2416, %reduce_sum3A_2406, %jit3A_2417 : f32
    %add3A_2419 = arith.addf %add3A_2414, %select_n3A_2418 : f32
    %mul3A_2420 = arith.constant 32 : i32
    %mul3A_2421 = arith.muli %arg0, %mul3A_2420 : i32
    %add3A_2422 = arith.constant 26 : i32
    %add3A_2423 = arith.addi %mul3A_2421, %add3A_2422 : i32
    %get3A_2424 = arith.index_cast %add3A_2423 : i32 to index
    %get3A_2425 = memref.load %arg1[%get3A_2424] : memref<1024xi32, #tpu.memory_space<smem>>
    %min3A_2426 = arith.constant 83583 : i32
    %min3A_2427 = arith.minsi %get3A_2425, %min3A_2426 : i32
    %jit3A_2428 = arith.constant 128 : i32
    %div3A_2429 = arith.divsi %min3A_2427, %jit3A_2428 : i32
    %sign3A_2430 = arith.constant 0 : i32
    %sign3A_2431 = arith.cmpi sgt, %min3A_2427, %sign3A_2430 : i32
    %sign3A_2432 = arith.extui %sign3A_2431 : i1 to i32
    %sign3A_2433 = arith.constant 0 : i32
    %sign3A_2434 = arith.cmpi slt, %min3A_2427, %sign3A_2433 : i32
    %sign3A_2435 = arith.extui %sign3A_2434 : i1 to i32
    %sign3A_2436 = arith.subi %sign3A_2432, %sign3A_2435 : i32
    %sign3A_2437 = arith.constant 0 : i32
    %sign3A_2438 = arith.cmpi sgt, %jit3A_2428, %sign3A_2437 : i32
    %sign3A_2439 = arith.extui %sign3A_2438 : i1 to i32
    %sign3A_2440 = arith.constant 0 : i32
    %sign3A_2441 = arith.cmpi slt, %jit3A_2428, %sign3A_2440 : i32
    %sign3A_2442 = arith.extui %sign3A_2441 : i1 to i32
    %sign3A_2443 = arith.subi %sign3A_2439, %sign3A_2442 : i32
    %ne3A_2444 = arith.cmpi ne, %sign3A_2436, %sign3A_2443 : i32
    %rem3A_2445 = arith.remsi %min3A_2427, %jit3A_2428 : i32
    %ne3A_2446 = arith.constant 0 : i32
    %ne3A_2447 = arith.cmpi ne, %rem3A_2445, %ne3A_2446 : i32
    %and3A_2448 = arith.andi %ne3A_2444, %ne3A_2447 : i1
    %sub3A_2449 = arith.constant 1 : i32
    %sub3A_2450 = arith.subi %div3A_2429, %sub3A_2449 : i32
    %select_n3A_2451 = arith.select %and3A_2448, %sub3A_2450, %div3A_2429 : i32
    %mul3A_2452 = arith.constant 128 : i32
    %mul3A_2453 = arith.muli %select_n3A_2451, %mul3A_2452 : i32
    %multiple_of3A_2454 = tpu.assume_multiple %mul3A_2453, 128 : i32
    %get3A_2455 = arith.constant 26 : index
    %get3A_2456 = arith.index_cast %multiple_of3A_2454 : i32 to index
    %get3A_2457 = vector.load %arg3[%get3A_2455, %get3A_2456] : memref<32x83584xf32, #tpu.memory_space<vmem>>, vector<1x128xf32>
    %jit3A_2458 = arith.constant 128 : i32
    %eq3A_2459 = arith.constant 0 : i32
    %eq3A_2460 = arith.cmpi eq, %jit3A_2458, %eq3A_2459 : i32
    %jit3A_2461 = arith.constant 1 : i32
    %select_n3A_2462 = arith.select %eq3A_2460, %jit3A_2461, %jit3A_2458 : i32
    %rem3A_2463 = arith.remsi %get3A_2425, %select_n3A_2462 : i32
    %ne3A_2464 = arith.constant 0 : i32
    %ne3A_2465 = arith.cmpi ne, %rem3A_2463, %ne3A_2464 : i32
    %lt3A_2466 = arith.constant 0 : i32
    %lt3A_2467 = arith.cmpi slt, %rem3A_2463, %lt3A_2466 : i32
    %lt3A_2468 = arith.constant 0 : i32
    %lt3A_2469 = arith.cmpi slt, %select_n3A_2462, %lt3A_2468 : i32
    %ne3A_2470 = arith.xori %lt3A_2467, %lt3A_2469 : i1
    %and3A_2471 = arith.andi %ne3A_2470, %ne3A_2465 : i1
    %add3A_2472 = arith.addi %rem3A_2463, %select_n3A_2462 : i32
    %select_n3A_2473 = arith.select %and3A_2471, %add3A_2472, %rem3A_2463 : i32
    %eq3A_2474 = vector.broadcast %select_n3A_2473 : i32 to vector<1x128xi32>
    %eq3A_2475 = arith.cmpi eq, %iota3A_35, %eq3A_2474 : vector<1x128xi32>
    %jit3A_2476 = arith.constant 0.000000e+00 : f32
    %broadcast_in_dim3A_2477 = vector.broadcast %jit3A_2476 : f32 to vector<1x128xf32>
    %select_n3A_2478 = arith.select %eq3A_2475, %get3A_2457, %broadcast_in_dim3A_2477 : vector<1x128xi1>, vector<1x128xf32>
    %reduce_sum3A_2479 = vector.shape_cast %select_n3A_2478 : vector<1x128xf32> to vector<1x1x128xf32>
    %reduce_sum3A_2480 = arith.constant dense<0.000000e+00> : vector<1xf32>
    %reduce_sum3A_2481 = vector.multi_reduction <add>, %reduce_sum3A_2479, %reduce_sum3A_2480 [1, 2] : vector<1x1x128xf32> to vector<1xf32>
    %reduce_sum3A_2482 = vector.shape_cast %reduce_sum3A_2481 : vector<1xf32> to vector<1x1x1xf32>
    %reduce_sum3A_2483 = vector.extract %reduce_sum3A_2482[0, 0, 0] : f32 from vector<1x1x1xf32>
    %sub3A_2484 = arith.constant 99968 : i32
    %sub3A_2485 = arith.subi %get3A_2425, %sub3A_2484 : i32
    %eq3A_2486 = vector.broadcast %sub3A_2485 : i32 to vector<1x128xi32>
    %eq3A_2487 = arith.cmpi eq, %iota3A_35, %eq3A_2486 : vector<1x128xi32>
    %get3A_2488 = arith.constant 26 : index
    %get3A_2489 = arith.constant 0 : index
    %get3A_2490 = vector.load %arg4[%get3A_2488, %get3A_2489] : memref<32x128xf32, #tpu.memory_space<vmem>>, vector<1x128xf32>
    %jit3A_2491 = arith.constant 0.000000e+00 : f32
    %broadcast_in_dim3A_2492 = vector.broadcast %jit3A_2491 : f32 to vector<1x128xf32>
    %select_n3A_2493 = arith.select %eq3A_2487, %get3A_2490, %broadcast_in_dim3A_2492 : vector<1x128xi1>, vector<1x128xf32>
    %reduce_sum3A_2494 = vector.shape_cast %select_n3A_2493 : vector<1x128xf32> to vector<1x1x128xf32>
    %reduce_sum3A_2495 = arith.constant dense<0.000000e+00> : vector<1xf32>
    %reduce_sum3A_2496 = vector.multi_reduction <add>, %reduce_sum3A_2494, %reduce_sum3A_2495 [1, 2] : vector<1x1x128xf32> to vector<1xf32>
    %reduce_sum3A_2497 = vector.shape_cast %reduce_sum3A_2496 : vector<1xf32> to vector<1x1x1xf32>
    %reduce_sum3A_2498 = vector.extract %reduce_sum3A_2497[0, 0, 0] : f32 from vector<1x1x1xf32>
    %ne3A_2499 = arith.constant 0 : i32
    %ne3A_2500 = arith.cmpi ne, %get3A_2425, %ne3A_2499 : i32
    %lt3A_2501 = arith.constant 83584 : i32
    %lt3A_2502 = arith.cmpi slt, %get3A_2425, %lt3A_2501 : i32
    %and3A_2503 = arith.andi %ne3A_2500, %lt3A_2502 : i1
    %jit3A_2504 = arith.constant 0.000000e+00 : f32
    %select_n3A_2505 = arith.select %and3A_2503, %reduce_sum3A_2483, %jit3A_2504 : f32
    %add3A_2506 = arith.addf %add3A_2419, %select_n3A_2505 : f32
    %ge3A_2507 = arith.constant 99968 : i32
    %ge3A_2508 = arith.cmpi sge, %get3A_2425, %ge3A_2507 : i32
    %jit3A_2509 = arith.constant 0.000000e+00 : f32
    %select_n3A_2510 = arith.select %ge3A_2508, %reduce_sum3A_2498, %jit3A_2509 : f32
    %add3A_2511 = arith.addf %add3A_2506, %select_n3A_2510 : f32
    %mul3A_2512 = arith.constant 32 : i32
    %mul3A_2513 = arith.muli %arg0, %mul3A_2512 : i32
    %add3A_2514 = arith.constant 27 : i32
    %add3A_2515 = arith.addi %mul3A_2513, %add3A_2514 : i32
    %get3A_2516 = arith.index_cast %add3A_2515 : i32 to index
    %get3A_2517 = memref.load %arg1[%get3A_2516] : memref<1024xi32, #tpu.memory_space<smem>>
    %min3A_2518 = arith.constant 83583 : i32
    %min3A_2519 = arith.minsi %get3A_2517, %min3A_2518 : i32
    %jit3A_2520 = arith.constant 128 : i32
    %div3A_2521 = arith.divsi %min3A_2519, %jit3A_2520 : i32
    %sign3A_2522 = arith.constant 0 : i32
    %sign3A_2523 = arith.cmpi sgt, %min3A_2519, %sign3A_2522 : i32
    %sign3A_2524 = arith.extui %sign3A_2523 : i1 to i32
    %sign3A_2525 = arith.constant 0 : i32
    %sign3A_2526 = arith.cmpi slt, %min3A_2519, %sign3A_2525 : i32
    %sign3A_2527 = arith.extui %sign3A_2526 : i1 to i32
    %sign3A_2528 = arith.subi %sign3A_2524, %sign3A_2527 : i32
    %sign3A_2529 = arith.constant 0 : i32
    %sign3A_2530 = arith.cmpi sgt, %jit3A_2520, %sign3A_2529 : i32
    %sign3A_2531 = arith.extui %sign3A_2530 : i1 to i32
    %sign3A_2532 = arith.constant 0 : i32
    %sign3A_2533 = arith.cmpi slt, %jit3A_2520, %sign3A_2532 : i32
    %sign3A_2534 = arith.extui %sign3A_2533 : i1 to i32
    %sign3A_2535 = arith.subi %sign3A_2531, %sign3A_2534 : i32
    %ne3A_2536 = arith.cmpi ne, %sign3A_2528, %sign3A_2535 : i32
    %rem3A_2537 = arith.remsi %min3A_2519, %jit3A_2520 : i32
    %ne3A_2538 = arith.constant 0 : i32
    %ne3A_2539 = arith.cmpi ne, %rem3A_2537, %ne3A_2538 : i32
    %and3A_2540 = arith.andi %ne3A_2536, %ne3A_2539 : i1
    %sub3A_2541 = arith.constant 1 : i32
    %sub3A_2542 = arith.subi %div3A_2521, %sub3A_2541 : i32
    %select_n3A_2543 = arith.select %and3A_2540, %sub3A_2542, %div3A_2521 : i32
    %mul3A_2544 = arith.constant 128 : i32
    %mul3A_2545 = arith.muli %select_n3A_2543, %mul3A_2544 : i32
    %multiple_of3A_2546 = tpu.assume_multiple %mul3A_2545, 128 : i32
    %get3A_2547 = arith.constant 27 : index
    %get3A_2548 = arith.index_cast %multiple_of3A_2546 : i32 to index
    %get3A_2549 = vector.load %arg3[%get3A_2547, %get3A_2548] : memref<32x83584xf32, #tpu.memory_space<vmem>>, vector<1x128xf32>
    %jit3A_2550 = arith.constant 128 : i32
    %eq3A_2551 = arith.constant 0 : i32
    %eq3A_2552 = arith.cmpi eq, %jit3A_2550, %eq3A_2551 : i32
    %jit3A_2553 = arith.constant 1 : i32
    %select_n3A_2554 = arith.select %eq3A_2552, %jit3A_2553, %jit3A_2550 : i32
    %rem3A_2555 = arith.remsi %get3A_2517, %select_n3A_2554 : i32
    %ne3A_2556 = arith.constant 0 : i32
    %ne3A_2557 = arith.cmpi ne, %rem3A_2555, %ne3A_2556 : i32
    %lt3A_2558 = arith.constant 0 : i32
    %lt3A_2559 = arith.cmpi slt, %rem3A_2555, %lt3A_2558 : i32
    %lt3A_2560 = arith.constant 0 : i32
    %lt3A_2561 = arith.cmpi slt, %select_n3A_2554, %lt3A_2560 : i32
    %ne3A_2562 = arith.xori %lt3A_2559, %lt3A_2561 : i1
    %and3A_2563 = arith.andi %ne3A_2562, %ne3A_2557 : i1
    %add3A_2564 = arith.addi %rem3A_2555, %select_n3A_2554 : i32
    %select_n3A_2565 = arith.select %and3A_2563, %add3A_2564, %rem3A_2555 : i32
    %eq3A_2566 = vector.broadcast %select_n3A_2565 : i32 to vector<1x128xi32>
    %eq3A_2567 = arith.cmpi eq, %iota3A_35, %eq3A_2566 : vector<1x128xi32>
    %jit3A_2568 = arith.constant 0.000000e+00 : f32
    %broadcast_in_dim3A_2569 = vector.broadcast %jit3A_2568 : f32 to vector<1x128xf32>
    %select_n3A_2570 = arith.select %eq3A_2567, %get3A_2549, %broadcast_in_dim3A_2569 : vector<1x128xi1>, vector<1x128xf32>
    %reduce_sum3A_2571 = vector.shape_cast %select_n3A_2570 : vector<1x128xf32> to vector<1x1x128xf32>
    %reduce_sum3A_2572 = arith.constant dense<0.000000e+00> : vector<1xf32>
    %reduce_sum3A_2573 = vector.multi_reduction <add>, %reduce_sum3A_2571, %reduce_sum3A_2572 [1, 2] : vector<1x1x128xf32> to vector<1xf32>
    %reduce_sum3A_2574 = vector.shape_cast %reduce_sum3A_2573 : vector<1xf32> to vector<1x1x1xf32>
    %reduce_sum3A_2575 = vector.extract %reduce_sum3A_2574[0, 0, 0] : f32 from vector<1x1x1xf32>
    %sub3A_2576 = arith.constant 99968 : i32
    %sub3A_2577 = arith.subi %get3A_2517, %sub3A_2576 : i32
    %eq3A_2578 = vector.broadcast %sub3A_2577 : i32 to vector<1x128xi32>
    %eq3A_2579 = arith.cmpi eq, %iota3A_35, %eq3A_2578 : vector<1x128xi32>
    %get3A_2580 = arith.constant 27 : index
    %get3A_2581 = arith.constant 0 : index
    %get3A_2582 = vector.load %arg4[%get3A_2580, %get3A_2581] : memref<32x128xf32, #tpu.memory_space<vmem>>, vector<1x128xf32>
    %jit3A_2583 = arith.constant 0.000000e+00 : f32
    %broadcast_in_dim3A_2584 = vector.broadcast %jit3A_2583 : f32 to vector<1x128xf32>
    %select_n3A_2585 = arith.select %eq3A_2579, %get3A_2582, %broadcast_in_dim3A_2584 : vector<1x128xi1>, vector<1x128xf32>
    %reduce_sum3A_2586 = vector.shape_cast %select_n3A_2585 : vector<1x128xf32> to vector<1x1x128xf32>
    %reduce_sum3A_2587 = arith.constant dense<0.000000e+00> : vector<1xf32>
    %reduce_sum3A_2588 = vector.multi_reduction <add>, %reduce_sum3A_2586, %reduce_sum3A_2587 [1, 2] : vector<1x1x128xf32> to vector<1xf32>
    %reduce_sum3A_2589 = vector.shape_cast %reduce_sum3A_2588 : vector<1xf32> to vector<1x1x1xf32>
    %reduce_sum3A_2590 = vector.extract %reduce_sum3A_2589[0, 0, 0] : f32 from vector<1x1x1xf32>
    %ne3A_2591 = arith.constant 0 : i32
    %ne3A_2592 = arith.cmpi ne, %get3A_2517, %ne3A_2591 : i32
    %lt3A_2593 = arith.constant 83584 : i32
    %lt3A_2594 = arith.cmpi slt, %get3A_2517, %lt3A_2593 : i32
    %and3A_2595 = arith.andi %ne3A_2592, %lt3A_2594 : i1
    %jit3A_2596 = arith.constant 0.000000e+00 : f32
    %select_n3A_2597 = arith.select %and3A_2595, %reduce_sum3A_2575, %jit3A_2596 : f32
    %add3A_2598 = arith.addf %add3A_2511, %select_n3A_2597 : f32
    %ge3A_2599 = arith.constant 99968 : i32
    %ge3A_2600 = arith.cmpi sge, %get3A_2517, %ge3A_2599 : i32
    %jit3A_2601 = arith.constant 0.000000e+00 : f32
    %select_n3A_2602 = arith.select %ge3A_2600, %reduce_sum3A_2590, %jit3A_2601 : f32
    %add3A_2603 = arith.addf %add3A_2598, %select_n3A_2602 : f32
    %mul3A_2604 = arith.constant 32 : i32
    %mul3A_2605 = arith.muli %arg0, %mul3A_2604 : i32
    %add3A_2606 = arith.constant 28 : i32
    %add3A_2607 = arith.addi %mul3A_2605, %add3A_2606 : i32
    %get3A_2608 = arith.index_cast %add3A_2607 : i32 to index
    %get3A_2609 = memref.load %arg1[%get3A_2608] : memref<1024xi32, #tpu.memory_space<smem>>
    %min3A_2610 = arith.constant 83583 : i32
    %min3A_2611 = arith.minsi %get3A_2609, %min3A_2610 : i32
    %jit3A_2612 = arith.constant 128 : i32
    %div3A_2613 = arith.divsi %min3A_2611, %jit3A_2612 : i32
    %sign3A_2614 = arith.constant 0 : i32
    %sign3A_2615 = arith.cmpi sgt, %min3A_2611, %sign3A_2614 : i32
    %sign3A_2616 = arith.extui %sign3A_2615 : i1 to i32
    %sign3A_2617 = arith.constant 0 : i32
    %sign3A_2618 = arith.cmpi slt, %min3A_2611, %sign3A_2617 : i32
    %sign3A_2619 = arith.extui %sign3A_2618 : i1 to i32
    %sign3A_2620 = arith.subi %sign3A_2616, %sign3A_2619 : i32
    %sign3A_2621 = arith.constant 0 : i32
    %sign3A_2622 = arith.cmpi sgt, %jit3A_2612, %sign3A_2621 : i32
    %sign3A_2623 = arith.extui %sign3A_2622 : i1 to i32
    %sign3A_2624 = arith.constant 0 : i32
    %sign3A_2625 = arith.cmpi slt, %jit3A_2612, %sign3A_2624 : i32
    %sign3A_2626 = arith.extui %sign3A_2625 : i1 to i32
    %sign3A_2627 = arith.subi %sign3A_2623, %sign3A_2626 : i32
    %ne3A_2628 = arith.cmpi ne, %sign3A_2620, %sign3A_2627 : i32
    %rem3A_2629 = arith.remsi %min3A_2611, %jit3A_2612 : i32
    %ne3A_2630 = arith.constant 0 : i32
    %ne3A_2631 = arith.cmpi ne, %rem3A_2629, %ne3A_2630 : i32
    %and3A_2632 = arith.andi %ne3A_2628, %ne3A_2631 : i1
    %sub3A_2633 = arith.constant 1 : i32
    %sub3A_2634 = arith.subi %div3A_2613, %sub3A_2633 : i32
    %select_n3A_2635 = arith.select %and3A_2632, %sub3A_2634, %div3A_2613 : i32
    %mul3A_2636 = arith.constant 128 : i32
    %mul3A_2637 = arith.muli %select_n3A_2635, %mul3A_2636 : i32
    %multiple_of3A_2638 = tpu.assume_multiple %mul3A_2637, 128 : i32
    %get3A_2639 = arith.constant 28 : index
    %get3A_2640 = arith.index_cast %multiple_of3A_2638 : i32 to index
    %get3A_2641 = vector.load %arg3[%get3A_2639, %get3A_2640] : memref<32x83584xf32, #tpu.memory_space<vmem>>, vector<1x128xf32>
    %jit3A_2642 = arith.constant 128 : i32
    %eq3A_2643 = arith.constant 0 : i32
    %eq3A_2644 = arith.cmpi eq, %jit3A_2642, %eq3A_2643 : i32
    %jit3A_2645 = arith.constant 1 : i32
    %select_n3A_2646 = arith.select %eq3A_2644, %jit3A_2645, %jit3A_2642 : i32
    %rem3A_2647 = arith.remsi %get3A_2609, %select_n3A_2646 : i32
    %ne3A_2648 = arith.constant 0 : i32
    %ne3A_2649 = arith.cmpi ne, %rem3A_2647, %ne3A_2648 : i32
    %lt3A_2650 = arith.constant 0 : i32
    %lt3A_2651 = arith.cmpi slt, %rem3A_2647, %lt3A_2650 : i32
    %lt3A_2652 = arith.constant 0 : i32
    %lt3A_2653 = arith.cmpi slt, %select_n3A_2646, %lt3A_2652 : i32
    %ne3A_2654 = arith.xori %lt3A_2651, %lt3A_2653 : i1
    %and3A_2655 = arith.andi %ne3A_2654, %ne3A_2649 : i1
    %add3A_2656 = arith.addi %rem3A_2647, %select_n3A_2646 : i32
    %select_n3A_2657 = arith.select %and3A_2655, %add3A_2656, %rem3A_2647 : i32
    %eq3A_2658 = vector.broadcast %select_n3A_2657 : i32 to vector<1x128xi32>
    %eq3A_2659 = arith.cmpi eq, %iota3A_35, %eq3A_2658 : vector<1x128xi32>
    %jit3A_2660 = arith.constant 0.000000e+00 : f32
    %broadcast_in_dim3A_2661 = vector.broadcast %jit3A_2660 : f32 to vector<1x128xf32>
    %select_n3A_2662 = arith.select %eq3A_2659, %get3A_2641, %broadcast_in_dim3A_2661 : vector<1x128xi1>, vector<1x128xf32>
    %reduce_sum3A_2663 = vector.shape_cast %select_n3A_2662 : vector<1x128xf32> to vector<1x1x128xf32>
    %reduce_sum3A_2664 = arith.constant dense<0.000000e+00> : vector<1xf32>
    %reduce_sum3A_2665 = vector.multi_reduction <add>, %reduce_sum3A_2663, %reduce_sum3A_2664 [1, 2] : vector<1x1x128xf32> to vector<1xf32>
    %reduce_sum3A_2666 = vector.shape_cast %reduce_sum3A_2665 : vector<1xf32> to vector<1x1x1xf32>
    %reduce_sum3A_2667 = vector.extract %reduce_sum3A_2666[0, 0, 0] : f32 from vector<1x1x1xf32>
    %sub3A_2668 = arith.constant 99968 : i32
    %sub3A_2669 = arith.subi %get3A_2609, %sub3A_2668 : i32
    %eq3A_2670 = vector.broadcast %sub3A_2669 : i32 to vector<1x128xi32>
    %eq3A_2671 = arith.cmpi eq, %iota3A_35, %eq3A_2670 : vector<1x128xi32>
    %get3A_2672 = arith.constant 28 : index
    %get3A_2673 = arith.constant 0 : index
    %get3A_2674 = vector.load %arg4[%get3A_2672, %get3A_2673] : memref<32x128xf32, #tpu.memory_space<vmem>>, vector<1x128xf32>
    %jit3A_2675 = arith.constant 0.000000e+00 : f32
    %broadcast_in_dim3A_2676 = vector.broadcast %jit3A_2675 : f32 to vector<1x128xf32>
    %select_n3A_2677 = arith.select %eq3A_2671, %get3A_2674, %broadcast_in_dim3A_2676 : vector<1x128xi1>, vector<1x128xf32>
    %reduce_sum3A_2678 = vector.shape_cast %select_n3A_2677 : vector<1x128xf32> to vector<1x1x128xf32>
    %reduce_sum3A_2679 = arith.constant dense<0.000000e+00> : vector<1xf32>
    %reduce_sum3A_2680 = vector.multi_reduction <add>, %reduce_sum3A_2678, %reduce_sum3A_2679 [1, 2] : vector<1x1x128xf32> to vector<1xf32>
    %reduce_sum3A_2681 = vector.shape_cast %reduce_sum3A_2680 : vector<1xf32> to vector<1x1x1xf32>
    %reduce_sum3A_2682 = vector.extract %reduce_sum3A_2681[0, 0, 0] : f32 from vector<1x1x1xf32>
    %ne3A_2683 = arith.constant 0 : i32
    %ne3A_2684 = arith.cmpi ne, %get3A_2609, %ne3A_2683 : i32
    %lt3A_2685 = arith.constant 83584 : i32
    %lt3A_2686 = arith.cmpi slt, %get3A_2609, %lt3A_2685 : i32
    %and3A_2687 = arith.andi %ne3A_2684, %lt3A_2686 : i1
    %jit3A_2688 = arith.constant 0.000000e+00 : f32
    %select_n3A_2689 = arith.select %and3A_2687, %reduce_sum3A_2667, %jit3A_2688 : f32
    %add3A_2690 = arith.addf %add3A_2603, %select_n3A_2689 : f32
    %ge3A_2691 = arith.constant 99968 : i32
    %ge3A_2692 = arith.cmpi sge, %get3A_2609, %ge3A_2691 : i32
    %jit3A_2693 = arith.constant 0.000000e+00 : f32
    %select_n3A_2694 = arith.select %ge3A_2692, %reduce_sum3A_2682, %jit3A_2693 : f32
    %add3A_2695 = arith.addf %add3A_2690, %select_n3A_2694 : f32
    %mul3A_2696 = arith.constant 32 : i32
    %mul3A_2697 = arith.muli %arg0, %mul3A_2696 : i32
    %add3A_2698 = arith.constant 29 : i32
    %add3A_2699 = arith.addi %mul3A_2697, %add3A_2698 : i32
    %get3A_2700 = arith.index_cast %add3A_2699 : i32 to index
    %get3A_2701 = memref.load %arg1[%get3A_2700] : memref<1024xi32, #tpu.memory_space<smem>>
    %min3A_2702 = arith.constant 83583 : i32
    %min3A_2703 = arith.minsi %get3A_2701, %min3A_2702 : i32
    %jit3A_2704 = arith.constant 128 : i32
    %div3A_2705 = arith.divsi %min3A_2703, %jit3A_2704 : i32
    %sign3A_2706 = arith.constant 0 : i32
    %sign3A_2707 = arith.cmpi sgt, %min3A_2703, %sign3A_2706 : i32
    %sign3A_2708 = arith.extui %sign3A_2707 : i1 to i32
    %sign3A_2709 = arith.constant 0 : i32
    %sign3A_2710 = arith.cmpi slt, %min3A_2703, %sign3A_2709 : i32
    %sign3A_2711 = arith.extui %sign3A_2710 : i1 to i32
    %sign3A_2712 = arith.subi %sign3A_2708, %sign3A_2711 : i32
    %sign3A_2713 = arith.constant 0 : i32
    %sign3A_2714 = arith.cmpi sgt, %jit3A_2704, %sign3A_2713 : i32
    %sign3A_2715 = arith.extui %sign3A_2714 : i1 to i32
    %sign3A_2716 = arith.constant 0 : i32
    %sign3A_2717 = arith.cmpi slt, %jit3A_2704, %sign3A_2716 : i32
    %sign3A_2718 = arith.extui %sign3A_2717 : i1 to i32
    %sign3A_2719 = arith.subi %sign3A_2715, %sign3A_2718 : i32
    %ne3A_2720 = arith.cmpi ne, %sign3A_2712, %sign3A_2719 : i32
    %rem3A_2721 = arith.remsi %min3A_2703, %jit3A_2704 : i32
    %ne3A_2722 = arith.constant 0 : i32
    %ne3A_2723 = arith.cmpi ne, %rem3A_2721, %ne3A_2722 : i32
    %and3A_2724 = arith.andi %ne3A_2720, %ne3A_2723 : i1
    %sub3A_2725 = arith.constant 1 : i32
    %sub3A_2726 = arith.subi %div3A_2705, %sub3A_2725 : i32
    %select_n3A_2727 = arith.select %and3A_2724, %sub3A_2726, %div3A_2705 : i32
    %mul3A_2728 = arith.constant 128 : i32
    %mul3A_2729 = arith.muli %select_n3A_2727, %mul3A_2728 : i32
    %multiple_of3A_2730 = tpu.assume_multiple %mul3A_2729, 128 : i32
    %get3A_2731 = arith.constant 29 : index
    %get3A_2732 = arith.index_cast %multiple_of3A_2730 : i32 to index
    %get3A_2733 = vector.load %arg3[%get3A_2731, %get3A_2732] : memref<32x83584xf32, #tpu.memory_space<vmem>>, vector<1x128xf32>
    %jit3A_2734 = arith.constant 128 : i32
    %eq3A_2735 = arith.constant 0 : i32
    %eq3A_2736 = arith.cmpi eq, %jit3A_2734, %eq3A_2735 : i32
    %jit3A_2737 = arith.constant 1 : i32
    %select_n3A_2738 = arith.select %eq3A_2736, %jit3A_2737, %jit3A_2734 : i32
    %rem3A_2739 = arith.remsi %get3A_2701, %select_n3A_2738 : i32
    %ne3A_2740 = arith.constant 0 : i32
    %ne3A_2741 = arith.cmpi ne, %rem3A_2739, %ne3A_2740 : i32
    %lt3A_2742 = arith.constant 0 : i32
    %lt3A_2743 = arith.cmpi slt, %rem3A_2739, %lt3A_2742 : i32
    %lt3A_2744 = arith.constant 0 : i32
    %lt3A_2745 = arith.cmpi slt, %select_n3A_2738, %lt3A_2744 : i32
    %ne3A_2746 = arith.xori %lt3A_2743, %lt3A_2745 : i1
    %and3A_2747 = arith.andi %ne3A_2746, %ne3A_2741 : i1
    %add3A_2748 = arith.addi %rem3A_2739, %select_n3A_2738 : i32
    %select_n3A_2749 = arith.select %and3A_2747, %add3A_2748, %rem3A_2739 : i32
    %eq3A_2750 = vector.broadcast %select_n3A_2749 : i32 to vector<1x128xi32>
    %eq3A_2751 = arith.cmpi eq, %iota3A_35, %eq3A_2750 : vector<1x128xi32>
    %jit3A_2752 = arith.constant 0.000000e+00 : f32
    %broadcast_in_dim3A_2753 = vector.broadcast %jit3A_2752 : f32 to vector<1x128xf32>
    %select_n3A_2754 = arith.select %eq3A_2751, %get3A_2733, %broadcast_in_dim3A_2753 : vector<1x128xi1>, vector<1x128xf32>
    %reduce_sum3A_2755 = vector.shape_cast %select_n3A_2754 : vector<1x128xf32> to vector<1x1x128xf32>
    %reduce_sum3A_2756 = arith.constant dense<0.000000e+00> : vector<1xf32>
    %reduce_sum3A_2757 = vector.multi_reduction <add>, %reduce_sum3A_2755, %reduce_sum3A_2756 [1, 2] : vector<1x1x128xf32> to vector<1xf32>
    %reduce_sum3A_2758 = vector.shape_cast %reduce_sum3A_2757 : vector<1xf32> to vector<1x1x1xf32>
    %reduce_sum3A_2759 = vector.extract %reduce_sum3A_2758[0, 0, 0] : f32 from vector<1x1x1xf32>
    %sub3A_2760 = arith.constant 99968 : i32
    %sub3A_2761 = arith.subi %get3A_2701, %sub3A_2760 : i32
    %eq3A_2762 = vector.broadcast %sub3A_2761 : i32 to vector<1x128xi32>
    %eq3A_2763 = arith.cmpi eq, %iota3A_35, %eq3A_2762 : vector<1x128xi32>
    %get3A_2764 = arith.constant 29 : index
    %get3A_2765 = arith.constant 0 : index
    %get3A_2766 = vector.load %arg4[%get3A_2764, %get3A_2765] : memref<32x128xf32, #tpu.memory_space<vmem>>, vector<1x128xf32>
    %jit3A_2767 = arith.constant 0.000000e+00 : f32
    %broadcast_in_dim3A_2768 = vector.broadcast %jit3A_2767 : f32 to vector<1x128xf32>
    %select_n3A_2769 = arith.select %eq3A_2763, %get3A_2766, %broadcast_in_dim3A_2768 : vector<1x128xi1>, vector<1x128xf32>
    %reduce_sum3A_2770 = vector.shape_cast %select_n3A_2769 : vector<1x128xf32> to vector<1x1x128xf32>
    %reduce_sum3A_2771 = arith.constant dense<0.000000e+00> : vector<1xf32>
    %reduce_sum3A_2772 = vector.multi_reduction <add>, %reduce_sum3A_2770, %reduce_sum3A_2771 [1, 2] : vector<1x1x128xf32> to vector<1xf32>
    %reduce_sum3A_2773 = vector.shape_cast %reduce_sum3A_2772 : vector<1xf32> to vector<1x1x1xf32>
    %reduce_sum3A_2774 = vector.extract %reduce_sum3A_2773[0, 0, 0] : f32 from vector<1x1x1xf32>
    %ne3A_2775 = arith.constant 0 : i32
    %ne3A_2776 = arith.cmpi ne, %get3A_2701, %ne3A_2775 : i32
    %lt3A_2777 = arith.constant 83584 : i32
    %lt3A_2778 = arith.cmpi slt, %get3A_2701, %lt3A_2777 : i32
    %and3A_2779 = arith.andi %ne3A_2776, %lt3A_2778 : i1
    %jit3A_2780 = arith.constant 0.000000e+00 : f32
    %select_n3A_2781 = arith.select %and3A_2779, %reduce_sum3A_2759, %jit3A_2780 : f32
    %add3A_2782 = arith.addf %add3A_2695, %select_n3A_2781 : f32
    %ge3A_2783 = arith.constant 99968 : i32
    %ge3A_2784 = arith.cmpi sge, %get3A_2701, %ge3A_2783 : i32
    %jit3A_2785 = arith.constant 0.000000e+00 : f32
    %select_n3A_2786 = arith.select %ge3A_2784, %reduce_sum3A_2774, %jit3A_2785 : f32
    %add3A_2787 = arith.addf %add3A_2782, %select_n3A_2786 : f32
    %mul3A_2788 = arith.constant 32 : i32
    %mul3A_2789 = arith.muli %arg0, %mul3A_2788 : i32
    %add3A_2790 = arith.constant 30 : i32
    %add3A_2791 = arith.addi %mul3A_2789, %add3A_2790 : i32
    %get3A_2792 = arith.index_cast %add3A_2791 : i32 to index
    %get3A_2793 = memref.load %arg1[%get3A_2792] : memref<1024xi32, #tpu.memory_space<smem>>
    %min3A_2794 = arith.constant 83583 : i32
    %min3A_2795 = arith.minsi %get3A_2793, %min3A_2794 : i32
    %jit3A_2796 = arith.constant 128 : i32
    %div3A_2797 = arith.divsi %min3A_2795, %jit3A_2796 : i32
    %sign3A_2798 = arith.constant 0 : i32
    %sign3A_2799 = arith.cmpi sgt, %min3A_2795, %sign3A_2798 : i32
    %sign3A_2800 = arith.extui %sign3A_2799 : i1 to i32
    %sign3A_2801 = arith.constant 0 : i32
    %sign3A_2802 = arith.cmpi slt, %min3A_2795, %sign3A_2801 : i32
    %sign3A_2803 = arith.extui %sign3A_2802 : i1 to i32
    %sign3A_2804 = arith.subi %sign3A_2800, %sign3A_2803 : i32
    %sign3A_2805 = arith.constant 0 : i32
    %sign3A_2806 = arith.cmpi sgt, %jit3A_2796, %sign3A_2805 : i32
    %sign3A_2807 = arith.extui %sign3A_2806 : i1 to i32
    %sign3A_2808 = arith.constant 0 : i32
    %sign3A_2809 = arith.cmpi slt, %jit3A_2796, %sign3A_2808 : i32
    %sign3A_2810 = arith.extui %sign3A_2809 : i1 to i32
    %sign3A_2811 = arith.subi %sign3A_2807, %sign3A_2810 : i32
    %ne3A_2812 = arith.cmpi ne, %sign3A_2804, %sign3A_2811 : i32
    %rem3A_2813 = arith.remsi %min3A_2795, %jit3A_2796 : i32
    %ne3A_2814 = arith.constant 0 : i32
    %ne3A_2815 = arith.cmpi ne, %rem3A_2813, %ne3A_2814 : i32
    %and3A_2816 = arith.andi %ne3A_2812, %ne3A_2815 : i1
    %sub3A_2817 = arith.constant 1 : i32
    %sub3A_2818 = arith.subi %div3A_2797, %sub3A_2817 : i32
    %select_n3A_2819 = arith.select %and3A_2816, %sub3A_2818, %div3A_2797 : i32
    %mul3A_2820 = arith.constant 128 : i32
    %mul3A_2821 = arith.muli %select_n3A_2819, %mul3A_2820 : i32
    %multiple_of3A_2822 = tpu.assume_multiple %mul3A_2821, 128 : i32
    %get3A_2823 = arith.constant 30 : index
    %get3A_2824 = arith.index_cast %multiple_of3A_2822 : i32 to index
    %get3A_2825 = vector.load %arg3[%get3A_2823, %get3A_2824] : memref<32x83584xf32, #tpu.memory_space<vmem>>, vector<1x128xf32>
    %jit3A_2826 = arith.constant 128 : i32
    %eq3A_2827 = arith.constant 0 : i32
    %eq3A_2828 = arith.cmpi eq, %jit3A_2826, %eq3A_2827 : i32
    %jit3A_2829 = arith.constant 1 : i32
    %select_n3A_2830 = arith.select %eq3A_2828, %jit3A_2829, %jit3A_2826 : i32
    %rem3A_2831 = arith.remsi %get3A_2793, %select_n3A_2830 : i32
    %ne3A_2832 = arith.constant 0 : i32
    %ne3A_2833 = arith.cmpi ne, %rem3A_2831, %ne3A_2832 : i32
    %lt3A_2834 = arith.constant 0 : i32
    %lt3A_2835 = arith.cmpi slt, %rem3A_2831, %lt3A_2834 : i32
    %lt3A_2836 = arith.constant 0 : i32
    %lt3A_2837 = arith.cmpi slt, %select_n3A_2830, %lt3A_2836 : i32
    %ne3A_2838 = arith.xori %lt3A_2835, %lt3A_2837 : i1
    %and3A_2839 = arith.andi %ne3A_2838, %ne3A_2833 : i1
    %add3A_2840 = arith.addi %rem3A_2831, %select_n3A_2830 : i32
    %select_n3A_2841 = arith.select %and3A_2839, %add3A_2840, %rem3A_2831 : i32
    %eq3A_2842 = vector.broadcast %select_n3A_2841 : i32 to vector<1x128xi32>
    %eq3A_2843 = arith.cmpi eq, %iota3A_35, %eq3A_2842 : vector<1x128xi32>
    %jit3A_2844 = arith.constant 0.000000e+00 : f32
    %broadcast_in_dim3A_2845 = vector.broadcast %jit3A_2844 : f32 to vector<1x128xf32>
    %select_n3A_2846 = arith.select %eq3A_2843, %get3A_2825, %broadcast_in_dim3A_2845 : vector<1x128xi1>, vector<1x128xf32>
    %reduce_sum3A_2847 = vector.shape_cast %select_n3A_2846 : vector<1x128xf32> to vector<1x1x128xf32>
    %reduce_sum3A_2848 = arith.constant dense<0.000000e+00> : vector<1xf32>
    %reduce_sum3A_2849 = vector.multi_reduction <add>, %reduce_sum3A_2847, %reduce_sum3A_2848 [1, 2] : vector<1x1x128xf32> to vector<1xf32>
    %reduce_sum3A_2850 = vector.shape_cast %reduce_sum3A_2849 : vector<1xf32> to vector<1x1x1xf32>
    %reduce_sum3A_2851 = vector.extract %reduce_sum3A_2850[0, 0, 0] : f32 from vector<1x1x1xf32>
    %sub3A_2852 = arith.constant 99968 : i32
    %sub3A_2853 = arith.subi %get3A_2793, %sub3A_2852 : i32
    %eq3A_2854 = vector.broadcast %sub3A_2853 : i32 to vector<1x128xi32>
    %eq3A_2855 = arith.cmpi eq, %iota3A_35, %eq3A_2854 : vector<1x128xi32>
    %get3A_2856 = arith.constant 30 : index
    %get3A_2857 = arith.constant 0 : index
    %get3A_2858 = vector.load %arg4[%get3A_2856, %get3A_2857] : memref<32x128xf32, #tpu.memory_space<vmem>>, vector<1x128xf32>
    %jit3A_2859 = arith.constant 0.000000e+00 : f32
    %broadcast_in_dim3A_2860 = vector.broadcast %jit3A_2859 : f32 to vector<1x128xf32>
    %select_n3A_2861 = arith.select %eq3A_2855, %get3A_2858, %broadcast_in_dim3A_2860 : vector<1x128xi1>, vector<1x128xf32>
    %reduce_sum3A_2862 = vector.shape_cast %select_n3A_2861 : vector<1x128xf32> to vector<1x1x128xf32>
    %reduce_sum3A_2863 = arith.constant dense<0.000000e+00> : vector<1xf32>
    %reduce_sum3A_2864 = vector.multi_reduction <add>, %reduce_sum3A_2862, %reduce_sum3A_2863 [1, 2] : vector<1x1x128xf32> to vector<1xf32>
    %reduce_sum3A_2865 = vector.shape_cast %reduce_sum3A_2864 : vector<1xf32> to vector<1x1x1xf32>
    %reduce_sum3A_2866 = vector.extract %reduce_sum3A_2865[0, 0, 0] : f32 from vector<1x1x1xf32>
    %ne3A_2867 = arith.constant 0 : i32
    %ne3A_2868 = arith.cmpi ne, %get3A_2793, %ne3A_2867 : i32
    %lt3A_2869 = arith.constant 83584 : i32
    %lt3A_2870 = arith.cmpi slt, %get3A_2793, %lt3A_2869 : i32
    %and3A_2871 = arith.andi %ne3A_2868, %lt3A_2870 : i1
    %jit3A_2872 = arith.constant 0.000000e+00 : f32
    %select_n3A_2873 = arith.select %and3A_2871, %reduce_sum3A_2851, %jit3A_2872 : f32
    %add3A_2874 = arith.addf %add3A_2787, %select_n3A_2873 : f32
    %ge3A_2875 = arith.constant 99968 : i32
    %ge3A_2876 = arith.cmpi sge, %get3A_2793, %ge3A_2875 : i32
    %jit3A_2877 = arith.constant 0.000000e+00 : f32
    %select_n3A_2878 = arith.select %ge3A_2876, %reduce_sum3A_2866, %jit3A_2877 : f32
    %add3A_2879 = arith.addf %add3A_2874, %select_n3A_2878 : f32
    %mul3A_2880 = arith.constant 32 : i32
    %mul3A_2881 = arith.muli %arg0, %mul3A_2880 : i32
    %add3A_2882 = arith.constant 31 : i32
    %add3A_2883 = arith.addi %mul3A_2881, %add3A_2882 : i32
    %get3A_2884 = arith.index_cast %add3A_2883 : i32 to index
    %get3A_2885 = memref.load %arg1[%get3A_2884] : memref<1024xi32, #tpu.memory_space<smem>>
    %min3A_2886 = arith.constant 83583 : i32
    %min3A_2887 = arith.minsi %get3A_2885, %min3A_2886 : i32
    %jit3A_2888 = arith.constant 128 : i32
    %div3A_2889 = arith.divsi %min3A_2887, %jit3A_2888 : i32
    %sign3A_2890 = arith.constant 0 : i32
    %sign3A_2891 = arith.cmpi sgt, %min3A_2887, %sign3A_2890 : i32
    %sign3A_2892 = arith.extui %sign3A_2891 : i1 to i32
    %sign3A_2893 = arith.constant 0 : i32
    %sign3A_2894 = arith.cmpi slt, %min3A_2887, %sign3A_2893 : i32
    %sign3A_2895 = arith.extui %sign3A_2894 : i1 to i32
    %sign3A_2896 = arith.subi %sign3A_2892, %sign3A_2895 : i32
    %sign3A_2897 = arith.constant 0 : i32
    %sign3A_2898 = arith.cmpi sgt, %jit3A_2888, %sign3A_2897 : i32
    %sign3A_2899 = arith.extui %sign3A_2898 : i1 to i32
    %sign3A_2900 = arith.constant 0 : i32
    %sign3A_2901 = arith.cmpi slt, %jit3A_2888, %sign3A_2900 : i32
    %sign3A_2902 = arith.extui %sign3A_2901 : i1 to i32
    %sign3A_2903 = arith.subi %sign3A_2899, %sign3A_2902 : i32
    %ne3A_2904 = arith.cmpi ne, %sign3A_2896, %sign3A_2903 : i32
    %rem3A_2905 = arith.remsi %min3A_2887, %jit3A_2888 : i32
    %ne3A_2906 = arith.constant 0 : i32
    %ne3A_2907 = arith.cmpi ne, %rem3A_2905, %ne3A_2906 : i32
    %and3A_2908 = arith.andi %ne3A_2904, %ne3A_2907 : i1
    %sub3A_2909 = arith.constant 1 : i32
    %sub3A_2910 = arith.subi %div3A_2889, %sub3A_2909 : i32
    %select_n3A_2911 = arith.select %and3A_2908, %sub3A_2910, %div3A_2889 : i32
    %mul3A_2912 = arith.constant 128 : i32
    %mul3A_2913 = arith.muli %select_n3A_2911, %mul3A_2912 : i32
    %multiple_of3A_2914 = tpu.assume_multiple %mul3A_2913, 128 : i32
    %get3A_2915 = arith.constant 31 : index
    %get3A_2916 = arith.index_cast %multiple_of3A_2914 : i32 to index
    %get3A_2917 = vector.load %arg3[%get3A_2915, %get3A_2916] : memref<32x83584xf32, #tpu.memory_space<vmem>>, vector<1x128xf32>
    %jit3A_2918 = arith.constant 128 : i32
    %eq3A_2919 = arith.constant 0 : i32
    %eq3A_2920 = arith.cmpi eq, %jit3A_2918, %eq3A_2919 : i32
    %jit3A_2921 = arith.constant 1 : i32
    %select_n3A_2922 = arith.select %eq3A_2920, %jit3A_2921, %jit3A_2918 : i32
    %rem3A_2923 = arith.remsi %get3A_2885, %select_n3A_2922 : i32
    %ne3A_2924 = arith.constant 0 : i32
    %ne3A_2925 = arith.cmpi ne, %rem3A_2923, %ne3A_2924 : i32
    %lt3A_2926 = arith.constant 0 : i32
    %lt3A_2927 = arith.cmpi slt, %rem3A_2923, %lt3A_2926 : i32
    %lt3A_2928 = arith.constant 0 : i32
    %lt3A_2929 = arith.cmpi slt, %select_n3A_2922, %lt3A_2928 : i32
    %ne3A_2930 = arith.xori %lt3A_2927, %lt3A_2929 : i1
    %and3A_2931 = arith.andi %ne3A_2930, %ne3A_2925 : i1
    %add3A_2932 = arith.addi %rem3A_2923, %select_n3A_2922 : i32
    %select_n3A_2933 = arith.select %and3A_2931, %add3A_2932, %rem3A_2923 : i32
    %eq3A_2934 = vector.broadcast %select_n3A_2933 : i32 to vector<1x128xi32>
    %eq3A_2935 = arith.cmpi eq, %iota3A_35, %eq3A_2934 : vector<1x128xi32>
    %jit3A_2936 = arith.constant 0.000000e+00 : f32
    %broadcast_in_dim3A_2937 = vector.broadcast %jit3A_2936 : f32 to vector<1x128xf32>
    %select_n3A_2938 = arith.select %eq3A_2935, %get3A_2917, %broadcast_in_dim3A_2937 : vector<1x128xi1>, vector<1x128xf32>
    %reduce_sum3A_2939 = vector.shape_cast %select_n3A_2938 : vector<1x128xf32> to vector<1x1x128xf32>
    %reduce_sum3A_2940 = arith.constant dense<0.000000e+00> : vector<1xf32>
    %reduce_sum3A_2941 = vector.multi_reduction <add>, %reduce_sum3A_2939, %reduce_sum3A_2940 [1, 2] : vector<1x1x128xf32> to vector<1xf32>
    %reduce_sum3A_2942 = vector.shape_cast %reduce_sum3A_2941 : vector<1xf32> to vector<1x1x1xf32>
    %reduce_sum3A_2943 = vector.extract %reduce_sum3A_2942[0, 0, 0] : f32 from vector<1x1x1xf32>
    %sub3A_2944 = arith.constant 99968 : i32
    %sub3A_2945 = arith.subi %get3A_2885, %sub3A_2944 : i32
    %eq3A_2946 = vector.broadcast %sub3A_2945 : i32 to vector<1x128xi32>
    %eq3A_2947 = arith.cmpi eq, %iota3A_35, %eq3A_2946 : vector<1x128xi32>
    %get3A_2948 = arith.constant 31 : index
    %get3A_2949 = arith.constant 0 : index
    %get3A_2950 = vector.load %arg4[%get3A_2948, %get3A_2949] : memref<32x128xf32, #tpu.memory_space<vmem>>, vector<1x128xf32>
    %jit3A_2951 = arith.constant 0.000000e+00 : f32
    %broadcast_in_dim3A_2952 = vector.broadcast %jit3A_2951 : f32 to vector<1x128xf32>
    %select_n3A_2953 = arith.select %eq3A_2947, %get3A_2950, %broadcast_in_dim3A_2952 : vector<1x128xi1>, vector<1x128xf32>
    %reduce_sum3A_2954 = vector.shape_cast %select_n3A_2953 : vector<1x128xf32> to vector<1x1x128xf32>
    %reduce_sum3A_2955 = arith.constant dense<0.000000e+00> : vector<1xf32>
    %reduce_sum3A_2956 = vector.multi_reduction <add>, %reduce_sum3A_2954, %reduce_sum3A_2955 [1, 2] : vector<1x1x128xf32> to vector<1xf32>
    %reduce_sum3A_2957 = vector.shape_cast %reduce_sum3A_2956 : vector<1xf32> to vector<1x1x1xf32>
    %reduce_sum3A_2958 = vector.extract %reduce_sum3A_2957[0, 0, 0] : f32 from vector<1x1x1xf32>
    %ne3A_2959 = arith.constant 0 : i32
    %ne3A_2960 = arith.cmpi ne, %get3A_2885, %ne3A_2959 : i32
    %lt3A_2961 = arith.constant 83584 : i32
    %lt3A_2962 = arith.cmpi slt, %get3A_2885, %lt3A_2961 : i32
    %and3A_2963 = arith.andi %ne3A_2960, %lt3A_2962 : i1
    %jit3A_2964 = arith.constant 0.000000e+00 : f32
    %select_n3A_2965 = arith.select %and3A_2963, %reduce_sum3A_2943, %jit3A_2964 : f32
    %add3A_2966 = arith.addf %add3A_2879, %select_n3A_2965 : f32
    %ge3A_2967 = arith.constant 99968 : i32
    %ge3A_2968 = arith.cmpi sge, %get3A_2885, %ge3A_2967 : i32
    %jit3A_2969 = arith.constant 0.000000e+00 : f32
    %select_n3A_2970 = arith.select %ge3A_2968, %reduce_sum3A_2958, %jit3A_2969 : f32
    %add3A_2971 = arith.addf %add3A_2966, %select_n3A_2970 : f32
    %eq3A_2972 = arith.constant 0 : i32
    %eq3A_2973 = arith.cmpi eq, %arg0, %eq3A_2972 : i32
    %convert_element_type3A = arith.extui %eq3A_2973 : i1 to i32
    %cond3A = arith.constant 0 : i32
    %cond3A_2974 = arith.cmpi ne, %convert_element_type3A, %cond3A : i32
    scf.if %cond3A_2974 {
      %swap3A_2989 = arith.constant 0.000000e+00 : f32
      %swap3A_2990 = arith.constant 0 : index
      %swap3A_2991 = arith.constant 0 : index
      %swap3A_2992 = memref.load %arg5[%swap3A_2990, %swap3A_2991] : memref<1x1xf32, #tpu.memory_space<smem>>
      memref.store %swap3A_2989, %arg5[%swap3A_2990, %swap3A_2991] : memref<1x1xf32, #tpu.memory_space<smem>>
    } else {
    }
    %get3A_2975 = arith.constant 0 : index
    %get3A_2976 = arith.constant 0 : index
    %get3A_2977 = memref.load %arg5[%get3A_2975, %get3A_2976] : memref<1x1xf32, #tpu.memory_space<smem>>
    %mul3A_2978 = arith.constant -1.47637355 : f32
    %mul3A_2979 = arith.mulf %mul3A_2978, %reduce_sum3A_34 : f32
    %mul3A_2980 = arith.constant 1.000020e-06 : f32
    %mul3A_2981 = arith.mulf %mul3A_2980, %reduce_sum3A_24 : f32
    %sub3A_2982 = arith.subf %mul3A_2979, %mul3A_2981 : f32
    %mul3A_2983 = arith.constant 8.999990e-01 : f32
    %mul3A_2984 = arith.mulf %mul3A_2983, %add3A_2971 : f32
    %sub3A_2985 = arith.subf %sub3A_2982, %mul3A_2984 : f32
    %add3A_2986 = arith.addf %get3A_2977, %sub3A_2985 : f32
    %swap3A = arith.constant 0 : index
    %swap3A_2987 = arith.constant 0 : index
    %swap3A_2988 = memref.load %arg5[%swap3A, %swap3A_2987] : memref<1x1xf32, #tpu.memory_space<smem>>
    memref.store %add3A_2986, %arg5[%swap3A, %swap3A_2987] : memref<1x1xf32, #tpu.memory_space<smem>>
    return
  }
  func.func @transform_0(%arg0: i32, %arg1: memref<1024xi32, #tpu.memory_space<smem>>) -> (i32, i32) {
    %c0_i32 = arith.constant 0 : i32
    %c0_i32_0 = arith.constant 0 : i32
    return %arg0, %c0_i32 : i32, i32
  }
  func.func @transform_1(%arg0: i32, %arg1: memref<1024xi32, #tpu.memory_space<smem>>) -> (i32, i32) {
    %c0_i32 = arith.constant 0 : i32
    %c0_i32_0 = arith.constant 0 : i32
    return %arg0, %c0_i32 : i32, i32
  }
  func.func @transform_2(%arg0: i32, %arg1: memref<1024xi32, #tpu.memory_space<smem>>) -> (i32, i32) {
    %c781_i32 = arith.constant 781 : i32
    %c0_i32 = arith.constant 0 : i32
    return %arg0, %c781_i32 : i32, i32
  }
  func.func @transform_3(%arg0: i32, %arg1: memref<1024xi32, #tpu.memory_space<smem>>) -> (i32, i32) {
    %c0_i32 = arith.constant 0 : i32
    %c0_i32_0 = arith.constant 0 : i32
    %c0_i32_1 = arith.constant 0 : i32
    return %c0_i32, %c0_i32_0 : i32, i32
  }
}

</mosaic_0001>

<sc_bundles>
// kernel: kernel.4.cloned.1.call-start
scs
__scs_entry_jumppad:
0x0: {  	(pc) =	sbr.rel $0x88, $3  }
0x1: {  	(tag) =	ssettag $0x0;
	lr =	simm.s32 $0x1  }
0x2: {  	[smem:$0x3F9F] =	sst lr;
	_ =	strace $0xD0000000  }
0x3: {  	_ = 	snop  }
0x4: {  	_ = 	snop  }
0x5: {  	_ = 	snop  }
0x6: {  	_ = 	snop  }
0x7: {  	_ = 	snop  }
__scs_overlays_trampoline_lowered:
0x8: {  	[smem:$0x3FAE] =	sst s0  }
0x9: {  	[smem:$0x3FAF] =	sst s1  }
0xa: {  	[smem:$0x3FB0] =	sst s2  }
0xb: {  	[smem:$0x3FB1] =	sst s3  }
0xc: {  	[smem:$0x3FB2] =	sst s4  }
0xd: {  	[smem:$0x3FB3] =	sst s5  }
0xe: {  	[smem:$0x3FB4] =	sst s6  }
0xf: {  	[smem:$0x3FB5] =	sst s7  }
0x10: {  	[smem:$0x3FB6] =	sst s8  }
0x11: {  	[smem:$0x3FB7] =	sst s9;
	s0 =	simm.s32 @!p0 $0x0  }
0x12: {  	s1 =	sld [smem:$0x3F9D];
	s0 =	simm.s32 @p0 $0x1  }
0x13: {  	[smem:$0x3FB8] =	sst s0;
	s0 =	simm.s32 @!p1 $0x0  }
0x14: {  	s2 =	sld [smem:$0x3F9C];
	s0 =	simm.s32 @p1 $0x1  }
0x15: {  	[smem:$0x3FB9] =	sst s0;
	s0 =	simm.s32 @!p2 $0x0  }
0x16: {  	s3 =	sld [smem:$0x3FDB];
	s0 =	simm.s32 @p2 $0x1  }
0x17: {  	s4 =	simm.s32 $0x1BF5;
	[smem:$0x3FBB] =	sst s0  }
0x18: {  	s0 =	sld [smem:$0x3F9E];
	_ =	swait.ge [sflag:s4], $0x0  }
0x19: {  	s7 =	sld [smem:$0x3F9F]  }
0x1a: {  	s8 =	sadd.s32 $0xFFFFE003, lr  }
0x1b: {  	s9 =	sadd.s32 $0xFFFFFEF7, lr;
	s5 =	simm.s32 $0xFFFFFFFF;
	p2 =	slt.u32 s8, $0xFFFFF086  }
0x1c: {  	p1 =	slt.u32 s9, $0xF7A;
	s5 =	simm.s32 @!p2 $0x0  }
0x1d: {  	s5 =	simm.s32 @p1 $0x1;
	p0 =	seq.s32 s7, s2  }
0x1e: {  	s7 =	smul.u32 @!p0 $0xF7A, s2;
	p2 =	seq.s32 @!p0 s5, $0x0  }
0x1f: {  	s9 =	smul.u32 $0xF7A, s1;
	s8 =	simm.s32 @!p0 $0x1BF5;
	p2 =	por !p2, p0  }
0x20: {  	[sflag:s8] =	ssyncset.s32 @!p0 $0xFFFFF086;
	s6 =	sadd.s32 @!p0 s3, s7;
	s7 =	simm.s32 @!p0 $0x108  }
0x21: {  	s3 =	sadd.s32 s3, s9;
	s6 =	sadd.s32 @!p0 $0x88, s6;
	s7 =	simm.s32 @p2 $0x1082  }
0x22: {  	[simem:s7], [sflag:s8] =	dma.local @!p0 [hbm:s6], $0xF7A  }
0x23: {  	s9 =	sor.u32 $0xD0000000, s2;
	s6 =	simm.s32 $0x108;
	_ =	swait.ge @!p0 [sflag:s8], $0x0  }
0x24: {  	s3 =	sadd.s32 $0x88, s3;
	s6 =	simm.s32 @!p1 $0x1082;
	[sflag:s4] =	ssyncset.s32 $0xFFFFF086  }
0x25: {  	[simem:s6], [sflag:s4] =	dma.local [hbm:s3], $0xF7A  }
0x26: {  	[smem:$0x3F9F] =	sst s1;
	(tag) =	ssettag s2;
	_ =	strace s9  }
0x27: {  	s1 =	sld [smem:$0x3FAF]  }
0x28: {  	s2 =	sld [smem:$0x3FB0]  }
0x29: {  	s4 =	sld [smem:$0x3FB2]  }
0x2a: {  	p0 =	seq.s32 s5, $0x0;
	s5 =	sld [smem:$0x3FB3]  }
0x2b: {  	s6 =	sld [smem:$0x3FB4]  }
0x2c: {  	s7 =	sld [smem:$0x3FB5]  }
0x2d: {  	s3 =	simm.s32 $0x108;
	s8 =	sld [smem:$0x3FB6]  }
0x2e: {  	s3 =	simm.s32 @!p0 $0x1082;
	s9 =	sld [smem:$0x3FB7]  }
0x2f: {  	lr =	sadd.s32 s0, s3;
	s0 =	sld [smem:$0x3FAE]  }
0x30: {  	s3 =	sld [smem:$0x3FB1]  }
0x31: {  	[smem:$0x3FBA] =	sst s10  }
0x32: {  	s10 =	sld [smem:$0x3FB8];
	_ =	sdelay $0x3  }
0x33: {  	p0 =	seq.s32 s10, $0x1;
	s10 =	sld [smem:$0x3FBA];
	_ =	sdelay $0x3  }
0x34: {  	[smem:$0x3FBA] =	sst s10  }
0x35: {  	s10 =	sld [smem:$0x3FB9];
	_ =	sdelay $0x3  }
0x36: {  	p1 =	seq.s32 s10, $0x1;
	s10 =	sld [smem:$0x3FBA];
	_ =	sdelay $0x3  }
0x37: {  	[smem:$0x3FBA] =	sst s10  }
0x38: {  	s10 =	sld [smem:$0x3FBB]  }
0x39: {  	_ = 	snop;
	(pc) =	sbr.ind lr, $3  }
0x3a: {  	_ = 	snop  }
0x3b: {  	_ = 	snop  }
0x3c: {  	p2 =	seq.s32 s10, $0x1;
	s10 =	sld [smem:$0x3FBA]  }
0x3d: {  	_ =	shalt  }
0x3e: {  	_ =	shalt  }
0x3f: {  	_ =	shalt  }
0x40: {  	_ =	shalt  }
0x41: {  	_ =	shalt  }
0x42: {  	_ =	shalt  }
0x43: {  	_ =	shalt  }
0x44: {  	_ =	shalt  }
0x45: {  	_ =	shalt  }
0x46: {  	_ =	shalt  }
0x47: {  	_ =	shalt  }
0x48: {  	_ =	shalt  }
0x49: {  	_ =	shalt  }
0x4a: {  	_ =	shalt  }
0x4b: {  	_ =	shalt  }
0x4c: {  	_ =	shalt  }
0x4d: {  	_ =	shalt  }
0x4e: {  	_ =	shalt  }
0x4f: {  	_ =	shalt  }
0x50: {  	_ =	shalt  }
0x51: {  	_ =	shalt  }
0x52: {  	_ =	shalt  }
0x53: {  	_ =	shalt  }
0x54: {  	_ =	shalt  }
0x55: {  	_ =	shalt  }
0x56: {  	_ =	shalt  }
0x57: {  	_ =	shalt  }
0x58: {  	_ =	shalt  }
0x59: {  	_ =	shalt  }
0x5a: {  	_ =	shalt  }
0x5b: {  	_ =	shalt  }
0x5c: {  	_ =	shalt  }
0x5d: {  	_ =	shalt  }
0x5e: {  	_ =	shalt  }
0x5f: {  	_ =	shalt  }
0x60: {  	_ =	shalt  }
0x61: {  	_ =	shalt  }
0x62: {  	_ =	shalt  }
0x63: {  	_ =	shalt  }
0x64: {  	_ =	shalt  }
0x65: {  	_ =	shalt  }
0x66: {  	_ =	shalt  }
0x67: {  	_ =	shalt  }
0x68: {  	_ =	shalt  }
0x69: {  	_ =	shalt  }
0x6a: {  	_ =	shalt  }
0x6b: {  	_ =	shalt  }
0x6c: {  	_ =	shalt  }
0x6d: {  	_ =	shalt  }
0x6e: {  	_ =	shalt  }
0x6f: {  	_ =	shalt  }
0x70: {  	_ =	shalt  }
0x71: {  	_ =	shalt  }
0x72: {  	_ =	shalt  }
0x73: {  	_ =	shalt  }
0x74: {  	_ =	shalt  }
0x75: {  	_ =	shalt  }
0x76: {  	_ =	shalt  }
0x77: {  	_ =	shalt  }
0x78: {  	_ =	shalt  }
0x79: {  	_ =	shalt  }
0x7a: {  	_ =	shalt  }
0x7b: {  	_ =	shalt  }
0x7c: {  	_ =	shalt  }
0x7d: {  	_ =	shalt  }
0x7e: {  	_ =	shalt  }
0x7f: {  	_ =	shalt  }
0x80: {  	_ =	shalt  }
0x81: {  	_ =	shalt  }
0x82: {  	_ =	shalt  }
0x83: {  	_ =	shalt  }
0x84: {  	_ =	shalt  }
0x85: {  	_ =	shalt  }
0x86: {  	_ =	shalt  }
0x87: {  	_ =	shalt  }
.Lfunc_end0:
.L_simem_size_0:
called_computation_lowered:
.L_overlay_start_0:
0x88: {  	s2 =	sld [smem:$0x3FD9]  }
0x89: {  	s3 =	sld [smem:$0x3FFE];
	_ =	sdelay $0x1  }
0x8a: {  	s1 =	srdreg.scid  }
0x8b: {  	s0 =	sand.u32 $0x1, s1  }
0x8c: {  	s17 =	sshll.u32 s0, $0xA;
	s2 =	sadd.s32 s3, s2  }
0x8d: {  	s2 =	sadd.s32 s2, s17  }
0x8e: {  	[smem:$0x3FC6] =	sst s2  }
0x8f: {  	_ = 	snop  }
0x90: {  	s2 =	sld [smem:$0x3FC8];
	(tm) =	ssettm $0x1  }
0x91: {  	s18 =	sld [smem:$0x3FFB];
	_ =	sdelay $0x3  }
0x92: {  	_ =	strace s18  }
0x93: {  	s3 =	sld [smem:$0x3FFC];
	_ =	sdelay $0x3  }
0x94: {  	_ =	strace s3  }
0x95: {  	s3 =	sld [smem:$0x3FFD];
	_ =	sdelay $0x3  }
0x96: {  	_ =	strace s3  }
0x97: {  	_ =	strace $0x8FFFFFFF  }
0x98: {  	s19 =	sld [smem:$0x3FDB];
	_ =	sdelay $0x1  }
0x99: {  	s4 =	simm.s32 $_scs_section_size  }
0x9a: {  	s5 =	simm.s32 $_size__tile_overlayer_lowered;
	s6 =	simm.s32 $_tile_overlayer_lowered  }
0x9b: {  	s22 =	simm.s32 $0x1BFF;
	s21 =	sshll.u32 s6, $0x1;
	s3 =	sadd.s32 s4, s19  }
0x9c: {  	s7 =	simm.s32 $0x0;
	s20 =	sshll.u32 s5, $0x1;
	s5 =	sadd.s32 s21, s3  }
0x9d: {  	[timem:s7], [sflag:s22] =	dma.local [hbm:s5], s20  }
0x9e: {  	_ =	swait.ge [sflag:s22], s20  }
0x9f: {  	s4 =	ssub.s32 $0x0, s20;
	[sflag:s22] =	ssyncset.done $0x0  }
0xa0: {  	[sflag:s22] =	ssyncadd.s32 s4;
	_ =	sdelay $0x1  }
0xa1: {  	s23 =	simm.s32 $0x1B8B  }
0xa2: {  	_ =	swait.ge [sflag:s23], $0x1  }
0xa3: {  	[sflag:s23] =	ssyncset.done $0x0  }
0xa4: {  	s25 =	simm.s32 $0x1B8E;
	s24 =	sld [smem:$0x3FFE];
	[sflag:s23] =	ssyncadd.s32 $0xFFFFFFFF  }
0xa5: {  	s26 =	simm.s32 $execute0_lowered;
	[smem:$0x3FD2] =	sst s25  }
0xa6: {  	s5 =	sshll.u32 s26, $0x1;
	_ =	strace $0x80000046;
	[dreg:$0x1] =	wrdreg $0xFFFFFFFF  }
0xa7: {  	s28 =	simm.s32 $_size_execute0_lowered;
	s3 =	sadd.s32 s3, s5;
	[dreg:$0x0] =	wrdreg $0x0  }
0xa8: {  	s5 =	sshll.u32 s28, $0x1;
	[dreg:$0x2] =	wrdreg s3  }
0xa9: {  	[dreg:$0x3] =	wrdreg s5  }
0xaa: {  	[dreg:$0x4] =	wrdreg $0xC0  }
0xab: {  	_ =	task [dreg:s7], $0x5FFFF  }
0xac: {  	[dreg:$0x1] =	wrdreg $0xFFFFFFFF  }
0xad: {  	[dreg:$0x0] =	wrdreg $0x60  }
0xae: {  	[dreg:$0x2] =	wrdreg s24  }
0xaf: {  	[dreg:$0x3] =	wrdreg s2  }
0xb0: {  	[dreg:$0x4] =	wrdreg $0x9  }
0xb1: {  	_ =	task.clear_ibuf [dreg:s7], $0x5FFFF;
	_ =	strace $0x90000046  }
0xb2: {  	s29 =	simm.s32 $0x9;
	_ =	strace $0x80000048  }
0xb3: {  	_ =	swait.ge [sflag:s29], $0x1  }
0xb4: {  	[sflag:s29] =	ssyncadd.s32 $0xFFFFFFFF  }
0xb5: {  	_ =	strace $0x90000048  }
0xb6: {  	_ =	sfence  }
0xb7: {  	s30 =	sld [smem:$0x0];
	_ =	sdelay $0x2  }
0xb8: {  	s31 =	sshll.u32 s1, $0xD;
	s1 =	sshrl.u32 s1, $0x2  }
0xb9: {  	s3 =	sand.u32 $0x4000, s31;
	s1 =	sadd.s32 s1, s30  }
0xba: {  	s0 =	sor.u32 s3, s0;
	s1 =	sshll.u32 s1, $0x11  }
0xbb: {  	s0 =	sor.u32 s1, s0  }
0xbc: {  	s0 =	sadd.s32 $0x8F2B, s0  }
0xbd: {  	[sflag:s0] =	ssyncadd.remote.s32 $0x1  }
0xbe: {  	_ =	sfence.sel $0xFFFF  }
0xbf: {  	[dreg:$0x0] =	wrdreg $0xFFFFFFFF;
	(pc) =	sbr.abs _section_cstart, $3  }
0xc0: {  	[dreg:$0x1] =	wrdreg $0xFFFFFFFF  }
0xc1: {  	_ =	task.clear_ibuf [dreg:s7], $0x2FFFF;
	_ =	strace $0x9FFFFFFF  }
0xc2: {  	(tm) =	ssettm $0x7FFFFFFF  }
0xc3: {  	_ =	shalt  }
tec
execute0_lowered:
.L_overlay_start_1:
0x0: {  	(tag) =	ssettag $0x1  }
0x1: {  	s0 =	rddreg [dreg:$0x0];
	s1 =	srdreg.scid  }
0x2: {  	s2 =	stileid.u32;
	s4 =	rddreg [dreg:$0x1];
	s15 =	simm.s32 $0x10000  }
0x3: {  	s16 =	simm.s32 $0x3;
	s17 =	simm.s32 $0x4000;
	s18 =	simm.s32 $0xC3800  }
0x4: {  	s19 =	simm.s32 $0x8000;
	s20 =	simm.s32 $0x1;
	s21 =	simm.s32 $0x2  }
0x5: {  	s22 =	simm.s32 $0x10080;
	s1 =	sand.u32 $0x1, s1;
	s3 =	sshll.u32 s2, $0x1  }
0x6: {  	s23 =	simm.s32 $0x0;
	s2 =	simm.s32 $0x0;
	s5 =	sor.u32 s1, s3  }
0x7: {  	[smem:$0x7FF] =	sst s2;
	s3 =	sadd.s32 $0x200, s0;
	s1 =	ssub.s32 $0x2, s1  }
0x8: {  	s12 =	smul.u32 $0x30E000, s5;
	_ =	strace $0x80000047;
	s6 =	sshll.u32 s5, $0x4  }
0x9: {  	s7 =	sshrl.u32 s1, $0x1;
	s5 =	sshll.u32 s5, $0x2;
	s0 =	sadd.s32 s6, s0  }
.Ltmp0:
0xa: {  	s1 =	ssub.s32 s1, s7;
	s4 =	sadd.s32 s4, s5;
	(pc) =	sbr.rel .LBB2_1-.Ltmp0, $4  }
0xb: {  	s31 =	sshrl.u32 s12, $0x3;
	s7 =	sadd.s32 $0xAB400, s12;
	s8 =	sadd.s32 $0xAF400, s12  }
0xc: {  	s11 =	sadd.s32 $0x232400, s12;
	s12 =	sadd.s32 $0x236400, s12;
	s10 =	sadd.s32 s3, s31  }
0xd: {  	s13 =	sadd.s32 $0xC38200, s0;
	s14 =	smax.u32 s1, $0x1;
	s5 =	sadd.s32 $0x14680, s10  }
0xe: {  	s6 =	sadd.s32 $0x14E80, s10;
	s9 =	sadd.s32 $0x45480, s10;
	s10 =	sadd.s32 $0x45C80, s10  }
.LBB2_15:
0xf: {  	v1 =	vmul.f32 $1.000020010e-06, v18;
	_ =	sdelay $0x1  }
0x10: {  	v2 =	vmul.f32 $8.999990220e-01, v19;
	v1 =	vsub.f32 $0.0e+00, v1;
	_ =	sdelay $0x1  }
0x11: {  	v63 =	vmul.f32 $1.000020010e-06, v54;
	v1 =	vsub.f32 v1, v2;
	_ =	sdelay $0x1  }
0x12: {  	v0 =	vmul.f32 $8.999990220e-01, v0;
	v1 =	vsub.f32 v1, v63;
	_ =	sdelay $0x1  }
0x13: {  	s23 =	sadd.s32 $0x1, s23;
	v0 =	vsub.f32 v1, v0  }
0x14: {  	p0 =	sne.s32 s23, s14  }
.Ltmp1:
0x15: {  	[tilespmem:$0x10080] =	vst v0;
	(pc) =	sbr.rel @!p0 .LBB2_16-.Ltmp1, $4  }
0x16: {  	[hbm4b:s13+s2] =	stream.linear.scatter [tilespmem:s22], [sflag:$0x3], $0x80, $0x38;
	[tilespmem:$0x10100] =	vst v63  }
0x17: {  	_ =	swait.ge [sflag:s16], $0x80  }
0x18: {  	[sflag:s16] =	ssyncset.done $0x0  }
0x19: {  	[sflag:s16] =	ssyncadd.s32 $0xFFFFFF80  }
.LBB2_1:
0x1a: {  	[tilespmem:s15], [sflag:$0x3] =	stream.linear.gather [hbm4b:s4+s2], $0x20, $0x38;
	[tilespmem:$0x10100] =	vst v63  }
0x1b: {  	_ =	swait.ge [sflag:s16], $0x20  }
0x1c: {  	[sflag:s16] =	ssyncset.done $0x0  }
0x1d: {  	[sflag:s16] =	ssyncadd.s32 $0xFFFFFFE0  }
0x1e: {  	v0 =	vld [tilespmem:$0x10000];
	_ =	sdelay $0x1  }
0x1f: {  	v1 =	vimm.s32 $0x0;
	v54 =	vimm.s32 $0x1;
	v55 =	vimm.s32 $0x2  }
0x20: {  	v56 =	vimm.s32 $0x3;
	v57 =	vimm.s32 $0x4;
	v58 =	vimm.s32 $0x5  }
0x21: {  	v59 =	vimm.s32 $0x6;
	v60 =	vimm.s32 $0x7;
	v61 =	vimm.s32 $0x8  }
0x22: {  	v62 =	vimm.s32 $0x9;
	v20 =	vperm.xlane v0, v1;
	v21 =	vperm.xlane v0, v54  }
0x23: {  	v63 =	vimm.s32 $0xA;
	v22 =	vperm.xlane v0, v55;
	v23 =	vperm.xlane v0, v56  }
0x24: {  	v4 =	vimm.s32 $0xB;
	v24 =	vperm.xlane v0, v57;
	v25 =	vperm.xlane v0, v58  }
0x25: {  	v5 =	vimm.s32 $0xC;
	v26 =	vperm.xlane v0, v59;
	v27 =	vperm.xlane v0, v60  }
0x26: {  	v6 =	vimm.s32 $0xD;
	v28 =	vperm.xlane v0, v61;
	v29 =	vperm.xlane v0, v62  }
0x27: {  	v2 =	vimm.s32 $0xE;
	v30 =	vperm.xlane v0, v63;
	v31 =	vperm.xlane v0, v4  }
0x28: {  	v3 =	vimm.s32 $0xF;
	v32 =	vperm.xlane v0, v5;
	v33 =	vperm.xlane v0, v6  }
0x29: {  	v34 =	vperm.xlane v0, v2;
	v35 =	vperm.xlane v0, v3  }
0x2a: {  	v7 =	vcvt.s32.f32 v20;
	v8 =	vcvt.s32.f32 v21  }
0x2b: {  	v10 =	vcvt.s32.f32 v22;
	v12 =	vcvt.s32.f32 v23  }
0x2c: {  	v14 =	vcvt.s32.f32 v24;
	v36 =	vcvt.s32.f32 v25  }
0x2d: {  	v38 =	vcvt.s32.f32 v26;
	v45 =	vcvt.s32.f32 v27  }
0x2e: {  	v47 =	vcvt.s32.f32 v28;
	v49 =	vcvt.s32.f32 v29  }
0x2f: {  	v19 =	vimm.f32 $0.0e+00;
	v51 =	vcvt.s32.f32 v30;
	v53 =	vcvt.s32.f32 v31  }
0x30: {  	v18 =	vimm.f32 $0.0e+00;
	v55 =	vcvt.s32.f32 v32;
	v57 =	vcvt.s32.f32 v33  }
0x31: {  	v58 =	vcvt.s32.f32 v34;
	v4 =	vcvt.s32.f32 v35;
	v9 =	vand.u32 $0x7FFFFFFF, v7  }
0x32: {  	v11 =	vand.u32 $0x7FFFFFFF, v8;
	v13 =	vand.u32 $0x7FFFFFFF, v10;
	v15 =	vand.u32 $0x7FFFFFFF, v12  }
0x33: {  	v37 =	vand.u32 $0x7FFFFFFF, v14;
	v44 =	vand.u32 $0x7FFFFFFF, v36;
	v46 =	vand.u32 $0x7FFFFFFF, v38  }
0x34: {  	v48 =	vand.u32 $0x7FFFFFFF, v45;
	v50 =	vand.u32 $0x7FFFFFFF, v47;
	v52 =	vand.u32 $0x7FFFFFFF, v49  }
0x35: {  	v54 =	vand.u32 $0x7FFFFFFF, v51;
	v56 =	vand.u32 $0x7FFFFFFF, v53;
	v1 =	vand.u32 $0x7FFFFFFF, v55  }
0x36: {  	v59 =	vand.u32 $0x7FFFFFFF, v57;
	v60 =	vand.u32 $0x7FFFFFFF, v58;
	v61 =	vand.u32 $0x7FFFFFFF, v4  }
0x37: {  	v53 =	vimm.s32 $0x14680;
	v62 =	vmin.f32 v9, $1.000000000e+00;
	v0 =	vmin.f32 v11, $1.000000000e+00  }
0x38: {  	[tilespmem:s2], [sflag:$0x1] =	stream.strided.gather [hbm4b:s5+s17], $0x8000, s18, s17, $0x38;
	v63 =	vmin.f32 v13, $1.000000000e+00;
	v40 =	vmin.f32 v37, $1.000000000e+00;
	v41 =	vmin.f32 v44, $1.000000000e+00;
	[tilespmem:$0x10100] =	vst v63  }
0x39: {  	v42 =	vmin.f32 v46, $1.000000000e+00;
	v43 =	vmin.f32 v48, $1.000000000e+00;
	v44 =	vmin.f32 v50, $1.000000000e+00  }
0x3a: {  	[tilespmem:s19], [sflag:$0x2] =	stream.strided.gather [hbm4b:s6+s17], $0x8000, s18, s17, $0x38;
	v45 =	vmin.f32 v52, $1.000000000e+00;
	v46 =	vmin.f32 v54, $1.000000000e+00;
	v47 =	vmin.f32 v56, $1.000000000e+00;
	[tilespmem:$0x10100] =	vst v63  }
0x3b: {  	v48 =	vmin.f32 v1, $1.000000000e+00;
	v49 =	vmin.f32 v59, $1.000000000e+00;
	[tilespmem:$0x1FFE0] =	vst v0;
	v0 =	vmin.f32 v15, $1.000000000e+00  }
0x3c: {  	s24 =	simm.s32 $0x0;
	v50 =	vmin.f32 v60, $1.000000000e+00;
	v51 =	vmin.f32 v61, $1.000000000e+00;
	v52 =	vimm.f32 $0.0e+00;
	[tilespmem:$0x1FFF0] =	vst v0  }
.LBB2_2:
0x3d: {  	_ =	swait.ge [sflag:s20], $0x8000;
	s25 =	simm.s32 $0x0  }
0x3e: {  	[sflag:s20] =	ssyncset.done $0x0;
	s0 =	sand.u32 $0x70, s25;
	s1 =	sand.u32 $0x3C00, s25  }
0x3f: {  	[sflag:s20] =	ssyncadd.s32 $0xFFFF8000;
	s29 =	sor.u32 s0, s1  }
0x40: {  	v0 =	vld [tilespmem:s29+$0x0];
	_ =	sdelay $0x1  }
0x41: {  	v2 =	vlaneseq.u32;
	v1 =	vld [tilespmem:s29+$0x80]  }
0x42: {  	v2 =	vor.u32 v2, v53  }
0x43: {  	vm0 =	veq.s32 v2, v20;
	v4 =	vld [tilespmem:s29+$0x100]  }
0x44: {  	v3 =	vnsel vm0, $0x0, v0  }
0x45: {  	v5 =	vld [tilespmem:s29+$0x180];
	vm0 =	veq.s32 v2, v21;
	v3 =	vadd.f32 v3, v19  }
0x46: {  	v6 =	vnsel vm0, $0x0, v1  }
0x47: {  	vm0 =	veq.s32 v2, v22;
	v3 =	vadd.f32 v6, v3;
	v6 =	vld [tilespmem:s29+$0x200]  }
0x48: {  	v7 =	vnsel vm0, $0x0, v4  }
0x49: {  	s26 =	sand.u32 $0x7, s25;
	vm0 =	veq.s32 v2, v23;
	v3 =	vadd.f32 v7, v3;
	v7 =	vld [tilespmem:s29+$0x280]  }
0x4a: {  	s0 =	sshll.u32 s26, $0x4;
	v8 =	vnsel vm0, $0x0, v5  }
0x4b: {  	s0 =	sadd.s32 $0x0, s0;
	vm0 =	veq.s32 v2, v24;
	v3 =	vadd.f32 v8, v3;
	v8 =	vld [tilespmem:s29+$0x300]  }
0x4c: {  	s0 =	sor.u32 $0x380, s0;
	v9 =	vnsel vm0, $0x0, v6  }
0x4d: {  	vm0 =	veq.s32 v2, v25;
	v3 =	vadd.f32 v9, v3;
	v9 =	vld [tilespmem:s0+$0x0]  }
0x4e: {  	v19 =	vld [tilespmem:s29+$0x4100];
	v10 =	vnsel vm0, $0x0, v7  }
0x4f: {  	vm0 =	veq.s32 v2, v26;
	v3 =	vadd.f32 v10, v3;
	v10 =	vld [tilespmem:s29+$0x4000]  }
0x50: {  	v11 =	vnsel vm0, $0x0, v8  }
0x51: {  	vm0 =	veq.s32 v2, v27;
	v3 =	vadd.f32 v11, v3;
	v11 =	vld [tilespmem:s29+$0x4080]  }
0x52: {  	v17 =	vnsel vm0, $0x0, v9  }
0x53: {  	v61 =	vadd.f32 v5, v52;
	vm0 =	veq.s32 v2, v28;
	v17 =	vadd.f32 v17, v3  }
0x54: {  	v37 =	vld [tilespmem:s29+$0x4180];
	v1 =	vadd.f32 v1, v52;
	v55 =	vadd.f32 v19, v52;
	v54 =	vnsel vm0, $0x0, v10  }
0x55: {  	v60 =	vadd.f32 v6, v52;
	vm0 =	veq.s32 v2, v29;
	v17 =	vadd.f32 v54, v17  }
0x56: {  	v5 =	vld [tilespmem:s29+$0x4200];
	v3 =	vadd.f32 v0, v52;
	v0 =	vadd.f32 v4, v52;
	v4 =	vnsel vm0, $0x0, v11  }
0x57: {  	v59 =	vadd.f32 v7, v52;
	vm0 =	veq.s32 v2, v30;
	v4 =	vadd.f32 v4, v17  }
0x58: {  	v57 =	vadd.f32 v8, v52;
	v58 =	vadd.f32 v9, v52;
	v6 =	vnsel vm0, $0x0, v19  }
0x59: {  	v7 =	vld [tilespmem:s29+$0x4280];
	v54 =	vadd.f32 v37, v52;
	vm0 =	veq.s32 v2, v31;
	v4 =	vadd.f32 v6, v4  }
0x5a: {  	v56 =	vadd.f32 v11, v52;
	v17 =	vadd.f32 v10, v52;
	v6 =	vnsel vm0, $0x0, v37  }
0x5b: {  	v8 =	vld [tilespmem:s29+$0x4300];
	v19 =	vadd.f32 v5, v52;
	vm0 =	veq.s32 v2, v32;
	v4 =	vadd.f32 v6, v4  }
0x5c: {  	s31 =	simm.s32 $0x10;
	s26 =	simm.s32 $0x80;
	v6 =	vnsel vm0, $0x0, v5;
	vm0 =	veq.s32 v2, v33;
	v5 =	vimm.f32 $0.0e+00  }
0x5d: {  	v39 =	vmovc v63;
	v38 =	vmovc v62;
	s28 =	simm.s32 $0x20;
	s30 =	sand.u32 $0x70, s31;
	s1 =	sand.u32 $0x3C00, s26;
	v9 =	vld [tilespmem:s29+$0x4380];
	v10 =	vadd.f32 v6, v4;
	v6 =	vimm.f32 $0.0e+00;
	v4 =	vimm.f32 $0.0e+00  }
.LBB2_3:
0x5e: {  	p0 =	sne.s32 s28, $0x7F0;
	s29 =	sor.u32 s30, s1;
	v6 =	vadd.f32 v7, v6;
	v7 =	vnsel vm0, $0x0, v7  }
0x5f: {  	vm0 =	veq.s32 v2, v34;
	v11 =	vld [tilespmem:s29+$0x0];
	v7 =	vadd.f32 v7, v10  }
0x60: {  	v5 =	vadd.f32 v8, v5;
	v8 =	vnsel vm0, $0x0, v8  }
0x61: {  	vm0 =	veq.s32 v2, v35;
	v10 =	vld [tilespmem:s29+$0x80];
	v7 =	vadd.f32 v8, v7  }
0x62: {  	v2 =	vadd.s32 $0x10, v2;
	v4 =	vadd.f32 v9, v4;
	v8 =	vnsel vm0, $0x0, v9  }
0x63: {  	vm0 =	veq.s32 v2, v20;
	v9 =	vld [tilespmem:s29+$0x100];
	v7 =	vadd.f32 v8, v7  }
0x64: {  	v3 =	vadd.f32 v11, v3;
	v8 =	vnsel vm0, $0x0, v11  }
0x65: {  	vm0 =	veq.s32 v2, v21;
	v7 =	vadd.f32 v8, v7;
	v8 =	vld [tilespmem:s29+$0x180]  }
0x66: {  	v1 =	vadd.f32 v10, v1;
	v10 =	vnsel vm0, $0x0, v10  }
0x67: {  	vm0 =	veq.s32 v2, v22;
	v7 =	vadd.f32 v10, v7;
	v10 =	vld [tilespmem:s29+$0x200]  }
0x68: {  	s25 =	sadd.s32 $0x1, s25;
	v0 =	vadd.f32 v9, v0;
	v9 =	vnsel vm0, $0x0, v9  }
0x69: {  	s0 =	sand.u32 $0x7, s25;
	vm0 =	veq.s32 v2, v23;
	v7 =	vadd.f32 v9, v7;
	v9 =	vld [tilespmem:s29+$0x280]  }
0x6a: {  	s0 =	sshll.u32 s0, $0x4;
	v61 =	vadd.f32 v8, v61;
	v8 =	vnsel vm0, $0x0, v8  }
0x6b: {  	s0 =	sadd.s32 s0, s26;
	vm0 =	veq.s32 v2, v24;
	v7 =	vadd.f32 v8, v7;
	v8 =	vld [tilespmem:s29+$0x300]  }
0x6c: {  	s0 =	sor.u32 $0x380, s0;
	v60 =	vadd.f32 v10, v60;
	v10 =	vnsel vm0, $0x0, v10  }
0x6d: {  	vm0 =	veq.s32 v2, v25;
	v7 =	vadd.f32 v10, v7;
	v10 =	vld [tilespmem:s0+$0x0]  }
0x6e: {  	v59 =	vadd.f32 v9, v59;
	v9 =	vnsel vm0, $0x0, v9  }
0x6f: {  	vm0 =	veq.s32 v2, v26;
	v7 =	vadd.f32 v9, v7;
	v9 =	vld [tilespmem:s29+$0x4000]  }
0x70: {  	v57 =	vadd.f32 v8, v57;
	v8 =	vnsel vm0, $0x0, v8  }
0x71: {  	vm0 =	veq.s32 v2, v27;
	v7 =	vadd.f32 v8, v7;
	v8 =	vld [tilespmem:s29+$0x4080]  }
0x72: {  	v58 =	vadd.f32 v10, v58;
	v10 =	vnsel vm0, $0x0, v10  }
0x73: {  	vm0 =	veq.s32 v2, v28;
	v7 =	vadd.f32 v10, v7;
	v10 =	vld [tilespmem:s29+$0x4100]  }
0x74: {  	v17 =	vadd.f32 v9, v17;
	v9 =	vnsel vm0, $0x0, v9  }
0x75: {  	vm0 =	veq.s32 v2, v29;
	v7 =	vadd.f32 v9, v7;
	v9 =	vld [tilespmem:s29+$0x4180]  }
0x76: {  	v56 =	vadd.f32 v8, v56;
	v8 =	vnsel vm0, $0x0, v8  }
0x77: {  	vm0 =	veq.s32 v2, v30;
	v7 =	vadd.f32 v8, v7;
	v11 =	vld [tilespmem:s29+$0x4200]  }
0x78: {  	v55 =	vadd.f32 v10, v55;
	v8 =	vnsel vm0, $0x0, v10  }
.Ltmp2:
0x79: {  	vm0 =	veq.s32 v2, v31;
	v8 =	vadd.f32 v8, v7;
	v7 =	vld [tilespmem:s29+$0x4280];
	(pc) =	sbr.rel @p0 .LBB2_3-.Ltmp2, $4  }
0x7a: {  	v54 =	vadd.f32 v9, v54;
	v9 =	vnsel vm0, $0x0, v9  }
0x7b: {  	vm0 =	veq.s32 v2, v32;
	v9 =	vadd.f32 v9, v8;
	v8 =	vld [tilespmem:s29+$0x4300]  }
0x7c: {  	s26 =	sadd.s32 $0x80, s26;
	v19 =	vadd.f32 v11, v19;
	v10 =	vnsel vm0, $0x0, v11  }
0x7d: {  	s30 =	sand.u32 $0x70, s28;
	s28 =	sadd.s32 $0x10, s28;
	s1 =	sand.u32 $0x3C00, s26;
	vm0 =	veq.s32 v2, v33;
	v10 =	vadd.f32 v10, v9;
	v9 =	vld [tilespmem:s29+$0x4380]  }
0x7e: {  	s28 =	sor.u32 s30, s1;
	v11 =	vnsel vm0, $0x0, v7  }
0x7f: {  	vm0 =	veq.s32 v2, v34;
	v62 =	vld [tilespmem:s28+$0x0];
	v10 =	vadd.f32 v11, v10  }
0x80: {  	v11 =	vnsel vm0, $0x0, v8  }
0x81: {  	v63 =	vld [tilespmem:s28+$0x80];
	vm0 =	veq.s32 v2, v35;
	v10 =	vadd.f32 v11, v10  }
0x82: {  	v2 =	vadd.s32 $0x10, v2;
	v11 =	vnsel vm0, $0x0, v9  }
0x83: {  	v12 =	vld [tilespmem:s28+$0x100];
	vm0 =	veq.s32 v2, v20;
	v10 =	vadd.f32 v11, v10  }
0x84: {  	v11 =	vnsel vm0, $0x0, v62  }
0x85: {  	vm0 =	veq.s32 v2, v21;
	v10 =	vadd.f32 v11, v10;
	v11 =	vld [tilespmem:s28+$0x180]  }
0x86: {  	v13 =	vnsel vm0, $0x0, v63  }
0x87: {  	vm0 =	veq.s32 v2, v22;
	v10 =	vadd.f32 v13, v10;
	v13 =	vld [tilespmem:s28+$0x200]  }
0x88: {  	v14 =	vnsel vm0, $0x0, v12  }
0x89: {  	vm0 =	veq.s32 v2, v23;
	v10 =	vadd.f32 v14, v10;
	v14 =	vld [tilespmem:s28+$0x280]  }
0x8a: {  	s0 =	sadd.s32 $0x1, s25;
	v15 =	vnsel vm0, $0x0, v11  }
0x8b: {  	s0 =	sand.u32 $0x7, s0;
	vm0 =	veq.s32 v2, v24;
	v10 =	vadd.f32 v15, v10;
	v15 =	vld [tilespmem:s28+$0x300]  }
0x8c: {  	s0 =	sshll.u32 s0, $0x4;
	v16 =	vnsel vm0, $0x0, v13  }
0x8d: {  	s0 =	sadd.s32 s0, s26;
	vm0 =	veq.s32 v2, v25;
	v10 =	vadd.f32 v16, v10  }
0x8e: {  	s0 =	sor.u32 $0x380, s0;
	v36 =	vnsel vm0, $0x0, v14  }
0x8f: {  	v16 =	vld [tilespmem:s0+$0x0];
	vm0 =	veq.s32 v2, v26;
	v10 =	vadd.f32 v36, v10  }
0x90: {  	v6 =	vadd.f32 v7, v6;
	v36 =	vld [tilespmem:s28+$0x4000];
	v37 =	vnsel vm0, $0x0, v15  }
0x91: {  	v3 =	vadd.f32 v62, v3;
	v7 =	vadd.f32 v37, v10;
	v10 =	vld [tilespmem:s28+$0x4080];
	_ =	sdelay $0x1  }
0x92: {  	v5 =	vadd.f32 v8, v5;
	v62 =	vmovc v38;
	v3 =	vmul.f32 v3, v38;
	v38 =	vld [tilespmem:$0x1FFE0];
	vm0 =	veq.s32 v2, v27  }
0x93: {  	v4 =	vadd.f32 v9, v4;
	v8 =	vnsel vm0, $0x0, v16;
	vm0 =	veq.s32 v2, v28  }
0x94: {  	v7 =	vadd.f32 v8, v7;
	v9 =	vnsel vm0, $0x0, v36;
	vm0 =	veq.s32 v2, v29  }
0x95: {  	v1 =	vadd.f32 v63, v1;
	v63 =	vnsel vm0, $0x0, v10  }
0x96: {  	v0 =	vadd.f32 v12, v0;
	v8 =	vld [tilespmem:s28+$0x4100];
	v7 =	vadd.f32 v9, v7  }
0x97: {  	v3 =	vadd.f32 v3, v18;
	v1 =	vmul.f32 v1, v38;
	v9 =	vld [tilespmem:s28+$0x4180]  }
0x98: {  	v0 =	vmul.f32 v0, v39;
	v7 =	vadd.f32 v63, v7;
	v63 =	vmov v39;
	v39 =	vld [tilespmem:$0x1FFF0]  }
0x99: {  	v1 =	vadd.f32 v1, v3  }
0x9a: {  	s25 =	sshll.u32 s24, $0xF;
	p0 =	seq.s32 s24, $0x3;
	v11 =	vadd.f32 v11, v61;
	v13 =	vadd.f32 v13, v60;
	v3 =	vld [tilespmem:s28+$0x4200];
	vm0 =	veq.s32 v2, v30  }
0x9b: {  	v12 =	vld [tilespmem:s28+$0x4280];
	s0 =	sadd.s32 @!p0 s25, s7;
	v14 =	vadd.f32 v14, v59;
	v0 =	vadd.f32 v0, v1;
	v37 =	vnsel vm0, $0x0, v8  }
0x9c: {  	s1 =	simm.s32 @!p0 $0x4000;
	s0 =	sshrl.u32 @!p0 s0, $0x3;
	v1 =	vld [tilespmem:s28+$0x4300];
	v59 =	vadd.f32 v15, v57;
	vm0 =	veq.s32 v2, v31;
	v7 =	vadd.f32 v37, v7  }
0x9d: {  	s26 =	simm.s32 @!p0 $0xC3800;
	s0 =	sadd.s32 @!p0 s3, s0;
	v14 =	vmul.f32 v14, v41;
	v37 =	vld [tilespmem:s28+$0x4380];
	s28 =	simm.s32 @!p0 $0x0;
	v18 =	vnsel vm0, $0x0, v9;
	v11 =	vmul.f32 v11, v39  }
0x9e: {  	v61 =	vadd.f32 v16, v58;
	vm0 =	veq.s32 v2, v32;
	[tilespmem:s28], [sflag:$0x1] =	stream.strided.gather @!p0 [hbm4b:s0+s1], $0x8000, s26, s1, $0x38;
	v7 =	vadd.f32 v18, v7;
	[tilespmem:$0x10100] =	vst v63  }
0x9f: {  	s26 =	simm.s32 $0x0;
	v16 =	vnsel vm0, $0x0, v3;
	_ =	swait.ge [sflag:s21], $0x8000;
	v0 =	vadd.f32 v11, v0;
	v11 =	vmul.f32 v13, v40  }
0xa0: {  	v57 =	vlaneseq.u32;
	vm0 =	veq.s32 v2, v33;
	s1 =	sand.u32 $0x70, s26;
	s30 =	sand.u32 $0x3C00, s26;
	[sflag:s21] =	ssyncset.done $0x0;
	v7 =	vadd.f32 v16, v7  }
0xa1: {  	s30 =	sor.u32 s1, s30;
	[sflag:s21] =	ssyncadd.s32 $0xFFFF8000;
	v0 =	vadd.f32 v11, v0;
	v11 =	vnsel vm0, $0x0, v12;
	vm0 =	veq.s32 v2, v34  }
0xa2: {  	v58 =	vor.u32 $0x800, v57;
	v60 =	vld [tilespmem:s30+$0x8000];
	v7 =	vadd.f32 v11, v7;
	v11 =	vnsel vm0, $0x0, v1  }
0xa3: {  	vm0 =	veq.s32 v2, v35;
	v2 =	vmul.f32 v59, v42;
	v0 =	vadd.f32 v14, v0  }
0xa4: {  	v18 =	vadd.s32 v58, v53;
	v16 =	vadd.f32 v36, v17;
	v59 =	vld [tilespmem:s30+$0x8080];
	v7 =	vadd.f32 v11, v7  }
0xa5: {  	v11 =	vnsel vm0, $0x0, v37;
	v0 =	vadd.f32 v2, v0;
	v2 =	vmul.f32 v61, v43  }
0xa6: {  	v10 =	vadd.f32 v10, v56;
	vm0 =	veq.s32 v18, v20;
	v7 =	vadd.f32 v11, v7;
	v11 =	vld [tilespmem:s30+$0x8100]  }
0xa7: {  	v61 =	vnsel vm0, $0x0, v60;
	v0 =	vadd.f32 v2, v0;
	v2 =	vmul.f32 v16, v44  }
0xa8: {  	v8 =	vadd.f32 v8, v55;
	v14 =	vld [tilespmem:s30+$0x8180];
	vm0 =	veq.s32 v18, v21;
	v7 =	vadd.f32 v61, v7  }
0xa9: {  	v0 =	vadd.f32 v2, v0;
	v2 =	vmul.f32 v10, v45;
	v10 =	vnsel vm0, $0x0, v59  }
0xaa: {  	v9 =	vadd.f32 v9, v54;
	vm0 =	veq.s32 v18, v22;
	v7 =	vadd.f32 v10, v7;
	v10 =	vld [tilespmem:s30+$0x8200]  }
0xab: {  	v0 =	vadd.f32 v2, v0;
	v2 =	vmul.f32 v8, v46;
	v8 =	vnsel vm0, $0x0, v11  }
0xac: {  	v3 =	vadd.f32 v3, v19;
	s1 =	sand.u32 $0x7, s26;
	vm0 =	veq.s32 v18, v23;
	v7 =	vadd.f32 v8, v7;
	v8 =	vld [tilespmem:s30+$0x8280]  }
0xad: {  	s0 =	sshll.u32 s1, $0x4;
	v0 =	vadd.f32 v2, v0;
	v2 =	vmul.f32 v9, v47;
	v9 =	vnsel vm0, $0x0, v14  }
0xae: {  	v6 =	vadd.f32 v12, v6;
	s0 =	sadd.s32 $0x0, s0;
	vm0 =	veq.s32 v18, v24;
	v7 =	vadd.f32 v9, v7;
	v9 =	vld [tilespmem:s30+$0x8300]  }
0xaf: {  	s0 =	sor.u32 $0x380, s0;
	v0 =	vadd.f32 v2, v0;
	v2 =	vmul.f32 v3, v48;
	v3 =	vnsel vm0, $0x0, v10  }
0xb0: {  	v1 =	vadd.f32 v1, v5;
	vm0 =	veq.s32 v18, v25;
	v3 =	vadd.f32 v3, v7;
	v7 =	vld [tilespmem:s0+$0x8000]  }
0xb1: {  	v0 =	vadd.f32 v2, v0;
	v2 =	vmul.f32 v6, v49;
	v5 =	vnsel vm0, $0x0, v8  }
0xb2: {  	v4 =	vadd.f32 v37, v4;
	v54 =	vld [tilespmem:s30+$0xC000];
	vm0 =	veq.s32 v18, v26;
	v3 =	vadd.f32 v5, v3  }
0xb3: {  	v1 =	vmul.f32 v1, v50;
	v0 =	vadd.f32 v2, v0;
	v2 =	vnsel vm0, $0x0, v9  }
0xb4: {  	v55 =	vld [tilespmem:s30+$0xC080];
	vm0 =	veq.s32 v18, v27;
	v2 =	vadd.f32 v2, v3  }
0xb5: {  	v0 =	vadd.f32 v1, v0;
	v1 =	vmul.f32 v4, v51;
	v3 =	vnsel vm0, $0x0, v7  }
0xb6: {  	v16 =	vld [tilespmem:s30+$0xC100];
	vm0 =	veq.s32 v18, v28;
	v2 =	vadd.f32 v3, v2  }
0xb7: {  	v5 =	vadd.f32 v1, v0;
	v0 =	vnsel vm0, $0x0, v54  }
0xb8: {  	v19 =	vld [tilespmem:s30+$0xC180];
	vm0 =	veq.s32 v18, v29;
	v0 =	vadd.f32 v0, v2  }
0xb9: {  	v6 =	vimm.f32 $0.0e+00;
	v1 =	vnsel vm0, $0x0, v55  }
0xba: {  	v60 =	vadd.f32 v60, v6;
	vm0 =	veq.s32 v18, v30;
	v0 =	vadd.f32 v1, v0  }
0xbb: {  	[tilespmem:$0x1FFD0] =	vst v58;
	v59 =	vadd.f32 v59, v6;
	v58 =	vadd.f32 v11, v6;
	v1 =	vnsel vm0, $0x0, v16  }
0xbc: {  	v11 =	vld [tilespmem:s30+$0xC200];
	v3 =	vadd.f32 v8, v6;
	vm0 =	veq.s32 v18, v31;
	v8 =	vadd.f32 v1, v0  }
0xbd: {  	v57 =	vadd.f32 v14, v6;
	v1 =	vadd.f32 v7, v6;
	v7 =	vnsel vm0, $0x0, v19  }
0xbe: {  	v56 =	vadd.f32 v55, v6;
	v7 =	vadd.f32 v7, v8;
	v8 =	vld [tilespmem:s30+$0xC280]  }
0xbf: {  	v61 =	vimm.f32 $0.0e+00;
	v4 =	vadd.f32 v10, v6;
	v2 =	vadd.f32 v9, v6  }
0xc0: {  	v55 =	vadd.f32 v16, v6;
	v9 =	vld [tilespmem:s30+$0xC300];
	v0 =	vadd.f32 v54, v6;
	vm0 =	veq.s32 v18, v32  }
0xc1: {  	s28 =	simm.s32 $0x80;
	s1 =	simm.s32 $0x10;
	v54 =	vadd.f32 v19, v6;
	v19 =	vadd.f32 v11, v6;
	v10 =	vnsel vm0, $0x0, v11  }
0xc2: {  	s29 =	simm.s32 $0x20;
	s31 =	sand.u32 $0x70, s1;
	s1 =	sand.u32 $0x3C00, s28;
	vm0 =	veq.s32 v18, v33;
	v11 =	vadd.f32 v10, v7;
	v10 =	vld [tilespmem:s30+$0xC380];
	v7 =	vimm.f32 $0.0e+00  }
.LBB2_5:
0xc3: {  	p1 =	sne.s32 s29, $0x7F0;
	s30 =	sor.u32 s31, s1;
	v6 =	vadd.f32 v8, v6;
	v8 =	vnsel vm0, $0x0, v8  }
0xc4: {  	vm0 =	veq.s32 v18, v34;
	v12 =	vld [tilespmem:s30+$0x8000];
	v8 =	vadd.f32 v8, v11  }
0xc5: {  	v61 =	vadd.f32 v9, v61;
	v9 =	vnsel vm0, $0x0, v9  }
0xc6: {  	vm0 =	veq.s32 v18, v35;
	v11 =	vld [tilespmem:s30+$0x8080];
	v8 =	vadd.f32 v9, v8  }
0xc7: {  	v18 =	vadd.s32 $0x10, v18;
	v7 =	vadd.f32 v10, v7;
	v9 =	vnsel vm0, $0x0, v10  }
0xc8: {  	vm0 =	veq.s32 v18, v20;
	v10 =	vld [tilespmem:s30+$0x8100];
	v8 =	vadd.f32 v9, v8  }
0xc9: {  	v60 =	vadd.f32 v12, v60;
	v9 =	vnsel vm0, $0x0, v12  }
0xca: {  	vm0 =	veq.s32 v18, v21;
	v8 =	vadd.f32 v9, v8;
	v9 =	vld [tilespmem:s30+$0x8180]  }
0xcb: {  	v59 =	vadd.f32 v11, v59;
	v11 =	vnsel vm0, $0x0, v11  }
0xcc: {  	vm0 =	veq.s32 v18, v22;
	v8 =	vadd.f32 v11, v8;
	v11 =	vld [tilespmem:s30+$0x8200]  }
0xcd: {  	s26 =	sadd.s32 $0x1, s26;
	v58 =	vadd.f32 v10, v58;
	v10 =	vnsel vm0, $0x0, v10  }
0xce: {  	s0 =	sand.u32 $0x7, s26;
	vm0 =	veq.s32 v18, v23;
	v8 =	vadd.f32 v10, v8;
	v10 =	vld [tilespmem:s30+$0x8280]  }
0xcf: {  	s0 =	sshll.u32 s0, $0x4;
	v57 =	vadd.f32 v9, v57;
	v9 =	vnsel vm0, $0x0, v9  }
0xd0: {  	s0 =	sadd.s32 s0, s28;
	vm0 =	veq.s32 v18, v24;
	v8 =	vadd.f32 v9, v8;
	v9 =	vld [tilespmem:s30+$0x8300]  }
0xd1: {  	s0 =	sor.u32 $0x380, s0;
	v4 =	vadd.f32 v11, v4;
	v11 =	vnsel vm0, $0x0, v11  }
0xd2: {  	vm0 =	veq.s32 v18, v25;
	v8 =	vadd.f32 v11, v8;
	v11 =	vld [tilespmem:s0+$0x8000]  }
0xd3: {  	v3 =	vadd.f32 v10, v3;
	v10 =	vnsel vm0, $0x0, v10  }
0xd4: {  	vm0 =	veq.s32 v18, v26;
	v8 =	vadd.f32 v10, v8;
	v10 =	vld [tilespmem:s30+$0xC000]  }
0xd5: {  	v2 =	vadd.f32 v9, v2;
	v9 =	vnsel vm0, $0x0, v9  }
0xd6: {  	vm0 =	veq.s32 v18, v27;
	v8 =	vadd.f32 v9, v8;
	v9 =	vld [tilespmem:s30+$0xC080]  }
0xd7: {  	v1 =	vadd.f32 v11, v1;
	v11 =	vnsel vm0, $0x0, v11  }
0xd8: {  	vm0 =	veq.s32 v18, v28;
	v8 =	vadd.f32 v11, v8;
	v11 =	vld [tilespmem:s30+$0xC100]  }
0xd9: {  	v0 =	vadd.f32 v10, v0;
	v10 =	vnsel vm0, $0x0, v10  }
0xda: {  	vm0 =	veq.s32 v18, v29;
	v8 =	vadd.f32 v10, v8;
	v10 =	vld [tilespmem:s30+$0xC180]  }
0xdb: {  	v56 =	vadd.f32 v9, v56;
	v9 =	vnsel vm0, $0x0, v9  }
0xdc: {  	vm0 =	veq.s32 v18, v30;
	v8 =	vadd.f32 v9, v8;
	v12 =	vld [tilespmem:s30+$0xC200]  }
0xdd: {  	v55 =	vadd.f32 v11, v55;
	v9 =	vnsel vm0, $0x0, v11  }
.Ltmp3:
0xde: {  	vm0 =	veq.s32 v18, v31;
	v9 =	vadd.f32 v9, v8;
	v8 =	vld [tilespmem:s30+$0xC280];
	(pc) =	sbr.rel @p1 .LBB2_5-.Ltmp3, $4  }
0xdf: {  	v54 =	vadd.f32 v10, v54;
	v10 =	vnsel vm0, $0x0, v10  }
0xe0: {  	vm0 =	veq.s32 v18, v32;
	v10 =	vadd.f32 v10, v9;
	v9 =	vld [tilespmem:s30+$0xC300]  }
0xe1: {  	s28 =	sadd.s32 $0x80, s28;
	v19 =	vadd.f32 v12, v19;
	v11 =	vnsel vm0, $0x0, v12  }
0xe2: {  	s31 =	sand.u32 $0x70, s29;
	s29 =	sadd.s32 $0x10, s29;
	s1 =	sand.u32 $0x3C00, s28;
	vm0 =	veq.s32 v18, v33;
	v11 =	vadd.f32 v11, v10;
	v10 =	vld [tilespmem:s30+$0xC380]  }
0xe3: {  	s29 =	sor.u32 s31, s1  }
0xe4: {  	v12 =	vld [tilespmem:s29+$0x8000]  }
0xe5: {  	v13 =	vnsel vm0, $0x0, v8  }
0xe6: {  	vm10 =	veq.s32 v18, v34;
	v11 =	vadd.f32 v13, v11;
	v13 =	vld [tilespmem:s29+$0x8080]  }
0xe7: {  	v6 =	vadd.f32 v8, v6;
	v15 =	vnsel vm10, $0x0, v9  }
0xe8: {  	v14 =	vld [tilespmem:s29+$0x8100];
	v8 =	vadd.f32 v9, v61;
	v9 =	vadd.f32 v15, v11;
	v11 =	vadd.s32 $0x10, v18  }
0xe9: {  	vm11 =	veq.s32 v18, v35;
	vm12 =	veq.s32 v11, v20;
	v16 =	vadd.f32 v12, v60  }
0xea: {  	v15 =	vnsel vm11, $0x0, v10;
	v36 =	vnsel vm12, $0x0, v12;
	v12 =	vld [tilespmem:s29+$0x8180]  }
0xeb: {  	vm13 =	veq.s32 v11, v21;
	v37 =	vadd.f32 v13, v59;
	v16 =	vmul.f32 v16, v62  }
0xec: {  	vm14 =	veq.s32 v11, v22;
	vm15 =	veq.s32 v11, v23;
	v9 =	vadd.f32 v15, v9;
	v60 =	vld [tilespmem:s29+$0x8200]  }
0xed: {  	s0 =	sadd.s32 $0x1, s26;
	v18 =	vadd.f32 v14, v58;
	v15 =	vmul.f32 v37, v38;
	v5 =	vadd.f32 v16, v5  }
0xee: {  	s0 =	sand.u32 $0x7, s0;
	vm4 =	veq.s32 v11, v24;
	v59 =	vnsel vm13, $0x0, v13;
	v9 =	vadd.f32 v36, v9;
	v36 =	vld [tilespmem:s29+$0x8280]  }
0xef: {  	s0 =	sshll.u32 s0, $0x4;
	v37 =	vmul.f32 v18, v63;
	v16 =	vadd.f32 v12, v57;
	v5 =	vadd.f32 v15, v5  }
0xf0: {  	s0 =	sadd.s32 s0, s28;
	vm5 =	veq.s32 v11, v25;
	v61 =	vnsel vm14, $0x0, v14;
	v9 =	vadd.f32 v59, v9;
	v57 =	vld [tilespmem:s29+$0x8300]  }
0xf1: {  	s0 =	sor.u32 $0x380, s0;
	v4 =	vadd.f32 v60, v4;
	v58 =	vmul.f32 v16, v39;
	v5 =	vadd.f32 v37, v5  }
0xf2: {  	v9 =	vadd.f32 v61, v9;
	v38 =	vnsel vm15, $0x0, v12;
	v59 =	vnsel vm4, $0x0, v60;
	v60 =	vld [tilespmem:s0+$0x8000]  }
0xf3: {  	v3 =	vadd.f32 v36, v3;
	v4 =	vmul.f32 v4, v40;
	v5 =	vadd.f32 v58, v5  }
0xf4: {  	v61 =	vnsel vm5, $0x0, v36;
	v36 =	vld [tilespmem:s29+$0xC000];
	v9 =	vadd.f32 v38, v9  }
0xf5: {  	v3 =	vmul.f32 v3, v41;
	v2 =	vadd.f32 v57, v2;
	v4 =	vadd.f32 v4, v5  }
0xf6: {  	vm6 =	veq.s32 v11, v26;
	vm7 =	veq.s32 v11, v27;
	v39 =	vld [tilespmem:s29+$0xC080];
	v9 =	vadd.f32 v59, v9  }
0xf7: {  	v1 =	vadd.f32 v60, v1;
	v2 =	vmul.f32 v2, v42;
	v3 =	vadd.f32 v3, v4  }
0xf8: {  	vm8 =	veq.s32 v11, v28;
	v59 =	vld [tilespmem:s29+$0xC100];
	v38 =	vnsel vm6, $0x0, v57;
	v37 =	vadd.f32 v61, v9  }
0xf9: {  	v0 =	vadd.f32 v36, v0;
	v1 =	vmul.f32 v1, v43;
	v2 =	vadd.f32 v2, v3  }
0xfa: {  	v58 =	vnsel vm7, $0x0, v60;
	v61 =	vnsel vm8, $0x0, v36;
	v36 =	vld [tilespmem:s29+$0xC180];
	v57 =	vadd.f32 v38, v37  }
0xfb: {  	v37 =	vadd.f32 v39, v56;
	v0 =	vmul.f32 v0, v44;
	v1 =	vadd.f32 v1, v2  }
0xfc: {  	vm9 =	veq.s32 v11, v29;
	vm10 =	veq.s32 v11, v30;
	v56 =	vld [tilespmem:s29+$0xC200];
	v60 =	vadd.f32 v58, v57  }
0xfd: {  	v57 =	vadd.f32 v59, v55;
	v58 =	vmul.f32 v37, v45;
	v0 =	vadd.f32 v0, v1  }
0xfe: {  	vm11 =	veq.s32 v11, v31;
	v39 =	vnsel vm9, $0x0, v39;
	v38 =	vadd.f32 v61, v60;
	v60 =	vld [tilespmem:s29+$0xC280]  }
0xff: {  	v15 =	vld [tilespmem:s29+$0xC300];
	v61 =	vadd.f32 v36, v54;
	v13 =	vmul.f32 v57, v46;
	v0 =	vadd.f32 v58, v0  }
0x100: {  	v59 =	vnsel vm10, $0x0, v59;
	v14 =	vnsel vm11, $0x0, v36;
	v2 =	vadd.f32 v39, v38  }
0x101: {  	v36 =	vadd.f32 v56, v19;
	v37 =	vmul.f32 v61, v47;
	v0 =	vadd.f32 v13, v0  }
0x102: {  	v7 =	vadd.f32 v10, v7;
	v39 =	vld [tilespmem:s29+$0xC380];
	v2 =	vadd.f32 v59, v2  }
0x103: {  	v54 =	vmul.f32 v36, v48;
	v6 =	vadd.f32 v60, v6;
	v0 =	vadd.f32 v37, v0  }
0x104: {  	vm12 =	veq.s32 v11, v32;
	v8 =	vadd.f32 v15, v8;
	v2 =	vadd.f32 v14, v2  }
0x105: {  	v38 =	vnsel vm12, $0x0, v56;
	v56 =	vmul.f32 v6, v49;
	v0 =	vadd.f32 v54, v0  }
0x106: {  	vm13 =	veq.s32 v11, v33;
	v59 =	vmul.f32 v8, v50;
	v2 =	vadd.f32 v38, v2  }
0x107: {  	v55 =	vnsel vm13, $0x0, v60;
	v58 =	vadd.f32 v39, v7;
	v0 =	vadd.f32 v56, v0  }
.Ltmp4:
0x108: {  	vm14 =	veq.s32 v11, v34;
	v2 =	vadd.f32 v55, v2;
	(pc) =	sbr.rel @p0 .LBB2_8-.Ltmp4, $4  }
0x109: {  	v57 =	vnsel vm14, $0x0, v15;
	v60 =	vmul.f32 v58, v51;
	v0 =	vadd.f32 v59, v0  }
0x10a: {  	vm15 =	veq.s32 v11, v35;
	v2 =	vadd.f32 v57, v2  }
0x10b: {  	v61 =	vnsel vm15, $0x0, v39;
	v18 =	vadd.f32 v60, v0  }
0x10c: {  	v19 =	vadd.f32 v61, v2  }
.Ltmp5:
0x10d: {  	(pc) =	sbr.rel .LBB2_2-.Ltmp5, $4  }
0x10e: {  	s0 =	sadd.s32 s25, s8  }
0x10f: {  	s0 =	sshrl.u32 s0, $0x3  }
0x110: {  	s24 =	sadd.s32 $0x1, s24;
	s0 =	sadd.s32 s3, s0  }
0x111: {  	v53 =	vadd.s32 $0x1000, v53;
	[tilespmem:s19], [sflag:$0x2] =	stream.strided.gather [hbm4b:s0+s17], $0x8000, s18, s17, $0x38;
	[tilespmem:$0x10100] =	vst v63  }
.LBB2_8:
0x112: {  	v0 =	vld [tilespmem:$0x10010];
	_ =	sdelay $0x3  }
0x113: {  	v1 =	vimm.s32 $0x0  }
0x114: {  	v20 =	vperm.xlane v0, v1;
	v1 =	vimm.s32 $0x1  }
0x115: {  	v21 =	vperm.xlane v0, v1;
	v1 =	vimm.s32 $0x2  }
0x116: {  	v22 =	vperm.xlane v0, v1;
	v1 =	vimm.s32 $0x3  }
0x117: {  	v23 =	vperm.xlane v0, v1;
	v1 =	vimm.s32 $0x4  }
0x118: {  	v24 =	vperm.xlane v0, v1;
	v1 =	vimm.s32 $0x5  }
0x119: {  	v25 =	vperm.xlane v0, v1;
	v1 =	vimm.s32 $0x6  }
0x11a: {  	v26 =	vperm.xlane v0, v1;
	v1 =	vimm.s32 $0x7  }
0x11b: {  	v27 =	vperm.xlane v0, v1;
	v1 =	vimm.s32 $0x8  }
0x11c: {  	v28 =	vperm.xlane v0, v1;
	v1 =	vimm.s32 $0x9  }
0x11d: {  	v29 =	vperm.xlane v0, v1;
	v1 =	vimm.s32 $0xA  }
0x11e: {  	v30 =	vperm.xlane v0, v1;
	v1 =	vimm.s32 $0xB  }
0x11f: {  	v31 =	vperm.xlane v0, v1;
	v1 =	vimm.s32 $0xC  }
0x120: {  	v32 =	vperm.xlane v0, v1;
	v1 =	vimm.s32 $0xD  }
0x121: {  	v2 =	vimm.s32 $0xE;
	v33 =	vperm.xlane v0, v1;
	v1 =	vcvt.s32.f32 v20  }
0x122: {  	v3 =	vimm.s32 $0xF;
	v34 =	vperm.xlane v0, v2  }
0x123: {  	v35 =	vperm.xlane v0, v3;
	v2 =	vcvt.s32.f32 v21;
	v0 =	vand.u32 $0x7FFFFFFF, v1  }
0x124: {  	v0 =	vmin.f32 v0, $1.000000000e+00  }
0x125: {  	v1 =	vcvt.s32.f32 v22;
	[tilespmem:$0x1FF90] =	vst v0;
	v0 =	vand.u32 $0x7FFFFFFF, v2  }
0x126: {  	v0 =	vmin.f32 v0, $1.000000000e+00  }
0x127: {  	v2 =	vcvt.s32.f32 v23;
	[tilespmem:$0x1FFA0] =	vst v0;
	v0 =	vand.u32 $0x7FFFFFFF, v1  }
0x128: {  	v0 =	vmin.f32 v0, $1.000000000e+00  }
0x129: {  	v52 =	vimm.f32 $0.0e+00;
	v1 =	vcvt.s32.f32 v24;
	[tilespmem:$0x1FFB0] =	vst v0;
	v0 =	vand.u32 $0x7FFFFFFF, v2  }
0x12a: {  	v53 =	vimm.s32 $0x14680;
	v2 =	vcvt.s32.f32 v25;
	v0 =	vmin.f32 v0, $1.000000000e+00  }
0x12b: {  	v54 =	vimm.f32 $0.0e+00;
	[tilespmem:$0x1FFC0] =	vst v0;
	v0 =	vand.u32 $0x7FFFFFFF, v1;
	v1 =	vcvt.s32.f32 v26  }
0x12c: {  	v40 =	vmin.f32 v0, $1.000000000e+00;
	v0 =	vand.u32 $0x7FFFFFFF, v2;
	v2 =	vcvt.s32.f32 v27  }
0x12d: {  	v41 =	vmin.f32 v0, $1.000000000e+00;
	v0 =	vand.u32 $0x7FFFFFFF, v1;
	v1 =	vcvt.s32.f32 v28  }
0x12e: {  	v42 =	vmin.f32 v0, $1.000000000e+00;
	v0 =	vand.u32 $0x7FFFFFFF, v2;
	v2 =	vcvt.s32.f32 v29  }
0x12f: {  	v43 =	vmin.f32 v0, $1.000000000e+00;
	v0 =	vand.u32 $0x7FFFFFFF, v1;
	v1 =	vcvt.s32.f32 v30  }
0x130: {  	v44 =	vmin.f32 v0, $1.000000000e+00;
	v0 =	vand.u32 $0x7FFFFFFF, v2;
	v2 =	vcvt.s32.f32 v31  }
0x131: {  	v45 =	vmin.f32 v0, $1.000000000e+00;
	v0 =	vand.u32 $0x7FFFFFFF, v1;
	v1 =	vcvt.s32.f32 v32  }
0x132: {  	v46 =	vmin.f32 v0, $1.000000000e+00;
	v0 =	vand.u32 $0x7FFFFFFF, v2;
	v2 =	vcvt.s32.f32 v33  }
0x133: {  	s24 =	simm.s32 $0x0;
	v3 =	vcvt.s32.f32 v34;
	v4 =	vcvt.s32.f32 v35;
	v1 =	vand.u32 $0x7FFFFFFF, v1  }
0x134: {  	[tilespmem:s24], [sflag:$0x1] =	stream.strided.gather [hbm4b:s9+s17], $0x8000, s18, s17, $0x38;
	v47 =	vmin.f32 v0, $1.000000000e+00;
	v48 =	vmin.f32 v1, $1.000000000e+00;
	v0 =	vand.u32 $0x7FFFFFFF, v2;
	[tilespmem:$0x10100] =	vst v63  }
0x135: {  	s25 =	simm.s32 $0x0;
	v1 =	vand.u32 $0x7FFFFFFF, v4;
	v49 =	vmin.f32 v0, $1.000000000e+00;
	v0 =	vand.u32 $0x7FFFFFFF, v3  }
0x136: {  	[tilespmem:s19], [sflag:$0x2] =	stream.strided.gather [hbm4b:s10+s17], $0x8000, s18, s17, $0x38;
	v51 =	vmin.f32 v1, $1.000000000e+00;
	v50 =	vmin.f32 v0, $1.000000000e+00;
	v0 =	vimm.f32 $0.0e+00;
	[tilespmem:$0x10100] =	vst v63  }
.LBB2_9:
0x137: {  	_ =	swait.ge [sflag:s20], $0x8000  }
0x138: {  	s0 =	sand.u32 $0x70, s24;
	s1 =	sand.u32 $0x3C00, s24;
	[sflag:s20] =	ssyncset.done $0x0  }
0x139: {  	s28 =	sor.u32 s0, s1;
	[sflag:s20] =	ssyncadd.s32 $0xFFFF8000  }
0x13a: {  	v1 =	vld [tilespmem:s28+$0x0];
	_ =	sdelay $0x1  }
0x13b: {  	v2 =	vlaneseq.u32;
	v3 =	vld [tilespmem:s28+$0x80]  }
0x13c: {  	v2 =	vor.u32 v2, v53  }
0x13d: {  	vm0 =	veq.s32 v2, v20;
	v5 =	vld [tilespmem:s28+$0x100]  }
0x13e: {  	v4 =	vnsel vm0, $0x0, v1  }
0x13f: {  	v6 =	vld [tilespmem:s28+$0x180];
	vm0 =	veq.s32 v2, v21;
	v0 =	vadd.f32 v4, v0  }
0x140: {  	v4 =	vnsel vm0, $0x0, v3  }
0x141: {  	v7 =	vld [tilespmem:s28+$0x200];
	vm0 =	veq.s32 v2, v22;
	v0 =	vadd.f32 v4, v0  }
0x142: {  	v4 =	vnsel vm0, $0x0, v5  }
0x143: {  	s26 =	sand.u32 $0x7, s24;
	v8 =	vld [tilespmem:s28+$0x280];
	vm0 =	veq.s32 v2, v23;
	v0 =	vadd.f32 v4, v0  }
0x144: {  	s0 =	sshll.u32 s26, $0x4;
	v4 =	vnsel vm0, $0x0, v6  }
0x145: {  	s0 =	sadd.s32 $0x0, s0;
	v9 =	vld [tilespmem:s28+$0x300];
	vm0 =	veq.s32 v2, v24;
	v0 =	vadd.f32 v4, v0  }
0x146: {  	s0 =	sor.u32 $0x380, s0;
	v4 =	vnsel vm0, $0x0, v7  }
0x147: {  	v10 =	vld [tilespmem:s0+$0x0];
	vm0 =	veq.s32 v2, v25;
	v0 =	vadd.f32 v4, v0  }
0x148: {  	v4 =	vnsel vm0, $0x0, v8  }
0x149: {  	v11 =	vld [tilespmem:s28+$0x4000];
	vm0 =	veq.s32 v2, v26;
	v0 =	vadd.f32 v4, v0  }
0x14a: {  	v4 =	vnsel vm0, $0x0, v9  }
0x14b: {  	v12 =	vld [tilespmem:s28+$0x4080];
	vm0 =	veq.s32 v2, v27;
	v0 =	vadd.f32 v4, v0  }
0x14c: {  	v4 =	vnsel vm0, $0x0, v10  }
0x14d: {  	v13 =	vld [tilespmem:s28+$0x4100];
	v63 =	vadd.f32 v7, v52;
	vm0 =	veq.s32 v2, v28;
	v0 =	vadd.f32 v4, v0  }
0x14e: {  	v15 =	vld [tilespmem:s28+$0x4180];
	v61 =	vadd.f32 v8, v52;
	v62 =	vadd.f32 v9, v52;
	v14 =	vnsel vm0, $0x0, v11  }
0x14f: {  	vm0 =	veq.s32 v2, v29;
	v4 =	vadd.f32 v1, v52;
	v14 =	vadd.f32 v14, v0  }
0x150: {  	v1 =	vadd.f32 v5, v52;
	v5 =	vnsel vm0, $0x0, v12;
	v0 =	vadd.f32 v6, v52;
	v6 =	vld [tilespmem:s28+$0x4200]  }
0x151: {  	v59 =	vadd.f32 v11, v52;
	vm0 =	veq.s32 v2, v30;
	v5 =	vadd.f32 v5, v14  }
0x152: {  	v58 =	vadd.f32 v12, v52;
	v57 =	vadd.f32 v13, v52;
	v7 =	vnsel vm0, $0x0, v13  }
0x153: {  	v56 =	vadd.f32 v15, v52;
	v9 =	vld [tilespmem:s28+$0x4280];
	vm0 =	veq.s32 v2, v31;
	v5 =	vadd.f32 v7, v5  }
0x154: {  	v3 =	vadd.f32 v3, v52;
	v60 =	vadd.f32 v10, v52;
	v7 =	vnsel vm0, $0x0, v15  }
0x155: {  	v10 =	vld [tilespmem:s28+$0x4300];
	vm0 =	veq.s32 v2, v32;
	v55 =	vadd.f32 v6, v52;
	v5 =	vadd.f32 v7, v5  }
0x156: {  	s30 =	simm.s32 $0x10;
	s29 =	simm.s32 $0x20;
	s26 =	simm.s32 $0x80;
	v7 =	vnsel vm0, $0x0, v6;
	vm0 =	veq.s32 v2, v33;
	v6 =	vimm.f32 $0.0e+00  }
0x157: {  	s31 =	sand.u32 $0x70, s30;
	s1 =	sand.u32 $0x3C00, s26;
	v8 =	vld [tilespmem:s28+$0x4380];
	s28 =	simm.s32 $0x0;
	v11 =	vadd.f32 v7, v5;
	v7 =	vimm.f32 $0.0e+00;
	v5 =	vimm.f32 $0.0e+00  }
.LBB2_10:
0x158: {  	p0 =	sne.s32 s29, $0x7F0;
	s30 =	sor.u32 s31, s1;
	v7 =	vadd.f32 v9, v7;
	v9 =	vnsel vm0, $0x0, v9  }
0x159: {  	vm0 =	veq.s32 v2, v34;
	v12 =	vld [tilespmem:s30+$0x0];
	v9 =	vadd.f32 v9, v11  }
0x15a: {  	v6 =	vadd.f32 v10, v6;
	v10 =	vnsel vm0, $0x0, v10  }
0x15b: {  	vm0 =	veq.s32 v2, v35;
	v11 =	vld [tilespmem:s30+$0x80];
	v9 =	vadd.f32 v10, v9  }
0x15c: {  	v2 =	vadd.s32 $0x10, v2;
	v5 =	vadd.f32 v8, v5;
	v8 =	vnsel vm0, $0x0, v8  }
0x15d: {  	vm0 =	veq.s32 v2, v20;
	v10 =	vld [tilespmem:s30+$0x100];
	v8 =	vadd.f32 v8, v9  }
0x15e: {  	v4 =	vadd.f32 v12, v4;
	v9 =	vnsel vm0, $0x0, v12  }
0x15f: {  	vm0 =	veq.s32 v2, v21;
	v8 =	vadd.f32 v9, v8;
	v9 =	vld [tilespmem:s30+$0x180]  }
0x160: {  	v3 =	vadd.f32 v11, v3;
	v11 =	vnsel vm0, $0x0, v11  }
0x161: {  	vm0 =	veq.s32 v2, v22;
	v8 =	vadd.f32 v11, v8;
	v11 =	vld [tilespmem:s30+$0x200]  }
0x162: {  	s28 =	sadd.s32 $0x1, s28;
	v1 =	vadd.f32 v10, v1;
	v10 =	vnsel vm0, $0x0, v10  }
0x163: {  	s0 =	sand.u32 $0x7, s28;
	vm0 =	veq.s32 v2, v23;
	v8 =	vadd.f32 v10, v8;
	v10 =	vld [tilespmem:s30+$0x280]  }
0x164: {  	s0 =	sshll.u32 s0, $0x4;
	v0 =	vadd.f32 v9, v0;
	v9 =	vnsel vm0, $0x0, v9  }
0x165: {  	s0 =	sadd.s32 s0, s26;
	vm0 =	veq.s32 v2, v24;
	v8 =	vadd.f32 v9, v8;
	v9 =	vld [tilespmem:s30+$0x300]  }
0x166: {  	s0 =	sor.u32 $0x380, s0;
	v63 =	vadd.f32 v11, v63;
	v11 =	vnsel vm0, $0x0, v11  }
0x167: {  	vm0 =	veq.s32 v2, v25;
	v8 =	vadd.f32 v11, v8;
	v11 =	vld [tilespmem:s0+$0x0]  }
0x168: {  	v61 =	vadd.f32 v10, v61;
	v10 =	vnsel vm0, $0x0, v10  }
0x169: {  	vm0 =	veq.s32 v2, v26;
	v8 =	vadd.f32 v10, v8;
	v10 =	vld [tilespmem:s30+$0x4000]  }
0x16a: {  	v62 =	vadd.f32 v9, v62;
	v9 =	vnsel vm0, $0x0, v9  }
0x16b: {  	vm0 =	veq.s32 v2, v27;
	v8 =	vadd.f32 v9, v8;
	v9 =	vld [tilespmem:s30+$0x4080]  }
0x16c: {  	v60 =	vadd.f32 v11, v60;
	v11 =	vnsel vm0, $0x0, v11  }
0x16d: {  	vm0 =	veq.s32 v2, v28;
	v8 =	vadd.f32 v11, v8;
	v11 =	vld [tilespmem:s30+$0x4100]  }
0x16e: {  	v59 =	vadd.f32 v10, v59;
	v10 =	vnsel vm0, $0x0, v10  }
0x16f: {  	vm0 =	veq.s32 v2, v29;
	v8 =	vadd.f32 v10, v8;
	v10 =	vld [tilespmem:s30+$0x4180]  }
0x170: {  	v58 =	vadd.f32 v9, v58;
	v9 =	vnsel vm0, $0x0, v9  }
0x171: {  	vm0 =	veq.s32 v2, v30;
	v8 =	vadd.f32 v9, v8;
	v12 =	vld [tilespmem:s30+$0x4200]  }
0x172: {  	v57 =	vadd.f32 v11, v57;
	v9 =	vnsel vm0, $0x0, v11  }
.Ltmp6:
0x173: {  	vm0 =	veq.s32 v2, v31;
	v8 =	vadd.f32 v9, v8;
	v9 =	vld [tilespmem:s30+$0x4280];
	(pc) =	sbr.rel @p0 .LBB2_10-.Ltmp6, $4  }
0x174: {  	v56 =	vadd.f32 v10, v56;
	v10 =	vnsel vm0, $0x0, v10  }
0x175: {  	vm0 =	veq.s32 v2, v32;
	v8 =	vadd.f32 v10, v8;
	v10 =	vld [tilespmem:s30+$0x4300]  }
0x176: {  	s26 =	sadd.s32 $0x80, s26;
	v55 =	vadd.f32 v12, v55;
	v11 =	vnsel vm0, $0x0, v12  }
0x177: {  	s31 =	sand.u32 $0x70, s29;
	s29 =	sadd.s32 $0x10, s29;
	s1 =	sand.u32 $0x3C00, s26;
	vm0 =	veq.s32 v2, v33;
	v11 =	vadd.f32 v11, v8;
	v8 =	vld [tilespmem:s30+$0x4380]  }
0x178: {  	s29 =	sor.u32 s31, s1;
	v12 =	vnsel vm0, $0x0, v9  }
0x179: {  	vm0 =	veq.s32 v2, v34;
	v13 =	vld [tilespmem:s29+$0x0];
	v11 =	vadd.f32 v12, v11  }
0x17a: {  	v37 =	vnsel vm0, $0x0, v10  }
0x17b: {  	v14 =	vld [tilespmem:s29+$0x80];
	vm0 =	veq.s32 v2, v35;
	v11 =	vadd.f32 v37, v11  }
0x17c: {  	v2 =	vadd.s32 $0x10, v2;
	v38 =	vnsel vm0, $0x0, v8  }
0x17d: {  	v15 =	vld [tilespmem:s29+$0x100];
	vm0 =	veq.s32 v2, v20;
	v11 =	vadd.f32 v38, v11  }
0x17e: {  	v12 =	vld [tilespmem:s29+$0x180];
	v39 =	vnsel vm0, $0x0, v13  }
0x17f: {  	vm0 =	veq.s32 v2, v21;
	v4 =	vadd.f32 v13, v4;
	v13 =	vld [tilespmem:$0x1FF90];
	v11 =	vadd.f32 v39, v11  }
0x180: {  	v16 =	vnsel vm0, $0x0, v14  }
0x181: {  	vm0 =	veq.s32 v2, v22;
	v11 =	vadd.f32 v16, v11  }
0x182: {  	v17 =	vnsel vm0, $0x0, v15;
	v16 =	vld [tilespmem:s29+$0x200]  }
0x183: {  	s0 =	sadd.s32 $0x1, s28;
	vm0 =	veq.s32 v2, v23;
	v11 =	vadd.f32 v17, v11  }
0x184: {  	s0 =	sand.u32 $0x7, s0;
	v36 =	vnsel vm0, $0x0, v12;
	v17 =	vld [tilespmem:s29+$0x280];
	v4 =	vmul.f32 v4, v13  }
0x185: {  	s0 =	sshll.u32 s0, $0x4;
	v11 =	vadd.f32 v36, v11;
	v36 =	vld [tilespmem:s29+$0x300]  }
0x186: {  	s0 =	sadd.s32 s0, s26;
	vm0 =	veq.s32 v2, v24;
	v4 =	vadd.f32 v4, v54;
	v54 =	vld [tilespmem:$0x1FFA0]  }
0x187: {  	s0 =	sor.u32 $0x380, s0;
	v37 =	vnsel vm0, $0x0, v16  }
0x188: {  	vm0 =	veq.s32 v2, v25;
	v11 =	vadd.f32 v37, v11;
	v37 =	vld [tilespmem:s0+$0x0]  }
0x189: {  	v3 =	vadd.f32 v14, v3;
	v38 =	vnsel vm0, $0x0, v17  }
0x18a: {  	vm0 =	veq.s32 v2, v26;
	v11 =	vadd.f32 v38, v11;
	v38 =	vld [tilespmem:s29+$0x4000]  }
0x18b: {  	v39 =	vnsel vm0, $0x0, v36;
	v3 =	vmul.f32 v3, v54;
	v54 =	vld [tilespmem:$0x1FFB0]  }
0x18c: {  	vm0 =	veq.s32 v2, v27;
	v11 =	vadd.f32 v39, v11;
	v39 =	vld [tilespmem:s29+$0x4080]  }
0x18d: {  	v7 =	vadd.f32 v9, v7;
	v9 =	vnsel vm0, $0x0, v37  }
0x18e: {  	v6 =	vadd.f32 v10, v6;
	v10 =	vld [tilespmem:s29+$0x4100];
	vm0 =	veq.s32 v2, v28;
	v9 =	vadd.f32 v9, v11  }
0x18f: {  	v1 =	vadd.f32 v15, v1;
	v11 =	vnsel vm0, $0x0, v38  }
0x190: {  	vm0 =	veq.s32 v2, v29;
	v9 =	vadd.f32 v11, v9;
	v11 =	vld [tilespmem:s29+$0x4180]  }
0x191: {  	v1 =	vmul.f32 v1, v54;
	v54 =	vld [tilespmem:$0x1FFC0];
	v13 =	vnsel vm0, $0x0, v39  }
0x192: {  	v3 =	vadd.f32 v3, v4;
	vm0 =	veq.s32 v2, v30;
	v9 =	vadd.f32 v13, v9  }
0x193: {  	p0 =	seq.s32 s25, $0x3;
	s26 =	sshll.u32 s25, $0xF;
	v0 =	vadd.f32 v12, v0;
	v4 =	vld [tilespmem:s29+$0x4200];
	v12 =	vnsel vm0, $0x0, v10  }
0x194: {  	s0 =	sadd.s32 @!p0 s26, s11;
	vm0 =	veq.s32 v2, v31;
	v1 =	vadd.f32 v1, v3;
	v3 =	vld [tilespmem:s29+$0x4300];
	v9 =	vadd.f32 v12, v9  }
0x195: {  	s1 =	simm.s32 @!p0 $0x4000;
	s0 =	sshrl.u32 @!p0 s0, $0x3;
	v13 =	vadd.f32 v16, v63;
	v12 =	vld [tilespmem:s29+$0x4280];
	v63 =	vnsel vm0, $0x0, v11  }
0x196: {  	s28 =	simm.s32 @!p0 $0xC3800;
	v5 =	vadd.f32 v8, v5;
	s0 =	sadd.s32 @!p0 s3, s0;
	v0 =	vmul.f32 v0, v54;
	v8 =	vadd.f32 v63, v9;
	v9 =	vld [tilespmem:s29+$0x4380];
	s29 =	simm.s32 @!p0 $0x0  }
0x197: {  	v61 =	vadd.f32 v17, v61;
	vm0 =	veq.s32 v2, v32;
	v63 =	vadd.f32 v36, v62;
	[tilespmem:s29], [sflag:$0x1] =	stream.strided.gather @!p0 [hbm4b:s0+s1], $0x8000, s28, s1, $0x38;
	[tilespmem:$0x10100] =	vst v63  }
0x198: {  	v36 =	vnsel vm0, $0x0, v4;
	v0 =	vadd.f32 v0, v1;
	v1 =	vmul.f32 v13, v40;
	s28 =	simm.s32 $0x0;
	_ =	swait.ge [sflag:s21], $0x8000  }
0x199: {  	vm0 =	veq.s32 v2, v33;
	v13 =	vmul.f32 v61, v41;
	v8 =	vadd.f32 v36, v8;
	s1 =	sand.u32 $0x70, s28;
	s31 =	sand.u32 $0x3C00, s28;
	[sflag:s21] =	ssyncset.done $0x0;
	v62 =	vld [tilespmem:$0x1FFD0]  }
0x19a: {  	v0 =	vadd.f32 v1, v0;
	v1 =	vnsel vm0, $0x0, v12;
	vm0 =	veq.s32 v2, v34;
	s31 =	sor.u32 s1, s31;
	[sflag:s21] =	ssyncadd.s32 $0xFFFF8000  }
0x19b: {  	v37 =	vadd.f32 v37, v60;
	v1 =	vadd.f32 v1, v8;
	v8 =	vnsel vm0, $0x0, v3;
	v16 =	vld [tilespmem:s31+$0x8000]  }
0x19c: {  	vm0 =	veq.s32 v2, v35;
	v2 =	vmul.f32 v63, v42;
	v0 =	vadd.f32 v13, v0  }
0x19d: {  	v38 =	vadd.f32 v38, v59;
	v59 =	vld [tilespmem:s31+$0x8080];
	v1 =	vadd.f32 v8, v1;
	v8 =	vnsel vm0, $0x0, v9  }
0x19e: {  	v0 =	vadd.f32 v2, v0;
	v2 =	vmul.f32 v37, v43;
	v54 =	vadd.s32 v62, v53  }
0x19f: {  	v63 =	vadd.f32 v39, v58;
	v1 =	vadd.f32 v8, v1;
	v8 =	vld [tilespmem:s31+$0x8100];
	vm0 =	veq.s32 v54, v20  }
0x1a0: {  	v0 =	vadd.f32 v2, v0;
	v2 =	vmul.f32 v38, v44;
	v36 =	vnsel vm0, $0x0, v16  }
0x1a1: {  	v10 =	vadd.f32 v10, v57;
	v37 =	vld [tilespmem:s31+$0x8180];
	vm0 =	veq.s32 v54, v21;
	v1 =	vadd.f32 v36, v1  }
0x1a2: {  	v0 =	vadd.f32 v2, v0;
	v2 =	vmul.f32 v63, v45;
	v38 =	vnsel vm0, $0x0, v59  }
0x1a3: {  	v11 =	vadd.f32 v11, v56;
	v39 =	vld [tilespmem:s31+$0x8200];
	vm0 =	veq.s32 v54, v22;
	v1 =	vadd.f32 v38, v1  }
0x1a4: {  	v0 =	vadd.f32 v2, v0;
	v2 =	vmul.f32 v10, v46;
	v10 =	vnsel vm0, $0x0, v8  }
0x1a5: {  	v4 =	vadd.f32 v4, v55;
	s1 =	sand.u32 $0x7, s28;
	vm0 =	veq.s32 v54, v23;
	v1 =	vadd.f32 v10, v1;
	v10 =	vld [tilespmem:s31+$0x8280]  }
0x1a6: {  	s0 =	sshll.u32 s1, $0x4;
	v0 =	vadd.f32 v2, v0;
	v2 =	vmul.f32 v11, v47;
	v11 =	vnsel vm0, $0x0, v37  }
0x1a7: {  	v7 =	vadd.f32 v12, v7;
	s0 =	sadd.s32 $0x0, s0;
	vm0 =	veq.s32 v54, v24;
	v1 =	vadd.f32 v11, v1;
	v11 =	vld [tilespmem:s31+$0x8300]  }
0x1a8: {  	s0 =	sor.u32 $0x380, s0;
	v0 =	vadd.f32 v2, v0;
	v2 =	vmul.f32 v4, v48;
	v4 =	vnsel vm0, $0x0, v39  }
0x1a9: {  	v3 =	vadd.f32 v3, v6;
	v55 =	vld [tilespmem:s0+$0x8000];
	vm0 =	veq.s32 v54, v25;
	v1 =	vadd.f32 v4, v1  }
0x1aa: {  	v0 =	vadd.f32 v2, v0;
	v2 =	vmul.f32 v7, v49;
	v4 =	vnsel vm0, $0x0, v10  }
0x1ab: {  	v5 =	vadd.f32 v9, v5;
	v7 =	vld [tilespmem:s31+$0xC000];
	vm0 =	veq.s32 v54, v26;
	v1 =	vadd.f32 v4, v1  }
0x1ac: {  	v0 =	vadd.f32 v2, v0;
	v2 =	vmul.f32 v3, v50;
	v3 =	vnsel vm0, $0x0, v11  }
0x1ad: {  	v9 =	vld [tilespmem:s31+$0xC080];
	vm0 =	veq.s32 v54, v27;
	v1 =	vadd.f32 v3, v1  }
0x1ae: {  	v0 =	vadd.f32 v2, v0;
	v2 =	vmul.f32 v5, v51;
	v3 =	vnsel vm0, $0x0, v55  }
0x1af: {  	v17 =	vld [tilespmem:s31+$0xC100];
	vm0 =	veq.s32 v54, v28;
	v1 =	vadd.f32 v3, v1  }
0x1b0: {  	v6 =	vimm.f32 $0.0e+00;
	v5 =	vadd.f32 v2, v0;
	v0 =	vnsel vm0, $0x0, v7  }
0x1b1: {  	v62 =	vadd.f32 v16, v6;
	v16 =	vld [tilespmem:s31+$0xC180];
	vm0 =	veq.s32 v54, v29;
	v0 =	vadd.f32 v0, v1  }
0x1b2: {  	v1 =	vnsel vm0, $0x0, v9  }
0x1b3: {  	v61 =	vadd.f32 v59, v6;
	vm0 =	veq.s32 v54, v30;
	v0 =	vadd.f32 v1, v0  }
0x1b4: {  	v57 =	vadd.f32 v17, v6;
	v58 =	vadd.f32 v9, v6;
	v1 =	vnsel vm0, $0x0, v17  }
0x1b5: {  	v63 =	vld [tilespmem:s31+$0xC200];
	v60 =	vadd.f32 v8, v6;
	vm0 =	veq.s32 v54, v31;
	v8 =	vadd.f32 v1, v0  }
0x1b6: {  	v59 =	vadd.f32 v37, v6;
	v0 =	vadd.f32 v7, v6;
	v7 =	vnsel vm0, $0x0, v16  }
0x1b7: {  	v56 =	vadd.f32 v16, v6;
	v7 =	vadd.f32 v7, v8;
	v8 =	vld [tilespmem:s31+$0xC280]  }
0x1b8: {  	v4 =	vadd.f32 v39, v6;
	v3 =	vadd.f32 v10, v6  }
0x1b9: {  	v2 =	vadd.f32 v11, v6;
	v9 =	vld [tilespmem:s31+$0xC300];
	v1 =	vadd.f32 v55, v6;
	vm0 =	veq.s32 v54, v32  }
0x1ba: {  	s29 =	simm.s32 $0x80;
	s1 =	simm.s32 $0x10;
	v55 =	vadd.f32 v63, v6;
	v10 =	vnsel vm0, $0x0, v63;
	vm0 =	veq.s32 v54, v33  }
0x1bb: {  	s30 =	simm.s32 $0x20;
	s1 =	sand.u32 $0x70, s1;
	s0 =	sand.u32 $0x3C00, s29;
	v63 =	vimm.f32 $0.0e+00;
	v11 =	vadd.f32 v10, v7;
	v10 =	vld [tilespmem:s31+$0xC380];
	v7 =	vimm.f32 $0.0e+00  }
.LBB2_12:
0x1bc: {  	p1 =	sne.s32 s30, $0x7F0;
	s31 =	sor.u32 s1, s0;
	v6 =	vadd.f32 v8, v6;
	v8 =	vnsel vm0, $0x0, v8  }
0x1bd: {  	vm0 =	veq.s32 v54, v34;
	v12 =	vld [tilespmem:s31+$0x8000];
	v8 =	vadd.f32 v8, v11  }
0x1be: {  	v63 =	vadd.f32 v9, v63;
	v9 =	vnsel vm0, $0x0, v9  }
0x1bf: {  	vm0 =	veq.s32 v54, v35;
	v11 =	vld [tilespmem:s31+$0x8080];
	v8 =	vadd.f32 v9, v8  }
0x1c0: {  	v54 =	vadd.s32 $0x10, v54;
	v7 =	vadd.f32 v10, v7;
	v9 =	vnsel vm0, $0x0, v10  }
0x1c1: {  	vm0 =	veq.s32 v54, v20;
	v10 =	vld [tilespmem:s31+$0x8100];
	v8 =	vadd.f32 v9, v8  }
0x1c2: {  	v62 =	vadd.f32 v12, v62;
	v9 =	vnsel vm0, $0x0, v12  }
0x1c3: {  	vm0 =	veq.s32 v54, v21;
	v8 =	vadd.f32 v9, v8;
	v9 =	vld [tilespmem:s31+$0x8180]  }
0x1c4: {  	v61 =	vadd.f32 v11, v61;
	v11 =	vnsel vm0, $0x0, v11  }
0x1c5: {  	vm0 =	veq.s32 v54, v22;
	v8 =	vadd.f32 v11, v8;
	v11 =	vld [tilespmem:s31+$0x8200]  }
0x1c6: {  	s28 =	sadd.s32 $0x1, s28;
	v60 =	vadd.f32 v10, v60;
	v10 =	vnsel vm0, $0x0, v10  }
0x1c7: {  	s0 =	sand.u32 $0x7, s28;
	vm0 =	veq.s32 v54, v23;
	v8 =	vadd.f32 v10, v8;
	v10 =	vld [tilespmem:s31+$0x8280]  }
0x1c8: {  	s0 =	sshll.u32 s0, $0x4;
	v59 =	vadd.f32 v9, v59;
	v9 =	vnsel vm0, $0x0, v9  }
0x1c9: {  	s0 =	sadd.s32 s0, s29;
	vm0 =	veq.s32 v54, v24;
	v8 =	vadd.f32 v9, v8;
	v9 =	vld [tilespmem:s31+$0x8300]  }
0x1ca: {  	s0 =	sor.u32 $0x380, s0;
	v4 =	vadd.f32 v11, v4;
	v11 =	vnsel vm0, $0x0, v11  }
0x1cb: {  	vm0 =	veq.s32 v54, v25;
	v8 =	vadd.f32 v11, v8;
	v11 =	vld [tilespmem:s0+$0x8000]  }
0x1cc: {  	v3 =	vadd.f32 v10, v3;
	v10 =	vnsel vm0, $0x0, v10  }
0x1cd: {  	vm0 =	veq.s32 v54, v26;
	v8 =	vadd.f32 v10, v8;
	v10 =	vld [tilespmem:s31+$0xC000]  }
0x1ce: {  	v2 =	vadd.f32 v9, v2;
	v9 =	vnsel vm0, $0x0, v9  }
0x1cf: {  	vm0 =	veq.s32 v54, v27;
	v8 =	vadd.f32 v9, v8;
	v9 =	vld [tilespmem:s31+$0xC080]  }
0x1d0: {  	v1 =	vadd.f32 v11, v1;
	v11 =	vnsel vm0, $0x0, v11  }
0x1d1: {  	vm0 =	veq.s32 v54, v28;
	v8 =	vadd.f32 v11, v8;
	v11 =	vld [tilespmem:s31+$0xC100]  }
0x1d2: {  	v0 =	vadd.f32 v10, v0;
	v10 =	vnsel vm0, $0x0, v10  }
0x1d3: {  	vm0 =	veq.s32 v54, v29;
	v8 =	vadd.f32 v10, v8;
	v10 =	vld [tilespmem:s31+$0xC180]  }
0x1d4: {  	v58 =	vadd.f32 v9, v58;
	v9 =	vnsel vm0, $0x0, v9  }
0x1d5: {  	vm0 =	veq.s32 v54, v30;
	v8 =	vadd.f32 v9, v8;
	v12 =	vld [tilespmem:s31+$0xC200]  }
0x1d6: {  	v57 =	vadd.f32 v11, v57;
	v9 =	vnsel vm0, $0x0, v11  }
.Ltmp7:
0x1d7: {  	vm0 =	veq.s32 v54, v31;
	v9 =	vadd.f32 v9, v8;
	v8 =	vld [tilespmem:s31+$0xC280];
	(pc) =	sbr.rel @p1 .LBB2_12-.Ltmp7, $4  }
0x1d8: {  	v56 =	vadd.f32 v10, v56;
	v10 =	vnsel vm0, $0x0, v10  }
0x1d9: {  	vm0 =	veq.s32 v54, v32;
	v10 =	vadd.f32 v10, v9;
	v9 =	vld [tilespmem:s31+$0xC300]  }
0x1da: {  	s29 =	sadd.s32 $0x80, s29;
	v55 =	vadd.f32 v12, v55;
	v11 =	vnsel vm0, $0x0, v12  }
0x1db: {  	s1 =	sand.u32 $0x70, s30;
	s30 =	sadd.s32 $0x10, s30;
	s0 =	sand.u32 $0x3C00, s29;
	vm0 =	veq.s32 v54, v33;
	v11 =	vadd.f32 v11, v10;
	v10 =	vld [tilespmem:s31+$0xC380]  }
0x1dc: {  	s30 =	sor.u32 s1, s0  }
0x1dd: {  	v12 =	vld [tilespmem:s30+$0x8000];
	_ =	sdelay $0x1  }
0x1de: {  	v17 =	vld [tilespmem:$0x1FF90];
	_ =	sdelay $0x2  }
0x1df: {  	v16 =	vadd.f32 v12, v62;
	_ =	sdelay $0x1  }
0x1e0: {  	v13 =	vnsel vm0, $0x0, v8;
	v39 =	vld [tilespmem:s30+$0x8080];
	v16 =	vmul.f32 v16, v17  }
0x1e1: {  	vm10 =	veq.s32 v54, v34;
	v11 =	vadd.f32 v13, v11  }
0x1e2: {  	v6 =	vadd.f32 v8, v6;
	v15 =	vnsel vm10, $0x0, v9;
	v5 =	vadd.f32 v16, v5;
	v16 =	vld [tilespmem:$0x1FFA0]  }
0x1e3: {  	vm11 =	veq.s32 v54, v35;
	v14 =	vld [tilespmem:s30+$0x8100];
	v8 =	vadd.f32 v9, v63;
	v9 =	vadd.f32 v15, v11  }
0x1e4: {  	v37 =	vld [tilespmem:s30+$0x8180];
	v11 =	vadd.s32 $0x10, v54;
	v15 =	vnsel vm11, $0x0, v10  }
0x1e5: {  	v63 =	vld [tilespmem:$0x1FFB0];
	vm12 =	veq.s32 v11, v20;
	v9 =	vadd.f32 v15, v9;
	v38 =	vadd.f32 v39, v61  }
0x1e6: {  	v54 =	vld [tilespmem:s30+$0x8200];
	vm13 =	veq.s32 v11, v21;
	v36 =	vnsel vm12, $0x0, v12  }
0x1e7: {  	s31 =	sadd.s32 $0x1, s28;
	vm14 =	veq.s32 v11, v22;
	v9 =	vadd.f32 v36, v9;
	v15 =	vmul.f32 v38, v16;
	v38 =	vld [tilespmem:$0x1FFC0]  }
0x1e8: {  	s0 =	sand.u32 $0x7, s31;
	vm15 =	veq.s32 v11, v23;
	v39 =	vnsel vm13, $0x0, v39;
	v17 =	vadd.f32 v14, v60  }
0x1e9: {  	s0 =	sshll.u32 s0, $0x4;
	vm4 =	veq.s32 v11, v24;
	v61 =	vnsel vm14, $0x0, v14;
	v62 =	vld [tilespmem:s30+$0x8280];
	v9 =	vadd.f32 v39, v9  }
0x1ea: {  	s0 =	sadd.s32 s0, s29;
	v16 =	vadd.f32 v37, v59;
	v5 =	vadd.f32 v15, v5;
	v15 =	vmul.f32 v17, v63  }
0x1eb: {  	s0 =	sor.u32 $0x380, s0;
	v36 =	vnsel vm15, $0x0, v37;
	v4 =	vadd.f32 v54, v4;
	v9 =	vadd.f32 v61, v9;
	v37 =	vld [tilespmem:s30+$0x8300]  }
0x1ec: {  	v39 =	vnsel vm4, $0x0, v54;
	v54 =	vld [tilespmem:s0+$0x8000];
	v5 =	vadd.f32 v15, v5;
	v15 =	vmul.f32 v16, v38  }
0x1ed: {  	v9 =	vadd.f32 v36, v9  }
0x1ee: {  	v60 =	vld [tilespmem:s30+$0xC000];
	v4 =	vmul.f32 v4, v40;
	v3 =	vadd.f32 v62, v3;
	v5 =	vadd.f32 v15, v5  }
0x1ef: {  	v7 =	vadd.f32 v10, v7;
	vm5 =	veq.s32 v11, v25;
	v9 =	vadd.f32 v39, v9  }
0x1f0: {  	v3 =	vmul.f32 v3, v41;
	v63 =	vld [tilespmem:s30+$0xC080];
	v2 =	vadd.f32 v37, v2;
	v4 =	vadd.f32 v4, v5  }
0x1f1: {  	vm6 =	veq.s32 v11, v26;
	v1 =	vadd.f32 v54, v1;
	v59 =	vnsel vm5, $0x0, v62  }
0x1f2: {  	v36 =	vld [tilespmem:s30+$0xC100];
	v61 =	vadd.f32 v59, v9;
	v2 =	vmul.f32 v2, v42;
	v3 =	vadd.f32 v3, v4  }
0x1f3: {  	vm7 =	veq.s32 v11, v27;
	v0 =	vadd.f32 v60, v0;
	v62 =	vnsel vm6, $0x0, v37  }
0x1f4: {  	v1 =	vmul.f32 v1, v43;
	v38 =	vld [tilespmem:s30+$0xC180];
	v12 =	vadd.f32 v62, v61;
	v2 =	vadd.f32 v2, v3  }
0x1f5: {  	vm8 =	veq.s32 v11, v28;
	v15 =	vnsel vm7, $0x0, v54;
	v39 =	vadd.f32 v63, v58  }
0x1f6: {  	v0 =	vmul.f32 v0, v44;
	v54 =	vld [tilespmem:s30+$0xC200];
	v3 =	vadd.f32 v15, v12;
	v1 =	vadd.f32 v1, v2  }
0x1f7: {  	vm9 =	veq.s32 v11, v29;
	v57 =	vadd.f32 v36, v57;
	v37 =	vnsel vm8, $0x0, v60  }
0x1f8: {  	v58 =	vld [tilespmem:s30+$0xC280];
	v2 =	vadd.f32 v37, v3;
	v0 =	vadd.f32 v0, v1;
	v1 =	vmul.f32 v39, v45  }
0x1f9: {  	vm10 =	veq.s32 v11, v30;
	v59 =	vadd.f32 v38, v56;
	v3 =	vnsel vm9, $0x0, v63  }
0x1fa: {  	v60 =	vld [tilespmem:s30+$0xC300];
	v2 =	vadd.f32 v3, v2;
	v0 =	vadd.f32 v1, v0;
	v1 =	vmul.f32 v57, v46  }
0x1fb: {  	vm11 =	veq.s32 v11, v31;
	v61 =	vadd.f32 v54, v55;
	v3 =	vnsel vm10, $0x0, v36  }
0x1fc: {  	v62 =	vld [tilespmem:s30+$0xC380];
	v2 =	vadd.f32 v3, v2;
	v0 =	vadd.f32 v1, v0;
	v1 =	vmul.f32 v59, v47  }
0x1fd: {  	vm12 =	veq.s32 v11, v32;
	v6 =	vadd.f32 v58, v6;
	v3 =	vnsel vm11, $0x0, v38  }
0x1fe: {  	v2 =	vadd.f32 v3, v2;
	v0 =	vadd.f32 v1, v0;
	v1 =	vmul.f32 v61, v48  }
0x1ff: {  	vm13 =	veq.s32 v11, v33;
	v8 =	vadd.f32 v60, v8;
	v3 =	vnsel vm12, $0x0, v54  }
0x200: {  	v2 =	vadd.f32 v3, v2;
	v0 =	vadd.f32 v1, v0;
	v1 =	vmul.f32 v6, v49  }
0x201: {  	vm14 =	veq.s32 v11, v34;
	v63 =	vadd.f32 v62, v7;
	v3 =	vnsel vm13, $0x0, v58  }
.Ltmp8:
0x202: {  	v2 =	vadd.f32 v3, v2;
	v0 =	vadd.f32 v1, v0;
	v1 =	vmul.f32 v8, v50;
	(pc) =	sbr.rel @p0 .LBB2_15-.Ltmp8, $4  }
0x203: {  	vm15 =	veq.s32 v11, v35;
	v3 =	vnsel vm14, $0x0, v60  }
0x204: {  	v2 =	vadd.f32 v3, v2;
	v3 =	vmul.f32 v63, v51;
	v1 =	vadd.f32 v1, v0  }
0x205: {  	v0 =	vnsel vm15, $0x0, v62  }
0x206: {  	v0 =	vadd.f32 v0, v2;
	v54 =	vadd.f32 v3, v1  }
.Ltmp9:
0x207: {  	(pc) =	sbr.rel .LBB2_9-.Ltmp9, $4  }
0x208: {  	s0 =	sadd.s32 s26, s12  }
0x209: {  	s0 =	sshrl.u32 s0, $0x3  }
0x20a: {  	s25 =	sadd.s32 $0x1, s25;
	s0 =	sadd.s32 s3, s0  }
0x20b: {  	v53 =	vadd.s32 $0x1000, v53;
	[tilespmem:s19], [sflag:$0x2] =	stream.strided.gather [hbm4b:s0+s17], $0x8000, s18, s17, $0x38;
	[tilespmem:$0x10100] =	vst v63  }
.LBB2_16:
0x20c: {  	_ =	sfence.sel $0x180000  }
0x20d: {  	[bflag:$0x0] =	sbarrier.arrive $0xFFFF  }
0x20e: {  	_ =	strace $0x90000047  }
0x20f: {  	s0 =	stileid.u32;
	[bflag:$0x2] =	sbarrier.arrive $0xFFFF  }
0x210: {  	p0 =	sne.s32 s0, $0x0;
	s0 =	rddreg [dreg:$0x2]  }
0x211: {  	s0 =	sadd.s32 @!p0 $0x100000, s0  }
0x212: {  	[sflag:s0] =	ssyncadd.tile.s32 @!p0 $0x1;
	_ =	shalt  }
.Lfunc_end2:
_tile_overlayer_lowered:
.L_overlay_start_2:
0x213: {  	(tag) =	ssettag $0x2  }
0x214: {  	s0 =	rddreg [dreg:$0x0];
	s2 =	stileid.u32  }
0x215: {  	s1 =	rddreg [dreg:$0x1];
	p0 =	sne.s32 s2, $0x0  }
0x216: {  	s3 =	rddreg [dreg:$0x2];
	[bflag:$0x3] =	sbarrier.arrive $0xFFFF;
	s2 =	simm.s32 @!p0 $0x1C03  }
0x217: {  	[timem:s3], [sflag:s2] =	dma.local @!p0 [hbm:s0], s1  }
0x218: {  	s0 =	simm.s32 @!p0 $0x3  }
0x219: {  	_ =	swait.ge @!p0 [sflag:s0], s1  }
0x21a: {  	s1 =	ssub.s32 @!p0 $0x0, s1;
	[sflag:s0] =	ssyncset.done @!p0 $0x0  }
0x21b: {  	[sflag:s0] =	ssyncadd.s32 @!p0 s1  }
0x21c: {  	[bflag:$0x3] =	sbarrier.arrive $0xFFFF  }
0x21d: {  	_ =	shalt  }

</sc_bundles>
